<compile_context>
chip_gen: v7x
topology: tpu7x:2x2x1
jax: 0.10.2.dev20260603
libtpu: 0.0.44.dev20260713+nightly
codegen_flags: <defaults>
</compile_context>

<pallas_src>
import functools

import jax
import jax.numpy as jnp
from jax import lax
from jax.experimental import pallas as pl
from jax.experimental.pallas import tpu as pltpu
from jax.experimental.pallas import tpu_sc as plsc

_N = 10000
_E = 160000
_D = 256
_H = 512
_NP = 10240
_EP = 163840
_NT = 16
_CH = 80
_RPT = _NP // _NT
_f32 = jnp.float32


def _scatter_rows_sc(xlo, xhi, e3):
  mesh = plsc.VectorSubcoreMesh(core_axis_name="c", subcore_axis_name="s")

  @functools.partial(
      pl.kernel,
      mesh=mesh,
      out_type=[jax.ShapeDtypeStruct((_NP, 128), _f32),
                jax.ShapeDtypeStruct((_NP, 128), _f32)],
      scratch_types=[
          pltpu.VMEM((2, 2, 128), jnp.int32),
          pltpu.VMEM((128, 128), _f32),
          pltpu.VMEM((128, 128), _f32),
          pltpu.VMEM_SHARED((_NP, 128), _f32),
          pltpu.SemaphoreType.DMA,
          pltpu.SemaphoreType.DMA,
          pltpu.SemaphoreType.DMA,
          pltpu.SemaphoreType.DMA,
          pltpu.SemaphoreType.DMA,
          pltpu.SemaphoreType.DMA,
      ],
  )
  def k(xlo_h, xhi_h, e3_h, out0, out1,
        ix, b0, b1, acc, si0, si1, sg0, sg1, ss0, ss1):
    c = lax.axis_index("c")
    s = lax.axis_index("s")
    t0 = s * _CH

    def zb(i, carry):
      r = i // 8
      cc = lax.rem(i, 8)
      b0[r, pl.ds(cc * 16, 16)] = jnp.zeros((16,), _f32)
      return carry

    lax.fori_loop(0, 1024, zb, 0)
    rowbase = s * _RPT
    for kk in range(_RPT // 128):
      pltpu.sync_copy(b0, acc.at[pl.ds(rowbase + kk * 128, 128)])
    plsc.subcore_barrier()

    def run(x_h, out_h):
      sis = (si0, si1)
      sgs = (sg0, sg1)

      def idxload(j, slot):
        return pltpu.make_async_copy(e3_h.at[t0 + j], ix.at[slot], sis[slot])

      def gather(slot, buf, par):
        return pltpu.make_async_copy(x_h.at[ix.at[slot, 0]], buf, sgs[par])

      sss = (ss0, ss1)

      def scatter(slot, buf):
        return pltpu.make_async_copy(buf, acc.at[ix.at[slot, 1]], sss[slot])

      idxload(0, 0).start()
      idxload(1, 1).start()
      idxload(0, 0).wait()
      gather(0, b0, 0).start()
      idxload(1, 1).wait()
      gather(1, b1, 1).start()

      def body(i, carry):
        j0 = i * 2
        more = i < _CH // 2 - 1
        gather(0, b0, 0).wait()
        scatter(0, b0).start(add=True)
        scatter(0, b0).wait()

        @pl.when(more)
        def _():
          idxload(j0 + 2, 0).start()

        gather(1, b1, 1).wait()
        scatter(1, b1).start(add=True)

        @pl.when(more)
        def _():
          idxload(0, 0).wait()
          gather(0, b0, 0).start()

        scatter(1, b1).wait()

        @pl.when(more)
        def _():
          idxload(j0 + 3, 1).start()
          idxload(1, 1).wait()
          gather(1, b1, 1).start()

        return carry

      lax.fori_loop(0, _CH // 2, body, 0)
      plsc.subcore_barrier()
      pltpu.sync_copy(acc.at[pl.ds(rowbase, _RPT)],
                      out_h.at[pl.ds(rowbase, _RPT)])

    @pl.when(c == 0)
    def _():
      run(xlo_h, out0)

    @pl.when(c == 1)
    def _():
      run(xhi_h, out1)

  return k(xlo, xhi, e3)


def _mlp_tc(x, agg_lo, agg_hi, W1, b1r):
  bn = 2000

  def body(x_r, alo_r, ahi_r, w1_r, b1_r, h0_r, h1_r, h2_r, h3_r):
    xe = jnp.concatenate(
        [x_r[:, :128] + alo_r[...], x_r[:, 128:] + ahi_r[...]], axis=1)
    h = jnp.maximum(
        jnp.dot(xe, w1_r[...], preferred_element_type=_f32) + b1_r[...], 0.0)
    h0_r[...] = h[:, 0:128]
    h1_r[...] = h[:, 128:256]
    h2_r[...] = h[:, 256:384]
    h3_r[...] = h[:, 384:512]

  blk = pl.BlockSpec((bn, 128), lambda i: (i, 0))
  return pl.pallas_call(
      body,
      grid=(_N // bn,),
      in_specs=[
          pl.BlockSpec((bn, _D), lambda i: (i, 0)),
          blk,
          blk,
          pl.BlockSpec((_D, _H), lambda i: (0, 0)),
          pl.BlockSpec((1, _H), lambda i: (0, 0)),
      ],
      out_specs=[blk, blk, blk, blk],
      out_shape=[jax.ShapeDtypeStruct((_N, 128), _f32)] * 4,
  )(x, agg_lo, agg_hi, W1, b1r)


def _pred_tc(hs, aggs, W2, b2r):
  bn = 2000

  def body(h0, h1, h2, h3, a0, a1, a2, a3, w2_r, b2_r, p_r):
    xe = jnp.concatenate(
        [h0[...] + a0[...], h1[...] + a1[...],
         h2[...] + a2[...], h3[...] + a3[...]], axis=1)
    p_r[...] = jnp.dot(xe, w2_r[...], preferred_element_type=_f32) + b2_r[...]

  blk = pl.BlockSpec((bn, 128), lambda i: (i, 0))
  return pl.pallas_call(
      body,
      grid=(_N // bn,),
      in_specs=[blk] * 8 + [
          pl.BlockSpec((_H, 1), lambda i: (0, 0)),
          pl.BlockSpec((1, 1), lambda i: (0, 0)),
      ],
      out_specs=pl.BlockSpec((bn, 1), lambda i: (i, 0)),
      out_shape=jax.ShapeDtypeStruct((_N, 1), _f32),
  )(*hs, *aggs, W2, b2r)


def _final_tc(predp2, gum2):

  def body(pred_r, g_r, act_r, lp_r):
    rows = lax.broadcasted_iota(jnp.int32, (80, 128), 0)
    cols = lax.broadcasted_iota(jnp.int32, (80, 128), 1)
    lin = rows * 128 + cols
    valid = lin < _N
    pred = pred_r[...]
    neg = jnp.float32(-jnp.inf)
    pm = jnp.where(valid, pred, neg)
    m = jnp.max(pm)
    e = jnp.where(valid, jnp.exp(pm - m), 0.0)
    z = jnp.sum(e)
    p = e / z
    l = jnp.log(p + 1e-20)
    v = jnp.where(valid, l + g_r[...], neg)
    m2 = jnp.max(v)
    idx = jnp.min(jnp.where(v == m2, lin, jnp.int32(2 ** 30)))
    act_r[...] = jnp.full((1, 1), idx, jnp.int32)
    psel = jnp.sum(jnp.where(lin == idx, p, 0.0))
    lp_r[...] = jnp.full((1, 1), jnp.log(psel), _f32)

  return pl.pallas_call(
      body,
      out_shape=(jax.ShapeDtypeStruct((1, 1), jnp.int32),
                 jax.ShapeDtypeStruct((1, 1), _f32)),
  )(predp2, gum2)


def kernel(x, edge_index, batch, W1, b1, W2, b2):
  src = edge_index[0]
  dst = edge_index[1]
  pad = _EP - _E
  padi = jnp.arange(pad, dtype=jnp.int32)
  srcp = jnp.concatenate([src, lax.rem(padi, 256)])
  dstp = jnp.concatenate([dst, _N + lax.rem(padi, _NP - _N)])
  src2d = srcp.reshape(_EP // 128, 128)
  dst2d = dstp.reshape(_EP // 128, 128)
  e3 = jnp.stack([src2d, dst2d], axis=1)

  xlo = x[:, :128]
  xhi = x[:, 128:]
  alo, ahi = _scatter_rows_sc(xlo, xhi, e3)

  h0, h1, h2, h3 = _mlp_tc(x, alo, ahi, W1, b1.reshape(1, _H))
  a0, a1 = _scatter_rows_sc(h0, h1, e3)
  a2, a3 = _scatter_rows_sc(h2, h3, e3)

  pred = _pred_tc((h0, h1, h2, h3), (a0, a1, a2, a3),
                  W2, b2.reshape(1, 1))

  gum = jax.random.gumbel(jax.random.key(12345), (_N,), _f32)
  gump = jnp.concatenate([gum, jnp.zeros((_NP - _N,), _f32)])
  predp = jnp.concatenate([pred[:, 0], jnp.zeros((_NP - _N,), _f32)])

  act, lp = _final_tc(predp.reshape(80, 128), gump.reshape(80, 128))

  action_index = act.reshape((1,)).astype(jnp.int32)
  log_prob = lp
  return pred, action_index, log_prob

# --- scband reference (transcript-rebuilt; emitter-appended) ---
"""Pipeline reference for scband-actor-51591147159776 (READ-ONLY COPY).

The authoritative reference and input builder live on the scoring server;
editing this copy changes nothing except your own understanding.
"""

import jax, jax.numpy as jnp
import numpy as np

N = 10000
E = 160000
D = 256
H = 512

def setup_inputs(seed: int = 0) -> dict:
    key = jax.random.key(seed)
    ks = jax.random.split(key, 8)
    x = jax.random.normal(ks[0], (N, D), dtype=jnp.float32)
    edge_index = jax.random.randint(ks[1], (2, E), 0, N, dtype=jnp.int32)
    batch = jnp.zeros((N,), dtype=jnp.int32)
    W1 = jax.random.normal(ks[2], (D, H), dtype=jnp.float32) * (1.0 / np.sqrt(D))
    b1 = jnp.zeros((H,), dtype=jnp.float32)
    W2 = jax.random.normal(ks[3], (H, 1), dtype=jnp.float32) * (1.0 / np.sqrt(H))
    b2 = jnp.zeros((1,), dtype=jnp.float32)
    return {"x": x, "edge_index": edge_index, "batch": batch,
            "W1": W1, "b1": b1, "W2": W2, "b2": b2}

def _policy_network(x, edge_index, batch, W1, b1, W2, b2):
    # 2-layer sum-aggregation GNN producing per-node action logits [N, 1]
    src = edge_index[0]
    dst = edge_index[1]
    agg1 = jnp.zeros_like(x).at[dst].add(x[src])
    h = jax.nn.relu((x + agg1) @ W1 + b1)
    agg2 = jnp.zeros_like(h).at[dst].add(h[src])
    pred = (h + agg2) @ W2 + b2  # [N, 1]
    return pred

def reference(x, edge_index, batch, W1, b1, W2, b2):
    pred = _policy_network(x, edge_index, batch, W1, b1, W2, b2)
    # probabilities = F.softmax(pred, dim=0)  -> softmax over nodes
    probabilities = jax.nn.softmax(pred, axis=0)  # [N, 1]
    # torch.multinomial(probabilities.squeeze(), 1) -> categorical sample of one node
    p = probabilities[:, 0]
    sample_key = jax.random.key(12345)
    action_index = jax.random.categorical(sample_key, jnp.log(p + 1e-20))
    action_index = jnp.reshape(action_index, (1,)).astype(jnp.int32)
    # log_prob = torch.log(probabilities[action_index]) -> shape [1, 1]
    log_prob = jnp.log(probabilities[action_index])
    return pred, action_index, log_prob

if __name__ == "__main__":
    import jax
    _d = setup_inputs()
    print(jax.jit(kernel)(*tuple(_d.values())))

</pallas_src>

<mosaic_0001>
#map = affine_map<(d0, d1) -> (0, 0)>
#map1 = affine_map<(d0, d1) -> (0, 0, 0)>
module attributes {stable_mosaic.version = 14 : i64} {
  func.func @k(%arg0: i32, %arg1: i32, %arg2: memref<10000x128xf32, #tpu.memory_space<hbm>>, %arg3: memref<10000x128xf32, #tpu.memory_space<hbm>>, %arg4: memref<1280x2x128xi32, #tpu.memory_space<hbm>>, %arg5: memref<10240x128xf32, #tpu.memory_space<hbm>>, %arg6: memref<10240x128xf32, #tpu.memory_space<hbm>>, %arg7: memref<2x2x128xi32, #tpu.memory_space<vmem>>, %arg8: memref<128x128xf32, #tpu.memory_space<vmem>>, %arg9: memref<128x128xf32, #tpu.memory_space<vmem>>, %arg10: memref<10240x128xf32, #tpu.memory_space<vmem_shared>>, %arg11: memref<!tpu.dma_semaphore, #tpu.memory_space<semaphore_mem>>, %arg12: memref<!tpu.dma_semaphore, #tpu.memory_space<semaphore_mem>>, %arg13: memref<!tpu.dma_semaphore, #tpu.memory_space<semaphore_mem>>, %arg14: memref<!tpu.dma_semaphore, #tpu.memory_space<semaphore_mem>>, %arg15: memref<!tpu.dma_semaphore, #tpu.memory_space<semaphore_mem>>, %arg16: memref<!tpu.dma_semaphore, #tpu.memory_space<semaphore_mem>>) attributes {dimension_semantics = [#tpu.dimension_semantics<core_parallel>, #tpu.dimension_semantics<subcore_parallel>], iteration_bounds = array<i64: 2, 16>, scalar_prefetch = 0 : i64, scratch_operands = 10 : i64, tpu.core_type = #tpu.core_type<sc_vector_subcore>, window_params = [{transform_indices = #map}, {transform_indices = #map}, {transform_indices = #map1}, {transform_indices = #map}, {transform_indices = #map}]} {
    %mul3A = arith.constant 80 : i32
    %mul3A_0 = arith.muli %arg1, %mul3A : i32
    %scan3A = arith.constant 0 : i32
    %scan3A_1 = arith.constant 0 : i32
    %scan3A_2 = arith.constant 1024 : i32
    %scan3A_3 = arith.addi %scan3A_1, %scan3A_2 : i32
    %scan3A_4 = arith.constant 1 : i32
    scf.for %scan3A_24 = %scan3A_1 to %scan3A_3 step %scan3A_4  : i32 {
      %jit3A = arith.constant 8 : i32
      %div3A = arith.divsi %scan3A_24, %jit3A : i32
      %sign3A = arith.constant 0 : i32
      %sign3A_25 = arith.cmpi sgt, %scan3A_24, %sign3A : i32
      %sign3A_26 = arith.extui %sign3A_25 : i1 to i32
      %sign3A_27 = arith.constant 0 : i32
      %sign3A_28 = arith.cmpi slt, %scan3A_24, %sign3A_27 : i32
      %sign3A_29 = arith.extui %sign3A_28 : i1 to i32
      %sign3A_30 = arith.subi %sign3A_26, %sign3A_29 : i32
      %sign3A_31 = arith.constant 0 : i32
      %sign3A_32 = arith.cmpi sgt, %jit3A, %sign3A_31 : i32
      %sign3A_33 = arith.extui %sign3A_32 : i1 to i32
      %sign3A_34 = arith.constant 0 : i32
      %sign3A_35 = arith.cmpi slt, %jit3A, %sign3A_34 : i32
      %sign3A_36 = arith.extui %sign3A_35 : i1 to i32
      %sign3A_37 = arith.subi %sign3A_33, %sign3A_36 : i32
      %ne3A = arith.cmpi ne, %sign3A_30, %sign3A_37 : i32
      %rem3A = arith.remsi %scan3A_24, %jit3A : i32
      %ne3A_38 = arith.constant 0 : i32
      %ne3A_39 = arith.cmpi ne, %rem3A, %ne3A_38 : i32
      %and3A = arith.andi %ne3A, %ne3A_39 : i1
      %sub3A = arith.constant 1 : i32
      %sub3A_40 = arith.subi %div3A, %sub3A : i32
      %select_n3A = arith.select %and3A, %sub3A_40, %div3A : i32
      %rem3A_41 = arith.constant 8 : i32
      %rem3A_42 = arith.remsi %scan3A_24, %rem3A_41 : i32
      %broadcast_in_dim3A = arith.constant 0.000000e+00 : f32
      %broadcast_in_dim3A_43 = vector.broadcast %broadcast_in_dim3A : f32 to vector<16xf32>
      %mul3A_44 = arith.constant 16 : i32
      %mul3A_45 = arith.muli %rem3A_42, %mul3A_44 : i32
      %swap3A = arith.index_cast %select_n3A : i32 to index
      %swap3A_46 = arith.index_cast %mul3A_45 : i32 to index
      %swap3A_47 = tpu.vector_load %arg8[%swap3A, %swap3A_46] {strides = array<i32>} : memref<128x128xf32, #tpu.memory_space<vmem>>, vector<1x16xf32>,
      %swap3A_48 = vector.shape_cast %swap3A_47 : vector<1x16xf32> to vector<16xf32>
      %swap3A_49 = vector.shape_cast %broadcast_in_dim3A_43 : vector<16xf32> to vector<1x16xf32>
      tpu.vector_store %arg8[%swap3A, %swap3A_46], %swap3A_49 {strides = array<i32>} : memref<128x128xf32, #tpu.memory_space<vmem>>, vector<1x16xf32>,
    }
    %scan3A_5 = arith.constant 1024 : i32
    %mul3A_6 = arith.constant 640 : i32
    %mul3A_7 = arith.muli %arg1, %mul3A_6 : i32
    %add3A = arith.constant 0 : i32
    %add3A_8 = arith.addi %mul3A_7, %add3A : i32
    "tpu.region"() ({
      %run_scoped3A = tpu.sem_alloc : memref<!tpu.dma_semaphore, #tpu.memory_space<semaphore_mem>>
      %dma_start3A = arith.constant 0 : i32
      %dma_start3A_24 = tpu.memref_slice %arg10[%add3A_8, %dma_start3A] : memref<10240x128xf32, #tpu.memory_space<vmem_shared>> -> memref<128x128xf32, #tpu.memory_space<vmem_shared>>
      %dma_start3A_25 = arith.constant 0 : i32
      %dma_start3A_26 = tpu.memref_slice %arg10[%add3A_8, %dma_start3A_25] : memref<10240x128xf32, #tpu.memory_space<vmem_shared>> -> memref<128x128xf32, #tpu.memory_space<vmem_shared>>
      tpu.enqueue_dma source(%arg8 : memref<128x128xf32, #tpu.memory_space<vmem>>) target(%dma_start3A_26 : memref<128x128xf32, #tpu.memory_space<vmem_shared>>) target_semaphore(%run_scoped3A : memref<!tpu.dma_semaphore, #tpu.memory_space<semaphore_mem>>)
      %dma_wait3A = arith.constant 0 : i32
      %dma_wait3A_27 = tpu.memref_slice %arg10[%add3A_8, %dma_wait3A] : memref<10240x128xf32, #tpu.memory_space<vmem_shared>> -> memref<128x128xf32, #tpu.memory_space<vmem_shared>>
      %dma_wait3A_28 = arith.constant 0 : i32
      %dma_wait3A_29 = tpu.memref_slice %arg10[%add3A_8, %dma_wait3A_28] : memref<10240x128xf32, #tpu.memory_space<vmem_shared>> -> memref<128x128xf32, #tpu.memory_space<vmem_shared>>
      tpu.wait_dma2 semaphore(%run_scoped3A : memref<!tpu.dma_semaphore, #tpu.memory_space<semaphore_mem>>) src(%arg8 : memref<128x128xf32, #tpu.memory_space<vmem>>) dst(%dma_wait3A_29 : memref<128x128xf32, #tpu.memory_space<vmem_shared>>)
      tpu.yield
    }) : () -> ()
    %add3A_9 = arith.constant 128 : i32
    %add3A_10 = arith.addi %mul3A_7, %add3A_9 : i32
    "tpu.region"() ({
      %run_scoped3A = tpu.sem_alloc : memref<!tpu.dma_semaphore, #tpu.memory_space<semaphore_mem>>
      %dma_start3A = arith.constant 0 : i32
      %dma_start3A_24 = tpu.memref_slice %arg10[%add3A_10, %dma_start3A] : memref<10240x128xf32, #tpu.memory_space<vmem_shared>> -> memref<128x128xf32, #tpu.memory_space<vmem_shared>>
      %dma_start3A_25 = arith.constant 0 : i32
      %dma_start3A_26 = tpu.memref_slice %arg10[%add3A_10, %dma_start3A_25] : memref<10240x128xf32, #tpu.memory_space<vmem_shared>> -> memref<128x128xf32, #tpu.memory_space<vmem_shared>>
      tpu.enqueue_dma source(%arg8 : memref<128x128xf32, #tpu.memory_space<vmem>>) target(%dma_start3A_26 : memref<128x128xf32, #tpu.memory_space<vmem_shared>>) target_semaphore(%run_scoped3A : memref<!tpu.dma_semaphore, #tpu.memory_space<semaphore_mem>>)
      %dma_wait3A = arith.constant 0 : i32
      %dma_wait3A_27 = tpu.memref_slice %arg10[%add3A_10, %dma_wait3A] : memref<10240x128xf32, #tpu.memory_space<vmem_shared>> -> memref<128x128xf32, #tpu.memory_space<vmem_shared>>
      %dma_wait3A_28 = arith.constant 0 : i32
      %dma_wait3A_29 = tpu.memref_slice %arg10[%add3A_10, %dma_wait3A_28] : memref<10240x128xf32, #tpu.memory_space<vmem_shared>> -> memref<128x128xf32, #tpu.memory_space<vmem_shared>>
      tpu.wait_dma2 semaphore(%run_scoped3A : memref<!tpu.dma_semaphore, #tpu.memory_space<semaphore_mem>>) src(%arg8 : memref<128x128xf32, #tpu.memory_space<vmem>>) dst(%dma_wait3A_29 : memref<128x128xf32, #tpu.memory_space<vmem_shared>>)
      tpu.yield
    }) : () -> ()
    %add3A_11 = arith.constant 256 : i32
    %add3A_12 = arith.addi %mul3A_7, %add3A_11 : i32
    "tpu.region"() ({
      %run_scoped3A = tpu.sem_alloc : memref<!tpu.dma_semaphore, #tpu.memory_space<semaphore_mem>>
      %dma_start3A = arith.constant 0 : i32
      %dma_start3A_24 = tpu.memref_slice %arg10[%add3A_12, %dma_start3A] : memref<10240x128xf32, #tpu.memory_space<vmem_shared>> -> memref<128x128xf32, #tpu.memory_space<vmem_shared>>
      %dma_start3A_25 = arith.constant 0 : i32
      %dma_start3A_26 = tpu.memref_slice %arg10[%add3A_12, %dma_start3A_25] : memref<10240x128xf32, #tpu.memory_space<vmem_shared>> -> memref<128x128xf32, #tpu.memory_space<vmem_shared>>
      tpu.enqueue_dma source(%arg8 : memref<128x128xf32, #tpu.memory_space<vmem>>) target(%dma_start3A_26 : memref<128x128xf32, #tpu.memory_space<vmem_shared>>) target_semaphore(%run_scoped3A : memref<!tpu.dma_semaphore, #tpu.memory_space<semaphore_mem>>)
      %dma_wait3A = arith.constant 0 : i32
      %dma_wait3A_27 = tpu.memref_slice %arg10[%add3A_12, %dma_wait3A] : memref<10240x128xf32, #tpu.memory_space<vmem_shared>> -> memref<128x128xf32, #tpu.memory_space<vmem_shared>>
      %dma_wait3A_28 = arith.constant 0 : i32
      %dma_wait3A_29 = tpu.memref_slice %arg10[%add3A_12, %dma_wait3A_28] : memref<10240x128xf32, #tpu.memory_space<vmem_shared>> -> memref<128x128xf32, #tpu.memory_space<vmem_shared>>
      tpu.wait_dma2 semaphore(%run_scoped3A : memref<!tpu.dma_semaphore, #tpu.memory_space<semaphore_mem>>) src(%arg8 : memref<128x128xf32, #tpu.memory_space<vmem>>) dst(%dma_wait3A_29 : memref<128x128xf32, #tpu.memory_space<vmem_shared>>)
      tpu.yield
    }) : () -> ()
    %add3A_13 = arith.constant 384 : i32
    %add3A_14 = arith.addi %mul3A_7, %add3A_13 : i32
    "tpu.region"() ({
      %run_scoped3A = tpu.sem_alloc : memref<!tpu.dma_semaphore, #tpu.memory_space<semaphore_mem>>
      %dma_start3A = arith.constant 0 : i32
      %dma_start3A_24 = tpu.memref_slice %arg10[%add3A_14, %dma_start3A] : memref<10240x128xf32, #tpu.memory_space<vmem_shared>> -> memref<128x128xf32, #tpu.memory_space<vmem_shared>>
      %dma_start3A_25 = arith.constant 0 : i32
      %dma_start3A_26 = tpu.memref_slice %arg10[%add3A_14, %dma_start3A_25] : memref<10240x128xf32, #tpu.memory_space<vmem_shared>> -> memref<128x128xf32, #tpu.memory_space<vmem_shared>>
      tpu.enqueue_dma source(%arg8 : memref<128x128xf32, #tpu.memory_space<vmem>>) target(%dma_start3A_26 : memref<128x128xf32, #tpu.memory_space<vmem_shared>>) target_semaphore(%run_scoped3A : memref<!tpu.dma_semaphore, #tpu.memory_space<semaphore_mem>>)
      %dma_wait3A = arith.constant 0 : i32
      %dma_wait3A_27 = tpu.memref_slice %arg10[%add3A_14, %dma_wait3A] : memref<10240x128xf32, #tpu.memory_space<vmem_shared>> -> memref<128x128xf32, #tpu.memory_space<vmem_shared>>
      %dma_wait3A_28 = arith.constant 0 : i32
      %dma_wait3A_29 = tpu.memref_slice %arg10[%add3A_14, %dma_wait3A_28] : memref<10240x128xf32, #tpu.memory_space<vmem_shared>> -> memref<128x128xf32, #tpu.memory_space<vmem_shared>>
      tpu.wait_dma2 semaphore(%run_scoped3A : memref<!tpu.dma_semaphore, #tpu.memory_space<semaphore_mem>>) src(%arg8 : memref<128x128xf32, #tpu.memory_space<vmem>>) dst(%dma_wait3A_29 : memref<128x128xf32, #tpu.memory_space<vmem_shared>>)
      tpu.yield
    }) : () -> ()
    %add3A_15 = arith.constant 512 : i32
    %add3A_16 = arith.addi %mul3A_7, %add3A_15 : i32
    "tpu.region"() ({
      %run_scoped3A = tpu.sem_alloc : memref<!tpu.dma_semaphore, #tpu.memory_space<semaphore_mem>>
      %dma_start3A = arith.constant 0 : i32
      %dma_start3A_24 = tpu.memref_slice %arg10[%add3A_16, %dma_start3A] : memref<10240x128xf32, #tpu.memory_space<vmem_shared>> -> memref<128x128xf32, #tpu.memory_space<vmem_shared>>
      %dma_start3A_25 = arith.constant 0 : i32
      %dma_start3A_26 = tpu.memref_slice %arg10[%add3A_16, %dma_start3A_25] : memref<10240x128xf32, #tpu.memory_space<vmem_shared>> -> memref<128x128xf32, #tpu.memory_space<vmem_shared>>
      tpu.enqueue_dma source(%arg8 : memref<128x128xf32, #tpu.memory_space<vmem>>) target(%dma_start3A_26 : memref<128x128xf32, #tpu.memory_space<vmem_shared>>) target_semaphore(%run_scoped3A : memref<!tpu.dma_semaphore, #tpu.memory_space<semaphore_mem>>)
      %dma_wait3A = arith.constant 0 : i32
      %dma_wait3A_27 = tpu.memref_slice %arg10[%add3A_16, %dma_wait3A] : memref<10240x128xf32, #tpu.memory_space<vmem_shared>> -> memref<128x128xf32, #tpu.memory_space<vmem_shared>>
      %dma_wait3A_28 = arith.constant 0 : i32
      %dma_wait3A_29 = tpu.memref_slice %arg10[%add3A_16, %dma_wait3A_28] : memref<10240x128xf32, #tpu.memory_space<vmem_shared>> -> memref<128x128xf32, #tpu.memory_space<vmem_shared>>
      tpu.wait_dma2 semaphore(%run_scoped3A : memref<!tpu.dma_semaphore, #tpu.memory_space<semaphore_mem>>) src(%arg8 : memref<128x128xf32, #tpu.memory_space<vmem>>) dst(%dma_wait3A_29 : memref<128x128xf32, #tpu.memory_space<vmem_shared>>)
      tpu.yield
    }) : () -> ()
    %barrier3A = arith.constant 0 : index
    tpu.barrier barrier_id(%barrier3A)
    %eq3A = arith.constant 0 : i32
    %eq3A_17 = arith.cmpi eq, %arg0, %eq3A : i32
    %convert_element_type3A = arith.extui %eq3A_17 : i1 to i32
    %cond3A = arith.constant 0 : i32
    %cond3A_18 = arith.cmpi ne, %convert_element_type3A, %cond3A : i32
    scf.if %cond3A_18 {
      %add3A_24 = arith.constant 0 : i32
      %add3A_25 = arith.addi %mul3A_0, %add3A_24 : i32
      %dma_start3A = arith.constant 0 : i32
      %dma_start3A_26 = arith.constant 0 : i32
      %dma_start3A_27 = arith.constant 0 : i32
      %dma_start3A_28 = tpu.memref_slice %arg7[%dma_start3A, %dma_start3A_26, %dma_start3A_27] : memref<2x2x128xi32, #tpu.memory_space<vmem>> -> memref<1x2x128xi32, #tpu.memory_space<vmem>>
      %dma_start3A_29 = tpu.memref_squeeze %dma_start3A_28 : memref<1x2x128xi32, #tpu.memory_space<vmem>> -> memref<2x128xi32, #tpu.memory_space<vmem>>
      %dma_start3A_30 = arith.constant 0 : i32
      %dma_start3A_31 = arith.constant 0 : i32
      %dma_start3A_32 = tpu.memref_slice %arg4[%add3A_25, %dma_start3A_30, %dma_start3A_31] : memref<1280x2x128xi32, #tpu.memory_space<hbm>> -> memref<1x2x128xi32, #tpu.memory_space<hbm>>
      %dma_start3A_33 = tpu.memref_squeeze %dma_start3A_32 : memref<1x2x128xi32, #tpu.memory_space<hbm>> -> memref<2x128xi32, #tpu.memory_space<hbm>>
      %dma_start3A_34 = arith.constant 0 : i32
      %dma_start3A_35 = arith.constant 0 : i32
      %dma_start3A_36 = tpu.memref_slice %arg7[%dma_start3A, %dma_start3A_34, %dma_start3A_35] : memref<2x2x128xi32, #tpu.memory_space<vmem>> -> memref<1x2x128xi32, #tpu.memory_space<vmem>>
      %dma_start3A_37 = tpu.memref_squeeze %dma_start3A_36 : memref<1x2x128xi32, #tpu.memory_space<vmem>> -> memref<2x128xi32, #tpu.memory_space<vmem>>
      %dma_start3A_38 = arith.constant 0 : i32
      %dma_start3A_39 = arith.constant 0 : i32
      %dma_start3A_40 = tpu.memref_slice %arg4[%add3A_25, %dma_start3A_38, %dma_start3A_39] : memref<1280x2x128xi32, #tpu.memory_space<hbm>> -> memref<1x2x128xi32, #tpu.memory_space<hbm>>
      %dma_start3A_41 = tpu.memref_squeeze %dma_start3A_40 : memref<1x2x128xi32, #tpu.memory_space<hbm>> -> memref<2x128xi32, #tpu.memory_space<hbm>>
      tpu.enqueue_dma source(%dma_start3A_41 : memref<2x128xi32, #tpu.memory_space<hbm>>) target(%dma_start3A_37 : memref<2x128xi32, #tpu.memory_space<vmem>>) target_semaphore(%arg11 : memref<!tpu.dma_semaphore, #tpu.memory_space<semaphore_mem>>)
      %add3A_42 = arith.constant 1 : i32
      %add3A_43 = arith.addi %mul3A_0, %add3A_42 : i32
      %dma_start3A_44 = arith.constant 1 : i32
      %dma_start3A_45 = arith.constant 0 : i32
      %dma_start3A_46 = arith.constant 0 : i32
      %dma_start3A_47 = tpu.memref_slice %arg7[%dma_start3A_44, %dma_start3A_45, %dma_start3A_46] : memref<2x2x128xi32, #tpu.memory_space<vmem>> -> memref<1x2x128xi32, #tpu.memory_space<vmem>>
      %dma_start3A_48 = tpu.memref_squeeze %dma_start3A_47 : memref<1x2x128xi32, #tpu.memory_space<vmem>> -> memref<2x128xi32, #tpu.memory_space<vmem>>
      %dma_start3A_49 = arith.constant 0 : i32
      %dma_start3A_50 = arith.constant 0 : i32
      %dma_start3A_51 = tpu.memref_slice %arg4[%add3A_43, %dma_start3A_49, %dma_start3A_50] : memref<1280x2x128xi32, #tpu.memory_space<hbm>> -> memref<1x2x128xi32, #tpu.memory_space<hbm>>
      %dma_start3A_52 = tpu.memref_squeeze %dma_start3A_51 : memref<1x2x128xi32, #tpu.memory_space<hbm>> -> memref<2x128xi32, #tpu.memory_space<hbm>>
      %dma_start3A_53 = arith.constant 0 : i32
      %dma_start3A_54 = arith.constant 0 : i32
      %dma_start3A_55 = tpu.memref_slice %arg7[%dma_start3A_44, %dma_start3A_53, %dma_start3A_54] : memref<2x2x128xi32, #tpu.memory_space<vmem>> -> memref<1x2x128xi32, #tpu.memory_space<vmem>>
      %dma_start3A_56 = tpu.memref_squeeze %dma_start3A_55 : memref<1x2x128xi32, #tpu.memory_space<vmem>> -> memref<2x128xi32, #tpu.memory_space<vmem>>
      %dma_start3A_57 = arith.constant 0 : i32
      %dma_start3A_58 = arith.constant 0 : i32
      %dma_start3A_59 = tpu.memref_slice %arg4[%add3A_43, %dma_start3A_57, %dma_start3A_58] : memref<1280x2x128xi32, #tpu.memory_space<hbm>> -> memref<1x2x128xi32, #tpu.memory_space<hbm>>
      %dma_start3A_60 = tpu.memref_squeeze %dma_start3A_59 : memref<1x2x128xi32, #tpu.memory_space<hbm>> -> memref<2x128xi32, #tpu.memory_space<hbm>>
      tpu.enqueue_dma source(%dma_start3A_60 : memref<2x128xi32, #tpu.memory_space<hbm>>) target(%dma_start3A_56 : memref<2x128xi32, #tpu.memory_space<vmem>>) target_semaphore(%arg12 : memref<!tpu.dma_semaphore, #tpu.memory_space<semaphore_mem>>)
      %add3A_61 = arith.constant 0 : i32
      %add3A_62 = arith.addi %mul3A_0, %add3A_61 : i32
      %dma_wait3A = arith.constant 0 : i32
      %dma_wait3A_63 = arith.constant 0 : i32
      %dma_wait3A_64 = arith.constant 0 : i32
      %dma_wait3A_65 = tpu.memref_slice %arg7[%dma_wait3A, %dma_wait3A_63, %dma_wait3A_64] : memref<2x2x128xi32, #tpu.memory_space<vmem>> -> memref<1x2x128xi32, #tpu.memory_space<vmem>>
      %dma_wait3A_66 = tpu.memref_squeeze %dma_wait3A_65 : memref<1x2x128xi32, #tpu.memory_space<vmem>> -> memref<2x128xi32, #tpu.memory_space<vmem>>
      %dma_wait3A_67 = arith.constant 0 : i32
      %dma_wait3A_68 = arith.constant 0 : i32
      %dma_wait3A_69 = tpu.memref_slice %arg4[%add3A_62, %dma_wait3A_67, %dma_wait3A_68] : memref<1280x2x128xi32, #tpu.memory_space<hbm>> -> memref<1x2x128xi32, #tpu.memory_space<hbm>>
      %dma_wait3A_70 = tpu.memref_squeeze %dma_wait3A_69 : memref<1x2x128xi32, #tpu.memory_space<hbm>> -> memref<2x128xi32, #tpu.memory_space<hbm>>
      %dma_wait3A_71 = arith.constant 0 : i32
      %dma_wait3A_72 = arith.constant 0 : i32
      %dma_wait3A_73 = tpu.memref_slice %arg7[%dma_wait3A, %dma_wait3A_71, %dma_wait3A_72] : memref<2x2x128xi32, #tpu.memory_space<vmem>> -> memref<1x2x128xi32, #tpu.memory_space<vmem>>
      %dma_wait3A_74 = tpu.memref_squeeze %dma_wait3A_73 : memref<1x2x128xi32, #tpu.memory_space<vmem>> -> memref<2x128xi32, #tpu.memory_space<vmem>>
      %dma_wait3A_75 = arith.constant 0 : i32
      %dma_wait3A_76 = arith.constant 0 : i32
      %dma_wait3A_77 = tpu.memref_slice %arg4[%add3A_62, %dma_wait3A_75, %dma_wait3A_76] : memref<1280x2x128xi32, #tpu.memory_space<hbm>> -> memref<1x2x128xi32, #tpu.memory_space<hbm>>
      %dma_wait3A_78 = tpu.memref_squeeze %dma_wait3A_77 : memref<1x2x128xi32, #tpu.memory_space<hbm>> -> memref<2x128xi32, #tpu.memory_space<hbm>>
      tpu.wait_dma2 semaphore(%arg11 : memref<!tpu.dma_semaphore, #tpu.memory_space<semaphore_mem>>) src(%dma_wait3A_78 : memref<2x128xi32, #tpu.memory_space<hbm>>) dst(%dma_wait3A_74 : memref<2x128xi32, #tpu.memory_space<vmem>>)
      %dma_start3A_79 = arith.constant 0 : i32
      %dma_start3A_80 = arith.constant 0 : i32
      %dma_start3A_81 = arith.constant 0 : i32
      %dma_start3A_82 = tpu.memref_slice %arg7[%dma_start3A_79, %dma_start3A_80, %dma_start3A_81] : memref<2x2x128xi32, #tpu.memory_space<vmem>> -> memref<1x1x128xi32, #tpu.memory_space<vmem>>
      %dma_start3A_83 = tpu.memref_squeeze %dma_start3A_82 : memref<1x1x128xi32, #tpu.memory_space<vmem>> -> memref<128xi32, #tpu.memory_space<vmem>>
      %dma_start3A_84 = arith.constant 0 : i32
      %dma_start3A_85 = arith.constant 0 : i32
      %dma_start3A_86 = tpu.memref_slice %arg2[%dma_start3A_84, %dma_start3A_85] : memref<10000x128xf32, #tpu.memory_space<hbm>> -> memref<10000x128xf32, #tpu.memory_space<hbm>>
      tpu.enqueue_indirect_dma source(%dma_start3A_86 : memref<10000x128xf32, #tpu.memory_space<hbm>>) target(%arg8 : memref<128x128xf32, #tpu.memory_space<vmem>>) offsets(%dma_start3A_83 : memref<128xi32, #tpu.memory_space<vmem>>) semaphore(%arg13 : memref<!tpu.dma_semaphore, #tpu.memory_space<semaphore_mem>>)
      %add3A_87 = arith.constant 1 : i32
      %add3A_88 = arith.addi %mul3A_0, %add3A_87 : i32
      %dma_wait3A_89 = arith.constant 1 : i32
      %dma_wait3A_90 = arith.constant 0 : i32
      %dma_wait3A_91 = arith.constant 0 : i32
      %dma_wait3A_92 = tpu.memref_slice %arg7[%dma_wait3A_89, %dma_wait3A_90, %dma_wait3A_91] : memref<2x2x128xi32, #tpu.memory_space<vmem>> -> memref<1x2x128xi32, #tpu.memory_space<vmem>>
      %dma_wait3A_93 = tpu.memref_squeeze %dma_wait3A_92 : memref<1x2x128xi32, #tpu.memory_space<vmem>> -> memref<2x128xi32, #tpu.memory_space<vmem>>
      %dma_wait3A_94 = arith.constant 0 : i32
      %dma_wait3A_95 = arith.constant 0 : i32
      %dma_wait3A_96 = tpu.memref_slice %arg4[%add3A_88, %dma_wait3A_94, %dma_wait3A_95] : memref<1280x2x128xi32, #tpu.memory_space<hbm>> -> memref<1x2x128xi32, #tpu.memory_space<hbm>>
      %dma_wait3A_97 = tpu.memref_squeeze %dma_wait3A_96 : memref<1x2x128xi32, #tpu.memory_space<hbm>> -> memref<2x128xi32, #tpu.memory_space<hbm>>
      %dma_wait3A_98 = arith.constant 0 : i32
      %dma_wait3A_99 = arith.constant 0 : i32
      %dma_wait3A_100 = tpu.memref_slice %arg7[%dma_wait3A_89, %dma_wait3A_98, %dma_wait3A_99] : memref<2x2x128xi32, #tpu.memory_space<vmem>> -> memref<1x2x128xi32, #tpu.memory_space<vmem>>
      %dma_wait3A_101 = tpu.memref_squeeze %dma_wait3A_100 : memref<1x2x128xi32, #tpu.memory_space<vmem>> -> memref<2x128xi32, #tpu.memory_space<vmem>>
      %dma_wait3A_102 = arith.constant 0 : i32
      %dma_wait3A_103 = arith.constant 0 : i32
      %dma_wait3A_104 = tpu.memref_slice %arg4[%add3A_88, %dma_wait3A_102, %dma_wait3A_103] : memref<1280x2x128xi32, #tpu.memory_space<hbm>> -> memref<1x2x128xi32, #tpu.memory_space<hbm>>
      %dma_wait3A_105 = tpu.memref_squeeze %dma_wait3A_104 : memref<1x2x128xi32, #tpu.memory_space<hbm>> -> memref<2x128xi32, #tpu.memory_space<hbm>>
      tpu.wait_dma2 semaphore(%arg12 : memref<!tpu.dma_semaphore, #tpu.memory_space<semaphore_mem>>) src(%dma_wait3A_105 : memref<2x128xi32, #tpu.memory_space<hbm>>) dst(%dma_wait3A_101 : memref<2x128xi32, #tpu.memory_space<vmem>>)
      %dma_start3A_106 = arith.constant 1 : i32
      %dma_start3A_107 = arith.constant 0 : i32
      %dma_start3A_108 = arith.constant 0 : i32
      %dma_start3A_109 = tpu.memref_slice %arg7[%dma_start3A_106, %dma_start3A_107, %dma_start3A_108] : memref<2x2x128xi32, #tpu.memory_space<vmem>> -> memref<1x1x128xi32, #tpu.memory_space<vmem>>
      %dma_start3A_110 = tpu.memref_squeeze %dma_start3A_109 : memref<1x1x128xi32, #tpu.memory_space<vmem>> -> memref<128xi32, #tpu.memory_space<vmem>>
      %dma_start3A_111 = arith.constant 0 : i32
      %dma_start3A_112 = arith.constant 0 : i32
      %dma_start3A_113 = tpu.memref_slice %arg2[%dma_start3A_111, %dma_start3A_112] : memref<10000x128xf32, #tpu.memory_space<hbm>> -> memref<10000x128xf32, #tpu.memory_space<hbm>>
      tpu.enqueue_indirect_dma source(%dma_start3A_113 : memref<10000x128xf32, #tpu.memory_space<hbm>>) target(%arg9 : memref<128x128xf32, #tpu.memory_space<vmem>>) offsets(%dma_start3A_110 : memref<128xi32, #tpu.memory_space<vmem>>) semaphore(%arg14 : memref<!tpu.dma_semaphore, #tpu.memory_space<semaphore_mem>>)
      %scan3A_114 = arith.constant 0 : i32
      %scan3A_115 = arith.constant 0 : i32
      %scan3A_116 = arith.constant 40 : i32
      %scan3A_117 = arith.addi %scan3A_115, %scan3A_116 : i32
      %scan3A_118 = arith.constant 1 : i32
      scf.for %scan3A_121 = %scan3A_115 to %scan3A_117 step %scan3A_118  : i32 {
        %mul3A_122 = arith.constant 2 : i32
        %mul3A_123 = arith.muli %scan3A_121, %mul3A_122 : i32
        %lt3A = arith.constant 39 : i32
        %lt3A_124 = arith.cmpi slt, %scan3A_121, %lt3A : i32
        %dma_wait3A_125 = arith.constant 0 : i32
        %dma_wait3A_126 = arith.constant 0 : i32
        %dma_wait3A_127 = arith.constant 0 : i32
        %dma_wait3A_128 = tpu.memref_slice %arg7[%dma_wait3A_125, %dma_wait3A_126, %dma_wait3A_127] : memref<2x2x128xi32, #tpu.memory_space<vmem>> -> memref<1x1x128xi32, #tpu.memory_space<vmem>>
        %dma_wait3A_129 = tpu.memref_squeeze %dma_wait3A_128 : memref<1x1x128xi32, #tpu.memory_space<vmem>> -> memref<128xi32, #tpu.memory_space<vmem>>
        %dma_wait3A_130 = arith.constant 0 : i32
        %dma_wait3A_131 = arith.constant 0 : i32
        %dma_wait3A_132 = tpu.memref_slice %arg2[%dma_wait3A_130, %dma_wait3A_131] : memref<10000x128xf32, #tpu.memory_space<hbm>> -> memref<10000x128xf32, #tpu.memory_space<hbm>>
        tpu.wait_indirect_dma semaphore(%arg13 : memref<!tpu.dma_semaphore, #tpu.memory_space<semaphore_mem>>) src(%dma_wait3A_132 : memref<10000x128xf32, #tpu.memory_space<hbm>>) dst(%arg8 : memref<128x128xf32, #tpu.memory_space<vmem>>)
        %dma_start3A_133 = arith.constant 0 : i32
        %dma_start3A_134 = arith.constant 1 : i32
        %dma_start3A_135 = arith.constant 0 : i32
        %dma_start3A_136 = tpu.memref_slice %arg7[%dma_start3A_133, %dma_start3A_134, %dma_start3A_135] : memref<2x2x128xi32, #tpu.memory_space<vmem>> -> memref<1x1x128xi32, #tpu.memory_space<vmem>>
        %dma_start3A_137 = tpu.memref_squeeze %dma_start3A_136 : memref<1x1x128xi32, #tpu.memory_space<vmem>> -> memref<128xi32, #tpu.memory_space<vmem>>
        %dma_start3A_138 = arith.constant 0 : i32
        %dma_start3A_139 = arith.constant 0 : i32
        %dma_start3A_140 = tpu.memref_slice %arg10[%dma_start3A_138, %dma_start3A_139] : memref<10240x128xf32, #tpu.memory_space<vmem_shared>> -> memref<10240x128xf32, #tpu.memory_space<vmem_shared>>
        tpu.enqueue_indirect_dma source(%arg8 : memref<128x128xf32, #tpu.memory_space<vmem>>) target(%dma_start3A_140 : memref<10240x128xf32, #tpu.memory_space<vmem_shared>>) offsets(%dma_start3A_137 : memref<128xi32, #tpu.memory_space<vmem>>) semaphore(%arg15 : memref<!tpu.dma_semaphore, #tpu.memory_space<semaphore_mem>>) {add = true}
        %dma_wait3A_141 = arith.constant 0 : i32
        %dma_wait3A_142 = arith.constant 1 : i32
        %dma_wait3A_143 = arith.constant 0 : i32
        %dma_wait3A_144 = tpu.memref_slice %arg7[%dma_wait3A_141, %dma_wait3A_142, %dma_wait3A_143] : memref<2x2x128xi32, #tpu.memory_space<vmem>> -> memref<1x1x128xi32, #tpu.memory_space<vmem>>
        %dma_wait3A_145 = tpu.memref_squeeze %dma_wait3A_144 : memref<1x1x128xi32, #tpu.memory_space<vmem>> -> memref<128xi32, #tpu.memory_space<vmem>>
        %dma_wait3A_146 = arith.constant 0 : i32
        %dma_wait3A_147 = arith.constant 0 : i32
        %dma_wait3A_148 = tpu.memref_slice %arg10[%dma_wait3A_146, %dma_wait3A_147] : memref<10240x128xf32, #tpu.memory_space<vmem_shared>> -> memref<10240x128xf32, #tpu.memory_space<vmem_shared>>
        tpu.wait_indirect_dma semaphore(%arg15 : memref<!tpu.dma_semaphore, #tpu.memory_space<semaphore_mem>>) src(%arg8 : memref<128x128xf32, #tpu.memory_space<vmem>>) dst(%dma_wait3A_148 : memref<10240x128xf32, #tpu.memory_space<vmem_shared>>)
        %convert_element_type3A_149 = arith.extui %lt3A_124 : i1 to i32
        %cond3A_150 = arith.constant 0 : i32
        %cond3A_151 = arith.cmpi ne, %convert_element_type3A_149, %cond3A_150 : i32
        scf.if %cond3A_151 {
          %add3A_182 = arith.constant 2 : i32
          %add3A_183 = arith.addi %mul3A_123, %add3A_182 : i32
          %add3A_184 = arith.addi %mul3A_0, %add3A_183 : i32
          %dma_start3A_185 = arith.constant 0 : i32
          %dma_start3A_186 = arith.constant 0 : i32
          %dma_start3A_187 = arith.constant 0 : i32
          %dma_start3A_188 = tpu.memref_slice %arg7[%dma_start3A_185, %dma_start3A_186, %dma_start3A_187] : memref<2x2x128xi32, #tpu.memory_space<vmem>> -> memref<1x2x128xi32, #tpu.memory_space<vmem>>
          %dma_start3A_189 = tpu.memref_squeeze %dma_start3A_188 : memref<1x2x128xi32, #tpu.memory_space<vmem>> -> memref<2x128xi32, #tpu.memory_space<vmem>>
          %dma_start3A_190 = arith.constant 0 : i32
          %dma_start3A_191 = arith.constant 0 : i32
          %dma_start3A_192 = tpu.memref_slice %arg4[%add3A_184, %dma_start3A_190, %dma_start3A_191] : memref<1280x2x128xi32, #tpu.memory_space<hbm>> -> memref<1x2x128xi32, #tpu.memory_space<hbm>>
          %dma_start3A_193 = tpu.memref_squeeze %dma_start3A_192 : memref<1x2x128xi32, #tpu.memory_space<hbm>> -> memref<2x128xi32, #tpu.memory_space<hbm>>
          %dma_start3A_194 = arith.constant 0 : i32
          %dma_start3A_195 = arith.constant 0 : i32
          %dma_start3A_196 = tpu.memref_slice %arg7[%dma_start3A_185, %dma_start3A_194, %dma_start3A_195] : memref<2x2x128xi32, #tpu.memory_space<vmem>> -> memref<1x2x128xi32, #tpu.memory_space<vmem>>
          %dma_start3A_197 = tpu.memref_squeeze %dma_start3A_196 : memref<1x2x128xi32, #tpu.memory_space<vmem>> -> memref<2x128xi32, #tpu.memory_space<vmem>>
          %dma_start3A_198 = arith.constant 0 : i32
          %dma_start3A_199 = arith.constant 0 : i32
          %dma_start3A_200 = tpu.memref_slice %arg4[%add3A_184, %dma_start3A_198, %dma_start3A_199] : memref<1280x2x128xi32, #tpu.memory_space<hbm>> -> memref<1x2x128xi32, #tpu.memory_space<hbm>>
          %dma_start3A_201 = tpu.memref_squeeze %dma_start3A_200 : memref<1x2x128xi32, #tpu.memory_space<hbm>> -> memref<2x128xi32, #tpu.memory_space<hbm>>
          tpu.enqueue_dma source(%dma_start3A_201 : memref<2x128xi32, #tpu.memory_space<hbm>>) target(%dma_start3A_197 : memref<2x128xi32, #tpu.memory_space<vmem>>) target_semaphore(%arg11 : memref<!tpu.dma_semaphore, #tpu.memory_space<semaphore_mem>>)
        } else {
        }
        %dma_wait3A_152 = arith.constant 1 : i32
        %dma_wait3A_153 = arith.constant 0 : i32
        %dma_wait3A_154 = arith.constant 0 : i32
        %dma_wait3A_155 = tpu.memref_slice %arg7[%dma_wait3A_152, %dma_wait3A_153, %dma_wait3A_154] : memref<2x2x128xi32, #tpu.memory_space<vmem>> -> memref<1x1x128xi32, #tpu.memory_space<vmem>>
        %dma_wait3A_156 = tpu.memref_squeeze %dma_wait3A_155 : memref<1x1x128xi32, #tpu.memory_space<vmem>> -> memref<128xi32, #tpu.memory_space<vmem>>
        %dma_wait3A_157 = arith.constant 0 : i32
        %dma_wait3A_158 = arith.constant 0 : i32
        %dma_wait3A_159 = tpu.memref_slice %arg2[%dma_wait3A_157, %dma_wait3A_158] : memref<10000x128xf32, #tpu.memory_space<hbm>> -> memref<10000x128xf32, #tpu.memory_space<hbm>>
        tpu.wait_indirect_dma semaphore(%arg14 : memref<!tpu.dma_semaphore, #tpu.memory_space<semaphore_mem>>) src(%dma_wait3A_159 : memref<10000x128xf32, #tpu.memory_space<hbm>>) dst(%arg9 : memref<128x128xf32, #tpu.memory_space<vmem>>)
        %dma_start3A_160 = arith.constant 1 : i32
        %dma_start3A_161 = arith.constant 1 : i32
        %dma_start3A_162 = arith.constant 0 : i32
        %dma_start3A_163 = tpu.memref_slice %arg7[%dma_start3A_160, %dma_start3A_161, %dma_start3A_162] : memref<2x2x128xi32, #tpu.memory_space<vmem>> -> memref<1x1x128xi32, #tpu.memory_space<vmem>>
        %dma_start3A_164 = tpu.memref_squeeze %dma_start3A_163 : memref<1x1x128xi32, #tpu.memory_space<vmem>> -> memref<128xi32, #tpu.memory_space<vmem>>
        %dma_start3A_165 = arith.constant 0 : i32
        %dma_start3A_166 = arith.constant 0 : i32
        %dma_start3A_167 = tpu.memref_slice %arg10[%dma_start3A_165, %dma_start3A_166] : memref<10240x128xf32, #tpu.memory_space<vmem_shared>> -> memref<10240x128xf32, #tpu.memory_space<vmem_shared>>
        tpu.enqueue_indirect_dma source(%arg9 : memref<128x128xf32, #tpu.memory_space<vmem>>) target(%dma_start3A_167 : memref<10240x128xf32, #tpu.memory_space<vmem_shared>>) offsets(%dma_start3A_164 : memref<128xi32, #tpu.memory_space<vmem>>) semaphore(%arg16 : memref<!tpu.dma_semaphore, #tpu.memory_space<semaphore_mem>>) {add = true}
        %convert_element_type3A_168 = arith.extui %lt3A_124 : i1 to i32
        %cond3A_169 = arith.constant 0 : i32
        %cond3A_170 = arith.cmpi ne, %convert_element_type3A_168, %cond3A_169 : i32
        scf.if %cond3A_170 {
          %add3A_182 = arith.constant 0 : i32
          %add3A_183 = arith.addi %mul3A_0, %add3A_182 : i32
          %dma_wait3A_184 = arith.constant 0 : i32
          %dma_wait3A_185 = arith.constant 0 : i32
          %dma_wait3A_186 = arith.constant 0 : i32
          %dma_wait3A_187 = tpu.memref_slice %arg7[%dma_wait3A_184, %dma_wait3A_185, %dma_wait3A_186] : memref<2x2x128xi32, #tpu.memory_space<vmem>> -> memref<1x2x128xi32, #tpu.memory_space<vmem>>
          %dma_wait3A_188 = tpu.memref_squeeze %dma_wait3A_187 : memref<1x2x128xi32, #tpu.memory_space<vmem>> -> memref<2x128xi32, #tpu.memory_space<vmem>>
          %dma_wait3A_189 = arith.constant 0 : i32
          %dma_wait3A_190 = arith.constant 0 : i32
          %dma_wait3A_191 = tpu.memref_slice %arg4[%add3A_183, %dma_wait3A_189, %dma_wait3A_190] : memref<1280x2x128xi32, #tpu.memory_space<hbm>> -> memref<1x2x128xi32, #tpu.memory_space<hbm>>
          %dma_wait3A_192 = tpu.memref_squeeze %dma_wait3A_191 : memref<1x2x128xi32, #tpu.memory_space<hbm>> -> memref<2x128xi32, #tpu.memory_space<hbm>>
          %dma_wait3A_193 = arith.constant 0 : i32
          %dma_wait3A_194 = arith.constant 0 : i32
          %dma_wait3A_195 = tpu.memref_slice %arg7[%dma_wait3A_184, %dma_wait3A_193, %dma_wait3A_194] : memref<2x2x128xi32, #tpu.memory_space<vmem>> -> memref<1x2x128xi32, #tpu.memory_space<vmem>>
          %dma_wait3A_196 = tpu.memref_squeeze %dma_wait3A_195 : memref<1x2x128xi32, #tpu.memory_space<vmem>> -> memref<2x128xi32, #tpu.memory_space<vmem>>
          %dma_wait3A_197 = arith.constant 0 : i32
          %dma_wait3A_198 = arith.constant 0 : i32
          %dma_wait3A_199 = tpu.memref_slice %arg4[%add3A_183, %dma_wait3A_197, %dma_wait3A_198] : memref<1280x2x128xi32, #tpu.memory_space<hbm>> -> memref<1x2x128xi32, #tpu.memory_space<hbm>>
          %dma_wait3A_200 = tpu.memref_squeeze %dma_wait3A_199 : memref<1x2x128xi32, #tpu.memory_space<hbm>> -> memref<2x128xi32, #tpu.memory_space<hbm>>
          tpu.wait_dma2 semaphore(%arg11 : memref<!tpu.dma_semaphore, #tpu.memory_space<semaphore_mem>>) src(%dma_wait3A_200 : memref<2x128xi32, #tpu.memory_space<hbm>>) dst(%dma_wait3A_196 : memref<2x128xi32, #tpu.memory_space<vmem>>)
          %dma_start3A_201 = arith.constant 0 : i32
          %dma_start3A_202 = arith.constant 0 : i32
          %dma_start3A_203 = arith.constant 0 : i32
          %dma_start3A_204 = tpu.memref_slice %arg7[%dma_start3A_201, %dma_start3A_202, %dma_start3A_203] : memref<2x2x128xi32, #tpu.memory_space<vmem>> -> memref<1x1x128xi32, #tpu.memory_space<vmem>>
          %dma_start3A_205 = tpu.memref_squeeze %dma_start3A_204 : memref<1x1x128xi32, #tpu.memory_space<vmem>> -> memref<128xi32, #tpu.memory_space<vmem>>
          %dma_start3A_206 = arith.constant 0 : i32
          %dma_start3A_207 = arith.constant 0 : i32
          %dma_start3A_208 = tpu.memref_slice %arg2[%dma_start3A_206, %dma_start3A_207] : memref<10000x128xf32, #tpu.memory_space<hbm>> -> memref<10000x128xf32, #tpu.memory_space<hbm>>
          tpu.enqueue_indirect_dma source(%dma_start3A_208 : memref<10000x128xf32, #tpu.memory_space<hbm>>) target(%arg8 : memref<128x128xf32, #tpu.memory_space<vmem>>) offsets(%dma_start3A_205 : memref<128xi32, #tpu.memory_space<vmem>>) semaphore(%arg13 : memref<!tpu.dma_semaphore, #tpu.memory_space<semaphore_mem>>)
        } else {
        }
        %dma_wait3A_171 = arith.constant 1 : i32
        %dma_wait3A_172 = arith.constant 1 : i32
        %dma_wait3A_173 = arith.constant 0 : i32
        %dma_wait3A_174 = tpu.memref_slice %arg7[%dma_wait3A_171, %dma_wait3A_172, %dma_wait3A_173] : memref<2x2x128xi32, #tpu.memory_space<vmem>> -> memref<1x1x128xi32, #tpu.memory_space<vmem>>
        %dma_wait3A_175 = tpu.memref_squeeze %dma_wait3A_174 : memref<1x1x128xi32, #tpu.memory_space<vmem>> -> memref<128xi32, #tpu.memory_space<vmem>>
        %dma_wait3A_176 = arith.constant 0 : i32
        %dma_wait3A_177 = arith.constant 0 : i32
        %dma_wait3A_178 = tpu.memref_slice %arg10[%dma_wait3A_176, %dma_wait3A_177] : memref<10240x128xf32, #tpu.memory_space<vmem_shared>> -> memref<10240x128xf32, #tpu.memory_space<vmem_shared>>
        tpu.wait_indirect_dma semaphore(%arg16 : memref<!tpu.dma_semaphore, #tpu.memory_space<semaphore_mem>>) src(%arg9 : memref<128x128xf32, #tpu.memory_space<vmem>>) dst(%dma_wait3A_178 : memref<10240x128xf32, #tpu.memory_space<vmem_shared>>)
        %convert_element_type3A_179 = arith.extui %lt3A_124 : i1 to i32
        %cond3A_180 = arith.constant 0 : i32
        %cond3A_181 = arith.cmpi ne, %convert_element_type3A_179, %cond3A_180 : i32
        scf.if %cond3A_181 {
          %add3A_182 = arith.constant 3 : i32
          %add3A_183 = arith.addi %mul3A_123, %add3A_182 : i32
          %add3A_184 = arith.addi %mul3A_0, %add3A_183 : i32
          %dma_start3A_185 = arith.constant 1 : i32
          %dma_start3A_186 = arith.constant 0 : i32
          %dma_start3A_187 = arith.constant 0 : i32
          %dma_start3A_188 = tpu.memref_slice %arg7[%dma_start3A_185, %dma_start3A_186, %dma_start3A_187] : memref<2x2x128xi32, #tpu.memory_space<vmem>> -> memref<1x2x128xi32, #tpu.memory_space<vmem>>
          %dma_start3A_189 = tpu.memref_squeeze %dma_start3A_188 : memref<1x2x128xi32, #tpu.memory_space<vmem>> -> memref<2x128xi32, #tpu.memory_space<vmem>>
          %dma_start3A_190 = arith.constant 0 : i32
          %dma_start3A_191 = arith.constant 0 : i32
          %dma_start3A_192 = tpu.memref_slice %arg4[%add3A_184, %dma_start3A_190, %dma_start3A_191] : memref<1280x2x128xi32, #tpu.memory_space<hbm>> -> memref<1x2x128xi32, #tpu.memory_space<hbm>>
          %dma_start3A_193 = tpu.memref_squeeze %dma_start3A_192 : memref<1x2x128xi32, #tpu.memory_space<hbm>> -> memref<2x128xi32, #tpu.memory_space<hbm>>
          %dma_start3A_194 = arith.constant 0 : i32
          %dma_start3A_195 = arith.constant 0 : i32
          %dma_start3A_196 = tpu.memref_slice %arg7[%dma_start3A_185, %dma_start3A_194, %dma_start3A_195] : memref<2x2x128xi32, #tpu.memory_space<vmem>> -> memref<1x2x128xi32, #tpu.memory_space<vmem>>
          %dma_start3A_197 = tpu.memref_squeeze %dma_start3A_196 : memref<1x2x128xi32, #tpu.memory_space<vmem>> -> memref<2x128xi32, #tpu.memory_space<vmem>>
          %dma_start3A_198 = arith.constant 0 : i32
          %dma_start3A_199 = arith.constant 0 : i32
          %dma_start3A_200 = tpu.memref_slice %arg4[%add3A_184, %dma_start3A_198, %dma_start3A_199] : memref<1280x2x128xi32, #tpu.memory_space<hbm>> -> memref<1x2x128xi32, #tpu.memory_space<hbm>>
          %dma_start3A_201 = tpu.memref_squeeze %dma_start3A_200 : memref<1x2x128xi32, #tpu.memory_space<hbm>> -> memref<2x128xi32, #tpu.memory_space<hbm>>
          tpu.enqueue_dma source(%dma_start3A_201 : memref<2x128xi32, #tpu.memory_space<hbm>>) target(%dma_start3A_197 : memref<2x128xi32, #tpu.memory_space<vmem>>) target_semaphore(%arg12 : memref<!tpu.dma_semaphore, #tpu.memory_space<semaphore_mem>>)
          %add3A_202 = arith.constant 1 : i32
          %add3A_203 = arith.addi %mul3A_0, %add3A_202 : i32
          %dma_wait3A_204 = arith.constant 1 : i32
          %dma_wait3A_205 = arith.constant 0 : i32
          %dma_wait3A_206 = arith.constant 0 : i32
          %dma_wait3A_207 = tpu.memref_slice %arg7[%dma_wait3A_204, %dma_wait3A_205, %dma_wait3A_206] : memref<2x2x128xi32, #tpu.memory_space<vmem>> -> memref<1x2x128xi32, #tpu.memory_space<vmem>>
          %dma_wait3A_208 = tpu.memref_squeeze %dma_wait3A_207 : memref<1x2x128xi32, #tpu.memory_space<vmem>> -> memref<2x128xi32, #tpu.memory_space<vmem>>
          %dma_wait3A_209 = arith.constant 0 : i32
          %dma_wait3A_210 = arith.constant 0 : i32
          %dma_wait3A_211 = tpu.memref_slice %arg4[%add3A_203, %dma_wait3A_209, %dma_wait3A_210] : memref<1280x2x128xi32, #tpu.memory_space<hbm>> -> memref<1x2x128xi32, #tpu.memory_space<hbm>>
          %dma_wait3A_212 = tpu.memref_squeeze %dma_wait3A_211 : memref<1x2x128xi32, #tpu.memory_space<hbm>> -> memref<2x128xi32, #tpu.memory_space<hbm>>
          %dma_wait3A_213 = arith.constant 0 : i32
          %dma_wait3A_214 = arith.constant 0 : i32
          %dma_wait3A_215 = tpu.memref_slice %arg7[%dma_wait3A_204, %dma_wait3A_213, %dma_wait3A_214] : memref<2x2x128xi32, #tpu.memory_space<vmem>> -> memref<1x2x128xi32, #tpu.memory_space<vmem>>
          %dma_wait3A_216 = tpu.memref_squeeze %dma_wait3A_215 : memref<1x2x128xi32, #tpu.memory_space<vmem>> -> memref<2x128xi32, #tpu.memory_space<vmem>>
          %dma_wait3A_217 = arith.constant 0 : i32
          %dma_wait3A_218 = arith.constant 0 : i32
          %dma_wait3A_219 = tpu.memref_slice %arg4[%add3A_203, %dma_wait3A_217, %dma_wait3A_218] : memref<1280x2x128xi32, #tpu.memory_space<hbm>> -> memref<1x2x128xi32, #tpu.memory_space<hbm>>
          %dma_wait3A_220 = tpu.memref_squeeze %dma_wait3A_219 : memref<1x2x128xi32, #tpu.memory_space<hbm>> -> memref<2x128xi32, #tpu.memory_space<hbm>>
          tpu.wait_dma2 semaphore(%arg12 : memref<!tpu.dma_semaphore, #tpu.memory_space<semaphore_mem>>) src(%dma_wait3A_220 : memref<2x128xi32, #tpu.memory_space<hbm>>) dst(%dma_wait3A_216 : memref<2x128xi32, #tpu.memory_space<vmem>>)
          %dma_start3A_221 = arith.constant 1 : i32
          %dma_start3A_222 = arith.constant 0 : i32
          %dma_start3A_223 = arith.constant 0 : i32
          %dma_start3A_224 = tpu.memref_slice %arg7[%dma_start3A_221, %dma_start3A_222, %dma_start3A_223] : memref<2x2x128xi32, #tpu.memory_space<vmem>> -> memref<1x1x128xi32, #tpu.memory_space<vmem>>
          %dma_start3A_225 = tpu.memref_squeeze %dma_start3A_224 : memref<1x1x128xi32, #tpu.memory_space<vmem>> -> memref<128xi32, #tpu.memory_space<vmem>>
          %dma_start3A_226 = arith.constant 0 : i32
          %dma_start3A_227 = arith.constant 0 : i32
          %dma_start3A_228 = tpu.memref_slice %arg2[%dma_start3A_226, %dma_start3A_227] : memref<10000x128xf32, #tpu.memory_space<hbm>> -> memref<10000x128xf32, #tpu.memory_space<hbm>>
          tpu.enqueue_indirect_dma source(%dma_start3A_228 : memref<10000x128xf32, #tpu.memory_space<hbm>>) target(%arg9 : memref<128x128xf32, #tpu.memory_space<vmem>>) offsets(%dma_start3A_225 : memref<128xi32, #tpu.memory_space<vmem>>) semaphore(%arg14 : memref<!tpu.dma_semaphore, #tpu.memory_space<semaphore_mem>>)
        } else {
        }
      }
      %scan3A_119 = arith.constant 40 : i32
      %barrier3A_120 = arith.constant 0 : index
      tpu.barrier barrier_id(%barrier3A_120)
      "tpu.region"() ({
        %run_scoped3A = tpu.sem_alloc : memref<!tpu.dma_semaphore, #tpu.memory_space<semaphore_mem>>
        %dma_start3A_121 = arith.constant 0 : i32
        %dma_start3A_122 = tpu.memref_slice %arg5[%mul3A_7, %dma_start3A_121] : memref<10240x128xf32, #tpu.memory_space<hbm>> -> memref<640x128xf32, #tpu.memory_space<hbm>>
        %dma_start3A_123 = arith.constant 0 : i32
        %dma_start3A_124 = tpu.memref_slice %arg10[%mul3A_7, %dma_start3A_123] : memref<10240x128xf32, #tpu.memory_space<vmem_shared>> -> memref<640x128xf32, #tpu.memory_space<vmem_shared>>
        tpu.enqueue_dma source(%dma_start3A_124 : memref<640x128xf32, #tpu.memory_space<vmem_shared>>) target(%dma_start3A_122 : memref<640x128xf32, #tpu.memory_space<hbm>>) target_semaphore(%run_scoped3A : memref<!tpu.dma_semaphore, #tpu.memory_space<semaphore_mem>>)
        %dma_wait3A_125 = arith.constant 0 : i32
        %dma_wait3A_126 = tpu.memref_slice %arg5[%mul3A_7, %dma_wait3A_125] : memref<10240x128xf32, #tpu.memory_space<hbm>> -> memref<640x128xf32, #tpu.memory_space<hbm>>
        %dma_wait3A_127 = arith.constant 0 : i32
        %dma_wait3A_128 = tpu.memref_slice %arg10[%mul3A_7, %dma_wait3A_127] : memref<10240x128xf32, #tpu.memory_space<vmem_shared>> -> memref<640x128xf32, #tpu.memory_space<vmem_shared>>
        tpu.wait_dma2 semaphore(%run_scoped3A : memref<!tpu.dma_semaphore, #tpu.memory_space<semaphore_mem>>) src(%dma_wait3A_128 : memref<640x128xf32, #tpu.memory_space<vmem_shared>>) dst(%dma_wait3A_126 : memref<640x128xf32, #tpu.memory_space<hbm>>)
        tpu.yield
      }) : () -> ()
    } else {
    }
    %eq3A_19 = arith.constant 1 : i32
    %eq3A_20 = arith.cmpi eq, %arg0, %eq3A_19 : i32
    %convert_element_type3A_21 = arith.extui %eq3A_20 : i1 to i32
    %cond3A_22 = arith.constant 0 : i32
    %cond3A_23 = arith.cmpi ne, %convert_element_type3A_21, %cond3A_22 : i32
    scf.if %cond3A_23 {
      %add3A_24 = arith.constant 0 : i32
      %add3A_25 = arith.addi %mul3A_0, %add3A_24 : i32
      %dma_start3A = arith.constant 0 : i32
      %dma_start3A_26 = arith.constant 0 : i32
      %dma_start3A_27 = arith.constant 0 : i32
      %dma_start3A_28 = tpu.memref_slice %arg7[%dma_start3A, %dma_start3A_26, %dma_start3A_27] : memref<2x2x128xi32, #tpu.memory_space<vmem>> -> memref<1x2x128xi32, #tpu.memory_space<vmem>>
      %dma_start3A_29 = tpu.memref_squeeze %dma_start3A_28 : memref<1x2x128xi32, #tpu.memory_space<vmem>> -> memref<2x128xi32, #tpu.memory_space<vmem>>
      %dma_start3A_30 = arith.constant 0 : i32
      %dma_start3A_31 = arith.constant 0 : i32
      %dma_start3A_32 = tpu.memref_slice %arg4[%add3A_25, %dma_start3A_30, %dma_start3A_31] : memref<1280x2x128xi32, #tpu.memory_space<hbm>> -> memref<1x2x128xi32, #tpu.memory_space<hbm>>
      %dma_start3A_33 = tpu.memref_squeeze %dma_start3A_32 : memref<1x2x128xi32, #tpu.memory_space<hbm>> -> memref<2x128xi32, #tpu.memory_space<hbm>>
      %dma_start3A_34 = arith.constant 0 : i32
      %dma_start3A_35 = arith.constant 0 : i32
      %dma_start3A_36 = tpu.memref_slice %arg7[%dma_start3A, %dma_start3A_34, %dma_start3A_35] : memref<2x2x128xi32, #tpu.memory_space<vmem>> -> memref<1x2x128xi32, #tpu.memory_space<vmem>>
      %dma_start3A_37 = tpu.memref_squeeze %dma_start3A_36 : memref<1x2x128xi32, #tpu.memory_space<vmem>> -> memref<2x128xi32, #tpu.memory_space<vmem>>
      %dma_start3A_38 = arith.constant 0 : i32
      %dma_start3A_39 = arith.constant 0 : i32
      %dma_start3A_40 = tpu.memref_slice %arg4[%add3A_25, %dma_start3A_38, %dma_start3A_39] : memref<1280x2x128xi32, #tpu.memory_space<hbm>> -> memref<1x2x128xi32, #tpu.memory_space<hbm>>
      %dma_start3A_41 = tpu.memref_squeeze %dma_start3A_40 : memref<1x2x128xi32, #tpu.memory_space<hbm>> -> memref<2x128xi32, #tpu.memory_space<hbm>>
      tpu.enqueue_dma source(%dma_start3A_41 : memref<2x128xi32, #tpu.memory_space<hbm>>) target(%dma_start3A_37 : memref<2x128xi32, #tpu.memory_space<vmem>>) target_semaphore(%arg11 : memref<!tpu.dma_semaphore, #tpu.memory_space<semaphore_mem>>)
      %add3A_42 = arith.constant 1 : i32
      %add3A_43 = arith.addi %mul3A_0, %add3A_42 : i32
      %dma_start3A_44 = arith.constant 1 : i32
      %dma_start3A_45 = arith.constant 0 : i32
      %dma_start3A_46 = arith.constant 0 : i32
      %dma_start3A_47 = tpu.memref_slice %arg7[%dma_start3A_44, %dma_start3A_45, %dma_start3A_46] : memref<2x2x128xi32, #tpu.memory_space<vmem>> -> memref<1x2x128xi32, #tpu.memory_space<vmem>>
      %dma_start3A_48 = tpu.memref_squeeze %dma_start3A_47 : memref<1x2x128xi32, #tpu.memory_space<vmem>> -> memref<2x128xi32, #tpu.memory_space<vmem>>
      %dma_start3A_49 = arith.constant 0 : i32
      %dma_start3A_50 = arith.constant 0 : i32
      %dma_start3A_51 = tpu.memref_slice %arg4[%add3A_43, %dma_start3A_49, %dma_start3A_50] : memref<1280x2x128xi32, #tpu.memory_space<hbm>> -> memref<1x2x128xi32, #tpu.memory_space<hbm>>
      %dma_start3A_52 = tpu.memref_squeeze %dma_start3A_51 : memref<1x2x128xi32, #tpu.memory_space<hbm>> -> memref<2x128xi32, #tpu.memory_space<hbm>>
      %dma_start3A_53 = arith.constant 0 : i32
      %dma_start3A_54 = arith.constant 0 : i32
      %dma_start3A_55 = tpu.memref_slice %arg7[%dma_start3A_44, %dma_start3A_53, %dma_start3A_54] : memref<2x2x128xi32, #tpu.memory_space<vmem>> -> memref<1x2x128xi32, #tpu.memory_space<vmem>>
      %dma_start3A_56 = tpu.memref_squeeze %dma_start3A_55 : memref<1x2x128xi32, #tpu.memory_space<vmem>> -> memref<2x128xi32, #tpu.memory_space<vmem>>
      %dma_start3A_57 = arith.constant 0 : i32
      %dma_start3A_58 = arith.constant 0 : i32
      %dma_start3A_59 = tpu.memref_slice %arg4[%add3A_43, %dma_start3A_57, %dma_start3A_58] : memref<1280x2x128xi32, #tpu.memory_space<hbm>> -> memref<1x2x128xi32, #tpu.memory_space<hbm>>
      %dma_start3A_60 = tpu.memref_squeeze %dma_start3A_59 : memref<1x2x128xi32, #tpu.memory_space<hbm>> -> memref<2x128xi32, #tpu.memory_space<hbm>>
      tpu.enqueue_dma source(%dma_start3A_60 : memref<2x128xi32, #tpu.memory_space<hbm>>) target(%dma_start3A_56 : memref<2x128xi32, #tpu.memory_space<vmem>>) target_semaphore(%arg12 : memref<!tpu.dma_semaphore, #tpu.memory_space<semaphore_mem>>)
      %add3A_61 = arith.constant 0 : i32
      %add3A_62 = arith.addi %mul3A_0, %add3A_61 : i32
      %dma_wait3A = arith.constant 0 : i32
      %dma_wait3A_63 = arith.constant 0 : i32
      %dma_wait3A_64 = arith.constant 0 : i32
      %dma_wait3A_65 = tpu.memref_slice %arg7[%dma_wait3A, %dma_wait3A_63, %dma_wait3A_64] : memref<2x2x128xi32, #tpu.memory_space<vmem>> -> memref<1x2x128xi32, #tpu.memory_space<vmem>>
      %dma_wait3A_66 = tpu.memref_squeeze %dma_wait3A_65 : memref<1x2x128xi32, #tpu.memory_space<vmem>> -> memref<2x128xi32, #tpu.memory_space<vmem>>
      %dma_wait3A_67 = arith.constant 0 : i32
      %dma_wait3A_68 = arith.constant 0 : i32
      %dma_wait3A_69 = tpu.memref_slice %arg4[%add3A_62, %dma_wait3A_67, %dma_wait3A_68] : memref<1280x2x128xi32, #tpu.memory_space<hbm>> -> memref<1x2x128xi32, #tpu.memory_space<hbm>>
      %dma_wait3A_70 = tpu.memref_squeeze %dma_wait3A_69 : memref<1x2x128xi32, #tpu.memory_space<hbm>> -> memref<2x128xi32, #tpu.memory_space<hbm>>
      %dma_wait3A_71 = arith.constant 0 : i32
      %dma_wait3A_72 = arith.constant 0 : i32
      %dma_wait3A_73 = tpu.memref_slice %arg7[%dma_wait3A, %dma_wait3A_71, %dma_wait3A_72] : memref<2x2x128xi32, #tpu.memory_space<vmem>> -> memref<1x2x128xi32, #tpu.memory_space<vmem>>
      %dma_wait3A_74 = tpu.memref_squeeze %dma_wait3A_73 : memref<1x2x128xi32, #tpu.memory_space<vmem>> -> memref<2x128xi32, #tpu.memory_space<vmem>>
      %dma_wait3A_75 = arith.constant 0 : i32
      %dma_wait3A_76 = arith.constant 0 : i32
      %dma_wait3A_77 = tpu.memref_slice %arg4[%add3A_62, %dma_wait3A_75, %dma_wait3A_76] : memref<1280x2x128xi32, #tpu.memory_space<hbm>> -> memref<1x2x128xi32, #tpu.memory_space<hbm>>
      %dma_wait3A_78 = tpu.memref_squeeze %dma_wait3A_77 : memref<1x2x128xi32, #tpu.memory_space<hbm>> -> memref<2x128xi32, #tpu.memory_space<hbm>>
      tpu.wait_dma2 semaphore(%arg11 : memref<!tpu.dma_semaphore, #tpu.memory_space<semaphore_mem>>) src(%dma_wait3A_78 : memref<2x128xi32, #tpu.memory_space<hbm>>) dst(%dma_wait3A_74 : memref<2x128xi32, #tpu.memory_space<vmem>>)
      %dma_start3A_79 = arith.constant 0 : i32
      %dma_start3A_80 = arith.constant 0 : i32
      %dma_start3A_81 = arith.constant 0 : i32
      %dma_start3A_82 = tpu.memref_slice %arg7[%dma_start3A_79, %dma_start3A_80, %dma_start3A_81] : memref<2x2x128xi32, #tpu.memory_space<vmem>> -> memref<1x1x128xi32, #tpu.memory_space<vmem>>
      %dma_start3A_83 = tpu.memref_squeeze %dma_start3A_82 : memref<1x1x128xi32, #tpu.memory_space<vmem>> -> memref<128xi32, #tpu.memory_space<vmem>>
      %dma_start3A_84 = arith.constant 0 : i32
      %dma_start3A_85 = arith.constant 0 : i32
      %dma_start3A_86 = tpu.memref_slice %arg3[%dma_start3A_84, %dma_start3A_85] : memref<10000x128xf32, #tpu.memory_space<hbm>> -> memref<10000x128xf32, #tpu.memory_space<hbm>>
      tpu.enqueue_indirect_dma source(%dma_start3A_86 : memref<10000x128xf32, #tpu.memory_space<hbm>>) target(%arg8 : memref<128x128xf32, #tpu.memory_space<vmem>>) offsets(%dma_start3A_83 : memref<128xi32, #tpu.memory_space<vmem>>) semaphore(%arg13 : memref<!tpu.dma_semaphore, #tpu.memory_space<semaphore_mem>>)
      %add3A_87 = arith.constant 1 : i32
      %add3A_88 = arith.addi %mul3A_0, %add3A_87 : i32
      %dma_wait3A_89 = arith.constant 1 : i32
      %dma_wait3A_90 = arith.constant 0 : i32
      %dma_wait3A_91 = arith.constant 0 : i32
      %dma_wait3A_92 = tpu.memref_slice %arg7[%dma_wait3A_89, %dma_wait3A_90, %dma_wait3A_91] : memref<2x2x128xi32, #tpu.memory_space<vmem>> -> memref<1x2x128xi32, #tpu.memory_space<vmem>>
      %dma_wait3A_93 = tpu.memref_squeeze %dma_wait3A_92 : memref<1x2x128xi32, #tpu.memory_space<vmem>> -> memref<2x128xi32, #tpu.memory_space<vmem>>
      %dma_wait3A_94 = arith.constant 0 : i32
      %dma_wait3A_95 = arith.constant 0 : i32
      %dma_wait3A_96 = tpu.memref_slice %arg4[%add3A_88, %dma_wait3A_94, %dma_wait3A_95] : memref<1280x2x128xi32, #tpu.memory_space<hbm>> -> memref<1x2x128xi32, #tpu.memory_space<hbm>>
      %dma_wait3A_97 = tpu.memref_squeeze %dma_wait3A_96 : memref<1x2x128xi32, #tpu.memory_space<hbm>> -> memref<2x128xi32, #tpu.memory_space<hbm>>
      %dma_wait3A_98 = arith.constant 0 : i32
      %dma_wait3A_99 = arith.constant 0 : i32
      %dma_wait3A_100 = tpu.memref_slice %arg7[%dma_wait3A_89, %dma_wait3A_98, %dma_wait3A_99] : memref<2x2x128xi32, #tpu.memory_space<vmem>> -> memref<1x2x128xi32, #tpu.memory_space<vmem>>
      %dma_wait3A_101 = tpu.memref_squeeze %dma_wait3A_100 : memref<1x2x128xi32, #tpu.memory_space<vmem>> -> memref<2x128xi32, #tpu.memory_space<vmem>>
      %dma_wait3A_102 = arith.constant 0 : i32
      %dma_wait3A_103 = arith.constant 0 : i32
      %dma_wait3A_104 = tpu.memref_slice %arg4[%add3A_88, %dma_wait3A_102, %dma_wait3A_103] : memref<1280x2x128xi32, #tpu.memory_space<hbm>> -> memref<1x2x128xi32, #tpu.memory_space<hbm>>
      %dma_wait3A_105 = tpu.memref_squeeze %dma_wait3A_104 : memref<1x2x128xi32, #tpu.memory_space<hbm>> -> memref<2x128xi32, #tpu.memory_space<hbm>>
      tpu.wait_dma2 semaphore(%arg12 : memref<!tpu.dma_semaphore, #tpu.memory_space<semaphore_mem>>) src(%dma_wait3A_105 : memref<2x128xi32, #tpu.memory_space<hbm>>) dst(%dma_wait3A_101 : memref<2x128xi32, #tpu.memory_space<vmem>>)
      %dma_start3A_106 = arith.constant 1 : i32
      %dma_start3A_107 = arith.constant 0 : i32
      %dma_start3A_108 = arith.constant 0 : i32
      %dma_start3A_109 = tpu.memref_slice %arg7[%dma_start3A_106, %dma_start3A_107, %dma_start3A_108] : memref<2x2x128xi32, #tpu.memory_space<vmem>> -> memref<1x1x128xi32, #tpu.memory_space<vmem>>
      %dma_start3A_110 = tpu.memref_squeeze %dma_start3A_109 : memref<1x1x128xi32, #tpu.memory_space<vmem>> -> memref<128xi32, #tpu.memory_space<vmem>>
      %dma_start3A_111 = arith.constant 0 : i32
      %dma_start3A_112 = arith.constant 0 : i32
      %dma_start3A_113 = tpu.memref_slice %arg3[%dma_start3A_111, %dma_start3A_112] : memref<10000x128xf32, #tpu.memory_space<hbm>> -> memref<10000x128xf32, #tpu.memory_space<hbm>>
      tpu.enqueue_indirect_dma source(%dma_start3A_113 : memref<10000x128xf32, #tpu.memory_space<hbm>>) target(%arg9 : memref<128x128xf32, #tpu.memory_space<vmem>>) offsets(%dma_start3A_110 : memref<128xi32, #tpu.memory_space<vmem>>) semaphore(%arg14 : memref<!tpu.dma_semaphore, #tpu.memory_space<semaphore_mem>>)
      %scan3A_114 = arith.constant 0 : i32
      %scan3A_115 = arith.constant 0 : i32
      %scan3A_116 = arith.constant 40 : i32
      %scan3A_117 = arith.addi %scan3A_115, %scan3A_116 : i32
      %scan3A_118 = arith.constant 1 : i32
      scf.for %scan3A_121 = %scan3A_115 to %scan3A_117 step %scan3A_118  : i32 {
        %mul3A_122 = arith.constant 2 : i32
        %mul3A_123 = arith.muli %scan3A_121, %mul3A_122 : i32
        %lt3A = arith.constant 39 : i32
        %lt3A_124 = arith.cmpi slt, %scan3A_121, %lt3A : i32
        %dma_wait3A_125 = arith.constant 0 : i32
        %dma_wait3A_126 = arith.constant 0 : i32
        %dma_wait3A_127 = arith.constant 0 : i32
        %dma_wait3A_128 = tpu.memref_slice %arg7[%dma_wait3A_125, %dma_wait3A_126, %dma_wait3A_127] : memref<2x2x128xi32, #tpu.memory_space<vmem>> -> memref<1x1x128xi32, #tpu.memory_space<vmem>>
        %dma_wait3A_129 = tpu.memref_squeeze %dma_wait3A_128 : memref<1x1x128xi32, #tpu.memory_space<vmem>> -> memref<128xi32, #tpu.memory_space<vmem>>
        %dma_wait3A_130 = arith.constant 0 : i32
        %dma_wait3A_131 = arith.constant 0 : i32
        %dma_wait3A_132 = tpu.memref_slice %arg3[%dma_wait3A_130, %dma_wait3A_131] : memref<10000x128xf32, #tpu.memory_space<hbm>> -> memref<10000x128xf32, #tpu.memory_space<hbm>>
        tpu.wait_indirect_dma semaphore(%arg13 : memref<!tpu.dma_semaphore, #tpu.memory_space<semaphore_mem>>) src(%dma_wait3A_132 : memref<10000x128xf32, #tpu.memory_space<hbm>>) dst(%arg8 : memref<128x128xf32, #tpu.memory_space<vmem>>)
        %dma_start3A_133 = arith.constant 0 : i32
        %dma_start3A_134 = arith.constant 1 : i32
        %dma_start3A_135 = arith.constant 0 : i32
        %dma_start3A_136 = tpu.memref_slice %arg7[%dma_start3A_133, %dma_start3A_134, %dma_start3A_135] : memref<2x2x128xi32, #tpu.memory_space<vmem>> -> memref<1x1x128xi32, #tpu.memory_space<vmem>>
        %dma_start3A_137 = tpu.memref_squeeze %dma_start3A_136 : memref<1x1x128xi32, #tpu.memory_space<vmem>> -> memref<128xi32, #tpu.memory_space<vmem>>
        %dma_start3A_138 = arith.constant 0 : i32
        %dma_start3A_139 = arith.constant 0 : i32
        %dma_start3A_140 = tpu.memref_slice %arg10[%dma_start3A_138, %dma_start3A_139] : memref<10240x128xf32, #tpu.memory_space<vmem_shared>> -> memref<10240x128xf32, #tpu.memory_space<vmem_shared>>
        tpu.enqueue_indirect_dma source(%arg8 : memref<128x128xf32, #tpu.memory_space<vmem>>) target(%dma_start3A_140 : memref<10240x128xf32, #tpu.memory_space<vmem_shared>>) offsets(%dma_start3A_137 : memref<128xi32, #tpu.memory_space<vmem>>) semaphore(%arg15 : memref<!tpu.dma_semaphore, #tpu.memory_space<semaphore_mem>>) {add = true}
        %dma_wait3A_141 = arith.constant 0 : i32
        %dma_wait3A_142 = arith.constant 1 : i32
        %dma_wait3A_143 = arith.constant 0 : i32
        %dma_wait3A_144 = tpu.memref_slice %arg7[%dma_wait3A_141, %dma_wait3A_142, %dma_wait3A_143] : memref<2x2x128xi32, #tpu.memory_space<vmem>> -> memref<1x1x128xi32, #tpu.memory_space<vmem>>
        %dma_wait3A_145 = tpu.memref_squeeze %dma_wait3A_144 : memref<1x1x128xi32, #tpu.memory_space<vmem>> -> memref<128xi32, #tpu.memory_space<vmem>>
        %dma_wait3A_146 = arith.constant 0 : i32
        %dma_wait3A_147 = arith.constant 0 : i32
        %dma_wait3A_148 = tpu.memref_slice %arg10[%dma_wait3A_146, %dma_wait3A_147] : memref<10240x128xf32, #tpu.memory_space<vmem_shared>> -> memref<10240x128xf32, #tpu.memory_space<vmem_shared>>
        tpu.wait_indirect_dma semaphore(%arg15 : memref<!tpu.dma_semaphore, #tpu.memory_space<semaphore_mem>>) src(%arg8 : memref<128x128xf32, #tpu.memory_space<vmem>>) dst(%dma_wait3A_148 : memref<10240x128xf32, #tpu.memory_space<vmem_shared>>)
        %convert_element_type3A_149 = arith.extui %lt3A_124 : i1 to i32
        %cond3A_150 = arith.constant 0 : i32
        %cond3A_151 = arith.cmpi ne, %convert_element_type3A_149, %cond3A_150 : i32
        scf.if %cond3A_151 {
          %add3A_182 = arith.constant 2 : i32
          %add3A_183 = arith.addi %mul3A_123, %add3A_182 : i32
          %add3A_184 = arith.addi %mul3A_0, %add3A_183 : i32
          %dma_start3A_185 = arith.constant 0 : i32
          %dma_start3A_186 = arith.constant 0 : i32
          %dma_start3A_187 = arith.constant 0 : i32
          %dma_start3A_188 = tpu.memref_slice %arg7[%dma_start3A_185, %dma_start3A_186, %dma_start3A_187] : memref<2x2x128xi32, #tpu.memory_space<vmem>> -> memref<1x2x128xi32, #tpu.memory_space<vmem>>
          %dma_start3A_189 = tpu.memref_squeeze %dma_start3A_188 : memref<1x2x128xi32, #tpu.memory_space<vmem>> -> memref<2x128xi32, #tpu.memory_space<vmem>>
          %dma_start3A_190 = arith.constant 0 : i32
          %dma_start3A_191 = arith.constant 0 : i32
          %dma_start3A_192 = tpu.memref_slice %arg4[%add3A_184, %dma_start3A_190, %dma_start3A_191] : memref<1280x2x128xi32, #tpu.memory_space<hbm>> -> memref<1x2x128xi32, #tpu.memory_space<hbm>>
          %dma_start3A_193 = tpu.memref_squeeze %dma_start3A_192 : memref<1x2x128xi32, #tpu.memory_space<hbm>> -> memref<2x128xi32, #tpu.memory_space<hbm>>
          %dma_start3A_194 = arith.constant 0 : i32
          %dma_start3A_195 = arith.constant 0 : i32
          %dma_start3A_196 = tpu.memref_slice %arg7[%dma_start3A_185, %dma_start3A_194, %dma_start3A_195] : memref<2x2x128xi32, #tpu.memory_space<vmem>> -> memref<1x2x128xi32, #tpu.memory_space<vmem>>
          %dma_start3A_197 = tpu.memref_squeeze %dma_start3A_196 : memref<1x2x128xi32, #tpu.memory_space<vmem>> -> memref<2x128xi32, #tpu.memory_space<vmem>>
          %dma_start3A_198 = arith.constant 0 : i32
          %dma_start3A_199 = arith.constant 0 : i32
          %dma_start3A_200 = tpu.memref_slice %arg4[%add3A_184, %dma_start3A_198, %dma_start3A_199] : memref<1280x2x128xi32, #tpu.memory_space<hbm>> -> memref<1x2x128xi32, #tpu.memory_space<hbm>>
          %dma_start3A_201 = tpu.memref_squeeze %dma_start3A_200 : memref<1x2x128xi32, #tpu.memory_space<hbm>> -> memref<2x128xi32, #tpu.memory_space<hbm>>
          tpu.enqueue_dma source(%dma_start3A_201 : memref<2x128xi32, #tpu.memory_space<hbm>>) target(%dma_start3A_197 : memref<2x128xi32, #tpu.memory_space<vmem>>) target_semaphore(%arg11 : memref<!tpu.dma_semaphore, #tpu.memory_space<semaphore_mem>>)
        } else {
        }
        %dma_wait3A_152 = arith.constant 1 : i32
        %dma_wait3A_153 = arith.constant 0 : i32
        %dma_wait3A_154 = arith.constant 0 : i32
        %dma_wait3A_155 = tpu.memref_slice %arg7[%dma_wait3A_152, %dma_wait3A_153, %dma_wait3A_154] : memref<2x2x128xi32, #tpu.memory_space<vmem>> -> memref<1x1x128xi32, #tpu.memory_space<vmem>>
        %dma_wait3A_156 = tpu.memref_squeeze %dma_wait3A_155 : memref<1x1x128xi32, #tpu.memory_space<vmem>> -> memref<128xi32, #tpu.memory_space<vmem>>
        %dma_wait3A_157 = arith.constant 0 : i32
        %dma_wait3A_158 = arith.constant 0 : i32
        %dma_wait3A_159 = tpu.memref_slice %arg3[%dma_wait3A_157, %dma_wait3A_158] : memref<10000x128xf32, #tpu.memory_space<hbm>> -> memref<10000x128xf32, #tpu.memory_space<hbm>>
        tpu.wait_indirect_dma semaphore(%arg14 : memref<!tpu.dma_semaphore, #tpu.memory_space<semaphore_mem>>) src(%dma_wait3A_159 : memref<10000x128xf32, #tpu.memory_space<hbm>>) dst(%arg9 : memref<128x128xf32, #tpu.memory_space<vmem>>)
        %dma_start3A_160 = arith.constant 1 : i32
        %dma_start3A_161 = arith.constant 1 : i32
        %dma_start3A_162 = arith.constant 0 : i32
        %dma_start3A_163 = tpu.memref_slice %arg7[%dma_start3A_160, %dma_start3A_161, %dma_start3A_162] : memref<2x2x128xi32, #tpu.memory_space<vmem>> -> memref<1x1x128xi32, #tpu.memory_space<vmem>>
        %dma_start3A_164 = tpu.memref_squeeze %dma_start3A_163 : memref<1x1x128xi32, #tpu.memory_space<vmem>> -> memref<128xi32, #tpu.memory_space<vmem>>
        %dma_start3A_165 = arith.constant 0 : i32
        %dma_start3A_166 = arith.constant 0 : i32
        %dma_start3A_167 = tpu.memref_slice %arg10[%dma_start3A_165, %dma_start3A_166] : memref<10240x128xf32, #tpu.memory_space<vmem_shared>> -> memref<10240x128xf32, #tpu.memory_space<vmem_shared>>
        tpu.enqueue_indirect_dma source(%arg9 : memref<128x128xf32, #tpu.memory_space<vmem>>) target(%dma_start3A_167 : memref<10240x128xf32, #tpu.memory_space<vmem_shared>>) offsets(%dma_start3A_164 : memref<128xi32, #tpu.memory_space<vmem>>) semaphore(%arg16 : memref<!tpu.dma_semaphore, #tpu.memory_space<semaphore_mem>>) {add = true}
        %convert_element_type3A_168 = arith.extui %lt3A_124 : i1 to i32
        %cond3A_169 = arith.constant 0 : i32
        %cond3A_170 = arith.cmpi ne, %convert_element_type3A_168, %cond3A_169 : i32
        scf.if %cond3A_170 {
          %add3A_182 = arith.constant 0 : i32
          %add3A_183 = arith.addi %mul3A_0, %add3A_182 : i32
          %dma_wait3A_184 = arith.constant 0 : i32
          %dma_wait3A_185 = arith.constant 0 : i32
          %dma_wait3A_186 = arith.constant 0 : i32
          %dma_wait3A_187 = tpu.memref_slice %arg7[%dma_wait3A_184, %dma_wait3A_185, %dma_wait3A_186] : memref<2x2x128xi32, #tpu.memory_space<vmem>> -> memref<1x2x128xi32, #tpu.memory_space<vmem>>
          %dma_wait3A_188 = tpu.memref_squeeze %dma_wait3A_187 : memref<1x2x128xi32, #tpu.memory_space<vmem>> -> memref<2x128xi32, #tpu.memory_space<vmem>>
          %dma_wait3A_189 = arith.constant 0 : i32
          %dma_wait3A_190 = arith.constant 0 : i32
          %dma_wait3A_191 = tpu.memref_slice %arg4[%add3A_183, %dma_wait3A_189, %dma_wait3A_190] : memref<1280x2x128xi32, #tpu.memory_space<hbm>> -> memref<1x2x128xi32, #tpu.memory_space<hbm>>
          %dma_wait3A_192 = tpu.memref_squeeze %dma_wait3A_191 : memref<1x2x128xi32, #tpu.memory_space<hbm>> -> memref<2x128xi32, #tpu.memory_space<hbm>>
          %dma_wait3A_193 = arith.constant 0 : i32
          %dma_wait3A_194 = arith.constant 0 : i32
          %dma_wait3A_195 = tpu.memref_slice %arg7[%dma_wait3A_184, %dma_wait3A_193, %dma_wait3A_194] : memref<2x2x128xi32, #tpu.memory_space<vmem>> -> memref<1x2x128xi32, #tpu.memory_space<vmem>>
          %dma_wait3A_196 = tpu.memref_squeeze %dma_wait3A_195 : memref<1x2x128xi32, #tpu.memory_space<vmem>> -> memref<2x128xi32, #tpu.memory_space<vmem>>
          %dma_wait3A_197 = arith.constant 0 : i32
          %dma_wait3A_198 = arith.constant 0 : i32
          %dma_wait3A_199 = tpu.memref_slice %arg4[%add3A_183, %dma_wait3A_197, %dma_wait3A_198] : memref<1280x2x128xi32, #tpu.memory_space<hbm>> -> memref<1x2x128xi32, #tpu.memory_space<hbm>>
          %dma_wait3A_200 = tpu.memref_squeeze %dma_wait3A_199 : memref<1x2x128xi32, #tpu.memory_space<hbm>> -> memref<2x128xi32, #tpu.memory_space<hbm>>
          tpu.wait_dma2 semaphore(%arg11 : memref<!tpu.dma_semaphore, #tpu.memory_space<semaphore_mem>>) src(%dma_wait3A_200 : memref<2x128xi32, #tpu.memory_space<hbm>>) dst(%dma_wait3A_196 : memref<2x128xi32, #tpu.memory_space<vmem>>)
          %dma_start3A_201 = arith.constant 0 : i32
          %dma_start3A_202 = arith.constant 0 : i32
          %dma_start3A_203 = arith.constant 0 : i32
          %dma_start3A_204 = tpu.memref_slice %arg7[%dma_start3A_201, %dma_start3A_202, %dma_start3A_203] : memref<2x2x128xi32, #tpu.memory_space<vmem>> -> memref<1x1x128xi32, #tpu.memory_space<vmem>>
          %dma_start3A_205 = tpu.memref_squeeze %dma_start3A_204 : memref<1x1x128xi32, #tpu.memory_space<vmem>> -> memref<128xi32, #tpu.memory_space<vmem>>
          %dma_start3A_206 = arith.constant 0 : i32
          %dma_start3A_207 = arith.constant 0 : i32
          %dma_start3A_208 = tpu.memref_slice %arg3[%dma_start3A_206, %dma_start3A_207] : memref<10000x128xf32, #tpu.memory_space<hbm>> -> memref<10000x128xf32, #tpu.memory_space<hbm>>
          tpu.enqueue_indirect_dma source(%dma_start3A_208 : memref<10000x128xf32, #tpu.memory_space<hbm>>) target(%arg8 : memref<128x128xf32, #tpu.memory_space<vmem>>) offsets(%dma_start3A_205 : memref<128xi32, #tpu.memory_space<vmem>>) semaphore(%arg13 : memref<!tpu.dma_semaphore, #tpu.memory_space<semaphore_mem>>)
        } else {
        }
        %dma_wait3A_171 = arith.constant 1 : i32
        %dma_wait3A_172 = arith.constant 1 : i32
        %dma_wait3A_173 = arith.constant 0 : i32
        %dma_wait3A_174 = tpu.memref_slice %arg7[%dma_wait3A_171, %dma_wait3A_172, %dma_wait3A_173] : memref<2x2x128xi32, #tpu.memory_space<vmem>> -> memref<1x1x128xi32, #tpu.memory_space<vmem>>
        %dma_wait3A_175 = tpu.memref_squeeze %dma_wait3A_174 : memref<1x1x128xi32, #tpu.memory_space<vmem>> -> memref<128xi32, #tpu.memory_space<vmem>>
        %dma_wait3A_176 = arith.constant 0 : i32
        %dma_wait3A_177 = arith.constant 0 : i32
        %dma_wait3A_178 = tpu.memref_slice %arg10[%dma_wait3A_176, %dma_wait3A_177] : memref<10240x128xf32, #tpu.memory_space<vmem_shared>> -> memref<10240x128xf32, #tpu.memory_space<vmem_shared>>
        tpu.wait_indirect_dma semaphore(%arg16 : memref<!tpu.dma_semaphore, #tpu.memory_space<semaphore_mem>>) src(%arg9 : memref<128x128xf32, #tpu.memory_space<vmem>>) dst(%dma_wait3A_178 : memref<10240x128xf32, #tpu.memory_space<vmem_shared>>)
        %convert_element_type3A_179 = arith.extui %lt3A_124 : i1 to i32
        %cond3A_180 = arith.constant 0 : i32
        %cond3A_181 = arith.cmpi ne, %convert_element_type3A_179, %cond3A_180 : i32
        scf.if %cond3A_181 {
          %add3A_182 = arith.constant 3 : i32
          %add3A_183 = arith.addi %mul3A_123, %add3A_182 : i32
          %add3A_184 = arith.addi %mul3A_0, %add3A_183 : i32
          %dma_start3A_185 = arith.constant 1 : i32
          %dma_start3A_186 = arith.constant 0 : i32
          %dma_start3A_187 = arith.constant 0 : i32
          %dma_start3A_188 = tpu.memref_slice %arg7[%dma_start3A_185, %dma_start3A_186, %dma_start3A_187] : memref<2x2x128xi32, #tpu.memory_space<vmem>> -> memref<1x2x128xi32, #tpu.memory_space<vmem>>
          %dma_start3A_189 = tpu.memref_squeeze %dma_start3A_188 : memref<1x2x128xi32, #tpu.memory_space<vmem>> -> memref<2x128xi32, #tpu.memory_space<vmem>>
          %dma_start3A_190 = arith.constant 0 : i32
          %dma_start3A_191 = arith.constant 0 : i32
          %dma_start3A_192 = tpu.memref_slice %arg4[%add3A_184, %dma_start3A_190, %dma_start3A_191] : memref<1280x2x128xi32, #tpu.memory_space<hbm>> -> memref<1x2x128xi32, #tpu.memory_space<hbm>>
          %dma_start3A_193 = tpu.memref_squeeze %dma_start3A_192 : memref<1x2x128xi32, #tpu.memory_space<hbm>> -> memref<2x128xi32, #tpu.memory_space<hbm>>
          %dma_start3A_194 = arith.constant 0 : i32
          %dma_start3A_195 = arith.constant 0 : i32
          %dma_start3A_196 = tpu.memref_slice %arg7[%dma_start3A_185, %dma_start3A_194, %dma_start3A_195] : memref<2x2x128xi32, #tpu.memory_space<vmem>> -> memref<1x2x128xi32, #tpu.memory_space<vmem>>
          %dma_start3A_197 = tpu.memref_squeeze %dma_start3A_196 : memref<1x2x128xi32, #tpu.memory_space<vmem>> -> memref<2x128xi32, #tpu.memory_space<vmem>>
          %dma_start3A_198 = arith.constant 0 : i32
          %dma_start3A_199 = arith.constant 0 : i32
          %dma_start3A_200 = tpu.memref_slice %arg4[%add3A_184, %dma_start3A_198, %dma_start3A_199] : memref<1280x2x128xi32, #tpu.memory_space<hbm>> -> memref<1x2x128xi32, #tpu.memory_space<hbm>>
          %dma_start3A_201 = tpu.memref_squeeze %dma_start3A_200 : memref<1x2x128xi32, #tpu.memory_space<hbm>> -> memref<2x128xi32, #tpu.memory_space<hbm>>
          tpu.enqueue_dma source(%dma_start3A_201 : memref<2x128xi32, #tpu.memory_space<hbm>>) target(%dma_start3A_197 : memref<2x128xi32, #tpu.memory_space<vmem>>) target_semaphore(%arg12 : memref<!tpu.dma_semaphore, #tpu.memory_space<semaphore_mem>>)
          %add3A_202 = arith.constant 1 : i32
          %add3A_203 = arith.addi %mul3A_0, %add3A_202 : i32
          %dma_wait3A_204 = arith.constant 1 : i32
          %dma_wait3A_205 = arith.constant 0 : i32
          %dma_wait3A_206 = arith.constant 0 : i32
          %dma_wait3A_207 = tpu.memref_slice %arg7[%dma_wait3A_204, %dma_wait3A_205, %dma_wait3A_206] : memref<2x2x128xi32, #tpu.memory_space<vmem>> -> memref<1x2x128xi32, #tpu.memory_space<vmem>>
          %dma_wait3A_208 = tpu.memref_squeeze %dma_wait3A_207 : memref<1x2x128xi32, #tpu.memory_space<vmem>> -> memref<2x128xi32, #tpu.memory_space<vmem>>
          %dma_wait3A_209 = arith.constant 0 : i32
          %dma_wait3A_210 = arith.constant 0 : i32
          %dma_wait3A_211 = tpu.memref_slice %arg4[%add3A_203, %dma_wait3A_209, %dma_wait3A_210] : memref<1280x2x128xi32, #tpu.memory_space<hbm>> -> memref<1x2x128xi32, #tpu.memory_space<hbm>>
          %dma_wait3A_212 = tpu.memref_squeeze %dma_wait3A_211 : memref<1x2x128xi32, #tpu.memory_space<hbm>> -> memref<2x128xi32, #tpu.memory_space<hbm>>
          %dma_wait3A_213 = arith.constant 0 : i32
          %dma_wait3A_214 = arith.constant 0 : i32
          %dma_wait3A_215 = tpu.memref_slice %arg7[%dma_wait3A_204, %dma_wait3A_213, %dma_wait3A_214] : memref<2x2x128xi32, #tpu.memory_space<vmem>> -> memref<1x2x128xi32, #tpu.memory_space<vmem>>
          %dma_wait3A_216 = tpu.memref_squeeze %dma_wait3A_215 : memref<1x2x128xi32, #tpu.memory_space<vmem>> -> memref<2x128xi32, #tpu.memory_space<vmem>>
          %dma_wait3A_217 = arith.constant 0 : i32
          %dma_wait3A_218 = arith.constant 0 : i32
          %dma_wait3A_219 = tpu.memref_slice %arg4[%add3A_203, %dma_wait3A_217, %dma_wait3A_218] : memref<1280x2x128xi32, #tpu.memory_space<hbm>> -> memref<1x2x128xi32, #tpu.memory_space<hbm>>
          %dma_wait3A_220 = tpu.memref_squeeze %dma_wait3A_219 : memref<1x2x128xi32, #tpu.memory_space<hbm>> -> memref<2x128xi32, #tpu.memory_space<hbm>>
          tpu.wait_dma2 semaphore(%arg12 : memref<!tpu.dma_semaphore, #tpu.memory_space<semaphore_mem>>) src(%dma_wait3A_220 : memref<2x128xi32, #tpu.memory_space<hbm>>) dst(%dma_wait3A_216 : memref<2x128xi32, #tpu.memory_space<vmem>>)
          %dma_start3A_221 = arith.constant 1 : i32
          %dma_start3A_222 = arith.constant 0 : i32
          %dma_start3A_223 = arith.constant 0 : i32
          %dma_start3A_224 = tpu.memref_slice %arg7[%dma_start3A_221, %dma_start3A_222, %dma_start3A_223] : memref<2x2x128xi32, #tpu.memory_space<vmem>> -> memref<1x1x128xi32, #tpu.memory_space<vmem>>
          %dma_start3A_225 = tpu.memref_squeeze %dma_start3A_224 : memref<1x1x128xi32, #tpu.memory_space<vmem>> -> memref<128xi32, #tpu.memory_space<vmem>>
          %dma_start3A_226 = arith.constant 0 : i32
          %dma_start3A_227 = arith.constant 0 : i32
          %dma_start3A_228 = tpu.memref_slice %arg3[%dma_start3A_226, %dma_start3A_227] : memref<10000x128xf32, #tpu.memory_space<hbm>> -> memref<10000x128xf32, #tpu.memory_space<hbm>>
          tpu.enqueue_indirect_dma source(%dma_start3A_228 : memref<10000x128xf32, #tpu.memory_space<hbm>>) target(%arg9 : memref<128x128xf32, #tpu.memory_space<vmem>>) offsets(%dma_start3A_225 : memref<128xi32, #tpu.memory_space<vmem>>) semaphore(%arg14 : memref<!tpu.dma_semaphore, #tpu.memory_space<semaphore_mem>>)
        } else {
        }
      }
      %scan3A_119 = arith.constant 40 : i32
      %barrier3A_120 = arith.constant 0 : index
      tpu.barrier barrier_id(%barrier3A_120)
      "tpu.region"() ({
        %run_scoped3A = tpu.sem_alloc : memref<!tpu.dma_semaphore, #tpu.memory_space<semaphore_mem>>
        %dma_start3A_121 = arith.constant 0 : i32
        %dma_start3A_122 = tpu.memref_slice %arg6[%mul3A_7, %dma_start3A_121] : memref<10240x128xf32, #tpu.memory_space<hbm>> -> memref<640x128xf32, #tpu.memory_space<hbm>>
        %dma_start3A_123 = arith.constant 0 : i32
        %dma_start3A_124 = tpu.memref_slice %arg10[%mul3A_7, %dma_start3A_123] : memref<10240x128xf32, #tpu.memory_space<vmem_shared>> -> memref<640x128xf32, #tpu.memory_space<vmem_shared>>
        tpu.enqueue_dma source(%dma_start3A_124 : memref<640x128xf32, #tpu.memory_space<vmem_shared>>) target(%dma_start3A_122 : memref<640x128xf32, #tpu.memory_space<hbm>>) target_semaphore(%run_scoped3A : memref<!tpu.dma_semaphore, #tpu.memory_space<semaphore_mem>>)
        %dma_wait3A_125 = arith.constant 0 : i32
        %dma_wait3A_126 = tpu.memref_slice %arg6[%mul3A_7, %dma_wait3A_125] : memref<10240x128xf32, #tpu.memory_space<hbm>> -> memref<640x128xf32, #tpu.memory_space<hbm>>
        %dma_wait3A_127 = arith.constant 0 : i32
        %dma_wait3A_128 = tpu.memref_slice %arg10[%mul3A_7, %dma_wait3A_127] : memref<10240x128xf32, #tpu.memory_space<vmem_shared>> -> memref<640x128xf32, #tpu.memory_space<vmem_shared>>
        tpu.wait_dma2 semaphore(%run_scoped3A : memref<!tpu.dma_semaphore, #tpu.memory_space<semaphore_mem>>) src(%dma_wait3A_128 : memref<640x128xf32, #tpu.memory_space<vmem_shared>>) dst(%dma_wait3A_126 : memref<640x128xf32, #tpu.memory_space<hbm>>)
        tpu.yield
      }) : () -> ()
    } else {
    }
    return
  }
}

#map = affine_map<(d0, d1) -> (0, 0)>
#map1 = affine_map<(d0, d1) -> (0, 0, 0)>
module attributes {stable_mosaic.version = 14 : i64} {
  func.func @k(%arg0: i32, %arg1: i32, %arg2: memref<10000x128xf32, #tpu.memory_space<hbm>>, %arg3: memref<10000x128xf32, #tpu.memory_space<hbm>>, %arg4: memref<1280x2x128xi32, #tpu.memory_space<hbm>>, %arg5: memref<10240x128xf32, #tpu.memory_space<hbm>>, %arg6: memref<10240x128xf32, #tpu.memory_space<hbm>>, %arg7: memref<2x2x128xi32, #tpu.memory_space<vmem>>, %arg8: memref<128x128xf32, #tpu.memory_space<vmem>>, %arg9: memref<128x128xf32, #tpu.memory_space<vmem>>, %arg10: memref<10240x128xf32, #tpu.memory_space<vmem_shared>>, %arg11: memref<!tpu.dma_semaphore, #tpu.memory_space<semaphore_mem>>, %arg12: memref<!tpu.dma_semaphore, #tpu.memory_space<semaphore_mem>>, %arg13: memref<!tpu.dma_semaphore, #tpu.memory_space<semaphore_mem>>, %arg14: memref<!tpu.dma_semaphore, #tpu.memory_space<semaphore_mem>>, %arg15: memref<!tpu.dma_semaphore, #tpu.memory_space<semaphore_mem>>, %arg16: memref<!tpu.dma_semaphore, #tpu.memory_space<semaphore_mem>>) attributes {dimension_semantics = [#tpu.dimension_semantics<core_parallel>, #tpu.dimension_semantics<subcore_parallel>], iteration_bounds = array<i64: 2, 16>, scalar_prefetch = 0 : i64, scratch_operands = 10 : i64, tpu.core_type = #tpu.core_type<sc_vector_subcore>, window_params = [{transform_indices = #map}, {transform_indices = #map}, {transform_indices = #map1}, {transform_indices = #map}, {transform_indices = #map}]} {
    %mul3A = arith.constant 80 : i32
    %mul3A_0 = arith.muli %arg1, %mul3A : i32
    %scan3A = arith.constant 0 : i32
    %scan3A_1 = arith.constant 0 : i32
    %scan3A_2 = arith.constant 1024 : i32
    %scan3A_3 = arith.addi %scan3A_1, %scan3A_2 : i32
    %scan3A_4 = arith.constant 1 : i32
    scf.for %scan3A_24 = %scan3A_1 to %scan3A_3 step %scan3A_4  : i32 {
      %jit3A = arith.constant 8 : i32
      %div3A = arith.divsi %scan3A_24, %jit3A : i32
      %sign3A = arith.constant 0 : i32
      %sign3A_25 = arith.cmpi sgt, %scan3A_24, %sign3A : i32
      %sign3A_26 = arith.extui %sign3A_25 : i1 to i32
      %sign3A_27 = arith.constant 0 : i32
      %sign3A_28 = arith.cmpi slt, %scan3A_24, %sign3A_27 : i32
      %sign3A_29 = arith.extui %sign3A_28 : i1 to i32
      %sign3A_30 = arith.subi %sign3A_26, %sign3A_29 : i32
      %sign3A_31 = arith.constant 0 : i32
      %sign3A_32 = arith.cmpi sgt, %jit3A, %sign3A_31 : i32
      %sign3A_33 = arith.extui %sign3A_32 : i1 to i32
      %sign3A_34 = arith.constant 0 : i32
      %sign3A_35 = arith.cmpi slt, %jit3A, %sign3A_34 : i32
      %sign3A_36 = arith.extui %sign3A_35 : i1 to i32
      %sign3A_37 = arith.subi %sign3A_33, %sign3A_36 : i32
      %ne3A = arith.cmpi ne, %sign3A_30, %sign3A_37 : i32
      %rem3A = arith.remsi %scan3A_24, %jit3A : i32
      %ne3A_38 = arith.constant 0 : i32
      %ne3A_39 = arith.cmpi ne, %rem3A, %ne3A_38 : i32
      %and3A = arith.andi %ne3A, %ne3A_39 : i1
      %sub3A = arith.constant 1 : i32
      %sub3A_40 = arith.subi %div3A, %sub3A : i32
      %select_n3A = arith.select %and3A, %sub3A_40, %div3A : i32
      %rem3A_41 = arith.constant 8 : i32
      %rem3A_42 = arith.remsi %scan3A_24, %rem3A_41 : i32
      %broadcast_in_dim3A = arith.constant 0.000000e+00 : f32
      %broadcast_in_dim3A_43 = vector.broadcast %broadcast_in_dim3A : f32 to vector<16xf32>
      %mul3A_44 = arith.constant 16 : i32
      %mul3A_45 = arith.muli %rem3A_42, %mul3A_44 : i32
      %swap3A = arith.index_cast %select_n3A : i32 to index
      %swap3A_46 = arith.index_cast %mul3A_45 : i32 to index
      %swap3A_47 = tpu.vector_load %arg8[%swap3A, %swap3A_46] {strides = array<i32>} : memref<128x128xf32, #tpu.memory_space<vmem>>, vector<1x16xf32>,
      %swap3A_48 = vector.shape_cast %swap3A_47 : vector<1x16xf32> to vector<16xf32>
      %swap3A_49 = vector.shape_cast %broadcast_in_dim3A_43 : vector<16xf32> to vector<1x16xf32>
      tpu.vector_store %arg8[%swap3A, %swap3A_46], %swap3A_49 {strides = array<i32>} : memref<128x128xf32, #tpu.memory_space<vmem>>, vector<1x16xf32>,
    }
    %scan3A_5 = arith.constant 1024 : i32
    %mul3A_6 = arith.constant 640 : i32
    %mul3A_7 = arith.muli %arg1, %mul3A_6 : i32
    %add3A = arith.constant 0 : i32
    %add3A_8 = arith.addi %mul3A_7, %add3A : i32
    "tpu.region"() ({
      %run_scoped3A = tpu.sem_alloc : memref<!tpu.dma_semaphore, #tpu.memory_space<semaphore_mem>>
      %dma_start3A = arith.constant 0 : i32
      %dma_start3A_24 = tpu.memref_slice %arg10[%add3A_8, %dma_start3A] : memref<10240x128xf32, #tpu.memory_space<vmem_shared>> -> memref<128x128xf32, #tpu.memory_space<vmem_shared>>
      %dma_start3A_25 = arith.constant 0 : i32
      %dma_start3A_26 = tpu.memref_slice %arg10[%add3A_8, %dma_start3A_25] : memref<10240x128xf32, #tpu.memory_space<vmem_shared>> -> memref<128x128xf32, #tpu.memory_space<vmem_shared>>
      tpu.enqueue_dma source(%arg8 : memref<128x128xf32, #tpu.memory_space<vmem>>) target(%dma_start3A_26 : memref<128x128xf32, #tpu.memory_space<vmem_shared>>) target_semaphore(%run_scoped3A : memref<!tpu.dma_semaphore, #tpu.memory_space<semaphore_mem>>)
      %dma_wait3A = arith.constant 0 : i32
      %dma_wait3A_27 = tpu.memref_slice %arg10[%add3A_8, %dma_wait3A] : memref<10240x128xf32, #tpu.memory_space<vmem_shared>> -> memref<128x128xf32, #tpu.memory_space<vmem_shared>>
      %dma_wait3A_28 = arith.constant 0 : i32
      %dma_wait3A_29 = tpu.memref_slice %arg10[%add3A_8, %dma_wait3A_28] : memref<10240x128xf32, #tpu.memory_space<vmem_shared>> -> memref<128x128xf32, #tpu.memory_space<vmem_shared>>
      tpu.wait_dma2 semaphore(%run_scoped3A : memref<!tpu.dma_semaphore, #tpu.memory_space<semaphore_mem>>) src(%arg8 : memref<128x128xf32, #tpu.memory_space<vmem>>) dst(%dma_wait3A_29 : memref<128x128xf32, #tpu.memory_space<vmem_shared>>)
      tpu.yield
    }) : () -> ()
    %add3A_9 = arith.constant 128 : i32
    %add3A_10 = arith.addi %mul3A_7, %add3A_9 : i32
    "tpu.region"() ({
      %run_scoped3A = tpu.sem_alloc : memref<!tpu.dma_semaphore, #tpu.memory_space<semaphore_mem>>
      %dma_start3A = arith.constant 0 : i32
      %dma_start3A_24 = tpu.memref_slice %arg10[%add3A_10, %dma_start3A] : memref<10240x128xf32, #tpu.memory_space<vmem_shared>> -> memref<128x128xf32, #tpu.memory_space<vmem_shared>>
      %dma_start3A_25 = arith.constant 0 : i32
      %dma_start3A_26 = tpu.memref_slice %arg10[%add3A_10, %dma_start3A_25] : memref<10240x128xf32, #tpu.memory_space<vmem_shared>> -> memref<128x128xf32, #tpu.memory_space<vmem_shared>>
      tpu.enqueue_dma source(%arg8 : memref<128x128xf32, #tpu.memory_space<vmem>>) target(%dma_start3A_26 : memref<128x128xf32, #tpu.memory_space<vmem_shared>>) target_semaphore(%run_scoped3A : memref<!tpu.dma_semaphore, #tpu.memory_space<semaphore_mem>>)
      %dma_wait3A = arith.constant 0 : i32
      %dma_wait3A_27 = tpu.memref_slice %arg10[%add3A_10, %dma_wait3A] : memref<10240x128xf32, #tpu.memory_space<vmem_shared>> -> memref<128x128xf32, #tpu.memory_space<vmem_shared>>
      %dma_wait3A_28 = arith.constant 0 : i32
      %dma_wait3A_29 = tpu.memref_slice %arg10[%add3A_10, %dma_wait3A_28] : memref<10240x128xf32, #tpu.memory_space<vmem_shared>> -> memref<128x128xf32, #tpu.memory_space<vmem_shared>>
      tpu.wait_dma2 semaphore(%run_scoped3A : memref<!tpu.dma_semaphore, #tpu.memory_space<semaphore_mem>>) src(%arg8 : memref<128x128xf32, #tpu.memory_space<vmem>>) dst(%dma_wait3A_29 : memref<128x128xf32, #tpu.memory_space<vmem_shared>>)
      tpu.yield
    }) : () -> ()
    %add3A_11 = arith.constant 256 : i32
    %add3A_12 = arith.addi %mul3A_7, %add3A_11 : i32
    "tpu.region"() ({
      %run_scoped3A = tpu.sem_alloc : memref<!tpu.dma_semaphore, #tpu.memory_space<semaphore_mem>>
      %dma_start3A = arith.constant 0 : i32
      %dma_start3A_24 = tpu.memref_slice %arg10[%add3A_12, %dma_start3A] : memref<10240x128xf32, #tpu.memory_space<vmem_shared>> -> memref<128x128xf32, #tpu.memory_space<vmem_shared>>
      %dma_start3A_25 = arith.constant 0 : i32
      %dma_start3A_26 = tpu.memref_slice %arg10[%add3A_12, %dma_start3A_25] : memref<10240x128xf32, #tpu.memory_space<vmem_shared>> -> memref<128x128xf32, #tpu.memory_space<vmem_shared>>
      tpu.enqueue_dma source(%arg8 : memref<128x128xf32, #tpu.memory_space<vmem>>) target(%dma_start3A_26 : memref<128x128xf32, #tpu.memory_space<vmem_shared>>) target_semaphore(%run_scoped3A : memref<!tpu.dma_semaphore, #tpu.memory_space<semaphore_mem>>)
      %dma_wait3A = arith.constant 0 : i32
      %dma_wait3A_27 = tpu.memref_slice %arg10[%add3A_12, %dma_wait3A] : memref<10240x128xf32, #tpu.memory_space<vmem_shared>> -> memref<128x128xf32, #tpu.memory_space<vmem_shared>>
      %dma_wait3A_28 = arith.constant 0 : i32
      %dma_wait3A_29 = tpu.memref_slice %arg10[%add3A_12, %dma_wait3A_28] : memref<10240x128xf32, #tpu.memory_space<vmem_shared>> -> memref<128x128xf32, #tpu.memory_space<vmem_shared>>
      tpu.wait_dma2 semaphore(%run_scoped3A : memref<!tpu.dma_semaphore, #tpu.memory_space<semaphore_mem>>) src(%arg8 : memref<128x128xf32, #tpu.memory_space<vmem>>) dst(%dma_wait3A_29 : memref<128x128xf32, #tpu.memory_space<vmem_shared>>)
      tpu.yield
    }) : () -> ()
    %add3A_13 = arith.constant 384 : i32
    %add3A_14 = arith.addi %mul3A_7, %add3A_13 : i32
    "tpu.region"() ({
      %run_scoped3A = tpu.sem_alloc : memref<!tpu.dma_semaphore, #tpu.memory_space<semaphore_mem>>
      %dma_start3A = arith.constant 0 : i32
      %dma_start3A_24 = tpu.memref_slice %arg10[%add3A_14, %dma_start3A] : memref<10240x128xf32, #tpu.memory_space<vmem_shared>> -> memref<128x128xf32, #tpu.memory_space<vmem_shared>>
      %dma_start3A_25 = arith.constant 0 : i32
      %dma_start3A_26 = tpu.memref_slice %arg10[%add3A_14, %dma_start3A_25] : memref<10240x128xf32, #tpu.memory_space<vmem_shared>> -> memref<128x128xf32, #tpu.memory_space<vmem_shared>>
      tpu.enqueue_dma source(%arg8 : memref<128x128xf32, #tpu.memory_space<vmem>>) target(%dma_start3A_26 : memref<128x128xf32, #tpu.memory_space<vmem_shared>>) target_semaphore(%run_scoped3A : memref<!tpu.dma_semaphore, #tpu.memory_space<semaphore_mem>>)
      %dma_wait3A = arith.constant 0 : i32
      %dma_wait3A_27 = tpu.memref_slice %arg10[%add3A_14, %dma_wait3A] : memref<10240x128xf32, #tpu.memory_space<vmem_shared>> -> memref<128x128xf32, #tpu.memory_space<vmem_shared>>
      %dma_wait3A_28 = arith.constant 0 : i32
      %dma_wait3A_29 = tpu.memref_slice %arg10[%add3A_14, %dma_wait3A_28] : memref<10240x128xf32, #tpu.memory_space<vmem_shared>> -> memref<128x128xf32, #tpu.memory_space<vmem_shared>>
      tpu.wait_dma2 semaphore(%run_scoped3A : memref<!tpu.dma_semaphore, #tpu.memory_space<semaphore_mem>>) src(%arg8 : memref<128x128xf32, #tpu.memory_space<vmem>>) dst(%dma_wait3A_29 : memref<128x128xf32, #tpu.memory_space<vmem_shared>>)
      tpu.yield
    }) : () -> ()
    %add3A_15 = arith.constant 512 : i32
    %add3A_16 = arith.addi %mul3A_7, %add3A_15 : i32
    "tpu.region"() ({
      %run_scoped3A = tpu.sem_alloc : memref<!tpu.dma_semaphore, #tpu.memory_space<semaphore_mem>>
      %dma_start3A = arith.constant 0 : i32
      %dma_start3A_24 = tpu.memref_slice %arg10[%add3A_16, %dma_start3A] : memref<10240x128xf32, #tpu.memory_space<vmem_shared>> -> memref<128x128xf32, #tpu.memory_space<vmem_shared>>
      %dma_start3A_25 = arith.constant 0 : i32
      %dma_start3A_26 = tpu.memref_slice %arg10[%add3A_16, %dma_start3A_25] : memref<10240x128xf32, #tpu.memory_space<vmem_shared>> -> memref<128x128xf32, #tpu.memory_space<vmem_shared>>
      tpu.enqueue_dma source(%arg8 : memref<128x128xf32, #tpu.memory_space<vmem>>) target(%dma_start3A_26 : memref<128x128xf32, #tpu.memory_space<vmem_shared>>) target_semaphore(%run_scoped3A : memref<!tpu.dma_semaphore, #tpu.memory_space<semaphore_mem>>)
      %dma_wait3A = arith.constant 0 : i32
      %dma_wait3A_27 = tpu.memref_slice %arg10[%add3A_16, %dma_wait3A] : memref<10240x128xf32, #tpu.memory_space<vmem_shared>> -> memref<128x128xf32, #tpu.memory_space<vmem_shared>>
      %dma_wait3A_28 = arith.constant 0 : i32
      %dma_wait3A_29 = tpu.memref_slice %arg10[%add3A_16, %dma_wait3A_28] : memref<10240x128xf32, #tpu.memory_space<vmem_shared>> -> memref<128x128xf32, #tpu.memory_space<vmem_shared>>
      tpu.wait_dma2 semaphore(%run_scoped3A : memref<!tpu.dma_semaphore, #tpu.memory_space<semaphore_mem>>) src(%arg8 : memref<128x128xf32, #tpu.memory_space<vmem>>) dst(%dma_wait3A_29 : memref<128x128xf32, #tpu.memory_space<vmem_shared>>)
      tpu.yield
    }) : () -> ()
    %barrier3A = arith.constant 0 : index
    tpu.barrier barrier_id(%barrier3A)
    %eq3A = arith.constant 0 : i32
    %eq3A_17 = arith.cmpi eq, %arg0, %eq3A : i32
    %convert_element_type3A = arith.extui %eq3A_17 : i1 to i32
    %cond3A = arith.constant 0 : i32
    %cond3A_18 = arith.cmpi ne, %convert_element_type3A, %cond3A : i32
    scf.if %cond3A_18 {
      %add3A_24 = arith.constant 0 : i32
      %add3A_25 = arith.addi %mul3A_0, %add3A_24 : i32
      %dma_start3A = arith.constant 0 : i32
      %dma_start3A_26 = arith.constant 0 : i32
      %dma_start3A_27 = arith.constant 0 : i32
      %dma_start3A_28 = tpu.memref_slice %arg7[%dma_start3A, %dma_start3A_26, %dma_start3A_27] : memref<2x2x128xi32, #tpu.memory_space<vmem>> -> memref<1x2x128xi32, #tpu.memory_space<vmem>>
      %dma_start3A_29 = tpu.memref_squeeze %dma_start3A_28 : memref<1x2x128xi32, #tpu.memory_space<vmem>> -> memref<2x128xi32, #tpu.memory_space<vmem>>
      %dma_start3A_30 = arith.constant 0 : i32
      %dma_start3A_31 = arith.constant 0 : i32
      %dma_start3A_32 = tpu.memref_slice %arg4[%add3A_25, %dma_start3A_30, %dma_start3A_31] : memref<1280x2x128xi32, #tpu.memory_space<hbm>> -> memref<1x2x128xi32, #tpu.memory_space<hbm>>
      %dma_start3A_33 = tpu.memref_squeeze %dma_start3A_32 : memref<1x2x128xi32, #tpu.memory_space<hbm>> -> memref<2x128xi32, #tpu.memory_space<hbm>>
      %dma_start3A_34 = arith.constant 0 : i32
      %dma_start3A_35 = arith.constant 0 : i32
      %dma_start3A_36 = tpu.memref_slice %arg7[%dma_start3A, %dma_start3A_34, %dma_start3A_35] : memref<2x2x128xi32, #tpu.memory_space<vmem>> -> memref<1x2x128xi32, #tpu.memory_space<vmem>>
      %dma_start3A_37 = tpu.memref_squeeze %dma_start3A_36 : memref<1x2x128xi32, #tpu.memory_space<vmem>> -> memref<2x128xi32, #tpu.memory_space<vmem>>
      %dma_start3A_38 = arith.constant 0 : i32
      %dma_start3A_39 = arith.constant 0 : i32
      %dma_start3A_40 = tpu.memref_slice %arg4[%add3A_25, %dma_start3A_38, %dma_start3A_39] : memref<1280x2x128xi32, #tpu.memory_space<hbm>> -> memref<1x2x128xi32, #tpu.memory_space<hbm>>
      %dma_start3A_41 = tpu.memref_squeeze %dma_start3A_40 : memref<1x2x128xi32, #tpu.memory_space<hbm>> -> memref<2x128xi32, #tpu.memory_space<hbm>>
      tpu.enqueue_dma source(%dma_start3A_41 : memref<2x128xi32, #tpu.memory_space<hbm>>) target(%dma_start3A_37 : memref<2x128xi32, #tpu.memory_space<vmem>>) target_semaphore(%arg11 : memref<!tpu.dma_semaphore, #tpu.memory_space<semaphore_mem>>)
      %add3A_42 = arith.constant 1 : i32
      %add3A_43 = arith.addi %mul3A_0, %add3A_42 : i32
      %dma_start3A_44 = arith.constant 1 : i32
      %dma_start3A_45 = arith.constant 0 : i32
      %dma_start3A_46 = arith.constant 0 : i32
      %dma_start3A_47 = tpu.memref_slice %arg7[%dma_start3A_44, %dma_start3A_45, %dma_start3A_46] : memref<2x2x128xi32, #tpu.memory_space<vmem>> -> memref<1x2x128xi32, #tpu.memory_space<vmem>>
      %dma_start3A_48 = tpu.memref_squeeze %dma_start3A_47 : memref<1x2x128xi32, #tpu.memory_space<vmem>> -> memref<2x128xi32, #tpu.memory_space<vmem>>
      %dma_start3A_49 = arith.constant 0 : i32
      %dma_start3A_50 = arith.constant 0 : i32
      %dma_start3A_51 = tpu.memref_slice %arg4[%add3A_43, %dma_start3A_49, %dma_start3A_50] : memref<1280x2x128xi32, #tpu.memory_space<hbm>> -> memref<1x2x128xi32, #tpu.memory_space<hbm>>
      %dma_start3A_52 = tpu.memref_squeeze %dma_start3A_51 : memref<1x2x128xi32, #tpu.memory_space<hbm>> -> memref<2x128xi32, #tpu.memory_space<hbm>>
      %dma_start3A_53 = arith.constant 0 : i32
      %dma_start3A_54 = arith.constant 0 : i32
      %dma_start3A_55 = tpu.memref_slice %arg7[%dma_start3A_44, %dma_start3A_53, %dma_start3A_54] : memref<2x2x128xi32, #tpu.memory_space<vmem>> -> memref<1x2x128xi32, #tpu.memory_space<vmem>>
      %dma_start3A_56 = tpu.memref_squeeze %dma_start3A_55 : memref<1x2x128xi32, #tpu.memory_space<vmem>> -> memref<2x128xi32, #tpu.memory_space<vmem>>
      %dma_start3A_57 = arith.constant 0 : i32
      %dma_start3A_58 = arith.constant 0 : i32
      %dma_start3A_59 = tpu.memref_slice %arg4[%add3A_43, %dma_start3A_57, %dma_start3A_58] : memref<1280x2x128xi32, #tpu.memory_space<hbm>> -> memref<1x2x128xi32, #tpu.memory_space<hbm>>
      %dma_start3A_60 = tpu.memref_squeeze %dma_start3A_59 : memref<1x2x128xi32, #tpu.memory_space<hbm>> -> memref<2x128xi32, #tpu.memory_space<hbm>>
      tpu.enqueue_dma source(%dma_start3A_60 : memref<2x128xi32, #tpu.memory_space<hbm>>) target(%dma_start3A_56 : memref<2x128xi32, #tpu.memory_space<vmem>>) target_semaphore(%arg12 : memref<!tpu.dma_semaphore, #tpu.memory_space<semaphore_mem>>)
      %add3A_61 = arith.constant 0 : i32
      %add3A_62 = arith.addi %mul3A_0, %add3A_61 : i32
      %dma_wait3A = arith.constant 0 : i32
      %dma_wait3A_63 = arith.constant 0 : i32
      %dma_wait3A_64 = arith.constant 0 : i32
      %dma_wait3A_65 = tpu.memref_slice %arg7[%dma_wait3A, %dma_wait3A_63, %dma_wait3A_64] : memref<2x2x128xi32, #tpu.memory_space<vmem>> -> memref<1x2x128xi32, #tpu.memory_space<vmem>>
      %dma_wait3A_66 = tpu.memref_squeeze %dma_wait3A_65 : memref<1x2x128xi32, #tpu.memory_space<vmem>> -> memref<2x128xi32, #tpu.memory_space<vmem>>
      %dma_wait3A_67 = arith.constant 0 : i32
      %dma_wait3A_68 = arith.constant 0 : i32
      %dma_wait3A_69 = tpu.memref_slice %arg4[%add3A_62, %dma_wait3A_67, %dma_wait3A_68] : memref<1280x2x128xi32, #tpu.memory_space<hbm>> -> memref<1x2x128xi32, #tpu.memory_space<hbm>>
      %dma_wait3A_70 = tpu.memref_squeeze %dma_wait3A_69 : memref<1x2x128xi32, #tpu.memory_space<hbm>> -> memref<2x128xi32, #tpu.memory_space<hbm>>
      %dma_wait3A_71 = arith.constant 0 : i32
      %dma_wait3A_72 = arith.constant 0 : i32
      %dma_wait3A_73 = tpu.memref_slice %arg7[%dma_wait3A, %dma_wait3A_71, %dma_wait3A_72] : memref<2x2x128xi32, #tpu.memory_space<vmem>> -> memref<1x2x128xi32, #tpu.memory_space<vmem>>
      %dma_wait3A_74 = tpu.memref_squeeze %dma_wait3A_73 : memref<1x2x128xi32, #tpu.memory_space<vmem>> -> memref<2x128xi32, #tpu.memory_space<vmem>>
      %dma_wait3A_75 = arith.constant 0 : i32
      %dma_wait3A_76 = arith.constant 0 : i32
      %dma_wait3A_77 = tpu.memref_slice %arg4[%add3A_62, %dma_wait3A_75, %dma_wait3A_76] : memref<1280x2x128xi32, #tpu.memory_space<hbm>> -> memref<1x2x128xi32, #tpu.memory_space<hbm>>
      %dma_wait3A_78 = tpu.memref_squeeze %dma_wait3A_77 : memref<1x2x128xi32, #tpu.memory_space<hbm>> -> memref<2x128xi32, #tpu.memory_space<hbm>>
      tpu.wait_dma2 semaphore(%arg11 : memref<!tpu.dma_semaphore, #tpu.memory_space<semaphore_mem>>) src(%dma_wait3A_78 : memref<2x128xi32, #tpu.memory_space<hbm>>) dst(%dma_wait3A_74 : memref<2x128xi32, #tpu.memory_space<vmem>>)
      %dma_start3A_79 = arith.constant 0 : i32
      %dma_start3A_80 = arith.constant 0 : i32
      %dma_start3A_81 = arith.constant 0 : i32
      %dma_start3A_82 = tpu.memref_slice %arg7[%dma_start3A_79, %dma_start3A_80, %dma_start3A_81] : memref<2x2x128xi32, #tpu.memory_space<vmem>> -> memref<1x1x128xi32, #tpu.memory_space<vmem>>
      %dma_start3A_83 = tpu.memref_squeeze %dma_start3A_82 : memref<1x1x128xi32, #tpu.memory_space<vmem>> -> memref<128xi32, #tpu.memory_space<vmem>>
      %dma_start3A_84 = arith.constant 0 : i32
      %dma_start3A_85 = arith.constant 0 : i32
      %dma_start3A_86 = tpu.memref_slice %arg2[%dma_start3A_84, %dma_start3A_85] : memref<10000x128xf32, #tpu.memory_space<hbm>> -> memref<10000x128xf32, #tpu.memory_space<hbm>>
      tpu.enqueue_indirect_dma source(%dma_start3A_86 : memref<10000x128xf32, #tpu.memory_space<hbm>>) target(%arg8 : memref<128x128xf32, #tpu.memory_space<vmem>>) offsets(%dma_start3A_83 : memref<128xi32, #tpu.memory_space<vmem>>) semaphore(%arg13 : memref<!tpu.dma_semaphore, #tpu.memory_space<semaphore_mem>>)
      %add3A_87 = arith.constant 1 : i32
      %add3A_88 = arith.addi %mul3A_0, %add3A_87 : i32
      %dma_wait3A_89 = arith.constant 1 : i32
      %dma_wait3A_90 = arith.constant 0 : i32
      %dma_wait3A_91 = arith.constant 0 : i32
      %dma_wait3A_92 = tpu.memref_slice %arg7[%dma_wait3A_89, %dma_wait3A_90, %dma_wait3A_91] : memref<2x2x128xi32, #tpu.memory_space<vmem>> -> memref<1x2x128xi32, #tpu.memory_space<vmem>>
      %dma_wait3A_93 = tpu.memref_squeeze %dma_wait3A_92 : memref<1x2x128xi32, #tpu.memory_space<vmem>> -> memref<2x128xi32, #tpu.memory_space<vmem>>
      %dma_wait3A_94 = arith.constant 0 : i32
      %dma_wait3A_95 = arith.constant 0 : i32
      %dma_wait3A_96 = tpu.memref_slice %arg4[%add3A_88, %dma_wait3A_94, %dma_wait3A_95] : memref<1280x2x128xi32, #tpu.memory_space<hbm>> -> memref<1x2x128xi32, #tpu.memory_space<hbm>>
      %dma_wait3A_97 = tpu.memref_squeeze %dma_wait3A_96 : memref<1x2x128xi32, #tpu.memory_space<hbm>> -> memref<2x128xi32, #tpu.memory_space<hbm>>
      %dma_wait3A_98 = arith.constant 0 : i32
      %dma_wait3A_99 = arith.constant 0 : i32
      %dma_wait3A_100 = tpu.memref_slice %arg7[%dma_wait3A_89, %dma_wait3A_98, %dma_wait3A_99] : memref<2x2x128xi32, #tpu.memory_space<vmem>> -> memref<1x2x128xi32, #tpu.memory_space<vmem>>
      %dma_wait3A_101 = tpu.memref_squeeze %dma_wait3A_100 : memref<1x2x128xi32, #tpu.memory_space<vmem>> -> memref<2x128xi32, #tpu.memory_space<vmem>>
      %dma_wait3A_102 = arith.constant 0 : i32
      %dma_wait3A_103 = arith.constant 0 : i32
      %dma_wait3A_104 = tpu.memref_slice %arg4[%add3A_88, %dma_wait3A_102, %dma_wait3A_103] : memref<1280x2x128xi32, #tpu.memory_space<hbm>> -> memref<1x2x128xi32, #tpu.memory_space<hbm>>
      %dma_wait3A_105 = tpu.memref_squeeze %dma_wait3A_104 : memref<1x2x128xi32, #tpu.memory_space<hbm>> -> memref<2x128xi32, #tpu.memory_space<hbm>>
      tpu.wait_dma2 semaphore(%arg12 : memref<!tpu.dma_semaphore, #tpu.memory_space<semaphore_mem>>) src(%dma_wait3A_105 : memref<2x128xi32, #tpu.memory_space<hbm>>) dst(%dma_wait3A_101 : memref<2x128xi32, #tpu.memory_space<vmem>>)
      %dma_start3A_106 = arith.constant 1 : i32
      %dma_start3A_107 = arith.constant 0 : i32
      %dma_start3A_108 = arith.constant 0 : i32
      %dma_start3A_109 = tpu.memref_slice %arg7[%dma_start3A_106, %dma_start3A_107, %dma_start3A_108] : memref<2x2x128xi32, #tpu.memory_space<vmem>> -> memref<1x1x128xi32, #tpu.memory_space<vmem>>
      %dma_start3A_110 = tpu.memref_squeeze %dma_start3A_109 : memref<1x1x128xi32, #tpu.memory_space<vmem>> -> memref<128xi32, #tpu.memory_space<vmem>>
      %dma_start3A_111 = arith.constant 0 : i32
      %dma_start3A_112 = arith.constant 0 : i32
      %dma_start3A_113 = tpu.memref_slice %arg2[%dma_start3A_111, %dma_start3A_112] : memref<10000x128xf32, #tpu.memory_space<hbm>> -> memref<10000x128xf32, #tpu.memory_space<hbm>>
      tpu.enqueue_indirect_dma source(%dma_start3A_113 : memref<10000x128xf32, #tpu.memory_space<hbm>>) target(%arg9 : memref<128x128xf32, #tpu.memory_space<vmem>>) offsets(%dma_start3A_110 : memref<128xi32, #tpu.memory_space<vmem>>) semaphore(%arg14 : memref<!tpu.dma_semaphore, #tpu.memory_space<semaphore_mem>>)
      %scan3A_114 = arith.constant 0 : i32
      %scan3A_115 = arith.constant 0 : i32
      %scan3A_116 = arith.constant 40 : i32
      %scan3A_117 = arith.addi %scan3A_115, %scan3A_116 : i32
      %scan3A_118 = arith.constant 1 : i32
      scf.for %scan3A_121 = %scan3A_115 to %scan3A_117 step %scan3A_118  : i32 {
        %mul3A_122 = arith.constant 2 : i32
        %mul3A_123 = arith.muli %scan3A_121, %mul3A_122 : i32
        %lt3A = arith.constant 39 : i32
        %lt3A_124 = arith.cmpi slt, %scan3A_121, %lt3A : i32
        %dma_wait3A_125 = arith.constant 0 : i32
        %dma_wait3A_126 = arith.constant 0 : i32
        %dma_wait3A_127 = arith.constant 0 : i32
        %dma_wait3A_128 = tpu.memref_slice %arg7[%dma_wait3A_125, %dma_wait3A_126, %dma_wait3A_127] : memref<2x2x128xi32, #tpu.memory_space<vmem>> -> memref<1x1x128xi32, #tpu.memory_space<vmem>>
        %dma_wait3A_129 = tpu.memref_squeeze %dma_wait3A_128 : memref<1x1x128xi32, #tpu.memory_space<vmem>> -> memref<128xi32, #tpu.memory_space<vmem>>
        %dma_wait3A_130 = arith.constant 0 : i32
        %dma_wait3A_131 = arith.constant 0 : i32
        %dma_wait3A_132 = tpu.memref_slice %arg2[%dma_wait3A_130, %dma_wait3A_131] : memref<10000x128xf32, #tpu.memory_space<hbm>> -> memref<10000x128xf32, #tpu.memory_space<hbm>>
        tpu.wait_indirect_dma semaphore(%arg13 : memref<!tpu.dma_semaphore, #tpu.memory_space<semaphore_mem>>) src(%dma_wait3A_132 : memref<10000x128xf32, #tpu.memory_space<hbm>>) dst(%arg8 : memref<128x128xf32, #tpu.memory_space<vmem>>)
        %dma_start3A_133 = arith.constant 0 : i32
        %dma_start3A_134 = arith.constant 1 : i32
        %dma_start3A_135 = arith.constant 0 : i32
        %dma_start3A_136 = tpu.memref_slice %arg7[%dma_start3A_133, %dma_start3A_134, %dma_start3A_135] : memref<2x2x128xi32, #tpu.memory_space<vmem>> -> memref<1x1x128xi32, #tpu.memory_space<vmem>>
        %dma_start3A_137 = tpu.memref_squeeze %dma_start3A_136 : memref<1x1x128xi32, #tpu.memory_space<vmem>> -> memref<128xi32, #tpu.memory_space<vmem>>
        %dma_start3A_138 = arith.constant 0 : i32
        %dma_start3A_139 = arith.constant 0 : i32
        %dma_start3A_140 = tpu.memref_slice %arg10[%dma_start3A_138, %dma_start3A_139] : memref<10240x128xf32, #tpu.memory_space<vmem_shared>> -> memref<10240x128xf32, #tpu.memory_space<vmem_shared>>
        tpu.enqueue_indirect_dma source(%arg8 : memref<128x128xf32, #tpu.memory_space<vmem>>) target(%dma_start3A_140 : memref<10240x128xf32, #tpu.memory_space<vmem_shared>>) offsets(%dma_start3A_137 : memref<128xi32, #tpu.memory_space<vmem>>) semaphore(%arg15 : memref<!tpu.dma_semaphore, #tpu.memory_space<semaphore_mem>>) {add = true}
        %dma_wait3A_141 = arith.constant 0 : i32
        %dma_wait3A_142 = arith.constant 1 : i32
        %dma_wait3A_143 = arith.constant 0 : i32
        %dma_wait3A_144 = tpu.memref_slice %arg7[%dma_wait3A_141, %dma_wait3A_142, %dma_wait3A_143] : memref<2x2x128xi32, #tpu.memory_space<vmem>> -> memref<1x1x128xi32, #tpu.memory_space<vmem>>
        %dma_wait3A_145 = tpu.memref_squeeze %dma_wait3A_144 : memref<1x1x128xi32, #tpu.memory_space<vmem>> -> memref<128xi32, #tpu.memory_space<vmem>>
        %dma_wait3A_146 = arith.constant 0 : i32
        %dma_wait3A_147 = arith.constant 0 : i32
        %dma_wait3A_148 = tpu.memref_slice %arg10[%dma_wait3A_146, %dma_wait3A_147] : memref<10240x128xf32, #tpu.memory_space<vmem_shared>> -> memref<10240x128xf32, #tpu.memory_space<vmem_shared>>
        tpu.wait_indirect_dma semaphore(%arg15 : memref<!tpu.dma_semaphore, #tpu.memory_space<semaphore_mem>>) src(%arg8 : memref<128x128xf32, #tpu.memory_space<vmem>>) dst(%dma_wait3A_148 : memref<10240x128xf32, #tpu.memory_space<vmem_shared>>)
        %convert_element_type3A_149 = arith.extui %lt3A_124 : i1 to i32
        %cond3A_150 = arith.constant 0 : i32
        %cond3A_151 = arith.cmpi ne, %convert_element_type3A_149, %cond3A_150 : i32
        scf.if %cond3A_151 {
          %add3A_182 = arith.constant 2 : i32
          %add3A_183 = arith.addi %mul3A_123, %add3A_182 : i32
          %add3A_184 = arith.addi %mul3A_0, %add3A_183 : i32
          %dma_start3A_185 = arith.constant 0 : i32
          %dma_start3A_186 = arith.constant 0 : i32
          %dma_start3A_187 = arith.constant 0 : i32
          %dma_start3A_188 = tpu.memref_slice %arg7[%dma_start3A_185, %dma_start3A_186, %dma_start3A_187] : memref<2x2x128xi32, #tpu.memory_space<vmem>> -> memref<1x2x128xi32, #tpu.memory_space<vmem>>
          %dma_start3A_189 = tpu.memref_squeeze %dma_start3A_188 : memref<1x2x128xi32, #tpu.memory_space<vmem>> -> memref<2x128xi32, #tpu.memory_space<vmem>>
          %dma_start3A_190 = arith.constant 0 : i32
          %dma_start3A_191 = arith.constant 0 : i32
          %dma_start3A_192 = tpu.memref_slice %arg4[%add3A_184, %dma_start3A_190, %dma_start3A_191] : memref<1280x2x128xi32, #tpu.memory_space<hbm>> -> memref<1x2x128xi32, #tpu.memory_space<hbm>>
          %dma_start3A_193 = tpu.memref_squeeze %dma_start3A_192 : memref<1x2x128xi32, #tpu.memory_space<hbm>> -> memref<2x128xi32, #tpu.memory_space<hbm>>
          %dma_start3A_194 = arith.constant 0 : i32
          %dma_start3A_195 = arith.constant 0 : i32
          %dma_start3A_196 = tpu.memref_slice %arg7[%dma_start3A_185, %dma_start3A_194, %dma_start3A_195] : memref<2x2x128xi32, #tpu.memory_space<vmem>> -> memref<1x2x128xi32, #tpu.memory_space<vmem>>
          %dma_start3A_197 = tpu.memref_squeeze %dma_start3A_196 : memref<1x2x128xi32, #tpu.memory_space<vmem>> -> memref<2x128xi32, #tpu.memory_space<vmem>>
          %dma_start3A_198 = arith.constant 0 : i32
          %dma_start3A_199 = arith.constant 0 : i32
          %dma_start3A_200 = tpu.memref_slice %arg4[%add3A_184, %dma_start3A_198, %dma_start3A_199] : memref<1280x2x128xi32, #tpu.memory_space<hbm>> -> memref<1x2x128xi32, #tpu.memory_space<hbm>>
          %dma_start3A_201 = tpu.memref_squeeze %dma_start3A_200 : memref<1x2x128xi32, #tpu.memory_space<hbm>> -> memref<2x128xi32, #tpu.memory_space<hbm>>
          tpu.enqueue_dma source(%dma_start3A_201 : memref<2x128xi32, #tpu.memory_space<hbm>>) target(%dma_start3A_197 : memref<2x128xi32, #tpu.memory_space<vmem>>) target_semaphore(%arg11 : memref<!tpu.dma_semaphore, #tpu.memory_space<semaphore_mem>>)
        } else {
        }
        %dma_wait3A_152 = arith.constant 1 : i32
        %dma_wait3A_153 = arith.constant 0 : i32
        %dma_wait3A_154 = arith.constant 0 : i32
        %dma_wait3A_155 = tpu.memref_slice %arg7[%dma_wait3A_152, %dma_wait3A_153, %dma_wait3A_154] : memref<2x2x128xi32, #tpu.memory_space<vmem>> -> memref<1x1x128xi32, #tpu.memory_space<vmem>>
        %dma_wait3A_156 = tpu.memref_squeeze %dma_wait3A_155 : memref<1x1x128xi32, #tpu.memory_space<vmem>> -> memref<128xi32, #tpu.memory_space<vmem>>
        %dma_wait3A_157 = arith.constant 0 : i32
        %dma_wait3A_158 = arith.constant 0 : i32
        %dma_wait3A_159 = tpu.memref_slice %arg2[%dma_wait3A_157, %dma_wait3A_158] : memref<10000x128xf32, #tpu.memory_space<hbm>> -> memref<10000x128xf32, #tpu.memory_space<hbm>>
        tpu.wait_indirect_dma semaphore(%arg14 : memref<!tpu.dma_semaphore, #tpu.memory_space<semaphore_mem>>) src(%dma_wait3A_159 : memref<10000x128xf32, #tpu.memory_space<hbm>>) dst(%arg9 : memref<128x128xf32, #tpu.memory_space<vmem>>)
        %dma_start3A_160 = arith.constant 1 : i32
        %dma_start3A_161 = arith.constant 1 : i32
        %dma_start3A_162 = arith.constant 0 : i32
        %dma_start3A_163 = tpu.memref_slice %arg7[%dma_start3A_160, %dma_start3A_161, %dma_start3A_162] : memref<2x2x128xi32, #tpu.memory_space<vmem>> -> memref<1x1x128xi32, #tpu.memory_space<vmem>>
        %dma_start3A_164 = tpu.memref_squeeze %dma_start3A_163 : memref<1x1x128xi32, #tpu.memory_space<vmem>> -> memref<128xi32, #tpu.memory_space<vmem>>
        %dma_start3A_165 = arith.constant 0 : i32
        %dma_start3A_166 = arith.constant 0 : i32
        %dma_start3A_167 = tpu.memref_slice %arg10[%dma_start3A_165, %dma_start3A_166] : memref<10240x128xf32, #tpu.memory_space<vmem_shared>> -> memref<10240x128xf32, #tpu.memory_space<vmem_shared>>
        tpu.enqueue_indirect_dma source(%arg9 : memref<128x128xf32, #tpu.memory_space<vmem>>) target(%dma_start3A_167 : memref<10240x128xf32, #tpu.memory_space<vmem_shared>>) offsets(%dma_start3A_164 : memref<128xi32, #tpu.memory_space<vmem>>) semaphore(%arg16 : memref<!tpu.dma_semaphore, #tpu.memory_space<semaphore_mem>>) {add = true}
        %convert_element_type3A_168 = arith.extui %lt3A_124 : i1 to i32
        %cond3A_169 = arith.constant 0 : i32
        %cond3A_170 = arith.cmpi ne, %convert_element_type3A_168, %cond3A_169 : i32
        scf.if %cond3A_170 {
          %add3A_182 = arith.constant 0 : i32
          %add3A_183 = arith.addi %mul3A_0, %add3A_182 : i32
          %dma_wait3A_184 = arith.constant 0 : i32
          %dma_wait3A_185 = arith.constant 0 : i32
          %dma_wait3A_186 = arith.constant 0 : i32
          %dma_wait3A_187 = tpu.memref_slice %arg7[%dma_wait3A_184, %dma_wait3A_185, %dma_wait3A_186] : memref<2x2x128xi32, #tpu.memory_space<vmem>> -> memref<1x2x128xi32, #tpu.memory_space<vmem>>
          %dma_wait3A_188 = tpu.memref_squeeze %dma_wait3A_187 : memref<1x2x128xi32, #tpu.memory_space<vmem>> -> memref<2x128xi32, #tpu.memory_space<vmem>>
          %dma_wait3A_189 = arith.constant 0 : i32
          %dma_wait3A_190 = arith.constant 0 : i32
          %dma_wait3A_191 = tpu.memref_slice %arg4[%add3A_183, %dma_wait3A_189, %dma_wait3A_190] : memref<1280x2x128xi32, #tpu.memory_space<hbm>> -> memref<1x2x128xi32, #tpu.memory_space<hbm>>
          %dma_wait3A_192 = tpu.memref_squeeze %dma_wait3A_191 : memref<1x2x128xi32, #tpu.memory_space<hbm>> -> memref<2x128xi32, #tpu.memory_space<hbm>>
          %dma_wait3A_193 = arith.constant 0 : i32
          %dma_wait3A_194 = arith.constant 0 : i32
          %dma_wait3A_195 = tpu.memref_slice %arg7[%dma_wait3A_184, %dma_wait3A_193, %dma_wait3A_194] : memref<2x2x128xi32, #tpu.memory_space<vmem>> -> memref<1x2x128xi32, #tpu.memory_space<vmem>>
          %dma_wait3A_196 = tpu.memref_squeeze %dma_wait3A_195 : memref<1x2x128xi32, #tpu.memory_space<vmem>> -> memref<2x128xi32, #tpu.memory_space<vmem>>
          %dma_wait3A_197 = arith.constant 0 : i32
          %dma_wait3A_198 = arith.constant 0 : i32
          %dma_wait3A_199 = tpu.memref_slice %arg4[%add3A_183, %dma_wait3A_197, %dma_wait3A_198] : memref<1280x2x128xi32, #tpu.memory_space<hbm>> -> memref<1x2x128xi32, #tpu.memory_space<hbm>>
          %dma_wait3A_200 = tpu.memref_squeeze %dma_wait3A_199 : memref<1x2x128xi32, #tpu.memory_space<hbm>> -> memref<2x128xi32, #tpu.memory_space<hbm>>
          tpu.wait_dma2 semaphore(%arg11 : memref<!tpu.dma_semaphore, #tpu.memory_space<semaphore_mem>>) src(%dma_wait3A_200 : memref<2x128xi32, #tpu.memory_space<hbm>>) dst(%dma_wait3A_196 : memref<2x128xi32, #tpu.memory_space<vmem>>)
          %dma_start3A_201 = arith.constant 0 : i32
          %dma_start3A_202 = arith.constant 0 : i32
          %dma_start3A_203 = arith.constant 0 : i32
          %dma_start3A_204 = tpu.memref_slice %arg7[%dma_start3A_201, %dma_start3A_202, %dma_start3A_203] : memref<2x2x128xi32, #tpu.memory_space<vmem>> -> memref<1x1x128xi32, #tpu.memory_space<vmem>>
          %dma_start3A_205 = tpu.memref_squeeze %dma_start3A_204 : memref<1x1x128xi32, #tpu.memory_space<vmem>> -> memref<128xi32, #tpu.memory_space<vmem>>
          %dma_start3A_206 = arith.constant 0 : i32
          %dma_start3A_207 = arith.constant 0 : i32
          %dma_start3A_208 = tpu.memref_slice %arg2[%dma_start3A_206, %dma_start3A_207] : memref<10000x128xf32, #tpu.memory_space<hbm>> -> memref<10000x128xf32, #tpu.memory_space<hbm>>
          tpu.enqueue_indirect_dma source(%dma_start3A_208 : memref<10000x128xf32, #tpu.memory_space<hbm>>) target(%arg8 : memref<128x128xf32, #tpu.memory_space<vmem>>) offsets(%dma_start3A_205 : memref<128xi32, #tpu.memory_space<vmem>>) semaphore(%arg13 : memref<!tpu.dma_semaphore, #tpu.memory_space<semaphore_mem>>)
        } else {
        }
        %dma_wait3A_171 = arith.constant 1 : i32
        %dma_wait3A_172 = arith.constant 1 : i32
        %dma_wait3A_173 = arith.constant 0 : i32
        %dma_wait3A_174 = tpu.memref_slice %arg7[%dma_wait3A_171, %dma_wait3A_172, %dma_wait3A_173] : memref<2x2x128xi32, #tpu.memory_space<vmem>> -> memref<1x1x128xi32, #tpu.memory_space<vmem>>
        %dma_wait3A_175 = tpu.memref_squeeze %dma_wait3A_174 : memref<1x1x128xi32, #tpu.memory_space<vmem>> -> memref<128xi32, #tpu.memory_space<vmem>>
        %dma_wait3A_176 = arith.constant 0 : i32
        %dma_wait3A_177 = arith.constant 0 : i32
        %dma_wait3A_178 = tpu.memref_slice %arg10[%dma_wait3A_176, %dma_wait3A_177] : memref<10240x128xf32, #tpu.memory_space<vmem_shared>> -> memref<10240x128xf32, #tpu.memory_space<vmem_shared>>
        tpu.wait_indirect_dma semaphore(%arg16 : memref<!tpu.dma_semaphore, #tpu.memory_space<semaphore_mem>>) src(%arg9 : memref<128x128xf32, #tpu.memory_space<vmem>>) dst(%dma_wait3A_178 : memref<10240x128xf32, #tpu.memory_space<vmem_shared>>)
        %convert_element_type3A_179 = arith.extui %lt3A_124 : i1 to i32
        %cond3A_180 = arith.constant 0 : i32
        %cond3A_181 = arith.cmpi ne, %convert_element_type3A_179, %cond3A_180 : i32
        scf.if %cond3A_181 {
          %add3A_182 = arith.constant 3 : i32
          %add3A_183 = arith.addi %mul3A_123, %add3A_182 : i32
          %add3A_184 = arith.addi %mul3A_0, %add3A_183 : i32
          %dma_start3A_185 = arith.constant 1 : i32
          %dma_start3A_186 = arith.constant 0 : i32
          %dma_start3A_187 = arith.constant 0 : i32
          %dma_start3A_188 = tpu.memref_slice %arg7[%dma_start3A_185, %dma_start3A_186, %dma_start3A_187] : memref<2x2x128xi32, #tpu.memory_space<vmem>> -> memref<1x2x128xi32, #tpu.memory_space<vmem>>
          %dma_start3A_189 = tpu.memref_squeeze %dma_start3A_188 : memref<1x2x128xi32, #tpu.memory_space<vmem>> -> memref<2x128xi32, #tpu.memory_space<vmem>>
          %dma_start3A_190 = arith.constant 0 : i32
          %dma_start3A_191 = arith.constant 0 : i32
          %dma_start3A_192 = tpu.memref_slice %arg4[%add3A_184, %dma_start3A_190, %dma_start3A_191] : memref<1280x2x128xi32, #tpu.memory_space<hbm>> -> memref<1x2x128xi32, #tpu.memory_space<hbm>>
          %dma_start3A_193 = tpu.memref_squeeze %dma_start3A_192 : memref<1x2x128xi32, #tpu.memory_space<hbm>> -> memref<2x128xi32, #tpu.memory_space<hbm>>
          %dma_start3A_194 = arith.constant 0 : i32
          %dma_start3A_195 = arith.constant 0 : i32
          %dma_start3A_196 = tpu.memref_slice %arg7[%dma_start3A_185, %dma_start3A_194, %dma_start3A_195] : memref<2x2x128xi32, #tpu.memory_space<vmem>> -> memref<1x2x128xi32, #tpu.memory_space<vmem>>
          %dma_start3A_197 = tpu.memref_squeeze %dma_start3A_196 : memref<1x2x128xi32, #tpu.memory_space<vmem>> -> memref<2x128xi32, #tpu.memory_space<vmem>>
          %dma_start3A_198 = arith.constant 0 : i32
          %dma_start3A_199 = arith.constant 0 : i32
          %dma_start3A_200 = tpu.memref_slice %arg4[%add3A_184, %dma_start3A_198, %dma_start3A_199] : memref<1280x2x128xi32, #tpu.memory_space<hbm>> -> memref<1x2x128xi32, #tpu.memory_space<hbm>>
          %dma_start3A_201 = tpu.memref_squeeze %dma_start3A_200 : memref<1x2x128xi32, #tpu.memory_space<hbm>> -> memref<2x128xi32, #tpu.memory_space<hbm>>
          tpu.enqueue_dma source(%dma_start3A_201 : memref<2x128xi32, #tpu.memory_space<hbm>>) target(%dma_start3A_197 : memref<2x128xi32, #tpu.memory_space<vmem>>) target_semaphore(%arg12 : memref<!tpu.dma_semaphore, #tpu.memory_space<semaphore_mem>>)
          %add3A_202 = arith.constant 1 : i32
          %add3A_203 = arith.addi %mul3A_0, %add3A_202 : i32
          %dma_wait3A_204 = arith.constant 1 : i32
          %dma_wait3A_205 = arith.constant 0 : i32
          %dma_wait3A_206 = arith.constant 0 : i32
          %dma_wait3A_207 = tpu.memref_slice %arg7[%dma_wait3A_204, %dma_wait3A_205, %dma_wait3A_206] : memref<2x2x128xi32, #tpu.memory_space<vmem>> -> memref<1x2x128xi32, #tpu.memory_space<vmem>>
          %dma_wait3A_208 = tpu.memref_squeeze %dma_wait3A_207 : memref<1x2x128xi32, #tpu.memory_space<vmem>> -> memref<2x128xi32, #tpu.memory_space<vmem>>
          %dma_wait3A_209 = arith.constant 0 : i32
          %dma_wait3A_210 = arith.constant 0 : i32
          %dma_wait3A_211 = tpu.memref_slice %arg4[%add3A_203, %dma_wait3A_209, %dma_wait3A_210] : memref<1280x2x128xi32, #tpu.memory_space<hbm>> -> memref<1x2x128xi32, #tpu.memory_space<hbm>>
          %dma_wait3A_212 = tpu.memref_squeeze %dma_wait3A_211 : memref<1x2x128xi32, #tpu.memory_space<hbm>> -> memref<2x128xi32, #tpu.memory_space<hbm>>
          %dma_wait3A_213 = arith.constant 0 : i32
          %dma_wait3A_214 = arith.constant 0 : i32
          %dma_wait3A_215 = tpu.memref_slice %arg7[%dma_wait3A_204, %dma_wait3A_213, %dma_wait3A_214] : memref<2x2x128xi32, #tpu.memory_space<vmem>> -> memref<1x2x128xi32, #tpu.memory_space<vmem>>
          %dma_wait3A_216 = tpu.memref_squeeze %dma_wait3A_215 : memref<1x2x128xi32, #tpu.memory_space<vmem>> -> memref<2x128xi32, #tpu.memory_space<vmem>>
          %dma_wait3A_217 = arith.constant 0 : i32
          %dma_wait3A_218 = arith.constant 0 : i32
          %dma_wait3A_219 = tpu.memref_slice %arg4[%add3A_203, %dma_wait3A_217, %dma_wait3A_218] : memref<1280x2x128xi32, #tpu.memory_space<hbm>> -> memref<1x2x128xi32, #tpu.memory_space<hbm>>
          %dma_wait3A_220 = tpu.memref_squeeze %dma_wait3A_219 : memref<1x2x128xi32, #tpu.memory_space<hbm>> -> memref<2x128xi32, #tpu.memory_space<hbm>>
          tpu.wait_dma2 semaphore(%arg12 : memref<!tpu.dma_semaphore, #tpu.memory_space<semaphore_mem>>) src(%dma_wait3A_220 : memref<2x128xi32, #tpu.memory_space<hbm>>) dst(%dma_wait3A_216 : memref<2x128xi32, #tpu.memory_space<vmem>>)
          %dma_start3A_221 = arith.constant 1 : i32
          %dma_start3A_222 = arith.constant 0 : i32
          %dma_start3A_223 = arith.constant 0 : i32
          %dma_start3A_224 = tpu.memref_slice %arg7[%dma_start3A_221, %dma_start3A_222, %dma_start3A_223] : memref<2x2x128xi32, #tpu.memory_space<vmem>> -> memref<1x1x128xi32, #tpu.memory_space<vmem>>
          %dma_start3A_225 = tpu.memref_squeeze %dma_start3A_224 : memref<1x1x128xi32, #tpu.memory_space<vmem>> -> memref<128xi32, #tpu.memory_space<vmem>>
          %dma_start3A_226 = arith.constant 0 : i32
          %dma_start3A_227 = arith.constant 0 : i32
          %dma_start3A_228 = tpu.memref_slice %arg2[%dma_start3A_226, %dma_start3A_227] : memref<10000x128xf32, #tpu.memory_space<hbm>> -> memref<10000x128xf32, #tpu.memory_space<hbm>>
          tpu.enqueue_indirect_dma source(%dma_start3A_228 : memref<10000x128xf32, #tpu.memory_space<hbm>>) target(%arg9 : memref<128x128xf32, #tpu.memory_space<vmem>>) offsets(%dma_start3A_225 : memref<128xi32, #tpu.memory_space<vmem>>) semaphore(%arg14 : memref<!tpu.dma_semaphore, #tpu.memory_space<semaphore_mem>>)
        } else {
        }
      }
      %scan3A_119 = arith.constant 40 : i32
      %barrier3A_120 = arith.constant 0 : index
      tpu.barrier barrier_id(%barrier3A_120)
      "tpu.region"() ({
        %run_scoped3A = tpu.sem_alloc : memref<!tpu.dma_semaphore, #tpu.memory_space<semaphore_mem>>
        %dma_start3A_121 = arith.constant 0 : i32
        %dma_start3A_122 = tpu.memref_slice %arg5[%mul3A_7, %dma_start3A_121] : memref<10240x128xf32, #tpu.memory_space<hbm>> -> memref<640x128xf32, #tpu.memory_space<hbm>>
        %dma_start3A_123 = arith.constant 0 : i32
        %dma_start3A_124 = tpu.memref_slice %arg10[%mul3A_7, %dma_start3A_123] : memref<10240x128xf32, #tpu.memory_space<vmem_shared>> -> memref<640x128xf32, #tpu.memory_space<vmem_shared>>
        tpu.enqueue_dma source(%dma_start3A_124 : memref<640x128xf32, #tpu.memory_space<vmem_shared>>) target(%dma_start3A_122 : memref<640x128xf32, #tpu.memory_space<hbm>>) target_semaphore(%run_scoped3A : memref<!tpu.dma_semaphore, #tpu.memory_space<semaphore_mem>>)
        %dma_wait3A_125 = arith.constant 0 : i32
        %dma_wait3A_126 = tpu.memref_slice %arg5[%mul3A_7, %dma_wait3A_125] : memref<10240x128xf32, #tpu.memory_space<hbm>> -> memref<640x128xf32, #tpu.memory_space<hbm>>
        %dma_wait3A_127 = arith.constant 0 : i32
        %dma_wait3A_128 = tpu.memref_slice %arg10[%mul3A_7, %dma_wait3A_127] : memref<10240x128xf32, #tpu.memory_space<vmem_shared>> -> memref<640x128xf32, #tpu.memory_space<vmem_shared>>
        tpu.wait_dma2 semaphore(%run_scoped3A : memref<!tpu.dma_semaphore, #tpu.memory_space<semaphore_mem>>) src(%dma_wait3A_128 : memref<640x128xf32, #tpu.memory_space<vmem_shared>>) dst(%dma_wait3A_126 : memref<640x128xf32, #tpu.memory_space<hbm>>)
        tpu.yield
      }) : () -> ()
    } else {
    }
    %eq3A_19 = arith.constant 1 : i32
    %eq3A_20 = arith.cmpi eq, %arg0, %eq3A_19 : i32
    %convert_element_type3A_21 = arith.extui %eq3A_20 : i1 to i32
    %cond3A_22 = arith.constant 0 : i32
    %cond3A_23 = arith.cmpi ne, %convert_element_type3A_21, %cond3A_22 : i32
    scf.if %cond3A_23 {
      %add3A_24 = arith.constant 0 : i32
      %add3A_25 = arith.addi %mul3A_0, %add3A_24 : i32
      %dma_start3A = arith.constant 0 : i32
      %dma_start3A_26 = arith.constant 0 : i32
      %dma_start3A_27 = arith.constant 0 : i32
      %dma_start3A_28 = tpu.memref_slice %arg7[%dma_start3A, %dma_start3A_26, %dma_start3A_27] : memref<2x2x128xi32, #tpu.memory_space<vmem>> -> memref<1x2x128xi32, #tpu.memory_space<vmem>>
      %dma_start3A_29 = tpu.memref_squeeze %dma_start3A_28 : memref<1x2x128xi32, #tpu.memory_space<vmem>> -> memref<2x128xi32, #tpu.memory_space<vmem>>
      %dma_start3A_30 = arith.constant 0 : i32
      %dma_start3A_31 = arith.constant 0 : i32
      %dma_start3A_32 = tpu.memref_slice %arg4[%add3A_25, %dma_start3A_30, %dma_start3A_31] : memref<1280x2x128xi32, #tpu.memory_space<hbm>> -> memref<1x2x128xi32, #tpu.memory_space<hbm>>
      %dma_start3A_33 = tpu.memref_squeeze %dma_start3A_32 : memref<1x2x128xi32, #tpu.memory_space<hbm>> -> memref<2x128xi32, #tpu.memory_space<hbm>>
      %dma_start3A_34 = arith.constant 0 : i32
      %dma_start3A_35 = arith.constant 0 : i32
      %dma_start3A_36 = tpu.memref_slice %arg7[%dma_start3A, %dma_start3A_34, %dma_start3A_35] : memref<2x2x128xi32, #tpu.memory_space<vmem>> -> memref<1x2x128xi32, #tpu.memory_space<vmem>>
      %dma_start3A_37 = tpu.memref_squeeze %dma_start3A_36 : memref<1x2x128xi32, #tpu.memory_space<vmem>> -> memref<2x128xi32, #tpu.memory_space<vmem>>
      %dma_start3A_38 = arith.constant 0 : i32
      %dma_start3A_39 = arith.constant 0 : i32
      %dma_start3A_40 = tpu.memref_slice %arg4[%add3A_25, %dma_start3A_38, %dma_start3A_39] : memref<1280x2x128xi32, #tpu.memory_space<hbm>> -> memref<1x2x128xi32, #tpu.memory_space<hbm>>
      %dma_start3A_41 = tpu.memref_squeeze %dma_start3A_40 : memref<1x2x128xi32, #tpu.memory_space<hbm>> -> memref<2x128xi32, #tpu.memory_space<hbm>>
      tpu.enqueue_dma source(%dma_start3A_41 : memref<2x128xi32, #tpu.memory_space<hbm>>) target(%dma_start3A_37 : memref<2x128xi32, #tpu.memory_space<vmem>>) target_semaphore(%arg11 : memref<!tpu.dma_semaphore, #tpu.memory_space<semaphore_mem>>)
      %add3A_42 = arith.constant 1 : i32
      %add3A_43 = arith.addi %mul3A_0, %add3A_42 : i32
      %dma_start3A_44 = arith.constant 1 : i32
      %dma_start3A_45 = arith.constant 0 : i32
      %dma_start3A_46 = arith.constant 0 : i32
      %dma_start3A_47 = tpu.memref_slice %arg7[%dma_start3A_44, %dma_start3A_45, %dma_start3A_46] : memref<2x2x128xi32, #tpu.memory_space<vmem>> -> memref<1x2x128xi32, #tpu.memory_space<vmem>>
      %dma_start3A_48 = tpu.memref_squeeze %dma_start3A_47 : memref<1x2x128xi32, #tpu.memory_space<vmem>> -> memref<2x128xi32, #tpu.memory_space<vmem>>
      %dma_start3A_49 = arith.constant 0 : i32
      %dma_start3A_50 = arith.constant 0 : i32
      %dma_start3A_51 = tpu.memref_slice %arg4[%add3A_43, %dma_start3A_49, %dma_start3A_50] : memref<1280x2x128xi32, #tpu.memory_space<hbm>> -> memref<1x2x128xi32, #tpu.memory_space<hbm>>
      %dma_start3A_52 = tpu.memref_squeeze %dma_start3A_51 : memref<1x2x128xi32, #tpu.memory_space<hbm>> -> memref<2x128xi32, #tpu.memory_space<hbm>>
      %dma_start3A_53 = arith.constant 0 : i32
      %dma_start3A_54 = arith.constant 0 : i32
      %dma_start3A_55 = tpu.memref_slice %arg7[%dma_start3A_44, %dma_start3A_53, %dma_start3A_54] : memref<2x2x128xi32, #tpu.memory_space<vmem>> -> memref<1x2x128xi32, #tpu.memory_space<vmem>>
      %dma_start3A_56 = tpu.memref_squeeze %dma_start3A_55 : memref<1x2x128xi32, #tpu.memory_space<vmem>> -> memref<2x128xi32, #tpu.memory_space<vmem>>
      %dma_start3A_57 = arith.constant 0 : i32
      %dma_start3A_58 = arith.constant 0 : i32
      %dma_start3A_59 = tpu.memref_slice %arg4[%add3A_43, %dma_start3A_57, %dma_start3A_58] : memref<1280x2x128xi32, #tpu.memory_space<hbm>> -> memref<1x2x128xi32, #tpu.memory_space<hbm>>
      %dma_start3A_60 = tpu.memref_squeeze %dma_start3A_59 : memref<1x2x128xi32, #tpu.memory_space<hbm>> -> memref<2x128xi32, #tpu.memory_space<hbm>>
      tpu.enqueue_dma source(%dma_start3A_60 : memref<2x128xi32, #tpu.memory_space<hbm>>) target(%dma_start3A_56 : memref<2x128xi32, #tpu.memory_space<vmem>>) target_semaphore(%arg12 : memref<!tpu.dma_semaphore, #tpu.memory_space<semaphore_mem>>)
      %add3A_61 = arith.constant 0 : i32
      %add3A_62 = arith.addi %mul3A_0, %add3A_61 : i32
      %dma_wait3A = arith.constant 0 : i32
      %dma_wait3A_63 = arith.constant 0 : i32
      %dma_wait3A_64 = arith.constant 0 : i32
      %dma_wait3A_65 = tpu.memref_slice %arg7[%dma_wait3A, %dma_wait3A_63, %dma_wait3A_64] : memref<2x2x128xi32, #tpu.memory_space<vmem>> -> memref<1x2x128xi32, #tpu.memory_space<vmem>>
      %dma_wait3A_66 = tpu.memref_squeeze %dma_wait3A_65 : memref<1x2x128xi32, #tpu.memory_space<vmem>> -> memref<2x128xi32, #tpu.memory_space<vmem>>
      %dma_wait3A_67 = arith.constant 0 : i32
      %dma_wait3A_68 = arith.constant 0 : i32
      %dma_wait3A_69 = tpu.memref_slice %arg4[%add3A_62, %dma_wait3A_67, %dma_wait3A_68] : memref<1280x2x128xi32, #tpu.memory_space<hbm>> -> memref<1x2x128xi32, #tpu.memory_space<hbm>>
      %dma_wait3A_70 = tpu.memref_squeeze %dma_wait3A_69 : memref<1x2x128xi32, #tpu.memory_space<hbm>> -> memref<2x128xi32, #tpu.memory_space<hbm>>
      %dma_wait3A_71 = arith.constant 0 : i32
      %dma_wait3A_72 = arith.constant 0 : i32
      %dma_wait3A_73 = tpu.memref_slice %arg7[%dma_wait3A, %dma_wait3A_71, %dma_wait3A_72] : memref<2x2x128xi32, #tpu.memory_space<vmem>> -> memref<1x2x128xi32, #tpu.memory_space<vmem>>
      %dma_wait3A_74 = tpu.memref_squeeze %dma_wait3A_73 : memref<1x2x128xi32, #tpu.memory_space<vmem>> -> memref<2x128xi32, #tpu.memory_space<vmem>>
      %dma_wait3A_75 = arith.constant 0 : i32
      %dma_wait3A_76 = arith.constant 0 : i32
      %dma_wait3A_77 = tpu.memref_slice %arg4[%add3A_62, %dma_wait3A_75, %dma_wait3A_76] : memref<1280x2x128xi32, #tpu.memory_space<hbm>> -> memref<1x2x128xi32, #tpu.memory_space<hbm>>
      %dma_wait3A_78 = tpu.memref_squeeze %dma_wait3A_77 : memref<1x2x128xi32, #tpu.memory_space<hbm>> -> memref<2x128xi32, #tpu.memory_space<hbm>>
      tpu.wait_dma2 semaphore(%arg11 : memref<!tpu.dma_semaphore, #tpu.memory_space<semaphore_mem>>) src(%dma_wait3A_78 : memref<2x128xi32, #tpu.memory_space<hbm>>) dst(%dma_wait3A_74 : memref<2x128xi32, #tpu.memory_space<vmem>>)
      %dma_start3A_79 = arith.constant 0 : i32
      %dma_start3A_80 = arith.constant 0 : i32
      %dma_start3A_81 = arith.constant 0 : i32
      %dma_start3A_82 = tpu.memref_slice %arg7[%dma_start3A_79, %dma_start3A_80, %dma_start3A_81] : memref<2x2x128xi32, #tpu.memory_space<vmem>> -> memref<1x1x128xi32, #tpu.memory_space<vmem>>
      %dma_start3A_83 = tpu.memref_squeeze %dma_start3A_82 : memref<1x1x128xi32, #tpu.memory_space<vmem>> -> memref<128xi32, #tpu.memory_space<vmem>>
      %dma_start3A_84 = arith.constant 0 : i32
      %dma_start3A_85 = arith.constant 0 : i32
      %dma_start3A_86 = tpu.memref_slice %arg3[%dma_start3A_84, %dma_start3A_85] : memref<10000x128xf32, #tpu.memory_space<hbm>> -> memref<10000x128xf32, #tpu.memory_space<hbm>>
      tpu.enqueue_indirect_dma source(%dma_start3A_86 : memref<10000x128xf32, #tpu.memory_space<hbm>>) target(%arg8 : memref<128x128xf32, #tpu.memory_space<vmem>>) offsets(%dma_start3A_83 : memref<128xi32, #tpu.memory_space<vmem>>) semaphore(%arg13 : memref<!tpu.dma_semaphore, #tpu.memory_space<semaphore_mem>>)
      %add3A_87 = arith.constant 1 : i32
      %add3A_88 = arith.addi %mul3A_0, %add3A_87 : i32
      %dma_wait3A_89 = arith.constant 1 : i32
      %dma_wait3A_90 = arith.constant 0 : i32
      %dma_wait3A_91 = arith.constant 0 : i32
      %dma_wait3A_92 = tpu.memref_slice %arg7[%dma_wait3A_89, %dma_wait3A_90, %dma_wait3A_91] : memref<2x2x128xi32, #tpu.memory_space<vmem>> -> memref<1x2x128xi32, #tpu.memory_space<vmem>>
      %dma_wait3A_93 = tpu.memref_squeeze %dma_wait3A_92 : memref<1x2x128xi32, #tpu.memory_space<vmem>> -> memref<2x128xi32, #tpu.memory_space<vmem>>
      %dma_wait3A_94 = arith.constant 0 : i32
      %dma_wait3A_95 = arith.constant 0 : i32
      %dma_wait3A_96 = tpu.memref_slice %arg4[%add3A_88, %dma_wait3A_94, %dma_wait3A_95] : memref<1280x2x128xi32, #tpu.memory_space<hbm>> -> memref<1x2x128xi32, #tpu.memory_space<hbm>>
      %dma_wait3A_97 = tpu.memref_squeeze %dma_wait3A_96 : memref<1x2x128xi32, #tpu.memory_space<hbm>> -> memref<2x128xi32, #tpu.memory_space<hbm>>
      %dma_wait3A_98 = arith.constant 0 : i32
      %dma_wait3A_99 = arith.constant 0 : i32
      %dma_wait3A_100 = tpu.memref_slice %arg7[%dma_wait3A_89, %dma_wait3A_98, %dma_wait3A_99] : memref<2x2x128xi32, #tpu.memory_space<vmem>> -> memref<1x2x128xi32, #tpu.memory_space<vmem>>
      %dma_wait3A_101 = tpu.memref_squeeze %dma_wait3A_100 : memref<1x2x128xi32, #tpu.memory_space<vmem>> -> memref<2x128xi32, #tpu.memory_space<vmem>>
      %dma_wait3A_102 = arith.constant 0 : i32
      %dma_wait3A_103 = arith.constant 0 : i32
      %dma_wait3A_104 = tpu.memref_slice %arg4[%add3A_88, %dma_wait3A_102, %dma_wait3A_103] : memref<1280x2x128xi32, #tpu.memory_space<hbm>> -> memref<1x2x128xi32, #tpu.memory_space<hbm>>
      %dma_wait3A_105 = tpu.memref_squeeze %dma_wait3A_104 : memref<1x2x128xi32, #tpu.memory_space<hbm>> -> memref<2x128xi32, #tpu.memory_space<hbm>>
      tpu.wait_dma2 semaphore(%arg12 : memref<!tpu.dma_semaphore, #tpu.memory_space<semaphore_mem>>) src(%dma_wait3A_105 : memref<2x128xi32, #tpu.memory_space<hbm>>) dst(%dma_wait3A_101 : memref<2x128xi32, #tpu.memory_space<vmem>>)
      %dma_start3A_106 = arith.constant 1 : i32
      %dma_start3A_107 = arith.constant 0 : i32
      %dma_start3A_108 = arith.constant 0 : i32
      %dma_start3A_109 = tpu.memref_slice %arg7[%dma_start3A_106, %dma_start3A_107, %dma_start3A_108] : memref<2x2x128xi32, #tpu.memory_space<vmem>> -> memref<1x1x128xi32, #tpu.memory_space<vmem>>
      %dma_start3A_110 = tpu.memref_squeeze %dma_start3A_109 : memref<1x1x128xi32, #tpu.memory_space<vmem>> -> memref<128xi32, #tpu.memory_space<vmem>>
      %dma_start3A_111 = arith.constant 0 : i32
      %dma_start3A_112 = arith.constant 0 : i32
      %dma_start3A_113 = tpu.memref_slice %arg3[%dma_start3A_111, %dma_start3A_112] : memref<10000x128xf32, #tpu.memory_space<hbm>> -> memref<10000x128xf32, #tpu.memory_space<hbm>>
      tpu.enqueue_indirect_dma source(%dma_start3A_113 : memref<10000x128xf32, #tpu.memory_space<hbm>>) target(%arg9 : memref<128x128xf32, #tpu.memory_space<vmem>>) offsets(%dma_start3A_110 : memref<128xi32, #tpu.memory_space<vmem>>) semaphore(%arg14 : memref<!tpu.dma_semaphore, #tpu.memory_space<semaphore_mem>>)
      %scan3A_114 = arith.constant 0 : i32
      %scan3A_115 = arith.constant 0 : i32
      %scan3A_116 = arith.constant 40 : i32
      %scan3A_117 = arith.addi %scan3A_115, %scan3A_116 : i32
      %scan3A_118 = arith.constant 1 : i32
      scf.for %scan3A_121 = %scan3A_115 to %scan3A_117 step %scan3A_118  : i32 {
        %mul3A_122 = arith.constant 2 : i32
        %mul3A_123 = arith.muli %scan3A_121, %mul3A_122 : i32
        %lt3A = arith.constant 39 : i32
        %lt3A_124 = arith.cmpi slt, %scan3A_121, %lt3A : i32
        %dma_wait3A_125 = arith.constant 0 : i32
        %dma_wait3A_126 = arith.constant 0 : i32
        %dma_wait3A_127 = arith.constant 0 : i32
        %dma_wait3A_128 = tpu.memref_slice %arg7[%dma_wait3A_125, %dma_wait3A_126, %dma_wait3A_127] : memref<2x2x128xi32, #tpu.memory_space<vmem>> -> memref<1x1x128xi32, #tpu.memory_space<vmem>>
        %dma_wait3A_129 = tpu.memref_squeeze %dma_wait3A_128 : memref<1x1x128xi32, #tpu.memory_space<vmem>> -> memref<128xi32, #tpu.memory_space<vmem>>
        %dma_wait3A_130 = arith.constant 0 : i32
        %dma_wait3A_131 = arith.constant 0 : i32
        %dma_wait3A_132 = tpu.memref_slice %arg3[%dma_wait3A_130, %dma_wait3A_131] : memref<10000x128xf32, #tpu.memory_space<hbm>> -> memref<10000x128xf32, #tpu.memory_space<hbm>>
        tpu.wait_indirect_dma semaphore(%arg13 : memref<!tpu.dma_semaphore, #tpu.memory_space<semaphore_mem>>) src(%dma_wait3A_132 : memref<10000x128xf32, #tpu.memory_space<hbm>>) dst(%arg8 : memref<128x128xf32, #tpu.memory_space<vmem>>)
        %dma_start3A_133 = arith.constant 0 : i32
        %dma_start3A_134 = arith.constant 1 : i32
        %dma_start3A_135 = arith.constant 0 : i32
        %dma_start3A_136 = tpu.memref_slice %arg7[%dma_start3A_133, %dma_start3A_134, %dma_start3A_135] : memref<2x2x128xi32, #tpu.memory_space<vmem>> -> memref<1x1x128xi32, #tpu.memory_space<vmem>>
        %dma_start3A_137 = tpu.memref_squeeze %dma_start3A_136 : memref<1x1x128xi32, #tpu.memory_space<vmem>> -> memref<128xi32, #tpu.memory_space<vmem>>
        %dma_start3A_138 = arith.constant 0 : i32
        %dma_start3A_139 = arith.constant 0 : i32
        %dma_start3A_140 = tpu.memref_slice %arg10[%dma_start3A_138, %dma_start3A_139] : memref<10240x128xf32, #tpu.memory_space<vmem_shared>> -> memref<10240x128xf32, #tpu.memory_space<vmem_shared>>
        tpu.enqueue_indirect_dma source(%arg8 : memref<128x128xf32, #tpu.memory_space<vmem>>) target(%dma_start3A_140 : memref<10240x128xf32, #tpu.memory_space<vmem_shared>>) offsets(%dma_start3A_137 : memref<128xi32, #tpu.memory_space<vmem>>) semaphore(%arg15 : memref<!tpu.dma_semaphore, #tpu.memory_space<semaphore_mem>>) {add = true}
        %dma_wait3A_141 = arith.constant 0 : i32
        %dma_wait3A_142 = arith.constant 1 : i32
        %dma_wait3A_143 = arith.constant 0 : i32
        %dma_wait3A_144 = tpu.memref_slice %arg7[%dma_wait3A_141, %dma_wait3A_142, %dma_wait3A_143] : memref<2x2x128xi32, #tpu.memory_space<vmem>> -> memref<1x1x128xi32, #tpu.memory_space<vmem>>
        %dma_wait3A_145 = tpu.memref_squeeze %dma_wait3A_144 : memref<1x1x128xi32, #tpu.memory_space<vmem>> -> memref<128xi32, #tpu.memory_space<vmem>>
        %dma_wait3A_146 = arith.constant 0 : i32
        %dma_wait3A_147 = arith.constant 0 : i32
        %dma_wait3A_148 = tpu.memref_slice %arg10[%dma_wait3A_146, %dma_wait3A_147] : memref<10240x128xf32, #tpu.memory_space<vmem_shared>> -> memref<10240x128xf32, #tpu.memory_space<vmem_shared>>
        tpu.wait_indirect_dma semaphore(%arg15 : memref<!tpu.dma_semaphore, #tpu.memory_space<semaphore_mem>>) src(%arg8 : memref<128x128xf32, #tpu.memory_space<vmem>>) dst(%dma_wait3A_148 : memref<10240x128xf32, #tpu.memory_space<vmem_shared>>)
        %convert_element_type3A_149 = arith.extui %lt3A_124 : i1 to i32
        %cond3A_150 = arith.constant 0 : i32
        %cond3A_151 = arith.cmpi ne, %convert_element_type3A_149, %cond3A_150 : i32
        scf.if %cond3A_151 {
          %add3A_182 = arith.constant 2 : i32
          %add3A_183 = arith.addi %mul3A_123, %add3A_182 : i32
          %add3A_184 = arith.addi %mul3A_0, %add3A_183 : i32
          %dma_start3A_185 = arith.constant 0 : i32
          %dma_start3A_186 = arith.constant 0 : i32
          %dma_start3A_187 = arith.constant 0 : i32
          %dma_start3A_188 = tpu.memref_slice %arg7[%dma_start3A_185, %dma_start3A_186, %dma_start3A_187] : memref<2x2x128xi32, #tpu.memory_space<vmem>> -> memref<1x2x128xi32, #tpu.memory_space<vmem>>
          %dma_start3A_189 = tpu.memref_squeeze %dma_start3A_188 : memref<1x2x128xi32, #tpu.memory_space<vmem>> -> memref<2x128xi32, #tpu.memory_space<vmem>>
          %dma_start3A_190 = arith.constant 0 : i32
          %dma_start3A_191 = arith.constant 0 : i32
          %dma_start3A_192 = tpu.memref_slice %arg4[%add3A_184, %dma_start3A_190, %dma_start3A_191] : memref<1280x2x128xi32, #tpu.memory_space<hbm>> -> memref<1x2x128xi32, #tpu.memory_space<hbm>>
          %dma_start3A_193 = tpu.memref_squeeze %dma_start3A_192 : memref<1x2x128xi32, #tpu.memory_space<hbm>> -> memref<2x128xi32, #tpu.memory_space<hbm>>
          %dma_start3A_194 = arith.constant 0 : i32
          %dma_start3A_195 = arith.constant 0 : i32
          %dma_start3A_196 = tpu.memref_slice %arg7[%dma_start3A_185, %dma_start3A_194, %dma_start3A_195] : memref<2x2x128xi32, #tpu.memory_space<vmem>> -> memref<1x2x128xi32, #tpu.memory_space<vmem>>
          %dma_start3A_197 = tpu.memref_squeeze %dma_start3A_196 : memref<1x2x128xi32, #tpu.memory_space<vmem>> -> memref<2x128xi32, #tpu.memory_space<vmem>>
          %dma_start3A_198 = arith.constant 0 : i32
          %dma_start3A_199 = arith.constant 0 : i32
          %dma_start3A_200 = tpu.memref_slice %arg4[%add3A_184, %dma_start3A_198, %dma_start3A_199] : memref<1280x2x128xi32, #tpu.memory_space<hbm>> -> memref<1x2x128xi32, #tpu.memory_space<hbm>>
          %dma_start3A_201 = tpu.memref_squeeze %dma_start3A_200 : memref<1x2x128xi32, #tpu.memory_space<hbm>> -> memref<2x128xi32, #tpu.memory_space<hbm>>
          tpu.enqueue_dma source(%dma_start3A_201 : memref<2x128xi32, #tpu.memory_space<hbm>>) target(%dma_start3A_197 : memref<2x128xi32, #tpu.memory_space<vmem>>) target_semaphore(%arg11 : memref<!tpu.dma_semaphore, #tpu.memory_space<semaphore_mem>>)
        } else {
        }
        %dma_wait3A_152 = arith.constant 1 : i32
        %dma_wait3A_153 = arith.constant 0 : i32
        %dma_wait3A_154 = arith.constant 0 : i32
        %dma_wait3A_155 = tpu.memref_slice %arg7[%dma_wait3A_152, %dma_wait3A_153, %dma_wait3A_154] : memref<2x2x128xi32, #tpu.memory_space<vmem>> -> memref<1x1x128xi32, #tpu.memory_space<vmem>>
        %dma_wait3A_156 = tpu.memref_squeeze %dma_wait3A_155 : memref<1x1x128xi32, #tpu.memory_space<vmem>> -> memref<128xi32, #tpu.memory_space<vmem>>
        %dma_wait3A_157 = arith.constant 0 : i32
        %dma_wait3A_158 = arith.constant 0 : i32
        %dma_wait3A_159 = tpu.memref_slice %arg3[%dma_wait3A_157, %dma_wait3A_158] : memref<10000x128xf32, #tpu.memory_space<hbm>> -> memref<10000x128xf32, #tpu.memory_space<hbm>>
        tpu.wait_indirect_dma semaphore(%arg14 : memref<!tpu.dma_semaphore, #tpu.memory_space<semaphore_mem>>) src(%dma_wait3A_159 : memref<10000x128xf32, #tpu.memory_space<hbm>>) dst(%arg9 : memref<128x128xf32, #tpu.memory_space<vmem>>)
        %dma_start3A_160 = arith.constant 1 : i32
        %dma_start3A_161 = arith.constant 1 : i32
        %dma_start3A_162 = arith.constant 0 : i32
        %dma_start3A_163 = tpu.memref_slice %arg7[%dma_start3A_160, %dma_start3A_161, %dma_start3A_162] : memref<2x2x128xi32, #tpu.memory_space<vmem>> -> memref<1x1x128xi32, #tpu.memory_space<vmem>>
        %dma_start3A_164 = tpu.memref_squeeze %dma_start3A_163 : memref<1x1x128xi32, #tpu.memory_space<vmem>> -> memref<128xi32, #tpu.memory_space<vmem>>
        %dma_start3A_165 = arith.constant 0 : i32
        %dma_start3A_166 = arith.constant 0 : i32
        %dma_start3A_167 = tpu.memref_slice %arg10[%dma_start3A_165, %dma_start3A_166] : memref<10240x128xf32, #tpu.memory_space<vmem_shared>> -> memref<10240x128xf32, #tpu.memory_space<vmem_shared>>
        tpu.enqueue_indirect_dma source(%arg9 : memref<128x128xf32, #tpu.memory_space<vmem>>) target(%dma_start3A_167 : memref<10240x128xf32, #tpu.memory_space<vmem_shared>>) offsets(%dma_start3A_164 : memref<128xi32, #tpu.memory_space<vmem>>) semaphore(%arg16 : memref<!tpu.dma_semaphore, #tpu.memory_space<semaphore_mem>>) {add = true}
        %convert_element_type3A_168 = arith.extui %lt3A_124 : i1 to i32
        %cond3A_169 = arith.constant 0 : i32
        %cond3A_170 = arith.cmpi ne, %convert_element_type3A_168, %cond3A_169 : i32
        scf.if %cond3A_170 {
          %add3A_182 = arith.constant 0 : i32
          %add3A_183 = arith.addi %mul3A_0, %add3A_182 : i32
          %dma_wait3A_184 = arith.constant 0 : i32
          %dma_wait3A_185 = arith.constant 0 : i32
          %dma_wait3A_186 = arith.constant 0 : i32
          %dma_wait3A_187 = tpu.memref_slice %arg7[%dma_wait3A_184, %dma_wait3A_185, %dma_wait3A_186] : memref<2x2x128xi32, #tpu.memory_space<vmem>> -> memref<1x2x128xi32, #tpu.memory_space<vmem>>
          %dma_wait3A_188 = tpu.memref_squeeze %dma_wait3A_187 : memref<1x2x128xi32, #tpu.memory_space<vmem>> -> memref<2x128xi32, #tpu.memory_space<vmem>>
          %dma_wait3A_189 = arith.constant 0 : i32
          %dma_wait3A_190 = arith.constant 0 : i32
          %dma_wait3A_191 = tpu.memref_slice %arg4[%add3A_183, %dma_wait3A_189, %dma_wait3A_190] : memref<1280x2x128xi32, #tpu.memory_space<hbm>> -> memref<1x2x128xi32, #tpu.memory_space<hbm>>
          %dma_wait3A_192 = tpu.memref_squeeze %dma_wait3A_191 : memref<1x2x128xi32, #tpu.memory_space<hbm>> -> memref<2x128xi32, #tpu.memory_space<hbm>>
          %dma_wait3A_193 = arith.constant 0 : i32
          %dma_wait3A_194 = arith.constant 0 : i32
          %dma_wait3A_195 = tpu.memref_slice %arg7[%dma_wait3A_184, %dma_wait3A_193, %dma_wait3A_194] : memref<2x2x128xi32, #tpu.memory_space<vmem>> -> memref<1x2x128xi32, #tpu.memory_space<vmem>>
          %dma_wait3A_196 = tpu.memref_squeeze %dma_wait3A_195 : memref<1x2x128xi32, #tpu.memory_space<vmem>> -> memref<2x128xi32, #tpu.memory_space<vmem>>
          %dma_wait3A_197 = arith.constant 0 : i32
          %dma_wait3A_198 = arith.constant 0 : i32
          %dma_wait3A_199 = tpu.memref_slice %arg4[%add3A_183, %dma_wait3A_197, %dma_wait3A_198] : memref<1280x2x128xi32, #tpu.memory_space<hbm>> -> memref<1x2x128xi32, #tpu.memory_space<hbm>>
          %dma_wait3A_200 = tpu.memref_squeeze %dma_wait3A_199 : memref<1x2x128xi32, #tpu.memory_space<hbm>> -> memref<2x128xi32, #tpu.memory_space<hbm>>
          tpu.wait_dma2 semaphore(%arg11 : memref<!tpu.dma_semaphore, #tpu.memory_space<semaphore_mem>>) src(%dma_wait3A_200 : memref<2x128xi32, #tpu.memory_space<hbm>>) dst(%dma_wait3A_196 : memref<2x128xi32, #tpu.memory_space<vmem>>)
          %dma_start3A_201 = arith.constant 0 : i32
          %dma_start3A_202 = arith.constant 0 : i32
          %dma_start3A_203 = arith.constant 0 : i32
          %dma_start3A_204 = tpu.memref_slice %arg7[%dma_start3A_201, %dma_start3A_202, %dma_start3A_203] : memref<2x2x128xi32, #tpu.memory_space<vmem>> -> memref<1x1x128xi32, #tpu.memory_space<vmem>>
          %dma_start3A_205 = tpu.memref_squeeze %dma_start3A_204 : memref<1x1x128xi32, #tpu.memory_space<vmem>> -> memref<128xi32, #tpu.memory_space<vmem>>
          %dma_start3A_206 = arith.constant 0 : i32
          %dma_start3A_207 = arith.constant 0 : i32
          %dma_start3A_208 = tpu.memref_slice %arg3[%dma_start3A_206, %dma_start3A_207] : memref<10000x128xf32, #tpu.memory_space<hbm>> -> memref<10000x128xf32, #tpu.memory_space<hbm>>
          tpu.enqueue_indirect_dma source(%dma_start3A_208 : memref<10000x128xf32, #tpu.memory_space<hbm>>) target(%arg8 : memref<128x128xf32, #tpu.memory_space<vmem>>) offsets(%dma_start3A_205 : memref<128xi32, #tpu.memory_space<vmem>>) semaphore(%arg13 : memref<!tpu.dma_semaphore, #tpu.memory_space<semaphore_mem>>)
        } else {
        }
        %dma_wait3A_171 = arith.constant 1 : i32
        %dma_wait3A_172 = arith.constant 1 : i32
        %dma_wait3A_173 = arith.constant 0 : i32
        %dma_wait3A_174 = tpu.memref_slice %arg7[%dma_wait3A_171, %dma_wait3A_172, %dma_wait3A_173] : memref<2x2x128xi32, #tpu.memory_space<vmem>> -> memref<1x1x128xi32, #tpu.memory_space<vmem>>
        %dma_wait3A_175 = tpu.memref_squeeze %dma_wait3A_174 : memref<1x1x128xi32, #tpu.memory_space<vmem>> -> memref<128xi32, #tpu.memory_space<vmem>>
        %dma_wait3A_176 = arith.constant 0 : i32
        %dma_wait3A_177 = arith.constant 0 : i32
        %dma_wait3A_178 = tpu.memref_slice %arg10[%dma_wait3A_176, %dma_wait3A_177] : memref<10240x128xf32, #tpu.memory_space<vmem_shared>> -> memref<10240x128xf32, #tpu.memory_space<vmem_shared>>
        tpu.wait_indirect_dma semaphore(%arg16 : memref<!tpu.dma_semaphore, #tpu.memory_space<semaphore_mem>>) src(%arg9 : memref<128x128xf32, #tpu.memory_space<vmem>>) dst(%dma_wait3A_178 : memref<10240x128xf32, #tpu.memory_space<vmem_shared>>)
        %convert_element_type3A_179 = arith.extui %lt3A_124 : i1 to i32
        %cond3A_180 = arith.constant 0 : i32
        %cond3A_181 = arith.cmpi ne, %convert_element_type3A_179, %cond3A_180 : i32
        scf.if %cond3A_181 {
          %add3A_182 = arith.constant 3 : i32
          %add3A_183 = arith.addi %mul3A_123, %add3A_182 : i32
          %add3A_184 = arith.addi %mul3A_0, %add3A_183 : i32
          %dma_start3A_185 = arith.constant 1 : i32
          %dma_start3A_186 = arith.constant 0 : i32
          %dma_start3A_187 = arith.constant 0 : i32
          %dma_start3A_188 = tpu.memref_slice %arg7[%dma_start3A_185, %dma_start3A_186, %dma_start3A_187] : memref<2x2x128xi32, #tpu.memory_space<vmem>> -> memref<1x2x128xi32, #tpu.memory_space<vmem>>
          %dma_start3A_189 = tpu.memref_squeeze %dma_start3A_188 : memref<1x2x128xi32, #tpu.memory_space<vmem>> -> memref<2x128xi32, #tpu.memory_space<vmem>>
          %dma_start3A_190 = arith.constant 0 : i32
          %dma_start3A_191 = arith.constant 0 : i32
          %dma_start3A_192 = tpu.memref_slice %arg4[%add3A_184, %dma_start3A_190, %dma_start3A_191] : memref<1280x2x128xi32, #tpu.memory_space<hbm>> -> memref<1x2x128xi32, #tpu.memory_space<hbm>>
          %dma_start3A_193 = tpu.memref_squeeze %dma_start3A_192 : memref<1x2x128xi32, #tpu.memory_space<hbm>> -> memref<2x128xi32, #tpu.memory_space<hbm>>
          %dma_start3A_194 = arith.constant 0 : i32
          %dma_start3A_195 = arith.constant 0 : i32
          %dma_start3A_196 = tpu.memref_slice %arg7[%dma_start3A_185, %dma_start3A_194, %dma_start3A_195] : memref<2x2x128xi32, #tpu.memory_space<vmem>> -> memref<1x2x128xi32, #tpu.memory_space<vmem>>
          %dma_start3A_197 = tpu.memref_squeeze %dma_start3A_196 : memref<1x2x128xi32, #tpu.memory_space<vmem>> -> memref<2x128xi32, #tpu.memory_space<vmem>>
          %dma_start3A_198 = arith.constant 0 : i32
          %dma_start3A_199 = arith.constant 0 : i32
          %dma_start3A_200 = tpu.memref_slice %arg4[%add3A_184, %dma_start3A_198, %dma_start3A_199] : memref<1280x2x128xi32, #tpu.memory_space<hbm>> -> memref<1x2x128xi32, #tpu.memory_space<hbm>>
          %dma_start3A_201 = tpu.memref_squeeze %dma_start3A_200 : memref<1x2x128xi32, #tpu.memory_space<hbm>> -> memref<2x128xi32, #tpu.memory_space<hbm>>
          tpu.enqueue_dma source(%dma_start3A_201 : memref<2x128xi32, #tpu.memory_space<hbm>>) target(%dma_start3A_197 : memref<2x128xi32, #tpu.memory_space<vmem>>) target_semaphore(%arg12 : memref<!tpu.dma_semaphore, #tpu.memory_space<semaphore_mem>>)
          %add3A_202 = arith.constant 1 : i32
          %add3A_203 = arith.addi %mul3A_0, %add3A_202 : i32
          %dma_wait3A_204 = arith.constant 1 : i32
          %dma_wait3A_205 = arith.constant 0 : i32
          %dma_wait3A_206 = arith.constant 0 : i32
          %dma_wait3A_207 = tpu.memref_slice %arg7[%dma_wait3A_204, %dma_wait3A_205, %dma_wait3A_206] : memref<2x2x128xi32, #tpu.memory_space<vmem>> -> memref<1x2x128xi32, #tpu.memory_space<vmem>>
          %dma_wait3A_208 = tpu.memref_squeeze %dma_wait3A_207 : memref<1x2x128xi32, #tpu.memory_space<vmem>> -> memref<2x128xi32, #tpu.memory_space<vmem>>
          %dma_wait3A_209 = arith.constant 0 : i32
          %dma_wait3A_210 = arith.constant 0 : i32
          %dma_wait3A_211 = tpu.memref_slice %arg4[%add3A_203, %dma_wait3A_209, %dma_wait3A_210] : memref<1280x2x128xi32, #tpu.memory_space<hbm>> -> memref<1x2x128xi32, #tpu.memory_space<hbm>>
          %dma_wait3A_212 = tpu.memref_squeeze %dma_wait3A_211 : memref<1x2x128xi32, #tpu.memory_space<hbm>> -> memref<2x128xi32, #tpu.memory_space<hbm>>
          %dma_wait3A_213 = arith.constant 0 : i32
          %dma_wait3A_214 = arith.constant 0 : i32
          %dma_wait3A_215 = tpu.memref_slice %arg7[%dma_wait3A_204, %dma_wait3A_213, %dma_wait3A_214] : memref<2x2x128xi32, #tpu.memory_space<vmem>> -> memref<1x2x128xi32, #tpu.memory_space<vmem>>
          %dma_wait3A_216 = tpu.memref_squeeze %dma_wait3A_215 : memref<1x2x128xi32, #tpu.memory_space<vmem>> -> memref<2x128xi32, #tpu.memory_space<vmem>>
          %dma_wait3A_217 = arith.constant 0 : i32
          %dma_wait3A_218 = arith.constant 0 : i32
          %dma_wait3A_219 = tpu.memref_slice %arg4[%add3A_203, %dma_wait3A_217, %dma_wait3A_218] : memref<1280x2x128xi32, #tpu.memory_space<hbm>> -> memref<1x2x128xi32, #tpu.memory_space<hbm>>
          %dma_wait3A_220 = tpu.memref_squeeze %dma_wait3A_219 : memref<1x2x128xi32, #tpu.memory_space<hbm>> -> memref<2x128xi32, #tpu.memory_space<hbm>>
          tpu.wait_dma2 semaphore(%arg12 : memref<!tpu.dma_semaphore, #tpu.memory_space<semaphore_mem>>) src(%dma_wait3A_220 : memref<2x128xi32, #tpu.memory_space<hbm>>) dst(%dma_wait3A_216 : memref<2x128xi32, #tpu.memory_space<vmem>>)
          %dma_start3A_221 = arith.constant 1 : i32
          %dma_start3A_222 = arith.constant 0 : i32
          %dma_start3A_223 = arith.constant 0 : i32
          %dma_start3A_224 = tpu.memref_slice %arg7[%dma_start3A_221, %dma_start3A_222, %dma_start3A_223] : memref<2x2x128xi32, #tpu.memory_space<vmem>> -> memref<1x1x128xi32, #tpu.memory_space<vmem>>
          %dma_start3A_225 = tpu.memref_squeeze %dma_start3A_224 : memref<1x1x128xi32, #tpu.memory_space<vmem>> -> memref<128xi32, #tpu.memory_space<vmem>>
          %dma_start3A_226 = arith.constant 0 : i32
          %dma_start3A_227 = arith.constant 0 : i32
          %dma_start3A_228 = tpu.memref_slice %arg3[%dma_start3A_226, %dma_start3A_227] : memref<10000x128xf32, #tpu.memory_space<hbm>> -> memref<10000x128xf32, #tpu.memory_space<hbm>>
          tpu.enqueue_indirect_dma source(%dma_start3A_228 : memref<10000x128xf32, #tpu.memory_space<hbm>>) target(%arg9 : memref<128x128xf32, #tpu.memory_space<vmem>>) offsets(%dma_start3A_225 : memref<128xi32, #tpu.memory_space<vmem>>) semaphore(%arg14 : memref<!tpu.dma_semaphore, #tpu.memory_space<semaphore_mem>>)
        } else {
        }
      }
      %scan3A_119 = arith.constant 40 : i32
      %barrier3A_120 = arith.constant 0 : index
      tpu.barrier barrier_id(%barrier3A_120)
      "tpu.region"() ({
        %run_scoped3A = tpu.sem_alloc : memref<!tpu.dma_semaphore, #tpu.memory_space<semaphore_mem>>
        %dma_start3A_121 = arith.constant 0 : i32
        %dma_start3A_122 = tpu.memref_slice %arg6[%mul3A_7, %dma_start3A_121] : memref<10240x128xf32, #tpu.memory_space<hbm>> -> memref<640x128xf32, #tpu.memory_space<hbm>>
        %dma_start3A_123 = arith.constant 0 : i32
        %dma_start3A_124 = tpu.memref_slice %arg10[%mul3A_7, %dma_start3A_123] : memref<10240x128xf32, #tpu.memory_space<vmem_shared>> -> memref<640x128xf32, #tpu.memory_space<vmem_shared>>
        tpu.enqueue_dma source(%dma_start3A_124 : memref<640x128xf32, #tpu.memory_space<vmem_shared>>) target(%dma_start3A_122 : memref<640x128xf32, #tpu.memory_space<hbm>>) target_semaphore(%run_scoped3A : memref<!tpu.dma_semaphore, #tpu.memory_space<semaphore_mem>>)
        %dma_wait3A_125 = arith.constant 0 : i32
        %dma_wait3A_126 = tpu.memref_slice %arg6[%mul3A_7, %dma_wait3A_125] : memref<10240x128xf32, #tpu.memory_space<hbm>> -> memref<640x128xf32, #tpu.memory_space<hbm>>
        %dma_wait3A_127 = arith.constant 0 : i32
        %dma_wait3A_128 = tpu.memref_slice %arg10[%mul3A_7, %dma_wait3A_127] : memref<10240x128xf32, #tpu.memory_space<vmem_shared>> -> memref<640x128xf32, #tpu.memory_space<vmem_shared>>
        tpu.wait_dma2 semaphore(%run_scoped3A : memref<!tpu.dma_semaphore, #tpu.memory_space<semaphore_mem>>) src(%dma_wait3A_128 : memref<640x128xf32, #tpu.memory_space<vmem_shared>>) dst(%dma_wait3A_126 : memref<640x128xf32, #tpu.memory_space<hbm>>)
        tpu.yield
      }) : () -> ()
    } else {
    }
    return
  }
}

#map = affine_map<(d0, d1) -> (0, 0)>
#map1 = affine_map<(d0, d1) -> (0, 0, 0)>
module attributes {stable_mosaic.version = 14 : i64} {
  func.func @k(%arg0: i32, %arg1: i32, %arg2: memref<10000x128xf32, #tpu.memory_space<hbm>>, %arg3: memref<10000x128xf32, #tpu.memory_space<hbm>>, %arg4: memref<1280x2x128xi32, #tpu.memory_space<hbm>>, %arg5: memref<10240x128xf32, #tpu.memory_space<hbm>>, %arg6: memref<10240x128xf32, #tpu.memory_space<hbm>>, %arg7: memref<2x2x128xi32, #tpu.memory_space<vmem>>, %arg8: memref<128x128xf32, #tpu.memory_space<vmem>>, %arg9: memref<128x128xf32, #tpu.memory_space<vmem>>, %arg10: memref<10240x128xf32, #tpu.memory_space<vmem_shared>>, %arg11: memref<!tpu.dma_semaphore, #tpu.memory_space<semaphore_mem>>, %arg12: memref<!tpu.dma_semaphore, #tpu.memory_space<semaphore_mem>>, %arg13: memref<!tpu.dma_semaphore, #tpu.memory_space<semaphore_mem>>, %arg14: memref<!tpu.dma_semaphore, #tpu.memory_space<semaphore_mem>>, %arg15: memref<!tpu.dma_semaphore, #tpu.memory_space<semaphore_mem>>, %arg16: memref<!tpu.dma_semaphore, #tpu.memory_space<semaphore_mem>>) attributes {dimension_semantics = [#tpu.dimension_semantics<core_parallel>, #tpu.dimension_semantics<subcore_parallel>], iteration_bounds = array<i64: 2, 16>, scalar_prefetch = 0 : i64, scratch_operands = 10 : i64, tpu.core_type = #tpu.core_type<sc_vector_subcore>, window_params = [{transform_indices = #map}, {transform_indices = #map}, {transform_indices = #map1}, {transform_indices = #map}, {transform_indices = #map}]} {
    %mul3A = arith.constant 80 : i32
    %mul3A_0 = arith.muli %arg1, %mul3A : i32
    %scan3A = arith.constant 0 : i32
    %scan3A_1 = arith.constant 0 : i32
    %scan3A_2 = arith.constant 1024 : i32
    %scan3A_3 = arith.addi %scan3A_1, %scan3A_2 : i32
    %scan3A_4 = arith.constant 1 : i32
    scf.for %scan3A_24 = %scan3A_1 to %scan3A_3 step %scan3A_4  : i32 {
      %jit3A = arith.constant 8 : i32
      %div3A = arith.divsi %scan3A_24, %jit3A : i32
      %sign3A = arith.constant 0 : i32
      %sign3A_25 = arith.cmpi sgt, %scan3A_24, %sign3A : i32
      %sign3A_26 = arith.extui %sign3A_25 : i1 to i32
      %sign3A_27 = arith.constant 0 : i32
      %sign3A_28 = arith.cmpi slt, %scan3A_24, %sign3A_27 : i32
      %sign3A_29 = arith.extui %sign3A_28 : i1 to i32
      %sign3A_30 = arith.subi %sign3A_26, %sign3A_29 : i32
      %sign3A_31 = arith.constant 0 : i32
      %sign3A_32 = arith.cmpi sgt, %jit3A, %sign3A_31 : i32
      %sign3A_33 = arith.extui %sign3A_32 : i1 to i32
      %sign3A_34 = arith.constant 0 : i32
      %sign3A_35 = arith.cmpi slt, %jit3A, %sign3A_34 : i32
      %sign3A_36 = arith.extui %sign3A_35 : i1 to i32
      %sign3A_37 = arith.subi %sign3A_33, %sign3A_36 : i32
      %ne3A = arith.cmpi ne, %sign3A_30, %sign3A_37 : i32
      %rem3A = arith.remsi %scan3A_24, %jit3A : i32
      %ne3A_38 = arith.constant 0 : i32
      %ne3A_39 = arith.cmpi ne, %rem3A, %ne3A_38 : i32
      %and3A = arith.andi %ne3A, %ne3A_39 : i1
      %sub3A = arith.constant 1 : i32
      %sub3A_40 = arith.subi %div3A, %sub3A : i32
      %select_n3A = arith.select %and3A, %sub3A_40, %div3A : i32
      %rem3A_41 = arith.constant 8 : i32
      %rem3A_42 = arith.remsi %scan3A_24, %rem3A_41 : i32
      %broadcast_in_dim3A = arith.constant 0.000000e+00 : f32
      %broadcast_in_dim3A_43 = vector.broadcast %broadcast_in_dim3A : f32 to vector<16xf32>
      %mul3A_44 = arith.constant 16 : i32
      %mul3A_45 = arith.muli %rem3A_42, %mul3A_44 : i32
      %swap3A = arith.index_cast %select_n3A : i32 to index
      %swap3A_46 = arith.index_cast %mul3A_45 : i32 to index
      %swap3A_47 = tpu.vector_load %arg8[%swap3A, %swap3A_46] {strides = array<i32>} : memref<128x128xf32, #tpu.memory_space<vmem>>, vector<1x16xf32>,
      %swap3A_48 = vector.shape_cast %swap3A_47 : vector<1x16xf32> to vector<16xf32>
      %swap3A_49 = vector.shape_cast %broadcast_in_dim3A_43 : vector<16xf32> to vector<1x16xf32>
      tpu.vector_store %arg8[%swap3A, %swap3A_46], %swap3A_49 {strides = array<i32>} : memref<128x128xf32, #tpu.memory_space<vmem>>, vector<1x16xf32>,
    }
    %scan3A_5 = arith.constant 1024 : i32
    %mul3A_6 = arith.constant 640 : i32
    %mul3A_7 = arith.muli %arg1, %mul3A_6 : i32
    %add3A = arith.constant 0 : i32
    %add3A_8 = arith.addi %mul3A_7, %add3A : i32
    "tpu.region"() ({
      %run_scoped3A = tpu.sem_alloc : memref<!tpu.dma_semaphore, #tpu.memory_space<semaphore_mem>>
      %dma_start3A = arith.constant 0 : i32
      %dma_start3A_24 = tpu.memref_slice %arg10[%add3A_8, %dma_start3A] : memref<10240x128xf32, #tpu.memory_space<vmem_shared>> -> memref<128x128xf32, #tpu.memory_space<vmem_shared>>
      %dma_start3A_25 = arith.constant 0 : i32
      %dma_start3A_26 = tpu.memref_slice %arg10[%add3A_8, %dma_start3A_25] : memref<10240x128xf32, #tpu.memory_space<vmem_shared>> -> memref<128x128xf32, #tpu.memory_space<vmem_shared>>
      tpu.enqueue_dma source(%arg8 : memref<128x128xf32, #tpu.memory_space<vmem>>) target(%dma_start3A_26 : memref<128x128xf32, #tpu.memory_space<vmem_shared>>) target_semaphore(%run_scoped3A : memref<!tpu.dma_semaphore, #tpu.memory_space<semaphore_mem>>)
      %dma_wait3A = arith.constant 0 : i32
      %dma_wait3A_27 = tpu.memref_slice %arg10[%add3A_8, %dma_wait3A] : memref<10240x128xf32, #tpu.memory_space<vmem_shared>> -> memref<128x128xf32, #tpu.memory_space<vmem_shared>>
      %dma_wait3A_28 = arith.constant 0 : i32
      %dma_wait3A_29 = tpu.memref_slice %arg10[%add3A_8, %dma_wait3A_28] : memref<10240x128xf32, #tpu.memory_space<vmem_shared>> -> memref<128x128xf32, #tpu.memory_space<vmem_shared>>
      tpu.wait_dma2 semaphore(%run_scoped3A : memref<!tpu.dma_semaphore, #tpu.memory_space<semaphore_mem>>) src(%arg8 : memref<128x128xf32, #tpu.memory_space<vmem>>) dst(%dma_wait3A_29 : memref<128x128xf32, #tpu.memory_space<vmem_shared>>)
      tpu.yield
    }) : () -> ()
    %add3A_9 = arith.constant 128 : i32
    %add3A_10 = arith.addi %mul3A_7, %add3A_9 : i32
    "tpu.region"() ({
      %run_scoped3A = tpu.sem_alloc : memref<!tpu.dma_semaphore, #tpu.memory_space<semaphore_mem>>
      %dma_start3A = arith.constant 0 : i32
      %dma_start3A_24 = tpu.memref_slice %arg10[%add3A_10, %dma_start3A] : memref<10240x128xf32, #tpu.memory_space<vmem_shared>> -> memref<128x128xf32, #tpu.memory_space<vmem_shared>>
      %dma_start3A_25 = arith.constant 0 : i32
      %dma_start3A_26 = tpu.memref_slice %arg10[%add3A_10, %dma_start3A_25] : memref<10240x128xf32, #tpu.memory_space<vmem_shared>> -> memref<128x128xf32, #tpu.memory_space<vmem_shared>>
      tpu.enqueue_dma source(%arg8 : memref<128x128xf32, #tpu.memory_space<vmem>>) target(%dma_start3A_26 : memref<128x128xf32, #tpu.memory_space<vmem_shared>>) target_semaphore(%run_scoped3A : memref<!tpu.dma_semaphore, #tpu.memory_space<semaphore_mem>>)
      %dma_wait3A = arith.constant 0 : i32
      %dma_wait3A_27 = tpu.memref_slice %arg10[%add3A_10, %dma_wait3A] : memref<10240x128xf32, #tpu.memory_space<vmem_shared>> -> memref<128x128xf32, #tpu.memory_space<vmem_shared>>
      %dma_wait3A_28 = arith.constant 0 : i32
      %dma_wait3A_29 = tpu.memref_slice %arg10[%add3A_10, %dma_wait3A_28] : memref<10240x128xf32, #tpu.memory_space<vmem_shared>> -> memref<128x128xf32, #tpu.memory_space<vmem_shared>>
      tpu.wait_dma2 semaphore(%run_scoped3A : memref<!tpu.dma_semaphore, #tpu.memory_space<semaphore_mem>>) src(%arg8 : memref<128x128xf32, #tpu.memory_space<vmem>>) dst(%dma_wait3A_29 : memref<128x128xf32, #tpu.memory_space<vmem_shared>>)
      tpu.yield
    }) : () -> ()
    %add3A_11 = arith.constant 256 : i32
    %add3A_12 = arith.addi %mul3A_7, %add3A_11 : i32
    "tpu.region"() ({
      %run_scoped3A = tpu.sem_alloc : memref<!tpu.dma_semaphore, #tpu.memory_space<semaphore_mem>>
      %dma_start3A = arith.constant 0 : i32
      %dma_start3A_24 = tpu.memref_slice %arg10[%add3A_12, %dma_start3A] : memref<10240x128xf32, #tpu.memory_space<vmem_shared>> -> memref<128x128xf32, #tpu.memory_space<vmem_shared>>
      %dma_start3A_25 = arith.constant 0 : i32
      %dma_start3A_26 = tpu.memref_slice %arg10[%add3A_12, %dma_start3A_25] : memref<10240x128xf32, #tpu.memory_space<vmem_shared>> -> memref<128x128xf32, #tpu.memory_space<vmem_shared>>
      tpu.enqueue_dma source(%arg8 : memref<128x128xf32, #tpu.memory_space<vmem>>) target(%dma_start3A_26 : memref<128x128xf32, #tpu.memory_space<vmem_shared>>) target_semaphore(%run_scoped3A : memref<!tpu.dma_semaphore, #tpu.memory_space<semaphore_mem>>)
      %dma_wait3A = arith.constant 0 : i32
      %dma_wait3A_27 = tpu.memref_slice %arg10[%add3A_12, %dma_wait3A] : memref<10240x128xf32, #tpu.memory_space<vmem_shared>> -> memref<128x128xf32, #tpu.memory_space<vmem_shared>>
      %dma_wait3A_28 = arith.constant 0 : i32
      %dma_wait3A_29 = tpu.memref_slice %arg10[%add3A_12, %dma_wait3A_28] : memref<10240x128xf32, #tpu.memory_space<vmem_shared>> -> memref<128x128xf32, #tpu.memory_space<vmem_shared>>
      tpu.wait_dma2 semaphore(%run_scoped3A : memref<!tpu.dma_semaphore, #tpu.memory_space<semaphore_mem>>) src(%arg8 : memref<128x128xf32, #tpu.memory_space<vmem>>) dst(%dma_wait3A_29 : memref<128x128xf32, #tpu.memory_space<vmem_shared>>)
      tpu.yield
    }) : () -> ()
    %add3A_13 = arith.constant 384 : i32
    %add3A_14 = arith.addi %mul3A_7, %add3A_13 : i32
    "tpu.region"() ({
      %run_scoped3A = tpu.sem_alloc : memref<!tpu.dma_semaphore, #tpu.memory_space<semaphore_mem>>
      %dma_start3A = arith.constant 0 : i32
      %dma_start3A_24 = tpu.memref_slice %arg10[%add3A_14, %dma_start3A] : memref<10240x128xf32, #tpu.memory_space<vmem_shared>> -> memref<128x128xf32, #tpu.memory_space<vmem_shared>>
      %dma_start3A_25 = arith.constant 0 : i32
      %dma_start3A_26 = tpu.memref_slice %arg10[%add3A_14, %dma_start3A_25] : memref<10240x128xf32, #tpu.memory_space<vmem_shared>> -> memref<128x128xf32, #tpu.memory_space<vmem_shared>>
      tpu.enqueue_dma source(%arg8 : memref<128x128xf32, #tpu.memory_space<vmem>>) target(%dma_start3A_26 : memref<128x128xf32, #tpu.memory_space<vmem_shared>>) target_semaphore(%run_scoped3A : memref<!tpu.dma_semaphore, #tpu.memory_space<semaphore_mem>>)
      %dma_wait3A = arith.constant 0 : i32
      %dma_wait3A_27 = tpu.memref_slice %arg10[%add3A_14, %dma_wait3A] : memref<10240x128xf32, #tpu.memory_space<vmem_shared>> -> memref<128x128xf32, #tpu.memory_space<vmem_shared>>
      %dma_wait3A_28 = arith.constant 0 : i32
      %dma_wait3A_29 = tpu.memref_slice %arg10[%add3A_14, %dma_wait3A_28] : memref<10240x128xf32, #tpu.memory_space<vmem_shared>> -> memref<128x128xf32, #tpu.memory_space<vmem_shared>>
      tpu.wait_dma2 semaphore(%run_scoped3A : memref<!tpu.dma_semaphore, #tpu.memory_space<semaphore_mem>>) src(%arg8 : memref<128x128xf32, #tpu.memory_space<vmem>>) dst(%dma_wait3A_29 : memref<128x128xf32, #tpu.memory_space<vmem_shared>>)
      tpu.yield
    }) : () -> ()
    %add3A_15 = arith.constant 512 : i32
    %add3A_16 = arith.addi %mul3A_7, %add3A_15 : i32
    "tpu.region"() ({
      %run_scoped3A = tpu.sem_alloc : memref<!tpu.dma_semaphore, #tpu.memory_space<semaphore_mem>>
      %dma_start3A = arith.constant 0 : i32
      %dma_start3A_24 = tpu.memref_slice %arg10[%add3A_16, %dma_start3A] : memref<10240x128xf32, #tpu.memory_space<vmem_shared>> -> memref<128x128xf32, #tpu.memory_space<vmem_shared>>
      %dma_start3A_25 = arith.constant 0 : i32
      %dma_start3A_26 = tpu.memref_slice %arg10[%add3A_16, %dma_start3A_25] : memref<10240x128xf32, #tpu.memory_space<vmem_shared>> -> memref<128x128xf32, #tpu.memory_space<vmem_shared>>
      tpu.enqueue_dma source(%arg8 : memref<128x128xf32, #tpu.memory_space<vmem>>) target(%dma_start3A_26 : memref<128x128xf32, #tpu.memory_space<vmem_shared>>) target_semaphore(%run_scoped3A : memref<!tpu.dma_semaphore, #tpu.memory_space<semaphore_mem>>)
      %dma_wait3A = arith.constant 0 : i32
      %dma_wait3A_27 = tpu.memref_slice %arg10[%add3A_16, %dma_wait3A] : memref<10240x128xf32, #tpu.memory_space<vmem_shared>> -> memref<128x128xf32, #tpu.memory_space<vmem_shared>>
      %dma_wait3A_28 = arith.constant 0 : i32
      %dma_wait3A_29 = tpu.memref_slice %arg10[%add3A_16, %dma_wait3A_28] : memref<10240x128xf32, #tpu.memory_space<vmem_shared>> -> memref<128x128xf32, #tpu.memory_space<vmem_shared>>
      tpu.wait_dma2 semaphore(%run_scoped3A : memref<!tpu.dma_semaphore, #tpu.memory_space<semaphore_mem>>) src(%arg8 : memref<128x128xf32, #tpu.memory_space<vmem>>) dst(%dma_wait3A_29 : memref<128x128xf32, #tpu.memory_space<vmem_shared>>)
      tpu.yield
    }) : () -> ()
    %barrier3A = arith.constant 0 : index
    tpu.barrier barrier_id(%barrier3A)
    %eq3A = arith.constant 0 : i32
    %eq3A_17 = arith.cmpi eq, %arg0, %eq3A : i32
    %convert_element_type3A = arith.extui %eq3A_17 : i1 to i32
    %cond3A = arith.constant 0 : i32
    %cond3A_18 = arith.cmpi ne, %convert_element_type3A, %cond3A : i32
    scf.if %cond3A_18 {
      %add3A_24 = arith.constant 0 : i32
      %add3A_25 = arith.addi %mul3A_0, %add3A_24 : i32
      %dma_start3A = arith.constant 0 : i32
      %dma_start3A_26 = arith.constant 0 : i32
      %dma_start3A_27 = arith.constant 0 : i32
      %dma_start3A_28 = tpu.memref_slice %arg7[%dma_start3A, %dma_start3A_26, %dma_start3A_27] : memref<2x2x128xi32, #tpu.memory_space<vmem>> -> memref<1x2x128xi32, #tpu.memory_space<vmem>>
      %dma_start3A_29 = tpu.memref_squeeze %dma_start3A_28 : memref<1x2x128xi32, #tpu.memory_space<vmem>> -> memref<2x128xi32, #tpu.memory_space<vmem>>
      %dma_start3A_30 = arith.constant 0 : i32
      %dma_start3A_31 = arith.constant 0 : i32
      %dma_start3A_32 = tpu.memref_slice %arg4[%add3A_25, %dma_start3A_30, %dma_start3A_31] : memref<1280x2x128xi32, #tpu.memory_space<hbm>> -> memref<1x2x128xi32, #tpu.memory_space<hbm>>
      %dma_start3A_33 = tpu.memref_squeeze %dma_start3A_32 : memref<1x2x128xi32, #tpu.memory_space<hbm>> -> memref<2x128xi32, #tpu.memory_space<hbm>>
      %dma_start3A_34 = arith.constant 0 : i32
      %dma_start3A_35 = arith.constant 0 : i32
      %dma_start3A_36 = tpu.memref_slice %arg7[%dma_start3A, %dma_start3A_34, %dma_start3A_35] : memref<2x2x128xi32, #tpu.memory_space<vmem>> -> memref<1x2x128xi32, #tpu.memory_space<vmem>>
      %dma_start3A_37 = tpu.memref_squeeze %dma_start3A_36 : memref<1x2x128xi32, #tpu.memory_space<vmem>> -> memref<2x128xi32, #tpu.memory_space<vmem>>
      %dma_start3A_38 = arith.constant 0 : i32
      %dma_start3A_39 = arith.constant 0 : i32
      %dma_start3A_40 = tpu.memref_slice %arg4[%add3A_25, %dma_start3A_38, %dma_start3A_39] : memref<1280x2x128xi32, #tpu.memory_space<hbm>> -> memref<1x2x128xi32, #tpu.memory_space<hbm>>
      %dma_start3A_41 = tpu.memref_squeeze %dma_start3A_40 : memref<1x2x128xi32, #tpu.memory_space<hbm>> -> memref<2x128xi32, #tpu.memory_space<hbm>>
      tpu.enqueue_dma source(%dma_start3A_41 : memref<2x128xi32, #tpu.memory_space<hbm>>) target(%dma_start3A_37 : memref<2x128xi32, #tpu.memory_space<vmem>>) target_semaphore(%arg11 : memref<!tpu.dma_semaphore, #tpu.memory_space<semaphore_mem>>)
      %add3A_42 = arith.constant 1 : i32
      %add3A_43 = arith.addi %mul3A_0, %add3A_42 : i32
      %dma_start3A_44 = arith.constant 1 : i32
      %dma_start3A_45 = arith.constant 0 : i32
      %dma_start3A_46 = arith.constant 0 : i32
      %dma_start3A_47 = tpu.memref_slice %arg7[%dma_start3A_44, %dma_start3A_45, %dma_start3A_46] : memref<2x2x128xi32, #tpu.memory_space<vmem>> -> memref<1x2x128xi32, #tpu.memory_space<vmem>>
      %dma_start3A_48 = tpu.memref_squeeze %dma_start3A_47 : memref<1x2x128xi32, #tpu.memory_space<vmem>> -> memref<2x128xi32, #tpu.memory_space<vmem>>
      %dma_start3A_49 = arith.constant 0 : i32
      %dma_start3A_50 = arith.constant 0 : i32
      %dma_start3A_51 = tpu.memref_slice %arg4[%add3A_43, %dma_start3A_49, %dma_start3A_50] : memref<1280x2x128xi32, #tpu.memory_space<hbm>> -> memref<1x2x128xi32, #tpu.memory_space<hbm>>
      %dma_start3A_52 = tpu.memref_squeeze %dma_start3A_51 : memref<1x2x128xi32, #tpu.memory_space<hbm>> -> memref<2x128xi32, #tpu.memory_space<hbm>>
      %dma_start3A_53 = arith.constant 0 : i32
      %dma_start3A_54 = arith.constant 0 : i32
      %dma_start3A_55 = tpu.memref_slice %arg7[%dma_start3A_44, %dma_start3A_53, %dma_start3A_54] : memref<2x2x128xi32, #tpu.memory_space<vmem>> -> memref<1x2x128xi32, #tpu.memory_space<vmem>>
      %dma_start3A_56 = tpu.memref_squeeze %dma_start3A_55 : memref<1x2x128xi32, #tpu.memory_space<vmem>> -> memref<2x128xi32, #tpu.memory_space<vmem>>
      %dma_start3A_57 = arith.constant 0 : i32
      %dma_start3A_58 = arith.constant 0 : i32
      %dma_start3A_59 = tpu.memref_slice %arg4[%add3A_43, %dma_start3A_57, %dma_start3A_58] : memref<1280x2x128xi32, #tpu.memory_space<hbm>> -> memref<1x2x128xi32, #tpu.memory_space<hbm>>
      %dma_start3A_60 = tpu.memref_squeeze %dma_start3A_59 : memref<1x2x128xi32, #tpu.memory_space<hbm>> -> memref<2x128xi32, #tpu.memory_space<hbm>>
      tpu.enqueue_dma source(%dma_start3A_60 : memref<2x128xi32, #tpu.memory_space<hbm>>) target(%dma_start3A_56 : memref<2x128xi32, #tpu.memory_space<vmem>>) target_semaphore(%arg12 : memref<!tpu.dma_semaphore, #tpu.memory_space<semaphore_mem>>)
      %add3A_61 = arith.constant 0 : i32
      %add3A_62 = arith.addi %mul3A_0, %add3A_61 : i32
      %dma_wait3A = arith.constant 0 : i32
      %dma_wait3A_63 = arith.constant 0 : i32
      %dma_wait3A_64 = arith.constant 0 : i32
      %dma_wait3A_65 = tpu.memref_slice %arg7[%dma_wait3A, %dma_wait3A_63, %dma_wait3A_64] : memref<2x2x128xi32, #tpu.memory_space<vmem>> -> memref<1x2x128xi32, #tpu.memory_space<vmem>>
      %dma_wait3A_66 = tpu.memref_squeeze %dma_wait3A_65 : memref<1x2x128xi32, #tpu.memory_space<vmem>> -> memref<2x128xi32, #tpu.memory_space<vmem>>
      %dma_wait3A_67 = arith.constant 0 : i32
      %dma_wait3A_68 = arith.constant 0 : i32
      %dma_wait3A_69 = tpu.memref_slice %arg4[%add3A_62, %dma_wait3A_67, %dma_wait3A_68] : memref<1280x2x128xi32, #tpu.memory_space<hbm>> -> memref<1x2x128xi32, #tpu.memory_space<hbm>>
      %dma_wait3A_70 = tpu.memref_squeeze %dma_wait3A_69 : memref<1x2x128xi32, #tpu.memory_space<hbm>> -> memref<2x128xi32, #tpu.memory_space<hbm>>
      %dma_wait3A_71 = arith.constant 0 : i32
      %dma_wait3A_72 = arith.constant 0 : i32
      %dma_wait3A_73 = tpu.memref_slice %arg7[%dma_wait3A, %dma_wait3A_71, %dma_wait3A_72] : memref<2x2x128xi32, #tpu.memory_space<vmem>> -> memref<1x2x128xi32, #tpu.memory_space<vmem>>
      %dma_wait3A_74 = tpu.memref_squeeze %dma_wait3A_73 : memref<1x2x128xi32, #tpu.memory_space<vmem>> -> memref<2x128xi32, #tpu.memory_space<vmem>>
      %dma_wait3A_75 = arith.constant 0 : i32
      %dma_wait3A_76 = arith.constant 0 : i32
      %dma_wait3A_77 = tpu.memref_slice %arg4[%add3A_62, %dma_wait3A_75, %dma_wait3A_76] : memref<1280x2x128xi32, #tpu.memory_space<hbm>> -> memref<1x2x128xi32, #tpu.memory_space<hbm>>
      %dma_wait3A_78 = tpu.memref_squeeze %dma_wait3A_77 : memref<1x2x128xi32, #tpu.memory_space<hbm>> -> memref<2x128xi32, #tpu.memory_space<hbm>>
      tpu.wait_dma2 semaphore(%arg11 : memref<!tpu.dma_semaphore, #tpu.memory_space<semaphore_mem>>) src(%dma_wait3A_78 : memref<2x128xi32, #tpu.memory_space<hbm>>) dst(%dma_wait3A_74 : memref<2x128xi32, #tpu.memory_space<vmem>>)
      %dma_start3A_79 = arith.constant 0 : i32
      %dma_start3A_80 = arith.constant 0 : i32
      %dma_start3A_81 = arith.constant 0 : i32
      %dma_start3A_82 = tpu.memref_slice %arg7[%dma_start3A_79, %dma_start3A_80, %dma_start3A_81] : memref<2x2x128xi32, #tpu.memory_space<vmem>> -> memref<1x1x128xi32, #tpu.memory_space<vmem>>
      %dma_start3A_83 = tpu.memref_squeeze %dma_start3A_82 : memref<1x1x128xi32, #tpu.memory_space<vmem>> -> memref<128xi32, #tpu.memory_space<vmem>>
      %dma_start3A_84 = arith.constant 0 : i32
      %dma_start3A_85 = arith.constant 0 : i32
      %dma_start3A_86 = tpu.memref_slice %arg2[%dma_start3A_84, %dma_start3A_85] : memref<10000x128xf32, #tpu.memory_space<hbm>> -> memref<10000x128xf32, #tpu.memory_space<hbm>>
      tpu.enqueue_indirect_dma source(%dma_start3A_86 : memref<10000x128xf32, #tpu.memory_space<hbm>>) target(%arg8 : memref<128x128xf32, #tpu.memory_space<vmem>>) offsets(%dma_start3A_83 : memref<128xi32, #tpu.memory_space<vmem>>) semaphore(%arg13 : memref<!tpu.dma_semaphore, #tpu.memory_space<semaphore_mem>>)
      %add3A_87 = arith.constant 1 : i32
      %add3A_88 = arith.addi %mul3A_0, %add3A_87 : i32
      %dma_wait3A_89 = arith.constant 1 : i32
      %dma_wait3A_90 = arith.constant 0 : i32
      %dma_wait3A_91 = arith.constant 0 : i32
      %dma_wait3A_92 = tpu.memref_slice %arg7[%dma_wait3A_89, %dma_wait3A_90, %dma_wait3A_91] : memref<2x2x128xi32, #tpu.memory_space<vmem>> -> memref<1x2x128xi32, #tpu.memory_space<vmem>>
      %dma_wait3A_93 = tpu.memref_squeeze %dma_wait3A_92 : memref<1x2x128xi32, #tpu.memory_space<vmem>> -> memref<2x128xi32, #tpu.memory_space<vmem>>
      %dma_wait3A_94 = arith.constant 0 : i32
      %dma_wait3A_95 = arith.constant 0 : i32
      %dma_wait3A_96 = tpu.memref_slice %arg4[%add3A_88, %dma_wait3A_94, %dma_wait3A_95] : memref<1280x2x128xi32, #tpu.memory_space<hbm>> -> memref<1x2x128xi32, #tpu.memory_space<hbm>>
      %dma_wait3A_97 = tpu.memref_squeeze %dma_wait3A_96 : memref<1x2x128xi32, #tpu.memory_space<hbm>> -> memref<2x128xi32, #tpu.memory_space<hbm>>
      %dma_wait3A_98 = arith.constant 0 : i32
      %dma_wait3A_99 = arith.constant 0 : i32
      %dma_wait3A_100 = tpu.memref_slice %arg7[%dma_wait3A_89, %dma_wait3A_98, %dma_wait3A_99] : memref<2x2x128xi32, #tpu.memory_space<vmem>> -> memref<1x2x128xi32, #tpu.memory_space<vmem>>
      %dma_wait3A_101 = tpu.memref_squeeze %dma_wait3A_100 : memref<1x2x128xi32, #tpu.memory_space<vmem>> -> memref<2x128xi32, #tpu.memory_space<vmem>>
      %dma_wait3A_102 = arith.constant 0 : i32
      %dma_wait3A_103 = arith.constant 0 : i32
      %dma_wait3A_104 = tpu.memref_slice %arg4[%add3A_88, %dma_wait3A_102, %dma_wait3A_103] : memref<1280x2x128xi32, #tpu.memory_space<hbm>> -> memref<1x2x128xi32, #tpu.memory_space<hbm>>
      %dma_wait3A_105 = tpu.memref_squeeze %dma_wait3A_104 : memref<1x2x128xi32, #tpu.memory_space<hbm>> -> memref<2x128xi32, #tpu.memory_space<hbm>>
      tpu.wait_dma2 semaphore(%arg12 : memref<!tpu.dma_semaphore, #tpu.memory_space<semaphore_mem>>) src(%dma_wait3A_105 : memref<2x128xi32, #tpu.memory_space<hbm>>) dst(%dma_wait3A_101 : memref<2x128xi32, #tpu.memory_space<vmem>>)
      %dma_start3A_106 = arith.constant 1 : i32
      %dma_start3A_107 = arith.constant 0 : i32
      %dma_start3A_108 = arith.constant 0 : i32
      %dma_start3A_109 = tpu.memref_slice %arg7[%dma_start3A_106, %dma_start3A_107, %dma_start3A_108] : memref<2x2x128xi32, #tpu.memory_space<vmem>> -> memref<1x1x128xi32, #tpu.memory_space<vmem>>
      %dma_start3A_110 = tpu.memref_squeeze %dma_start3A_109 : memref<1x1x128xi32, #tpu.memory_space<vmem>> -> memref<128xi32, #tpu.memory_space<vmem>>
      %dma_start3A_111 = arith.constant 0 : i32
      %dma_start3A_112 = arith.constant 0 : i32
      %dma_start3A_113 = tpu.memref_slice %arg2[%dma_start3A_111, %dma_start3A_112] : memref<10000x128xf32, #tpu.memory_space<hbm>> -> memref<10000x128xf32, #tpu.memory_space<hbm>>
      tpu.enqueue_indirect_dma source(%dma_start3A_113 : memref<10000x128xf32, #tpu.memory_space<hbm>>) target(%arg9 : memref<128x128xf32, #tpu.memory_space<vmem>>) offsets(%dma_start3A_110 : memref<128xi32, #tpu.memory_space<vmem>>) semaphore(%arg14 : memref<!tpu.dma_semaphore, #tpu.memory_space<semaphore_mem>>)
      %scan3A_114 = arith.constant 0 : i32
      %scan3A_115 = arith.constant 0 : i32
      %scan3A_116 = arith.constant 40 : i32
      %scan3A_117 = arith.addi %scan3A_115, %scan3A_116 : i32
      %scan3A_118 = arith.constant 1 : i32
      scf.for %scan3A_121 = %scan3A_115 to %scan3A_117 step %scan3A_118  : i32 {
        %mul3A_122 = arith.constant 2 : i32
        %mul3A_123 = arith.muli %scan3A_121, %mul3A_122 : i32
        %lt3A = arith.constant 39 : i32
        %lt3A_124 = arith.cmpi slt, %scan3A_121, %lt3A : i32
        %dma_wait3A_125 = arith.constant 0 : i32
        %dma_wait3A_126 = arith.constant 0 : i32
        %dma_wait3A_127 = arith.constant 0 : i32
        %dma_wait3A_128 = tpu.memref_slice %arg7[%dma_wait3A_125, %dma_wait3A_126, %dma_wait3A_127] : memref<2x2x128xi32, #tpu.memory_space<vmem>> -> memref<1x1x128xi32, #tpu.memory_space<vmem>>
        %dma_wait3A_129 = tpu.memref_squeeze %dma_wait3A_128 : memref<1x1x128xi32, #tpu.memory_space<vmem>> -> memref<128xi32, #tpu.memory_space<vmem>>
        %dma_wait3A_130 = arith.constant 0 : i32
        %dma_wait3A_131 = arith.constant 0 : i32
        %dma_wait3A_132 = tpu.memref_slice %arg2[%dma_wait3A_130, %dma_wait3A_131] : memref<10000x128xf32, #tpu.memory_space<hbm>> -> memref<10000x128xf32, #tpu.memory_space<hbm>>
        tpu.wait_indirect_dma semaphore(%arg13 : memref<!tpu.dma_semaphore, #tpu.memory_space<semaphore_mem>>) src(%dma_wait3A_132 : memref<10000x128xf32, #tpu.memory_space<hbm>>) dst(%arg8 : memref<128x128xf32, #tpu.memory_space<vmem>>)
        %dma_start3A_133 = arith.constant 0 : i32
        %dma_start3A_134 = arith.constant 1 : i32
        %dma_start3A_135 = arith.constant 0 : i32
        %dma_start3A_136 = tpu.memref_slice %arg7[%dma_start3A_133, %dma_start3A_134, %dma_start3A_135] : memref<2x2x128xi32, #tpu.memory_space<vmem>> -> memref<1x1x128xi32, #tpu.memory_space<vmem>>
        %dma_start3A_137 = tpu.memref_squeeze %dma_start3A_136 : memref<1x1x128xi32, #tpu.memory_space<vmem>> -> memref<128xi32, #tpu.memory_space<vmem>>
        %dma_start3A_138 = arith.constant 0 : i32
        %dma_start3A_139 = arith.constant 0 : i32
        %dma_start3A_140 = tpu.memref_slice %arg10[%dma_start3A_138, %dma_start3A_139] : memref<10240x128xf32, #tpu.memory_space<vmem_shared>> -> memref<10240x128xf32, #tpu.memory_space<vmem_shared>>
        tpu.enqueue_indirect_dma source(%arg8 : memref<128x128xf32, #tpu.memory_space<vmem>>) target(%dma_start3A_140 : memref<10240x128xf32, #tpu.memory_space<vmem_shared>>) offsets(%dma_start3A_137 : memref<128xi32, #tpu.memory_space<vmem>>) semaphore(%arg15 : memref<!tpu.dma_semaphore, #tpu.memory_space<semaphore_mem>>) {add = true}
        %dma_wait3A_141 = arith.constant 0 : i32
        %dma_wait3A_142 = arith.constant 1 : i32
        %dma_wait3A_143 = arith.constant 0 : i32
        %dma_wait3A_144 = tpu.memref_slice %arg7[%dma_wait3A_141, %dma_wait3A_142, %dma_wait3A_143] : memref<2x2x128xi32, #tpu.memory_space<vmem>> -> memref<1x1x128xi32, #tpu.memory_space<vmem>>
        %dma_wait3A_145 = tpu.memref_squeeze %dma_wait3A_144 : memref<1x1x128xi32, #tpu.memory_space<vmem>> -> memref<128xi32, #tpu.memory_space<vmem>>
        %dma_wait3A_146 = arith.constant 0 : i32
        %dma_wait3A_147 = arith.constant 0 : i32
        %dma_wait3A_148 = tpu.memref_slice %arg10[%dma_wait3A_146, %dma_wait3A_147] : memref<10240x128xf32, #tpu.memory_space<vmem_shared>> -> memref<10240x128xf32, #tpu.memory_space<vmem_shared>>
        tpu.wait_indirect_dma semaphore(%arg15 : memref<!tpu.dma_semaphore, #tpu.memory_space<semaphore_mem>>) src(%arg8 : memref<128x128xf32, #tpu.memory_space<vmem>>) dst(%dma_wait3A_148 : memref<10240x128xf32, #tpu.memory_space<vmem_shared>>)
        %convert_element_type3A_149 = arith.extui %lt3A_124 : i1 to i32
        %cond3A_150 = arith.constant 0 : i32
        %cond3A_151 = arith.cmpi ne, %convert_element_type3A_149, %cond3A_150 : i32
        scf.if %cond3A_151 {
          %add3A_182 = arith.constant 2 : i32
          %add3A_183 = arith.addi %mul3A_123, %add3A_182 : i32
          %add3A_184 = arith.addi %mul3A_0, %add3A_183 : i32
          %dma_start3A_185 = arith.constant 0 : i32
          %dma_start3A_186 = arith.constant 0 : i32
          %dma_start3A_187 = arith.constant 0 : i32
          %dma_start3A_188 = tpu.memref_slice %arg7[%dma_start3A_185, %dma_start3A_186, %dma_start3A_187] : memref<2x2x128xi32, #tpu.memory_space<vmem>> -> memref<1x2x128xi32, #tpu.memory_space<vmem>>
          %dma_start3A_189 = tpu.memref_squeeze %dma_start3A_188 : memref<1x2x128xi32, #tpu.memory_space<vmem>> -> memref<2x128xi32, #tpu.memory_space<vmem>>
          %dma_start3A_190 = arith.constant 0 : i32
          %dma_start3A_191 = arith.constant 0 : i32
          %dma_start3A_192 = tpu.memref_slice %arg4[%add3A_184, %dma_start3A_190, %dma_start3A_191] : memref<1280x2x128xi32, #tpu.memory_space<hbm>> -> memref<1x2x128xi32, #tpu.memory_space<hbm>>
          %dma_start3A_193 = tpu.memref_squeeze %dma_start3A_192 : memref<1x2x128xi32, #tpu.memory_space<hbm>> -> memref<2x128xi32, #tpu.memory_space<hbm>>
          %dma_start3A_194 = arith.constant 0 : i32
          %dma_start3A_195 = arith.constant 0 : i32
          %dma_start3A_196 = tpu.memref_slice %arg7[%dma_start3A_185, %dma_start3A_194, %dma_start3A_195] : memref<2x2x128xi32, #tpu.memory_space<vmem>> -> memref<1x2x128xi32, #tpu.memory_space<vmem>>
          %dma_start3A_197 = tpu.memref_squeeze %dma_start3A_196 : memref<1x2x128xi32, #tpu.memory_space<vmem>> -> memref<2x128xi32, #tpu.memory_space<vmem>>
          %dma_start3A_198 = arith.constant 0 : i32
          %dma_start3A_199 = arith.constant 0 : i32
          %dma_start3A_200 = tpu.memref_slice %arg4[%add3A_184, %dma_start3A_198, %dma_start3A_199] : memref<1280x2x128xi32, #tpu.memory_space<hbm>> -> memref<1x2x128xi32, #tpu.memory_space<hbm>>
          %dma_start3A_201 = tpu.memref_squeeze %dma_start3A_200 : memref<1x2x128xi32, #tpu.memory_space<hbm>> -> memref<2x128xi32, #tpu.memory_space<hbm>>
          tpu.enqueue_dma source(%dma_start3A_201 : memref<2x128xi32, #tpu.memory_space<hbm>>) target(%dma_start3A_197 : memref<2x128xi32, #tpu.memory_space<vmem>>) target_semaphore(%arg11 : memref<!tpu.dma_semaphore, #tpu.memory_space<semaphore_mem>>)
        } else {
        }
        %dma_wait3A_152 = arith.constant 1 : i32
        %dma_wait3A_153 = arith.constant 0 : i32
        %dma_wait3A_154 = arith.constant 0 : i32
        %dma_wait3A_155 = tpu.memref_slice %arg7[%dma_wait3A_152, %dma_wait3A_153, %dma_wait3A_154] : memref<2x2x128xi32, #tpu.memory_space<vmem>> -> memref<1x1x128xi32, #tpu.memory_space<vmem>>
        %dma_wait3A_156 = tpu.memref_squeeze %dma_wait3A_155 : memref<1x1x128xi32, #tpu.memory_space<vmem>> -> memref<128xi32, #tpu.memory_space<vmem>>
        %dma_wait3A_157 = arith.constant 0 : i32
        %dma_wait3A_158 = arith.constant 0 : i32
        %dma_wait3A_159 = tpu.memref_slice %arg2[%dma_wait3A_157, %dma_wait3A_158] : memref<10000x128xf32, #tpu.memory_space<hbm>> -> memref<10000x128xf32, #tpu.memory_space<hbm>>
        tpu.wait_indirect_dma semaphore(%arg14 : memref<!tpu.dma_semaphore, #tpu.memory_space<semaphore_mem>>) src(%dma_wait3A_159 : memref<10000x128xf32, #tpu.memory_space<hbm>>) dst(%arg9 : memref<128x128xf32, #tpu.memory_space<vmem>>)
        %dma_start3A_160 = arith.constant 1 : i32
        %dma_start3A_161 = arith.constant 1 : i32
        %dma_start3A_162 = arith.constant 0 : i32
        %dma_start3A_163 = tpu.memref_slice %arg7[%dma_start3A_160, %dma_start3A_161, %dma_start3A_162] : memref<2x2x128xi32, #tpu.memory_space<vmem>> -> memref<1x1x128xi32, #tpu.memory_space<vmem>>
        %dma_start3A_164 = tpu.memref_squeeze %dma_start3A_163 : memref<1x1x128xi32, #tpu.memory_space<vmem>> -> memref<128xi32, #tpu.memory_space<vmem>>
        %dma_start3A_165 = arith.constant 0 : i32
        %dma_start3A_166 = arith.constant 0 : i32
        %dma_start3A_167 = tpu.memref_slice %arg10[%dma_start3A_165, %dma_start3A_166] : memref<10240x128xf32, #tpu.memory_space<vmem_shared>> -> memref<10240x128xf32, #tpu.memory_space<vmem_shared>>
        tpu.enqueue_indirect_dma source(%arg9 : memref<128x128xf32, #tpu.memory_space<vmem>>) target(%dma_start3A_167 : memref<10240x128xf32, #tpu.memory_space<vmem_shared>>) offsets(%dma_start3A_164 : memref<128xi32, #tpu.memory_space<vmem>>) semaphore(%arg16 : memref<!tpu.dma_semaphore, #tpu.memory_space<semaphore_mem>>) {add = true}
        %convert_element_type3A_168 = arith.extui %lt3A_124 : i1 to i32
        %cond3A_169 = arith.constant 0 : i32
        %cond3A_170 = arith.cmpi ne, %convert_element_type3A_168, %cond3A_169 : i32
        scf.if %cond3A_170 {
          %add3A_182 = arith.constant 0 : i32
          %add3A_183 = arith.addi %mul3A_0, %add3A_182 : i32
          %dma_wait3A_184 = arith.constant 0 : i32
          %dma_wait3A_185 = arith.constant 0 : i32
          %dma_wait3A_186 = arith.constant 0 : i32
          %dma_wait3A_187 = tpu.memref_slice %arg7[%dma_wait3A_184, %dma_wait3A_185, %dma_wait3A_186] : memref<2x2x128xi32, #tpu.memory_space<vmem>> -> memref<1x2x128xi32, #tpu.memory_space<vmem>>
          %dma_wait3A_188 = tpu.memref_squeeze %dma_wait3A_187 : memref<1x2x128xi32, #tpu.memory_space<vmem>> -> memref<2x128xi32, #tpu.memory_space<vmem>>
          %dma_wait3A_189 = arith.constant 0 : i32
          %dma_wait3A_190 = arith.constant 0 : i32
          %dma_wait3A_191 = tpu.memref_slice %arg4[%add3A_183, %dma_wait3A_189, %dma_wait3A_190] : memref<1280x2x128xi32, #tpu.memory_space<hbm>> -> memref<1x2x128xi32, #tpu.memory_space<hbm>>
          %dma_wait3A_192 = tpu.memref_squeeze %dma_wait3A_191 : memref<1x2x128xi32, #tpu.memory_space<hbm>> -> memref<2x128xi32, #tpu.memory_space<hbm>>
          %dma_wait3A_193 = arith.constant 0 : i32
          %dma_wait3A_194 = arith.constant 0 : i32
          %dma_wait3A_195 = tpu.memref_slice %arg7[%dma_wait3A_184, %dma_wait3A_193, %dma_wait3A_194] : memref<2x2x128xi32, #tpu.memory_space<vmem>> -> memref<1x2x128xi32, #tpu.memory_space<vmem>>
          %dma_wait3A_196 = tpu.memref_squeeze %dma_wait3A_195 : memref<1x2x128xi32, #tpu.memory_space<vmem>> -> memref<2x128xi32, #tpu.memory_space<vmem>>
          %dma_wait3A_197 = arith.constant 0 : i32
          %dma_wait3A_198 = arith.constant 0 : i32
          %dma_wait3A_199 = tpu.memref_slice %arg4[%add3A_183, %dma_wait3A_197, %dma_wait3A_198] : memref<1280x2x128xi32, #tpu.memory_space<hbm>> -> memref<1x2x128xi32, #tpu.memory_space<hbm>>
          %dma_wait3A_200 = tpu.memref_squeeze %dma_wait3A_199 : memref<1x2x128xi32, #tpu.memory_space<hbm>> -> memref<2x128xi32, #tpu.memory_space<hbm>>
          tpu.wait_dma2 semaphore(%arg11 : memref<!tpu.dma_semaphore, #tpu.memory_space<semaphore_mem>>) src(%dma_wait3A_200 : memref<2x128xi32, #tpu.memory_space<hbm>>) dst(%dma_wait3A_196 : memref<2x128xi32, #tpu.memory_space<vmem>>)
          %dma_start3A_201 = arith.constant 0 : i32
          %dma_start3A_202 = arith.constant 0 : i32
          %dma_start3A_203 = arith.constant 0 : i32
          %dma_start3A_204 = tpu.memref_slice %arg7[%dma_start3A_201, %dma_start3A_202, %dma_start3A_203] : memref<2x2x128xi32, #tpu.memory_space<vmem>> -> memref<1x1x128xi32, #tpu.memory_space<vmem>>
          %dma_start3A_205 = tpu.memref_squeeze %dma_start3A_204 : memref<1x1x128xi32, #tpu.memory_space<vmem>> -> memref<128xi32, #tpu.memory_space<vmem>>
          %dma_start3A_206 = arith.constant 0 : i32
          %dma_start3A_207 = arith.constant 0 : i32
          %dma_start3A_208 = tpu.memref_slice %arg2[%dma_start3A_206, %dma_start3A_207] : memref<10000x128xf32, #tpu.memory_space<hbm>> -> memref<10000x128xf32, #tpu.memory_space<hbm>>
          tpu.enqueue_indirect_dma source(%dma_start3A_208 : memref<10000x128xf32, #tpu.memory_space<hbm>>) target(%arg8 : memref<128x128xf32, #tpu.memory_space<vmem>>) offsets(%dma_start3A_205 : memref<128xi32, #tpu.memory_space<vmem>>) semaphore(%arg13 : memref<!tpu.dma_semaphore, #tpu.memory_space<semaphore_mem>>)
        } else {
        }
        %dma_wait3A_171 = arith.constant 1 : i32
        %dma_wait3A_172 = arith.constant 1 : i32
        %dma_wait3A_173 = arith.constant 0 : i32
        %dma_wait3A_174 = tpu.memref_slice %arg7[%dma_wait3A_171, %dma_wait3A_172, %dma_wait3A_173] : memref<2x2x128xi32, #tpu.memory_space<vmem>> -> memref<1x1x128xi32, #tpu.memory_space<vmem>>
        %dma_wait3A_175 = tpu.memref_squeeze %dma_wait3A_174 : memref<1x1x128xi32, #tpu.memory_space<vmem>> -> memref<128xi32, #tpu.memory_space<vmem>>
        %dma_wait3A_176 = arith.constant 0 : i32
        %dma_wait3A_177 = arith.constant 0 : i32
        %dma_wait3A_178 = tpu.memref_slice %arg10[%dma_wait3A_176, %dma_wait3A_177] : memref<10240x128xf32, #tpu.memory_space<vmem_shared>> -> memref<10240x128xf32, #tpu.memory_space<vmem_shared>>
        tpu.wait_indirect_dma semaphore(%arg16 : memref<!tpu.dma_semaphore, #tpu.memory_space<semaphore_mem>>) src(%arg9 : memref<128x128xf32, #tpu.memory_space<vmem>>) dst(%dma_wait3A_178 : memref<10240x128xf32, #tpu.memory_space<vmem_shared>>)
        %convert_element_type3A_179 = arith.extui %lt3A_124 : i1 to i32
        %cond3A_180 = arith.constant 0 : i32
        %cond3A_181 = arith.cmpi ne, %convert_element_type3A_179, %cond3A_180 : i32
        scf.if %cond3A_181 {
          %add3A_182 = arith.constant 3 : i32
          %add3A_183 = arith.addi %mul3A_123, %add3A_182 : i32
          %add3A_184 = arith.addi %mul3A_0, %add3A_183 : i32
          %dma_start3A_185 = arith.constant 1 : i32
          %dma_start3A_186 = arith.constant 0 : i32
          %dma_start3A_187 = arith.constant 0 : i32
          %dma_start3A_188 = tpu.memref_slice %arg7[%dma_start3A_185, %dma_start3A_186, %dma_start3A_187] : memref<2x2x128xi32, #tpu.memory_space<vmem>> -> memref<1x2x128xi32, #tpu.memory_space<vmem>>
          %dma_start3A_189 = tpu.memref_squeeze %dma_start3A_188 : memref<1x2x128xi32, #tpu.memory_space<vmem>> -> memref<2x128xi32, #tpu.memory_space<vmem>>
          %dma_start3A_190 = arith.constant 0 : i32
          %dma_start3A_191 = arith.constant 0 : i32
          %dma_start3A_192 = tpu.memref_slice %arg4[%add3A_184, %dma_start3A_190, %dma_start3A_191] : memref<1280x2x128xi32, #tpu.memory_space<hbm>> -> memref<1x2x128xi32, #tpu.memory_space<hbm>>
          %dma_start3A_193 = tpu.memref_squeeze %dma_start3A_192 : memref<1x2x128xi32, #tpu.memory_space<hbm>> -> memref<2x128xi32, #tpu.memory_space<hbm>>
          %dma_start3A_194 = arith.constant 0 : i32
          %dma_start3A_195 = arith.constant 0 : i32
          %dma_start3A_196 = tpu.memref_slice %arg7[%dma_start3A_185, %dma_start3A_194, %dma_start3A_195] : memref<2x2x128xi32, #tpu.memory_space<vmem>> -> memref<1x2x128xi32, #tpu.memory_space<vmem>>
          %dma_start3A_197 = tpu.memref_squeeze %dma_start3A_196 : memref<1x2x128xi32, #tpu.memory_space<vmem>> -> memref<2x128xi32, #tpu.memory_space<vmem>>
          %dma_start3A_198 = arith.constant 0 : i32
          %dma_start3A_199 = arith.constant 0 : i32
          %dma_start3A_200 = tpu.memref_slice %arg4[%add3A_184, %dma_start3A_198, %dma_start3A_199] : memref<1280x2x128xi32, #tpu.memory_space<hbm>> -> memref<1x2x128xi32, #tpu.memory_space<hbm>>
          %dma_start3A_201 = tpu.memref_squeeze %dma_start3A_200 : memref<1x2x128xi32, #tpu.memory_space<hbm>> -> memref<2x128xi32, #tpu.memory_space<hbm>>
          tpu.enqueue_dma source(%dma_start3A_201 : memref<2x128xi32, #tpu.memory_space<hbm>>) target(%dma_start3A_197 : memref<2x128xi32, #tpu.memory_space<vmem>>) target_semaphore(%arg12 : memref<!tpu.dma_semaphore, #tpu.memory_space<semaphore_mem>>)
          %add3A_202 = arith.constant 1 : i32
          %add3A_203 = arith.addi %mul3A_0, %add3A_202 : i32
          %dma_wait3A_204 = arith.constant 1 : i32
          %dma_wait3A_205 = arith.constant 0 : i32
          %dma_wait3A_206 = arith.constant 0 : i32
          %dma_wait3A_207 = tpu.memref_slice %arg7[%dma_wait3A_204, %dma_wait3A_205, %dma_wait3A_206] : memref<2x2x128xi32, #tpu.memory_space<vmem>> -> memref<1x2x128xi32, #tpu.memory_space<vmem>>
          %dma_wait3A_208 = tpu.memref_squeeze %dma_wait3A_207 : memref<1x2x128xi32, #tpu.memory_space<vmem>> -> memref<2x128xi32, #tpu.memory_space<vmem>>
          %dma_wait3A_209 = arith.constant 0 : i32
          %dma_wait3A_210 = arith.constant 0 : i32
          %dma_wait3A_211 = tpu.memref_slice %arg4[%add3A_203, %dma_wait3A_209, %dma_wait3A_210] : memref<1280x2x128xi32, #tpu.memory_space<hbm>> -> memref<1x2x128xi32, #tpu.memory_space<hbm>>
          %dma_wait3A_212 = tpu.memref_squeeze %dma_wait3A_211 : memref<1x2x128xi32, #tpu.memory_space<hbm>> -> memref<2x128xi32, #tpu.memory_space<hbm>>
          %dma_wait3A_213 = arith.constant 0 : i32
          %dma_wait3A_214 = arith.constant 0 : i32
          %dma_wait3A_215 = tpu.memref_slice %arg7[%dma_wait3A_204, %dma_wait3A_213, %dma_wait3A_214] : memref<2x2x128xi32, #tpu.memory_space<vmem>> -> memref<1x2x128xi32, #tpu.memory_space<vmem>>
          %dma_wait3A_216 = tpu.memref_squeeze %dma_wait3A_215 : memref<1x2x128xi32, #tpu.memory_space<vmem>> -> memref<2x128xi32, #tpu.memory_space<vmem>>
          %dma_wait3A_217 = arith.constant 0 : i32
          %dma_wait3A_218 = arith.constant 0 : i32
          %dma_wait3A_219 = tpu.memref_slice %arg4[%add3A_203, %dma_wait3A_217, %dma_wait3A_218] : memref<1280x2x128xi32, #tpu.memory_space<hbm>> -> memref<1x2x128xi32, #tpu.memory_space<hbm>>
          %dma_wait3A_220 = tpu.memref_squeeze %dma_wait3A_219 : memref<1x2x128xi32, #tpu.memory_space<hbm>> -> memref<2x128xi32, #tpu.memory_space<hbm>>
          tpu.wait_dma2 semaphore(%arg12 : memref<!tpu.dma_semaphore, #tpu.memory_space<semaphore_mem>>) src(%dma_wait3A_220 : memref<2x128xi32, #tpu.memory_space<hbm>>) dst(%dma_wait3A_216 : memref<2x128xi32, #tpu.memory_space<vmem>>)
          %dma_start3A_221 = arith.constant 1 : i32
          %dma_start3A_222 = arith.constant 0 : i32
          %dma_start3A_223 = arith.constant 0 : i32
          %dma_start3A_224 = tpu.memref_slice %arg7[%dma_start3A_221, %dma_start3A_222, %dma_start3A_223] : memref<2x2x128xi32, #tpu.memory_space<vmem>> -> memref<1x1x128xi32, #tpu.memory_space<vmem>>
          %dma_start3A_225 = tpu.memref_squeeze %dma_start3A_224 : memref<1x1x128xi32, #tpu.memory_space<vmem>> -> memref<128xi32, #tpu.memory_space<vmem>>
          %dma_start3A_226 = arith.constant 0 : i32
          %dma_start3A_227 = arith.constant 0 : i32
          %dma_start3A_228 = tpu.memref_slice %arg2[%dma_start3A_226, %dma_start3A_227] : memref<10000x128xf32, #tpu.memory_space<hbm>> -> memref<10000x128xf32, #tpu.memory_space<hbm>>
          tpu.enqueue_indirect_dma source(%dma_start3A_228 : memref<10000x128xf32, #tpu.memory_space<hbm>>) target(%arg9 : memref<128x128xf32, #tpu.memory_space<vmem>>) offsets(%dma_start3A_225 : memref<128xi32, #tpu.memory_space<vmem>>) semaphore(%arg14 : memref<!tpu.dma_semaphore, #tpu.memory_space<semaphore_mem>>)
        } else {
        }
      }
      %scan3A_119 = arith.constant 40 : i32
      %barrier3A_120 = arith.constant 0 : index
      tpu.barrier barrier_id(%barrier3A_120)
      "tpu.region"() ({
        %run_scoped3A = tpu.sem_alloc : memref<!tpu.dma_semaphore, #tpu.memory_space<semaphore_mem>>
        %dma_start3A_121 = arith.constant 0 : i32
        %dma_start3A_122 = tpu.memref_slice %arg5[%mul3A_7, %dma_start3A_121] : memref<10240x128xf32, #tpu.memory_space<hbm>> -> memref<640x128xf32, #tpu.memory_space<hbm>>
        %dma_start3A_123 = arith.constant 0 : i32
        %dma_start3A_124 = tpu.memref_slice %arg10[%mul3A_7, %dma_start3A_123] : memref<10240x128xf32, #tpu.memory_space<vmem_shared>> -> memref<640x128xf32, #tpu.memory_space<vmem_shared>>
        tpu.enqueue_dma source(%dma_start3A_124 : memref<640x128xf32, #tpu.memory_space<vmem_shared>>) target(%dma_start3A_122 : memref<640x128xf32, #tpu.memory_space<hbm>>) target_semaphore(%run_scoped3A : memref<!tpu.dma_semaphore, #tpu.memory_space<semaphore_mem>>)
        %dma_wait3A_125 = arith.constant 0 : i32
        %dma_wait3A_126 = tpu.memref_slice %arg5[%mul3A_7, %dma_wait3A_125] : memref<10240x128xf32, #tpu.memory_space<hbm>> -> memref<640x128xf32, #tpu.memory_space<hbm>>
        %dma_wait3A_127 = arith.constant 0 : i32
        %dma_wait3A_128 = tpu.memref_slice %arg10[%mul3A_7, %dma_wait3A_127] : memref<10240x128xf32, #tpu.memory_space<vmem_shared>> -> memref<640x128xf32, #tpu.memory_space<vmem_shared>>
        tpu.wait_dma2 semaphore(%run_scoped3A : memref<!tpu.dma_semaphore, #tpu.memory_space<semaphore_mem>>) src(%dma_wait3A_128 : memref<640x128xf32, #tpu.memory_space<vmem_shared>>) dst(%dma_wait3A_126 : memref<640x128xf32, #tpu.memory_space<hbm>>)
        tpu.yield
      }) : () -> ()
    } else {
    }
    %eq3A_19 = arith.constant 1 : i32
    %eq3A_20 = arith.cmpi eq, %arg0, %eq3A_19 : i32
    %convert_element_type3A_21 = arith.extui %eq3A_20 : i1 to i32
    %cond3A_22 = arith.constant 0 : i32
    %cond3A_23 = arith.cmpi ne, %convert_element_type3A_21, %cond3A_22 : i32
    scf.if %cond3A_23 {
      %add3A_24 = arith.constant 0 : i32
      %add3A_25 = arith.addi %mul3A_0, %add3A_24 : i32
      %dma_start3A = arith.constant 0 : i32
      %dma_start3A_26 = arith.constant 0 : i32
      %dma_start3A_27 = arith.constant 0 : i32
      %dma_start3A_28 = tpu.memref_slice %arg7[%dma_start3A, %dma_start3A_26, %dma_start3A_27] : memref<2x2x128xi32, #tpu.memory_space<vmem>> -> memref<1x2x128xi32, #tpu.memory_space<vmem>>
      %dma_start3A_29 = tpu.memref_squeeze %dma_start3A_28 : memref<1x2x128xi32, #tpu.memory_space<vmem>> -> memref<2x128xi32, #tpu.memory_space<vmem>>
      %dma_start3A_30 = arith.constant 0 : i32
      %dma_start3A_31 = arith.constant 0 : i32
      %dma_start3A_32 = tpu.memref_slice %arg4[%add3A_25, %dma_start3A_30, %dma_start3A_31] : memref<1280x2x128xi32, #tpu.memory_space<hbm>> -> memref<1x2x128xi32, #tpu.memory_space<hbm>>
      %dma_start3A_33 = tpu.memref_squeeze %dma_start3A_32 : memref<1x2x128xi32, #tpu.memory_space<hbm>> -> memref<2x128xi32, #tpu.memory_space<hbm>>
      %dma_start3A_34 = arith.constant 0 : i32
      %dma_start3A_35 = arith.constant 0 : i32
      %dma_start3A_36 = tpu.memref_slice %arg7[%dma_start3A, %dma_start3A_34, %dma_start3A_35] : memref<2x2x128xi32, #tpu.memory_space<vmem>> -> memref<1x2x128xi32, #tpu.memory_space<vmem>>
      %dma_start3A_37 = tpu.memref_squeeze %dma_start3A_36 : memref<1x2x128xi32, #tpu.memory_space<vmem>> -> memref<2x128xi32, #tpu.memory_space<vmem>>
      %dma_start3A_38 = arith.constant 0 : i32
      %dma_start3A_39 = arith.constant 0 : i32
      %dma_start3A_40 = tpu.memref_slice %arg4[%add3A_25, %dma_start3A_38, %dma_start3A_39] : memref<1280x2x128xi32, #tpu.memory_space<hbm>> -> memref<1x2x128xi32, #tpu.memory_space<hbm>>
      %dma_start3A_41 = tpu.memref_squeeze %dma_start3A_40 : memref<1x2x128xi32, #tpu.memory_space<hbm>> -> memref<2x128xi32, #tpu.memory_space<hbm>>
      tpu.enqueue_dma source(%dma_start3A_41 : memref<2x128xi32, #tpu.memory_space<hbm>>) target(%dma_start3A_37 : memref<2x128xi32, #tpu.memory_space<vmem>>) target_semaphore(%arg11 : memref<!tpu.dma_semaphore, #tpu.memory_space<semaphore_mem>>)
      %add3A_42 = arith.constant 1 : i32
      %add3A_43 = arith.addi %mul3A_0, %add3A_42 : i32
      %dma_start3A_44 = arith.constant 1 : i32
      %dma_start3A_45 = arith.constant 0 : i32
      %dma_start3A_46 = arith.constant 0 : i32
      %dma_start3A_47 = tpu.memref_slice %arg7[%dma_start3A_44, %dma_start3A_45, %dma_start3A_46] : memref<2x2x128xi32, #tpu.memory_space<vmem>> -> memref<1x2x128xi32, #tpu.memory_space<vmem>>
      %dma_start3A_48 = tpu.memref_squeeze %dma_start3A_47 : memref<1x2x128xi32, #tpu.memory_space<vmem>> -> memref<2x128xi32, #tpu.memory_space<vmem>>
      %dma_start3A_49 = arith.constant 0 : i32
      %dma_start3A_50 = arith.constant 0 : i32
      %dma_start3A_51 = tpu.memref_slice %arg4[%add3A_43, %dma_start3A_49, %dma_start3A_50] : memref<1280x2x128xi32, #tpu.memory_space<hbm>> -> memref<1x2x128xi32, #tpu.memory_space<hbm>>
      %dma_start3A_52 = tpu.memref_squeeze %dma_start3A_51 : memref<1x2x128xi32, #tpu.memory_space<hbm>> -> memref<2x128xi32, #tpu.memory_space<hbm>>
      %dma_start3A_53 = arith.constant 0 : i32
      %dma_start3A_54 = arith.constant 0 : i32
      %dma_start3A_55 = tpu.memref_slice %arg7[%dma_start3A_44, %dma_start3A_53, %dma_start3A_54] : memref<2x2x128xi32, #tpu.memory_space<vmem>> -> memref<1x2x128xi32, #tpu.memory_space<vmem>>
      %dma_start3A_56 = tpu.memref_squeeze %dma_start3A_55 : memref<1x2x128xi32, #tpu.memory_space<vmem>> -> memref<2x128xi32, #tpu.memory_space<vmem>>
      %dma_start3A_57 = arith.constant 0 : i32
      %dma_start3A_58 = arith.constant 0 : i32
      %dma_start3A_59 = tpu.memref_slice %arg4[%add3A_43, %dma_start3A_57, %dma_start3A_58] : memref<1280x2x128xi32, #tpu.memory_space<hbm>> -> memref<1x2x128xi32, #tpu.memory_space<hbm>>
      %dma_start3A_60 = tpu.memref_squeeze %dma_start3A_59 : memref<1x2x128xi32, #tpu.memory_space<hbm>> -> memref<2x128xi32, #tpu.memory_space<hbm>>
      tpu.enqueue_dma source(%dma_start3A_60 : memref<2x128xi32, #tpu.memory_space<hbm>>) target(%dma_start3A_56 : memref<2x128xi32, #tpu.memory_space<vmem>>) target_semaphore(%arg12 : memref<!tpu.dma_semaphore, #tpu.memory_space<semaphore_mem>>)
      %add3A_61 = arith.constant 0 : i32
      %add3A_62 = arith.addi %mul3A_0, %add3A_61 : i32
      %dma_wait3A = arith.constant 0 : i32
      %dma_wait3A_63 = arith.constant 0 : i32
      %dma_wait3A_64 = arith.constant 0 : i32
      %dma_wait3A_65 = tpu.memref_slice %arg7[%dma_wait3A, %dma_wait3A_63, %dma_wait3A_64] : memref<2x2x128xi32, #tpu.memory_space<vmem>> -> memref<1x2x128xi32, #tpu.memory_space<vmem>>
      %dma_wait3A_66 = tpu.memref_squeeze %dma_wait3A_65 : memref<1x2x128xi32, #tpu.memory_space<vmem>> -> memref<2x128xi32, #tpu.memory_space<vmem>>
      %dma_wait3A_67 = arith.constant 0 : i32
      %dma_wait3A_68 = arith.constant 0 : i32
      %dma_wait3A_69 = tpu.memref_slice %arg4[%add3A_62, %dma_wait3A_67, %dma_wait3A_68] : memref<1280x2x128xi32, #tpu.memory_space<hbm>> -> memref<1x2x128xi32, #tpu.memory_space<hbm>>
      %dma_wait3A_70 = tpu.memref_squeeze %dma_wait3A_69 : memref<1x2x128xi32, #tpu.memory_space<hbm>> -> memref<2x128xi32, #tpu.memory_space<hbm>>
      %dma_wait3A_71 = arith.constant 0 : i32
      %dma_wait3A_72 = arith.constant 0 : i32
      %dma_wait3A_73 = tpu.memref_slice %arg7[%dma_wait3A, %dma_wait3A_71, %dma_wait3A_72] : memref<2x2x128xi32, #tpu.memory_space<vmem>> -> memref<1x2x128xi32, #tpu.memory_space<vmem>>
      %dma_wait3A_74 = tpu.memref_squeeze %dma_wait3A_73 : memref<1x2x128xi32, #tpu.memory_space<vmem>> -> memref<2x128xi32, #tpu.memory_space<vmem>>
      %dma_wait3A_75 = arith.constant 0 : i32
      %dma_wait3A_76 = arith.constant 0 : i32
      %dma_wait3A_77 = tpu.memref_slice %arg4[%add3A_62, %dma_wait3A_75, %dma_wait3A_76] : memref<1280x2x128xi32, #tpu.memory_space<hbm>> -> memref<1x2x128xi32, #tpu.memory_space<hbm>>
      %dma_wait3A_78 = tpu.memref_squeeze %dma_wait3A_77 : memref<1x2x128xi32, #tpu.memory_space<hbm>> -> memref<2x128xi32, #tpu.memory_space<hbm>>
      tpu.wait_dma2 semaphore(%arg11 : memref<!tpu.dma_semaphore, #tpu.memory_space<semaphore_mem>>) src(%dma_wait3A_78 : memref<2x128xi32, #tpu.memory_space<hbm>>) dst(%dma_wait3A_74 : memref<2x128xi32, #tpu.memory_space<vmem>>)
      %dma_start3A_79 = arith.constant 0 : i32
      %dma_start3A_80 = arith.constant 0 : i32
      %dma_start3A_81 = arith.constant 0 : i32
      %dma_start3A_82 = tpu.memref_slice %arg7[%dma_start3A_79, %dma_start3A_80, %dma_start3A_81] : memref<2x2x128xi32, #tpu.memory_space<vmem>> -> memref<1x1x128xi32, #tpu.memory_space<vmem>>
      %dma_start3A_83 = tpu.memref_squeeze %dma_start3A_82 : memref<1x1x128xi32, #tpu.memory_space<vmem>> -> memref<128xi32, #tpu.memory_space<vmem>>
      %dma_start3A_84 = arith.constant 0 : i32
      %dma_start3A_85 = arith.constant 0 : i32
      %dma_start3A_86 = tpu.memref_slice %arg3[%dma_start3A_84, %dma_start3A_85] : memref<10000x128xf32, #tpu.memory_space<hbm>> -> memref<10000x128xf32, #tpu.memory_space<hbm>>
      tpu.enqueue_indirect_dma source(%dma_start3A_86 : memref<10000x128xf32, #tpu.memory_space<hbm>>) target(%arg8 : memref<128x128xf32, #tpu.memory_space<vmem>>) offsets(%dma_start3A_83 : memref<128xi32, #tpu.memory_space<vmem>>) semaphore(%arg13 : memref<!tpu.dma_semaphore, #tpu.memory_space<semaphore_mem>>)
      %add3A_87 = arith.constant 1 : i32
      %add3A_88 = arith.addi %mul3A_0, %add3A_87 : i32
      %dma_wait3A_89 = arith.constant 1 : i32
      %dma_wait3A_90 = arith.constant 0 : i32
      %dma_wait3A_91 = arith.constant 0 : i32
      %dma_wait3A_92 = tpu.memref_slice %arg7[%dma_wait3A_89, %dma_wait3A_90, %dma_wait3A_91] : memref<2x2x128xi32, #tpu.memory_space<vmem>> -> memref<1x2x128xi32, #tpu.memory_space<vmem>>
      %dma_wait3A_93 = tpu.memref_squeeze %dma_wait3A_92 : memref<1x2x128xi32, #tpu.memory_space<vmem>> -> memref<2x128xi32, #tpu.memory_space<vmem>>
      %dma_wait3A_94 = arith.constant 0 : i32
      %dma_wait3A_95 = arith.constant 0 : i32
      %dma_wait3A_96 = tpu.memref_slice %arg4[%add3A_88, %dma_wait3A_94, %dma_wait3A_95] : memref<1280x2x128xi32, #tpu.memory_space<hbm>> -> memref<1x2x128xi32, #tpu.memory_space<hbm>>
      %dma_wait3A_97 = tpu.memref_squeeze %dma_wait3A_96 : memref<1x2x128xi32, #tpu.memory_space<hbm>> -> memref<2x128xi32, #tpu.memory_space<hbm>>
      %dma_wait3A_98 = arith.constant 0 : i32
      %dma_wait3A_99 = arith.constant 0 : i32
      %dma_wait3A_100 = tpu.memref_slice %arg7[%dma_wait3A_89, %dma_wait3A_98, %dma_wait3A_99] : memref<2x2x128xi32, #tpu.memory_space<vmem>> -> memref<1x2x128xi32, #tpu.memory_space<vmem>>
      %dma_wait3A_101 = tpu.memref_squeeze %dma_wait3A_100 : memref<1x2x128xi32, #tpu.memory_space<vmem>> -> memref<2x128xi32, #tpu.memory_space<vmem>>
      %dma_wait3A_102 = arith.constant 0 : i32
      %dma_wait3A_103 = arith.constant 0 : i32
      %dma_wait3A_104 = tpu.memref_slice %arg4[%add3A_88, %dma_wait3A_102, %dma_wait3A_103] : memref<1280x2x128xi32, #tpu.memory_space<hbm>> -> memref<1x2x128xi32, #tpu.memory_space<hbm>>
      %dma_wait3A_105 = tpu.memref_squeeze %dma_wait3A_104 : memref<1x2x128xi32, #tpu.memory_space<hbm>> -> memref<2x128xi32, #tpu.memory_space<hbm>>
      tpu.wait_dma2 semaphore(%arg12 : memref<!tpu.dma_semaphore, #tpu.memory_space<semaphore_mem>>) src(%dma_wait3A_105 : memref<2x128xi32, #tpu.memory_space<hbm>>) dst(%dma_wait3A_101 : memref<2x128xi32, #tpu.memory_space<vmem>>)
      %dma_start3A_106 = arith.constant 1 : i32
      %dma_start3A_107 = arith.constant 0 : i32
      %dma_start3A_108 = arith.constant 0 : i32
      %dma_start3A_109 = tpu.memref_slice %arg7[%dma_start3A_106, %dma_start3A_107, %dma_start3A_108] : memref<2x2x128xi32, #tpu.memory_space<vmem>> -> memref<1x1x128xi32, #tpu.memory_space<vmem>>
      %dma_start3A_110 = tpu.memref_squeeze %dma_start3A_109 : memref<1x1x128xi32, #tpu.memory_space<vmem>> -> memref<128xi32, #tpu.memory_space<vmem>>
      %dma_start3A_111 = arith.constant 0 : i32
      %dma_start3A_112 = arith.constant 0 : i32
      %dma_start3A_113 = tpu.memref_slice %arg3[%dma_start3A_111, %dma_start3A_112] : memref<10000x128xf32, #tpu.memory_space<hbm>> -> memref<10000x128xf32, #tpu.memory_space<hbm>>
      tpu.enqueue_indirect_dma source(%dma_start3A_113 : memref<10000x128xf32, #tpu.memory_space<hbm>>) target(%arg9 : memref<128x128xf32, #tpu.memory_space<vmem>>) offsets(%dma_start3A_110 : memref<128xi32, #tpu.memory_space<vmem>>) semaphore(%arg14 : memref<!tpu.dma_semaphore, #tpu.memory_space<semaphore_mem>>)
      %scan3A_114 = arith.constant 0 : i32
      %scan3A_115 = arith.constant 0 : i32
      %scan3A_116 = arith.constant 40 : i32
      %scan3A_117 = arith.addi %scan3A_115, %scan3A_116 : i32
      %scan3A_118 = arith.constant 1 : i32
      scf.for %scan3A_121 = %scan3A_115 to %scan3A_117 step %scan3A_118  : i32 {
        %mul3A_122 = arith.constant 2 : i32
        %mul3A_123 = arith.muli %scan3A_121, %mul3A_122 : i32
        %lt3A = arith.constant 39 : i32
        %lt3A_124 = arith.cmpi slt, %scan3A_121, %lt3A : i32
        %dma_wait3A_125 = arith.constant 0 : i32
        %dma_wait3A_126 = arith.constant 0 : i32
        %dma_wait3A_127 = arith.constant 0 : i32
        %dma_wait3A_128 = tpu.memref_slice %arg7[%dma_wait3A_125, %dma_wait3A_126, %dma_wait3A_127] : memref<2x2x128xi32, #tpu.memory_space<vmem>> -> memref<1x1x128xi32, #tpu.memory_space<vmem>>
        %dma_wait3A_129 = tpu.memref_squeeze %dma_wait3A_128 : memref<1x1x128xi32, #tpu.memory_space<vmem>> -> memref<128xi32, #tpu.memory_space<vmem>>
        %dma_wait3A_130 = arith.constant 0 : i32
        %dma_wait3A_131 = arith.constant 0 : i32
        %dma_wait3A_132 = tpu.memref_slice %arg3[%dma_wait3A_130, %dma_wait3A_131] : memref<10000x128xf32, #tpu.memory_space<hbm>> -> memref<10000x128xf32, #tpu.memory_space<hbm>>
        tpu.wait_indirect_dma semaphore(%arg13 : memref<!tpu.dma_semaphore, #tpu.memory_space<semaphore_mem>>) src(%dma_wait3A_132 : memref<10000x128xf32, #tpu.memory_space<hbm>>) dst(%arg8 : memref<128x128xf32, #tpu.memory_space<vmem>>)
        %dma_start3A_133 = arith.constant 0 : i32
        %dma_start3A_134 = arith.constant 1 : i32
        %dma_start3A_135 = arith.constant 0 : i32
        %dma_start3A_136 = tpu.memref_slice %arg7[%dma_start3A_133, %dma_start3A_134, %dma_start3A_135] : memref<2x2x128xi32, #tpu.memory_space<vmem>> -> memref<1x1x128xi32, #tpu.memory_space<vmem>>
        %dma_start3A_137 = tpu.memref_squeeze %dma_start3A_136 : memref<1x1x128xi32, #tpu.memory_space<vmem>> -> memref<128xi32, #tpu.memory_space<vmem>>
        %dma_start3A_138 = arith.constant 0 : i32
        %dma_start3A_139 = arith.constant 0 : i32
        %dma_start3A_140 = tpu.memref_slice %arg10[%dma_start3A_138, %dma_start3A_139] : memref<10240x128xf32, #tpu.memory_space<vmem_shared>> -> memref<10240x128xf32, #tpu.memory_space<vmem_shared>>
        tpu.enqueue_indirect_dma source(%arg8 : memref<128x128xf32, #tpu.memory_space<vmem>>) target(%dma_start3A_140 : memref<10240x128xf32, #tpu.memory_space<vmem_shared>>) offsets(%dma_start3A_137 : memref<128xi32, #tpu.memory_space<vmem>>) semaphore(%arg15 : memref<!tpu.dma_semaphore, #tpu.memory_space<semaphore_mem>>) {add = true}
        %dma_wait3A_141 = arith.constant 0 : i32
        %dma_wait3A_142 = arith.constant 1 : i32
        %dma_wait3A_143 = arith.constant 0 : i32
        %dma_wait3A_144 = tpu.memref_slice %arg7[%dma_wait3A_141, %dma_wait3A_142, %dma_wait3A_143] : memref<2x2x128xi32, #tpu.memory_space<vmem>> -> memref<1x1x128xi32, #tpu.memory_space<vmem>>
        %dma_wait3A_145 = tpu.memref_squeeze %dma_wait3A_144 : memref<1x1x128xi32, #tpu.memory_space<vmem>> -> memref<128xi32, #tpu.memory_space<vmem>>
        %dma_wait3A_146 = arith.constant 0 : i32
        %dma_wait3A_147 = arith.constant 0 : i32
        %dma_wait3A_148 = tpu.memref_slice %arg10[%dma_wait3A_146, %dma_wait3A_147] : memref<10240x128xf32, #tpu.memory_space<vmem_shared>> -> memref<10240x128xf32, #tpu.memory_space<vmem_shared>>
        tpu.wait_indirect_dma semaphore(%arg15 : memref<!tpu.dma_semaphore, #tpu.memory_space<semaphore_mem>>) src(%arg8 : memref<128x128xf32, #tpu.memory_space<vmem>>) dst(%dma_wait3A_148 : memref<10240x128xf32, #tpu.memory_space<vmem_shared>>)
        %convert_element_type3A_149 = arith.extui %lt3A_124 : i1 to i32
        %cond3A_150 = arith.constant 0 : i32
        %cond3A_151 = arith.cmpi ne, %convert_element_type3A_149, %cond3A_150 : i32
        scf.if %cond3A_151 {
          %add3A_182 = arith.constant 2 : i32
          %add3A_183 = arith.addi %mul3A_123, %add3A_182 : i32
          %add3A_184 = arith.addi %mul3A_0, %add3A_183 : i32
          %dma_start3A_185 = arith.constant 0 : i32
          %dma_start3A_186 = arith.constant 0 : i32
          %dma_start3A_187 = arith.constant 0 : i32
          %dma_start3A_188 = tpu.memref_slice %arg7[%dma_start3A_185, %dma_start3A_186, %dma_start3A_187] : memref<2x2x128xi32, #tpu.memory_space<vmem>> -> memref<1x2x128xi32, #tpu.memory_space<vmem>>
          %dma_start3A_189 = tpu.memref_squeeze %dma_start3A_188 : memref<1x2x128xi32, #tpu.memory_space<vmem>> -> memref<2x128xi32, #tpu.memory_space<vmem>>
          %dma_start3A_190 = arith.constant 0 : i32
          %dma_start3A_191 = arith.constant 0 : i32
          %dma_start3A_192 = tpu.memref_slice %arg4[%add3A_184, %dma_start3A_190, %dma_start3A_191] : memref<1280x2x128xi32, #tpu.memory_space<hbm>> -> memref<1x2x128xi32, #tpu.memory_space<hbm>>
          %dma_start3A_193 = tpu.memref_squeeze %dma_start3A_192 : memref<1x2x128xi32, #tpu.memory_space<hbm>> -> memref<2x128xi32, #tpu.memory_space<hbm>>
          %dma_start3A_194 = arith.constant 0 : i32
          %dma_start3A_195 = arith.constant 0 : i32
          %dma_start3A_196 = tpu.memref_slice %arg7[%dma_start3A_185, %dma_start3A_194, %dma_start3A_195] : memref<2x2x128xi32, #tpu.memory_space<vmem>> -> memref<1x2x128xi32, #tpu.memory_space<vmem>>
          %dma_start3A_197 = tpu.memref_squeeze %dma_start3A_196 : memref<1x2x128xi32, #tpu.memory_space<vmem>> -> memref<2x128xi32, #tpu.memory_space<vmem>>
          %dma_start3A_198 = arith.constant 0 : i32
          %dma_start3A_199 = arith.constant 0 : i32
          %dma_start3A_200 = tpu.memref_slice %arg4[%add3A_184, %dma_start3A_198, %dma_start3A_199] : memref<1280x2x128xi32, #tpu.memory_space<hbm>> -> memref<1x2x128xi32, #tpu.memory_space<hbm>>
          %dma_start3A_201 = tpu.memref_squeeze %dma_start3A_200 : memref<1x2x128xi32, #tpu.memory_space<hbm>> -> memref<2x128xi32, #tpu.memory_space<hbm>>
          tpu.enqueue_dma source(%dma_start3A_201 : memref<2x128xi32, #tpu.memory_space<hbm>>) target(%dma_start3A_197 : memref<2x128xi32, #tpu.memory_space<vmem>>) target_semaphore(%arg11 : memref<!tpu.dma_semaphore, #tpu.memory_space<semaphore_mem>>)
        } else {
        }
        %dma_wait3A_152 = arith.constant 1 : i32
        %dma_wait3A_153 = arith.constant 0 : i32
        %dma_wait3A_154 = arith.constant 0 : i32
        %dma_wait3A_155 = tpu.memref_slice %arg7[%dma_wait3A_152, %dma_wait3A_153, %dma_wait3A_154] : memref<2x2x128xi32, #tpu.memory_space<vmem>> -> memref<1x1x128xi32, #tpu.memory_space<vmem>>
        %dma_wait3A_156 = tpu.memref_squeeze %dma_wait3A_155 : memref<1x1x128xi32, #tpu.memory_space<vmem>> -> memref<128xi32, #tpu.memory_space<vmem>>
        %dma_wait3A_157 = arith.constant 0 : i32
        %dma_wait3A_158 = arith.constant 0 : i32
        %dma_wait3A_159 = tpu.memref_slice %arg3[%dma_wait3A_157, %dma_wait3A_158] : memref<10000x128xf32, #tpu.memory_space<hbm>> -> memref<10000x128xf32, #tpu.memory_space<hbm>>
        tpu.wait_indirect_dma semaphore(%arg14 : memref<!tpu.dma_semaphore, #tpu.memory_space<semaphore_mem>>) src(%dma_wait3A_159 : memref<10000x128xf32, #tpu.memory_space<hbm>>) dst(%arg9 : memref<128x128xf32, #tpu.memory_space<vmem>>)
        %dma_start3A_160 = arith.constant 1 : i32
        %dma_start3A_161 = arith.constant 1 : i32
        %dma_start3A_162 = arith.constant 0 : i32
        %dma_start3A_163 = tpu.memref_slice %arg7[%dma_start3A_160, %dma_start3A_161, %dma_start3A_162] : memref<2x2x128xi32, #tpu.memory_space<vmem>> -> memref<1x1x128xi32, #tpu.memory_space<vmem>>
        %dma_start3A_164 = tpu.memref_squeeze %dma_start3A_163 : memref<1x1x128xi32, #tpu.memory_space<vmem>> -> memref<128xi32, #tpu.memory_space<vmem>>
        %dma_start3A_165 = arith.constant 0 : i32
        %dma_start3A_166 = arith.constant 0 : i32
        %dma_start3A_167 = tpu.memref_slice %arg10[%dma_start3A_165, %dma_start3A_166] : memref<10240x128xf32, #tpu.memory_space<vmem_shared>> -> memref<10240x128xf32, #tpu.memory_space<vmem_shared>>
        tpu.enqueue_indirect_dma source(%arg9 : memref<128x128xf32, #tpu.memory_space<vmem>>) target(%dma_start3A_167 : memref<10240x128xf32, #tpu.memory_space<vmem_shared>>) offsets(%dma_start3A_164 : memref<128xi32, #tpu.memory_space<vmem>>) semaphore(%arg16 : memref<!tpu.dma_semaphore, #tpu.memory_space<semaphore_mem>>) {add = true}
        %convert_element_type3A_168 = arith.extui %lt3A_124 : i1 to i32
        %cond3A_169 = arith.constant 0 : i32
        %cond3A_170 = arith.cmpi ne, %convert_element_type3A_168, %cond3A_169 : i32
        scf.if %cond3A_170 {
          %add3A_182 = arith.constant 0 : i32
          %add3A_183 = arith.addi %mul3A_0, %add3A_182 : i32
          %dma_wait3A_184 = arith.constant 0 : i32
          %dma_wait3A_185 = arith.constant 0 : i32
          %dma_wait3A_186 = arith.constant 0 : i32
          %dma_wait3A_187 = tpu.memref_slice %arg7[%dma_wait3A_184, %dma_wait3A_185, %dma_wait3A_186] : memref<2x2x128xi32, #tpu.memory_space<vmem>> -> memref<1x2x128xi32, #tpu.memory_space<vmem>>
          %dma_wait3A_188 = tpu.memref_squeeze %dma_wait3A_187 : memref<1x2x128xi32, #tpu.memory_space<vmem>> -> memref<2x128xi32, #tpu.memory_space<vmem>>
          %dma_wait3A_189 = arith.constant 0 : i32
          %dma_wait3A_190 = arith.constant 0 : i32
          %dma_wait3A_191 = tpu.memref_slice %arg4[%add3A_183, %dma_wait3A_189, %dma_wait3A_190] : memref<1280x2x128xi32, #tpu.memory_space<hbm>> -> memref<1x2x128xi32, #tpu.memory_space<hbm>>
          %dma_wait3A_192 = tpu.memref_squeeze %dma_wait3A_191 : memref<1x2x128xi32, #tpu.memory_space<hbm>> -> memref<2x128xi32, #tpu.memory_space<hbm>>
          %dma_wait3A_193 = arith.constant 0 : i32
          %dma_wait3A_194 = arith.constant 0 : i32
          %dma_wait3A_195 = tpu.memref_slice %arg7[%dma_wait3A_184, %dma_wait3A_193, %dma_wait3A_194] : memref<2x2x128xi32, #tpu.memory_space<vmem>> -> memref<1x2x128xi32, #tpu.memory_space<vmem>>
          %dma_wait3A_196 = tpu.memref_squeeze %dma_wait3A_195 : memref<1x2x128xi32, #tpu.memory_space<vmem>> -> memref<2x128xi32, #tpu.memory_space<vmem>>
          %dma_wait3A_197 = arith.constant 0 : i32
          %dma_wait3A_198 = arith.constant 0 : i32
          %dma_wait3A_199 = tpu.memref_slice %arg4[%add3A_183, %dma_wait3A_197, %dma_wait3A_198] : memref<1280x2x128xi32, #tpu.memory_space<hbm>> -> memref<1x2x128xi32, #tpu.memory_space<hbm>>
          %dma_wait3A_200 = tpu.memref_squeeze %dma_wait3A_199 : memref<1x2x128xi32, #tpu.memory_space<hbm>> -> memref<2x128xi32, #tpu.memory_space<hbm>>
          tpu.wait_dma2 semaphore(%arg11 : memref<!tpu.dma_semaphore, #tpu.memory_space<semaphore_mem>>) src(%dma_wait3A_200 : memref<2x128xi32, #tpu.memory_space<hbm>>) dst(%dma_wait3A_196 : memref<2x128xi32, #tpu.memory_space<vmem>>)
          %dma_start3A_201 = arith.constant 0 : i32
          %dma_start3A_202 = arith.constant 0 : i32
          %dma_start3A_203 = arith.constant 0 : i32
          %dma_start3A_204 = tpu.memref_slice %arg7[%dma_start3A_201, %dma_start3A_202, %dma_start3A_203] : memref<2x2x128xi32, #tpu.memory_space<vmem>> -> memref<1x1x128xi32, #tpu.memory_space<vmem>>
          %dma_start3A_205 = tpu.memref_squeeze %dma_start3A_204 : memref<1x1x128xi32, #tpu.memory_space<vmem>> -> memref<128xi32, #tpu.memory_space<vmem>>
          %dma_start3A_206 = arith.constant 0 : i32
          %dma_start3A_207 = arith.constant 0 : i32
          %dma_start3A_208 = tpu.memref_slice %arg3[%dma_start3A_206, %dma_start3A_207] : memref<10000x128xf32, #tpu.memory_space<hbm>> -> memref<10000x128xf32, #tpu.memory_space<hbm>>
          tpu.enqueue_indirect_dma source(%dma_start3A_208 : memref<10000x128xf32, #tpu.memory_space<hbm>>) target(%arg8 : memref<128x128xf32, #tpu.memory_space<vmem>>) offsets(%dma_start3A_205 : memref<128xi32, #tpu.memory_space<vmem>>) semaphore(%arg13 : memref<!tpu.dma_semaphore, #tpu.memory_space<semaphore_mem>>)
        } else {
        }
        %dma_wait3A_171 = arith.constant 1 : i32
        %dma_wait3A_172 = arith.constant 1 : i32
        %dma_wait3A_173 = arith.constant 0 : i32
        %dma_wait3A_174 = tpu.memref_slice %arg7[%dma_wait3A_171, %dma_wait3A_172, %dma_wait3A_173] : memref<2x2x128xi32, #tpu.memory_space<vmem>> -> memref<1x1x128xi32, #tpu.memory_space<vmem>>
        %dma_wait3A_175 = tpu.memref_squeeze %dma_wait3A_174 : memref<1x1x128xi32, #tpu.memory_space<vmem>> -> memref<128xi32, #tpu.memory_space<vmem>>
        %dma_wait3A_176 = arith.constant 0 : i32
        %dma_wait3A_177 = arith.constant 0 : i32
        %dma_wait3A_178 = tpu.memref_slice %arg10[%dma_wait3A_176, %dma_wait3A_177] : memref<10240x128xf32, #tpu.memory_space<vmem_shared>> -> memref<10240x128xf32, #tpu.memory_space<vmem_shared>>
        tpu.wait_indirect_dma semaphore(%arg16 : memref<!tpu.dma_semaphore, #tpu.memory_space<semaphore_mem>>) src(%arg9 : memref<128x128xf32, #tpu.memory_space<vmem>>) dst(%dma_wait3A_178 : memref<10240x128xf32, #tpu.memory_space<vmem_shared>>)
        %convert_element_type3A_179 = arith.extui %lt3A_124 : i1 to i32
        %cond3A_180 = arith.constant 0 : i32
        %cond3A_181 = arith.cmpi ne, %convert_element_type3A_179, %cond3A_180 : i32
        scf.if %cond3A_181 {
          %add3A_182 = arith.constant 3 : i32
          %add3A_183 = arith.addi %mul3A_123, %add3A_182 : i32
          %add3A_184 = arith.addi %mul3A_0, %add3A_183 : i32
          %dma_start3A_185 = arith.constant 1 : i32
          %dma_start3A_186 = arith.constant 0 : i32
          %dma_start3A_187 = arith.constant 0 : i32
          %dma_start3A_188 = tpu.memref_slice %arg7[%dma_start3A_185, %dma_start3A_186, %dma_start3A_187] : memref<2x2x128xi32, #tpu.memory_space<vmem>> -> memref<1x2x128xi32, #tpu.memory_space<vmem>>
          %dma_start3A_189 = tpu.memref_squeeze %dma_start3A_188 : memref<1x2x128xi32, #tpu.memory_space<vmem>> -> memref<2x128xi32, #tpu.memory_space<vmem>>
          %dma_start3A_190 = arith.constant 0 : i32
          %dma_start3A_191 = arith.constant 0 : i32
          %dma_start3A_192 = tpu.memref_slice %arg4[%add3A_184, %dma_start3A_190, %dma_start3A_191] : memref<1280x2x128xi32, #tpu.memory_space<hbm>> -> memref<1x2x128xi32, #tpu.memory_space<hbm>>
          %dma_start3A_193 = tpu.memref_squeeze %dma_start3A_192 : memref<1x2x128xi32, #tpu.memory_space<hbm>> -> memref<2x128xi32, #tpu.memory_space<hbm>>
          %dma_start3A_194 = arith.constant 0 : i32
          %dma_start3A_195 = arith.constant 0 : i32
          %dma_start3A_196 = tpu.memref_slice %arg7[%dma_start3A_185, %dma_start3A_194, %dma_start3A_195] : memref<2x2x128xi32, #tpu.memory_space<vmem>> -> memref<1x2x128xi32, #tpu.memory_space<vmem>>
          %dma_start3A_197 = tpu.memref_squeeze %dma_start3A_196 : memref<1x2x128xi32, #tpu.memory_space<vmem>> -> memref<2x128xi32, #tpu.memory_space<vmem>>
          %dma_start3A_198 = arith.constant 0 : i32
          %dma_start3A_199 = arith.constant 0 : i32
          %dma_start3A_200 = tpu.memref_slice %arg4[%add3A_184, %dma_start3A_198, %dma_start3A_199] : memref<1280x2x128xi32, #tpu.memory_space<hbm>> -> memref<1x2x128xi32, #tpu.memory_space<hbm>>
          %dma_start3A_201 = tpu.memref_squeeze %dma_start3A_200 : memref<1x2x128xi32, #tpu.memory_space<hbm>> -> memref<2x128xi32, #tpu.memory_space<hbm>>
          tpu.enqueue_dma source(%dma_start3A_201 : memref<2x128xi32, #tpu.memory_space<hbm>>) target(%dma_start3A_197 : memref<2x128xi32, #tpu.memory_space<vmem>>) target_semaphore(%arg12 : memref<!tpu.dma_semaphore, #tpu.memory_space<semaphore_mem>>)
          %add3A_202 = arith.constant 1 : i32
          %add3A_203 = arith.addi %mul3A_0, %add3A_202 : i32
          %dma_wait3A_204 = arith.constant 1 : i32
          %dma_wait3A_205 = arith.constant 0 : i32
          %dma_wait3A_206 = arith.constant 0 : i32
          %dma_wait3A_207 = tpu.memref_slice %arg7[%dma_wait3A_204, %dma_wait3A_205, %dma_wait3A_206] : memref<2x2x128xi32, #tpu.memory_space<vmem>> -> memref<1x2x128xi32, #tpu.memory_space<vmem>>
          %dma_wait3A_208 = tpu.memref_squeeze %dma_wait3A_207 : memref<1x2x128xi32, #tpu.memory_space<vmem>> -> memref<2x128xi32, #tpu.memory_space<vmem>>
          %dma_wait3A_209 = arith.constant 0 : i32
          %dma_wait3A_210 = arith.constant 0 : i32
          %dma_wait3A_211 = tpu.memref_slice %arg4[%add3A_203, %dma_wait3A_209, %dma_wait3A_210] : memref<1280x2x128xi32, #tpu.memory_space<hbm>> -> memref<1x2x128xi32, #tpu.memory_space<hbm>>
          %dma_wait3A_212 = tpu.memref_squeeze %dma_wait3A_211 : memref<1x2x128xi32, #tpu.memory_space<hbm>> -> memref<2x128xi32, #tpu.memory_space<hbm>>
          %dma_wait3A_213 = arith.constant 0 : i32
          %dma_wait3A_214 = arith.constant 0 : i32
          %dma_wait3A_215 = tpu.memref_slice %arg7[%dma_wait3A_204, %dma_wait3A_213, %dma_wait3A_214] : memref<2x2x128xi32, #tpu.memory_space<vmem>> -> memref<1x2x128xi32, #tpu.memory_space<vmem>>
          %dma_wait3A_216 = tpu.memref_squeeze %dma_wait3A_215 : memref<1x2x128xi32, #tpu.memory_space<vmem>> -> memref<2x128xi32, #tpu.memory_space<vmem>>
          %dma_wait3A_217 = arith.constant 0 : i32
          %dma_wait3A_218 = arith.constant 0 : i32
          %dma_wait3A_219 = tpu.memref_slice %arg4[%add3A_203, %dma_wait3A_217, %dma_wait3A_218] : memref<1280x2x128xi32, #tpu.memory_space<hbm>> -> memref<1x2x128xi32, #tpu.memory_space<hbm>>
          %dma_wait3A_220 = tpu.memref_squeeze %dma_wait3A_219 : memref<1x2x128xi32, #tpu.memory_space<hbm>> -> memref<2x128xi32, #tpu.memory_space<hbm>>
          tpu.wait_dma2 semaphore(%arg12 : memref<!tpu.dma_semaphore, #tpu.memory_space<semaphore_mem>>) src(%dma_wait3A_220 : memref<2x128xi32, #tpu.memory_space<hbm>>) dst(%dma_wait3A_216 : memref<2x128xi32, #tpu.memory_space<vmem>>)
          %dma_start3A_221 = arith.constant 1 : i32
          %dma_start3A_222 = arith.constant 0 : i32
          %dma_start3A_223 = arith.constant 0 : i32
          %dma_start3A_224 = tpu.memref_slice %arg7[%dma_start3A_221, %dma_start3A_222, %dma_start3A_223] : memref<2x2x128xi32, #tpu.memory_space<vmem>> -> memref<1x1x128xi32, #tpu.memory_space<vmem>>
          %dma_start3A_225 = tpu.memref_squeeze %dma_start3A_224 : memref<1x1x128xi32, #tpu.memory_space<vmem>> -> memref<128xi32, #tpu.memory_space<vmem>>
          %dma_start3A_226 = arith.constant 0 : i32
          %dma_start3A_227 = arith.constant 0 : i32
          %dma_start3A_228 = tpu.memref_slice %arg3[%dma_start3A_226, %dma_start3A_227] : memref<10000x128xf32, #tpu.memory_space<hbm>> -> memref<10000x128xf32, #tpu.memory_space<hbm>>
          tpu.enqueue_indirect_dma source(%dma_start3A_228 : memref<10000x128xf32, #tpu.memory_space<hbm>>) target(%arg9 : memref<128x128xf32, #tpu.memory_space<vmem>>) offsets(%dma_start3A_225 : memref<128xi32, #tpu.memory_space<vmem>>) semaphore(%arg14 : memref<!tpu.dma_semaphore, #tpu.memory_space<semaphore_mem>>)
        } else {
        }
      }
      %scan3A_119 = arith.constant 40 : i32
      %barrier3A_120 = arith.constant 0 : index
      tpu.barrier barrier_id(%barrier3A_120)
      "tpu.region"() ({
        %run_scoped3A = tpu.sem_alloc : memref<!tpu.dma_semaphore, #tpu.memory_space<semaphore_mem>>
        %dma_start3A_121 = arith.constant 0 : i32
        %dma_start3A_122 = tpu.memref_slice %arg6[%mul3A_7, %dma_start3A_121] : memref<10240x128xf32, #tpu.memory_space<hbm>> -> memref<640x128xf32, #tpu.memory_space<hbm>>
        %dma_start3A_123 = arith.constant 0 : i32
        %dma_start3A_124 = tpu.memref_slice %arg10[%mul3A_7, %dma_start3A_123] : memref<10240x128xf32, #tpu.memory_space<vmem_shared>> -> memref<640x128xf32, #tpu.memory_space<vmem_shared>>
        tpu.enqueue_dma source(%dma_start3A_124 : memref<640x128xf32, #tpu.memory_space<vmem_shared>>) target(%dma_start3A_122 : memref<640x128xf32, #tpu.memory_space<hbm>>) target_semaphore(%run_scoped3A : memref<!tpu.dma_semaphore, #tpu.memory_space<semaphore_mem>>)
        %dma_wait3A_125 = arith.constant 0 : i32
        %dma_wait3A_126 = tpu.memref_slice %arg6[%mul3A_7, %dma_wait3A_125] : memref<10240x128xf32, #tpu.memory_space<hbm>> -> memref<640x128xf32, #tpu.memory_space<hbm>>
        %dma_wait3A_127 = arith.constant 0 : i32
        %dma_wait3A_128 = tpu.memref_slice %arg10[%mul3A_7, %dma_wait3A_127] : memref<10240x128xf32, #tpu.memory_space<vmem_shared>> -> memref<640x128xf32, #tpu.memory_space<vmem_shared>>
        tpu.wait_dma2 semaphore(%run_scoped3A : memref<!tpu.dma_semaphore, #tpu.memory_space<semaphore_mem>>) src(%dma_wait3A_128 : memref<640x128xf32, #tpu.memory_space<vmem_shared>>) dst(%dma_wait3A_126 : memref<640x128xf32, #tpu.memory_space<hbm>>)
        tpu.yield
      }) : () -> ()
    } else {
    }
    return
  }
}

module attributes {stable_mosaic.version = 14 : i64} {
  func.func @body(%arg0: i32, %arg1: memref<2000x256xf32, #tpu.memory_space<vmem>>, %arg2: memref<2000x128xf32, #tpu.memory_space<vmem>>, %arg3: memref<2000x128xf32, #tpu.memory_space<vmem>>, %arg4: memref<256x512xf32, #tpu.memory_space<vmem>>, %arg5: memref<1x512xf32, #tpu.memory_space<vmem>>, %arg6: memref<2000x128xf32, #tpu.memory_space<vmem>>, %arg7: memref<2000x128xf32, #tpu.memory_space<vmem>>, %arg8: memref<2000x128xf32, #tpu.memory_space<vmem>>, %arg9: memref<2000x128xf32, #tpu.memory_space<vmem>>) attributes {dimension_semantics = [#tpu.dimension_semantics<arbitrary>], iteration_bounds = array<i64: 5>, scalar_prefetch = 0 : i64, scratch_operands = 0 : i64, tpu.core_type = #tpu.core_type<tc>, window_params = [{transform_indices = @transform_0, window_bounds = array<i64: 2000, 256>}, {transform_indices = @transform_1, window_bounds = array<i64: 2000, 128>}, {transform_indices = @transform_2, window_bounds = array<i64: 2000, 128>}, {pipeline_mode = #tpu.pipeline_mode<synchronous>, transform_indices = @transform_3, window_bounds = array<i64: 256, 512>}, {pipeline_mode = #tpu.pipeline_mode<synchronous>, transform_indices = @transform_4, window_bounds = array<i64: 1, 512>}, {transform_indices = @transform_5, window_bounds = array<i64: 2000, 128>}, {transform_indices = @transform_6, window_bounds = array<i64: 2000, 128>}, {transform_indices = @transform_7, window_bounds = array<i64: 2000, 128>}, {transform_indices = @transform_8, window_bounds = array<i64: 2000, 128>}]} {
    %get3A = arith.constant 0 : index
    %get3A_0 = arith.constant 0 : index
    %get3A_1 = vector.load %arg1[%get3A, %get3A_0] : memref<2000x256xf32, #tpu.memory_space<vmem>>, vector<2000x128xf32>
    %get3A_2 = arith.constant 0 : index
    %get3A_3 = arith.constant 0 : index
    %get3A_4 = vector.load %arg2[%get3A_2, %get3A_3] : memref<2000x128xf32, #tpu.memory_space<vmem>>, vector<2000x128xf32>
    %add3A = arith.addf %get3A_1, %get3A_4 : vector<2000x128xf32>
    %get3A_5 = arith.constant 0 : index
    %get3A_6 = arith.constant 128 : index
    %get3A_7 = vector.load %arg1[%get3A_5, %get3A_6] : memref<2000x256xf32, #tpu.memory_space<vmem>>, vector<2000x128xf32>
    %get3A_8 = arith.constant 0 : index
    %get3A_9 = arith.constant 0 : index
    %get3A_10 = vector.load %arg3[%get3A_8, %get3A_9] : memref<2000x128xf32, #tpu.memory_space<vmem>>, vector<2000x128xf32>
    %add3A_11 = arith.addf %get3A_7, %get3A_10 : vector<2000x128xf32>
    %concatenate3A = tpu.concatenate %add3A, %add3A_11 in 1 : vector<2000x128xf32>, vector<2000x128xf32> -> vector<2000x256xf32>
    %get3A_12 = arith.constant 0 : index
    %get3A_13 = arith.constant 0 : index
    %get3A_14 = vector.load %arg4[%get3A_12, %get3A_13] : memref<256x512xf32, #tpu.memory_space<vmem>>, vector<256x512xf32>
    %dot_general3A = arith.constant dense<0.000000e+00> : vector<2000x512xf32>
    %dot_general3A_15 = tpu.matmul %concatenate3A, %get3A_14, %dot_general3A {dimension_numbers = #tpu.dot_dimension_numbers<[1], [0], [0], [1], [0, 0, 1, 1], [], []>, transpose_lhs_hint = false} : vector<2000x256xf32>, vector<256x512xf32>, vector<2000x512xf32> -> vector<2000x512xf32>
    %get3A_16 = arith.constant 0 : index
    %get3A_17 = arith.constant 0 : index
    %get3A_18 = vector.load %arg5[%get3A_16, %get3A_17] : memref<1x512xf32, #tpu.memory_space<vmem>>, vector<1x512xf32>
    %add3A_19 = vector.broadcast %get3A_18 : vector<1x512xf32> to vector<2000x512xf32>
    %add3A_20 = arith.addf %dot_general3A_15, %add3A_19 : vector<2000x512xf32>
    %max3A = arith.constant 0.000000e+00 : f32
    %max3A_21 = vector.broadcast %max3A : f32 to vector<2000x512xf32>
    %max3A_22 = arith.maximumf %add3A_20, %max3A_21 : vector<2000x512xf32>
    %slice3A = vector.extract_strided_slice %max3A_22 {offsets = [0, 0], sizes = [2000, 128], strides = [1, 1]} : vector<2000x512xf32> to vector<2000x128xf32>
    %swap3A = arith.constant 0 : index
    %swap3A_23 = arith.constant 0 : index
    %swap3A_24 = vector.load %arg6[%swap3A, %swap3A_23] : memref<2000x128xf32, #tpu.memory_space<vmem>>, vector<2000x128xf32>
    tpu.vector_store %arg6[%swap3A, %swap3A_23], %slice3A {strides = array<i32>} : memref<2000x128xf32, #tpu.memory_space<vmem>>, vector<2000x128xf32>,
    %slice3A_25 = vector.extract_strided_slice %max3A_22 {offsets = [0, 128], sizes = [2000, 128], strides = [1, 1]} : vector<2000x512xf32> to vector<2000x128xf32>
    %swap3A_26 = arith.constant 0 : index
    %swap3A_27 = arith.constant 0 : index
    %swap3A_28 = vector.load %arg7[%swap3A_26, %swap3A_27] : memref<2000x128xf32, #tpu.memory_space<vmem>>, vector<2000x128xf32>
    tpu.vector_store %arg7[%swap3A_26, %swap3A_27], %slice3A_25 {strides = array<i32>} : memref<2000x128xf32, #tpu.memory_space<vmem>>, vector<2000x128xf32>,
    %slice3A_29 = vector.extract_strided_slice %max3A_22 {offsets = [0, 256], sizes = [2000, 128], strides = [1, 1]} : vector<2000x512xf32> to vector<2000x128xf32>
    %swap3A_30 = arith.constant 0 : index
    %swap3A_31 = arith.constant 0 : index
    %swap3A_32 = vector.load %arg8[%swap3A_30, %swap3A_31] : memref<2000x128xf32, #tpu.memory_space<vmem>>, vector<2000x128xf32>
    tpu.vector_store %arg8[%swap3A_30, %swap3A_31], %slice3A_29 {strides = array<i32>} : memref<2000x128xf32, #tpu.memory_space<vmem>>, vector<2000x128xf32>,
    %slice3A_33 = vector.extract_strided_slice %max3A_22 {offsets = [0, 384], sizes = [2000, 128], strides = [1, 1]} : vector<2000x512xf32> to vector<2000x128xf32>
    %swap3A_34 = arith.constant 0 : index
    %swap3A_35 = arith.constant 0 : index
    %swap3A_36 = vector.load %arg9[%swap3A_34, %swap3A_35] : memref<2000x128xf32, #tpu.memory_space<vmem>>, vector<2000x128xf32>
    tpu.vector_store %arg9[%swap3A_34, %swap3A_35], %slice3A_33 {strides = array<i32>} : memref<2000x128xf32, #tpu.memory_space<vmem>>, vector<2000x128xf32>,
    return
  }
  func.func @transform_0(%arg0: i32) -> (i32, i32) {
    %c0_i32 = arith.constant 0 : i32
    %c0_i32_0 = arith.constant 0 : i32
    return %arg0, %c0_i32 : i32, i32
  }
  func.func @transform_1(%arg0: i32) -> (i32, i32) {
    %c0_i32 = arith.constant 0 : i32
    %c0_i32_0 = arith.constant 0 : i32
    return %arg0, %c0_i32 : i32, i32
  }
  func.func @transform_2(%arg0: i32) -> (i32, i32) {
    %c0_i32 = arith.constant 0 : i32
    %c0_i32_0 = arith.constant 0 : i32
    return %arg0, %c0_i32 : i32, i32
  }
  func.func @transform_3(%arg0: i32) -> (i32, i32) {
    %c0_i32 = arith.constant 0 : i32
    %c0_i32_0 = arith.constant 0 : i32
    %c0_i32_1 = arith.constant 0 : i32
    return %c0_i32, %c0_i32_0 : i32, i32
  }
  func.func @transform_4(%arg0: i32) -> (i32, i32) {
    %c0_i32 = arith.constant 0 : i32
    %c0_i32_0 = arith.constant 0 : i32
    %c0_i32_1 = arith.constant 0 : i32
    return %c0_i32, %c0_i32_0 : i32, i32
  }
  func.func @transform_5(%arg0: i32) -> (i32, i32) {
    %c0_i32 = arith.constant 0 : i32
    %c0_i32_0 = arith.constant 0 : i32
    return %arg0, %c0_i32 : i32, i32
  }
  func.func @transform_6(%arg0: i32) -> (i32, i32) {
    %c0_i32 = arith.constant 0 : i32
    %c0_i32_0 = arith.constant 0 : i32
    return %arg0, %c0_i32 : i32, i32
  }
  func.func @transform_7(%arg0: i32) -> (i32, i32) {
    %c0_i32 = arith.constant 0 : i32
    %c0_i32_0 = arith.constant 0 : i32
    return %arg0, %c0_i32 : i32, i32
  }
  func.func @transform_8(%arg0: i32) -> (i32, i32) {
    %c0_i32 = arith.constant 0 : i32
    %c0_i32_0 = arith.constant 0 : i32
    return %arg0, %c0_i32 : i32, i32
  }
}

module attributes {stable_mosaic.version = 14 : i64} {
  func.func @body(%arg0: i32, %arg1: memref<2000x128xf32, #tpu.memory_space<vmem>>, %arg2: memref<2000x128xf32, #tpu.memory_space<vmem>>, %arg3: memref<2000x128xf32, #tpu.memory_space<vmem>>, %arg4: memref<2000x128xf32, #tpu.memory_space<vmem>>, %arg5: memref<2000x128xf32, #tpu.memory_space<vmem>>, %arg6: memref<2000x128xf32, #tpu.memory_space<vmem>>, %arg7: memref<2000x128xf32, #tpu.memory_space<vmem>>, %arg8: memref<2000x128xf32, #tpu.memory_space<vmem>>, %arg9: memref<512x1xf32, #tpu.memory_space<vmem>>, %arg10: memref<1x1xf32, #tpu.memory_space<vmem>>, %arg11: memref<2000x1xf32, #tpu.memory_space<vmem>>) attributes {dimension_semantics = [#tpu.dimension_semantics<arbitrary>], iteration_bounds = array<i64: 5>, scalar_prefetch = 0 : i64, scratch_operands = 0 : i64, tpu.core_type = #tpu.core_type<tc>, window_params = [{transform_indices = @transform_0, window_bounds = array<i64: 2000, 128>}, {transform_indices = @transform_1, window_bounds = array<i64: 2000, 128>}, {transform_indices = @transform_2, window_bounds = array<i64: 2000, 128>}, {transform_indices = @transform_3, window_bounds = array<i64: 2000, 128>}, {transform_indices = @transform_4, window_bounds = array<i64: 2000, 128>}, {transform_indices = @transform_5, window_bounds = array<i64: 2000, 128>}, {transform_indices = @transform_6, window_bounds = array<i64: 2000, 128>}, {transform_indices = @transform_7, window_bounds = array<i64: 2000, 128>}, {pipeline_mode = #tpu.pipeline_mode<synchronous>, transform_indices = @transform_8, window_bounds = array<i64: 512, 1>}, {pipeline_mode = #tpu.pipeline_mode<synchronous>, transform_indices = @transform_9, window_bounds = array<i64: 1, 1>}, {transform_indices = @transform_10, window_bounds = array<i64: 2000, 1>}]} {
    %get3A = arith.constant 0 : index
    %get3A_0 = arith.constant 0 : index
    %get3A_1 = vector.load %arg1[%get3A, %get3A_0] : memref<2000x128xf32, #tpu.memory_space<vmem>>, vector<2000x128xf32>
    %get3A_2 = arith.constant 0 : index
    %get3A_3 = arith.constant 0 : index
    %get3A_4 = vector.load %arg5[%get3A_2, %get3A_3] : memref<2000x128xf32, #tpu.memory_space<vmem>>, vector<2000x128xf32>
    %add3A = arith.addf %get3A_1, %get3A_4 : vector<2000x128xf32>
    %get3A_5 = arith.constant 0 : index
    %get3A_6 = arith.constant 0 : index
    %get3A_7 = vector.load %arg2[%get3A_5, %get3A_6] : memref<2000x128xf32, #tpu.memory_space<vmem>>, vector<2000x128xf32>
    %get3A_8 = arith.constant 0 : index
    %get3A_9 = arith.constant 0 : index
    %get3A_10 = vector.load %arg6[%get3A_8, %get3A_9] : memref<2000x128xf32, #tpu.memory_space<vmem>>, vector<2000x128xf32>
    %add3A_11 = arith.addf %get3A_7, %get3A_10 : vector<2000x128xf32>
    %get3A_12 = arith.constant 0 : index
    %get3A_13 = arith.constant 0 : index
    %get3A_14 = vector.load %arg3[%get3A_12, %get3A_13] : memref<2000x128xf32, #tpu.memory_space<vmem>>, vector<2000x128xf32>
    %get3A_15 = arith.constant 0 : index
    %get3A_16 = arith.constant 0 : index
    %get3A_17 = vector.load %arg7[%get3A_15, %get3A_16] : memref<2000x128xf32, #tpu.memory_space<vmem>>, vector<2000x128xf32>
    %add3A_18 = arith.addf %get3A_14, %get3A_17 : vector<2000x128xf32>
    %get3A_19 = arith.constant 0 : index
    %get3A_20 = arith.constant 0 : index
    %get3A_21 = vector.load %arg4[%get3A_19, %get3A_20] : memref<2000x128xf32, #tpu.memory_space<vmem>>, vector<2000x128xf32>
    %get3A_22 = arith.constant 0 : index
    %get3A_23 = arith.constant 0 : index
    %get3A_24 = vector.load %arg8[%get3A_22, %get3A_23] : memref<2000x128xf32, #tpu.memory_space<vmem>>, vector<2000x128xf32>
    %add3A_25 = arith.addf %get3A_21, %get3A_24 : vector<2000x128xf32>
    %concatenate3A = tpu.concatenate %add3A, %add3A_11, %add3A_18, %add3A_25 in 1 : vector<2000x128xf32>, vector<2000x128xf32>, vector<2000x128xf32>, vector<2000x128xf32> -> vector<2000x512xf32>
    %get3A_26 = arith.constant 0 : index
    %get3A_27 = arith.constant 0 : index
    %get3A_28 = vector.load %arg9[%get3A_26, %get3A_27] : memref<512x1xf32, #tpu.memory_space<vmem>>, vector<512x1xf32>
    %dot_general3A = arith.constant dense<0.000000e+00> : vector<2000x1xf32>
    %dot_general3A_29 = tpu.matmul %concatenate3A, %get3A_28, %dot_general3A {dimension_numbers = #tpu.dot_dimension_numbers<[1], [0], [0], [1], [0, 0, 1, 1], [], []>, transpose_lhs_hint = false} : vector<2000x512xf32>, vector<512x1xf32>, vector<2000x1xf32> -> vector<2000x1xf32>
    %get3A_30 = arith.constant 0 : index
    %get3A_31 = arith.constant 0 : index
    %get3A_32 = vector.load %arg10[%get3A_30, %get3A_31] : memref<1x1xf32, #tpu.memory_space<vmem>>, vector<1x1xf32>
    %add3A_33 = vector.broadcast %get3A_32 : vector<1x1xf32> to vector<2000x1xf32>
    %add3A_34 = arith.addf %dot_general3A_29, %add3A_33 : vector<2000x1xf32>
    %swap3A = arith.constant 0 : index
    %swap3A_35 = arith.constant 0 : index
    %swap3A_36 = vector.load %arg11[%swap3A, %swap3A_35] : memref<2000x1xf32, #tpu.memory_space<vmem>>, vector<2000x1xf32>
    tpu.vector_store %arg11[%swap3A, %swap3A_35], %add3A_34 {strides = array<i32>} : memref<2000x1xf32, #tpu.memory_space<vmem>>, vector<2000x1xf32>,
    return
  }
  func.func @transform_0(%arg0: i32) -> (i32, i32) {
    %c0_i32 = arith.constant 0 : i32
    %c0_i32_0 = arith.constant 0 : i32
    return %arg0, %c0_i32 : i32, i32
  }
  func.func @transform_1(%arg0: i32) -> (i32, i32) {
    %c0_i32 = arith.constant 0 : i32
    %c0_i32_0 = arith.constant 0 : i32
    return %arg0, %c0_i32 : i32, i32
  }
  func.func @transform_2(%arg0: i32) -> (i32, i32) {
    %c0_i32 = arith.constant 0 : i32
    %c0_i32_0 = arith.constant 0 : i32
    return %arg0, %c0_i32 : i32, i32
  }
  func.func @transform_3(%arg0: i32) -> (i32, i32) {
    %c0_i32 = arith.constant 0 : i32
    %c0_i32_0 = arith.constant 0 : i32
    return %arg0, %c0_i32 : i32, i32
  }
  func.func @transform_4(%arg0: i32) -> (i32, i32) {
    %c0_i32 = arith.constant 0 : i32
    %c0_i32_0 = arith.constant 0 : i32
    return %arg0, %c0_i32 : i32, i32
  }
  func.func @transform_5(%arg0: i32) -> (i32, i32) {
    %c0_i32 = arith.constant 0 : i32
    %c0_i32_0 = arith.constant 0 : i32
    return %arg0, %c0_i32 : i32, i32
  }
  func.func @transform_6(%arg0: i32) -> (i32, i32) {
    %c0_i32 = arith.constant 0 : i32
    %c0_i32_0 = arith.constant 0 : i32
    return %arg0, %c0_i32 : i32, i32
  }
  func.func @transform_7(%arg0: i32) -> (i32, i32) {
    %c0_i32 = arith.constant 0 : i32
    %c0_i32_0 = arith.constant 0 : i32
    return %arg0, %c0_i32 : i32, i32
  }
  func.func @transform_8(%arg0: i32) -> (i32, i32) {
    %c0_i32 = arith.constant 0 : i32
    %c0_i32_0 = arith.constant 0 : i32
    %c0_i32_1 = arith.constant 0 : i32
    return %c0_i32, %c0_i32_0 : i32, i32
  }
  func.func @transform_9(%arg0: i32) -> (i32, i32) {
    %c0_i32 = arith.constant 0 : i32
    %c0_i32_0 = arith.constant 0 : i32
    %c0_i32_1 = arith.constant 0 : i32
    return %c0_i32, %c0_i32_0 : i32, i32
  }
  func.func @transform_10(%arg0: i32) -> (i32, i32) {
    %c0_i32 = arith.constant 0 : i32
    %c0_i32_0 = arith.constant 0 : i32
    return %arg0, %c0_i32 : i32, i32
  }
}

module attributes {stable_mosaic.version = 14 : i64} {
  func.func @body(%arg0: memref<80x128xf32, #tpu.memory_space<vmem>>, %arg1: memref<80x128xf32, #tpu.memory_space<vmem>>, %arg2: memref<1x1xi32, #tpu.memory_space<vmem>>, %arg3: memref<1x1xf32, #tpu.memory_space<vmem>>) attributes {dimension_semantics = [], scalar_prefetch = 0 : i64, scratch_operands = 0 : i64, tpu.core_type = #tpu.core_type<tc>} {
    %iota3A = tpu.iota {dimensions = array<i32: 0>} : vector<80x128xi32>
    %iota3A_0 = tpu.iota {dimensions = array<i32: 1>} : vector<80x128xi32>
    %mul3A = arith.constant 128 : i32
    %mul3A_1 = vector.broadcast %mul3A : i32 to vector<80x128xi32>
    %mul3A_2 = arith.muli %iota3A, %mul3A_1 : vector<80x128xi32>
    %add3A = arith.addi %mul3A_2, %iota3A_0 : vector<80x128xi32>
    %lt3A = arith.constant 10000 : i32
    %lt3A_3 = vector.broadcast %lt3A : i32 to vector<80x128xi32>
    %lt3A_4 = arith.cmpi slt, %add3A, %lt3A_3 : vector<80x128xi32>
    %get3A = arith.constant 0 : index
    %get3A_5 = arith.constant 0 : index
    %get3A_6 = vector.load %arg0[%get3A, %get3A_5] : memref<80x128xf32, #tpu.memory_space<vmem>>, vector<80x128xf32>
    %jit3A = arith.constant 0xFF800000 : f32
    %broadcast_in_dim3A = vector.broadcast %jit3A : f32 to vector<80x128xf32>
    %select_n3A = arith.select %lt3A_4, %get3A_6, %broadcast_in_dim3A : vector<80x128xi1>, vector<80x128xf32>
    %reduce_max3A = vector.shape_cast %select_n3A : vector<80x128xf32> to vector<1x80x128xf32>
    %reduce_max3A_7 = arith.constant dense<0xFF800000> : vector<1xf32>
    %reduce_max3A_8 = vector.multi_reduction <maximumf>, %reduce_max3A, %reduce_max3A_7 [1, 2] : vector<1x80x128xf32> to vector<1xf32>
    %reduce_max3A_9 = vector.shape_cast %reduce_max3A_8 : vector<1xf32> to vector<1x1x1xf32>
    %reduce_max3A_10 = vector.extract %reduce_max3A_9[0, 0, 0] : f32 from vector<1x1x1xf32>
    %sub3A = vector.broadcast %reduce_max3A_10 : f32 to vector<80x128xf32>
    %sub3A_11 = arith.subf %select_n3A, %sub3A : vector<80x128xf32>
    %exp3A = math.exp %sub3A_11 : vector<80x128xf32>
    %jit3A_12 = arith.constant 0.000000e+00 : f32
    %broadcast_in_dim3A_13 = vector.broadcast %jit3A_12 : f32 to vector<80x128xf32>
    %select_n3A_14 = arith.select %lt3A_4, %exp3A, %broadcast_in_dim3A_13 : vector<80x128xi1>, vector<80x128xf32>
    %reduce_sum3A = vector.shape_cast %select_n3A_14 : vector<80x128xf32> to vector<1x80x128xf32>
    %reduce_sum3A_15 = arith.constant dense<0.000000e+00> : vector<1xf32>
    %reduce_sum3A_16 = vector.multi_reduction <add>, %reduce_sum3A, %reduce_sum3A_15 [1, 2] : vector<1x80x128xf32> to vector<1xf32>
    %reduce_sum3A_17 = vector.shape_cast %reduce_sum3A_16 : vector<1xf32> to vector<1x1x1xf32>
    %reduce_sum3A_18 = vector.extract %reduce_sum3A_17[0, 0, 0] : f32 from vector<1x1x1xf32>
    %div3A = vector.broadcast %reduce_sum3A_18 : f32 to vector<80x128xf32>
    %div3A_19 = arith.divf %select_n3A_14, %div3A : vector<80x128xf32>
    %add3A_20 = arith.constant 9.99999968E-21 : f32
    %add3A_21 = vector.broadcast %add3A_20 : f32 to vector<80x128xf32>
    %add3A_22 = arith.addf %div3A_19, %add3A_21 : vector<80x128xf32>
    %log3A = math.log %add3A_22 : vector<80x128xf32>
    %get3A_23 = arith.constant 0 : index
    %get3A_24 = arith.constant 0 : index
    %get3A_25 = vector.load %arg1[%get3A_23, %get3A_24] : memref<80x128xf32, #tpu.memory_space<vmem>>, vector<80x128xf32>
    %add3A_26 = arith.addf %log3A, %get3A_25 : vector<80x128xf32>
    %jit3A_27 = arith.constant 0xFF800000 : f32
    %broadcast_in_dim3A_28 = vector.broadcast %jit3A_27 : f32 to vector<80x128xf32>
    %select_n3A_29 = arith.select %lt3A_4, %add3A_26, %broadcast_in_dim3A_28 : vector<80x128xi1>, vector<80x128xf32>
    %reduce_max3A_30 = vector.shape_cast %select_n3A_29 : vector<80x128xf32> to vector<1x80x128xf32>
    %reduce_max3A_31 = arith.constant dense<0xFF800000> : vector<1xf32>
    %reduce_max3A_32 = vector.multi_reduction <maximumf>, %reduce_max3A_30, %reduce_max3A_31 [1, 2] : vector<1x80x128xf32> to vector<1xf32>
    %reduce_max3A_33 = vector.shape_cast %reduce_max3A_32 : vector<1xf32> to vector<1x1x1xf32>
    %reduce_max3A_34 = vector.extract %reduce_max3A_33[0, 0, 0] : f32 from vector<1x1x1xf32>
    %eq3A = vector.broadcast %reduce_max3A_34 : f32 to vector<80x128xf32>
    %eq3A_35 = arith.cmpf oeq, %select_n3A_29, %eq3A : vector<80x128xf32>
    %jit3A_36 = arith.constant 1073741824 : i32
    %broadcast_in_dim3A_37 = vector.broadcast %jit3A_36 : i32 to vector<80x128xi32>
    %select_n3A_38 = arith.select %eq3A_35, %add3A, %broadcast_in_dim3A_37 : vector<80x128xi1>, vector<80x128xi32>
    %reduce_min3A = vector.shape_cast %select_n3A_38 : vector<80x128xi32> to vector<1x80x128xi32>
    %reduce_min3A_39 = arith.constant dense<2147483647> : vector<1xi32>
    %reduce_min3A_40 = vector.multi_reduction <minsi>, %reduce_min3A, %reduce_min3A_39 [1, 2] : vector<1x80x128xi32> to vector<1xi32>
    %reduce_min3A_41 = vector.shape_cast %reduce_min3A_40 : vector<1xi32> to vector<1x1x1xi32>
    %reduce_min3A_42 = vector.extract %reduce_min3A_41[0, 0, 0] : i32 from vector<1x1x1xi32>
    %broadcast_in_dim3A_43 = vector.broadcast %reduce_min3A_42 : i32 to vector<1x1xi32>
    %swap3A = arith.constant 0 : index
    %swap3A_44 = arith.constant 0 : index
    %swap3A_45 = vector.load %arg2[%swap3A, %swap3A_44] : memref<1x1xi32, #tpu.memory_space<vmem>>, vector<1x1xi32>
    tpu.vector_store %arg2[%swap3A, %swap3A_44], %broadcast_in_dim3A_43 {strides = array<i32>} : memref<1x1xi32, #tpu.memory_space<vmem>>, vector<1x1xi32>,
    %eq3A_46 = vector.broadcast %reduce_min3A_42 : i32 to vector<80x128xi32>
    %eq3A_47 = arith.cmpi eq, %add3A, %eq3A_46 : vector<80x128xi32>
    %jit3A_48 = arith.constant 0.000000e+00 : f32
    %broadcast_in_dim3A_49 = vector.broadcast %jit3A_48 : f32 to vector<80x128xf32>
    %select_n3A_50 = arith.select %eq3A_47, %div3A_19, %broadcast_in_dim3A_49 : vector<80x128xi1>, vector<80x128xf32>
    %reduce_sum3A_51 = vector.shape_cast %select_n3A_50 : vector<80x128xf32> to vector<1x80x128xf32>
    %reduce_sum3A_52 = arith.constant dense<0.000000e+00> : vector<1xf32>
    %reduce_sum3A_53 = vector.multi_reduction <add>, %reduce_sum3A_51, %reduce_sum3A_52 [1, 2] : vector<1x80x128xf32> to vector<1xf32>
    %reduce_sum3A_54 = vector.shape_cast %reduce_sum3A_53 : vector<1xf32> to vector<1x1x1xf32>
    %reduce_sum3A_55 = vector.extract %reduce_sum3A_54[0, 0, 0] : f32 from vector<1x1x1xf32>
    %log3A_56 = math.log %reduce_sum3A_55 : f32
    %broadcast_in_dim3A_57 = vector.broadcast %log3A_56 : f32 to vector<1x1xf32>
    %swap3A_58 = arith.constant 0 : index
    %swap3A_59 = arith.constant 0 : index
    %swap3A_60 = vector.load %arg3[%swap3A_58, %swap3A_59] : memref<1x1xf32, #tpu.memory_space<vmem>>, vector<1x1xf32>
    tpu.vector_store %arg3[%swap3A_58, %swap3A_59], %broadcast_in_dim3A_57 {strides = array<i32>} : memref<1x1xf32, #tpu.memory_space<vmem>>, vector<1x1xf32>,
    return
  }
}

</mosaic_0001>

<sc_bundles>
// kernel: kernel.11.cloned.1.call-start
scs
__scs_entry_jumppad:
0x0: {  	(pc) =	sbr.rel $0x88, $3  }
0x1: {  	(tag) =	ssettag $0x0;
	lr =	simm.s32 $0x1  }
0x2: {  	[smem:$0x3F9B] =	sst lr;
	_ =	strace $0xD0000000  }
0x3: {  	_ = 	snop  }
0x4: {  	_ = 	snop  }
0x5: {  	_ = 	snop  }
0x6: {  	_ = 	snop  }
0x7: {  	_ = 	snop  }
__scs_overlays_trampoline_lowered:
0x8: {  	[smem:$0x3FAA] =	sst s0  }
0x9: {  	[smem:$0x3FAB] =	sst s1  }
0xa: {  	[smem:$0x3FAC] =	sst s2  }
0xb: {  	[smem:$0x3FAD] =	sst s3  }
0xc: {  	[smem:$0x3FAE] =	sst s4  }
0xd: {  	[smem:$0x3FAF] =	sst s5  }
0xe: {  	[smem:$0x3FB0] =	sst s6  }
0xf: {  	[smem:$0x3FB1] =	sst s7  }
0x10: {  	[smem:$0x3FB2] =	sst s8  }
0x11: {  	[smem:$0x3FB3] =	sst s9;
	s0 =	simm.s32 @!p0 $0x0  }
0x12: {  	s1 =	sld [smem:$0x3F99];
	s0 =	simm.s32 @p0 $0x1  }
0x13: {  	[smem:$0x3FB4] =	sst s0;
	s0 =	simm.s32 @!p1 $0x0  }
0x14: {  	s2 =	sld [smem:$0x3F98];
	s0 =	simm.s32 @p1 $0x1  }
0x15: {  	[smem:$0x3FB5] =	sst s0;
	s0 =	simm.s32 @!p2 $0x0  }
0x16: {  	s3 =	sld [smem:$0x3FDB];
	s0 =	simm.s32 @p2 $0x1  }
0x17: {  	s4 =	simm.s32 $0x1BF5;
	[smem:$0x3FB7] =	sst s0  }
0x18: {  	s0 =	sld [smem:$0x3F9A];
	_ =	swait.ge [sflag:s4], $0x0  }
0x19: {  	s7 =	sld [smem:$0x3F9B]  }
0x1a: {  	s8 =	sadd.s32 $0xFFFFE003, lr  }
0x1b: {  	s9 =	sadd.s32 $0xFFFFFEF7, lr;
	s5 =	simm.s32 $0xFFFFFFFF;
	p2 =	slt.u32 s8, $0xFFFFF086  }
0x1c: {  	p1 =	slt.u32 s9, $0xF7A;
	s5 =	simm.s32 @!p2 $0x0  }
0x1d: {  	s5 =	simm.s32 @p1 $0x1;
	p0 =	seq.s32 s7, s2  }
0x1e: {  	s7 =	smul.u32 @!p0 $0xF7A, s2;
	p2 =	seq.s32 @!p0 s5, $0x0  }
0x1f: {  	s9 =	smul.u32 $0xF7A, s1;
	s8 =	simm.s32 @!p0 $0x1BF5;
	p2 =	por !p2, p0  }
0x20: {  	[sflag:s8] =	ssyncset.s32 @!p0 $0xFFFFF086;
	s6 =	sadd.s32 @!p0 s3, s7;
	s7 =	simm.s32 @!p0 $0x108  }
0x21: {  	s3 =	sadd.s32 s3, s9;
	s6 =	sadd.s32 @!p0 $0x88, s6;
	s7 =	simm.s32 @p2 $0x1082  }
0x22: {  	[simem:s7], [sflag:s8] =	dma.local @!p0 [hbm:s6], $0xF7A  }
0x23: {  	s9 =	sor.u32 $0xD0000000, s2;
	s6 =	simm.s32 $0x108;
	_ =	swait.ge @!p0 [sflag:s8], $0x0  }
0x24: {  	s3 =	sadd.s32 $0x88, s3;
	s6 =	simm.s32 @!p1 $0x1082;
	[sflag:s4] =	ssyncset.s32 $0xFFFFF086  }
0x25: {  	[simem:s6], [sflag:s4] =	dma.local [hbm:s3], $0xF7A  }
0x26: {  	[smem:$0x3F9B] =	sst s1;
	(tag) =	ssettag s2;
	_ =	strace s9  }
0x27: {  	s1 =	sld [smem:$0x3FAB]  }
0x28: {  	s2 =	sld [smem:$0x3FAC]  }
0x29: {  	s4 =	sld [smem:$0x3FAE]  }
0x2a: {  	p0 =	seq.s32 s5, $0x0;
	s5 =	sld [smem:$0x3FAF]  }
0x2b: {  	s6 =	sld [smem:$0x3FB0]  }
0x2c: {  	s7 =	sld [smem:$0x3FB1]  }
0x2d: {  	s3 =	simm.s32 $0x108;
	s8 =	sld [smem:$0x3FB2]  }
0x2e: {  	s3 =	simm.s32 @!p0 $0x1082;
	s9 =	sld [smem:$0x3FB3]  }
0x2f: {  	lr =	sadd.s32 s0, s3;
	s0 =	sld [smem:$0x3FAA]  }
0x30: {  	s3 =	sld [smem:$0x3FAD]  }
0x31: {  	[smem:$0x3FB6] =	sst s10  }
0x32: {  	s10 =	sld [smem:$0x3FB4];
	_ =	sdelay $0x3  }
0x33: {  	p0 =	seq.s32 s10, $0x1;
	s10 =	sld [smem:$0x3FB6];
	_ =	sdelay $0x3  }
0x34: {  	[smem:$0x3FB6] =	sst s10  }
0x35: {  	s10 =	sld [smem:$0x3FB5];
	_ =	sdelay $0x3  }
0x36: {  	p1 =	seq.s32 s10, $0x1;
	s10 =	sld [smem:$0x3FB6];
	_ =	sdelay $0x3  }
0x37: {  	[smem:$0x3FB6] =	sst s10  }
0x38: {  	s10 =	sld [smem:$0x3FB7]  }
0x39: {  	_ = 	snop;
	(pc) =	sbr.ind lr, $3  }
0x3a: {  	_ = 	snop  }
0x3b: {  	_ = 	snop  }
0x3c: {  	p2 =	seq.s32 s10, $0x1;
	s10 =	sld [smem:$0x3FB6]  }
0x3d: {  	_ =	shalt  }
0x3e: {  	_ =	shalt  }
0x3f: {  	_ =	shalt  }
0x40: {  	_ =	shalt  }
0x41: {  	_ =	shalt  }
0x42: {  	_ =	shalt  }
0x43: {  	_ =	shalt  }
0x44: {  	_ =	shalt  }
0x45: {  	_ =	shalt  }
0x46: {  	_ =	shalt  }
0x47: {  	_ =	shalt  }
0x48: {  	_ =	shalt  }
0x49: {  	_ =	shalt  }
0x4a: {  	_ =	shalt  }
0x4b: {  	_ =	shalt  }
0x4c: {  	_ =	shalt  }
0x4d: {  	_ =	shalt  }
0x4e: {  	_ =	shalt  }
0x4f: {  	_ =	shalt  }
0x50: {  	_ =	shalt  }
0x51: {  	_ =	shalt  }
0x52: {  	_ =	shalt  }
0x53: {  	_ =	shalt  }
0x54: {  	_ =	shalt  }
0x55: {  	_ =	shalt  }
0x56: {  	_ =	shalt  }
0x57: {  	_ =	shalt  }
0x58: {  	_ =	shalt  }
0x59: {  	_ =	shalt  }
0x5a: {  	_ =	shalt  }
0x5b: {  	_ =	shalt  }
0x5c: {  	_ =	shalt  }
0x5d: {  	_ =	shalt  }
0x5e: {  	_ =	shalt  }
0x5f: {  	_ =	shalt  }
0x60: {  	_ =	shalt  }
0x61: {  	_ =	shalt  }
0x62: {  	_ =	shalt  }
0x63: {  	_ =	shalt  }
0x64: {  	_ =	shalt  }
0x65: {  	_ =	shalt  }
0x66: {  	_ =	shalt  }
0x67: {  	_ =	shalt  }
0x68: {  	_ =	shalt  }
0x69: {  	_ =	shalt  }
0x6a: {  	_ =	shalt  }
0x6b: {  	_ =	shalt  }
0x6c: {  	_ =	shalt  }
0x6d: {  	_ =	shalt  }
0x6e: {  	_ =	shalt  }
0x6f: {  	_ =	shalt  }
0x70: {  	_ =	shalt  }
0x71: {  	_ =	shalt  }
0x72: {  	_ =	shalt  }
0x73: {  	_ =	shalt  }
0x74: {  	_ =	shalt  }
0x75: {  	_ =	shalt  }
0x76: {  	_ =	shalt  }
0x77: {  	_ =	shalt  }
0x78: {  	_ =	shalt  }
0x79: {  	_ =	shalt  }
0x7a: {  	_ =	shalt  }
0x7b: {  	_ =	shalt  }
0x7c: {  	_ =	shalt  }
0x7d: {  	_ =	shalt  }
0x7e: {  	_ =	shalt  }
0x7f: {  	_ =	shalt  }
0x80: {  	_ =	shalt  }
0x81: {  	_ =	shalt  }
0x82: {  	_ =	shalt  }
0x83: {  	_ =	shalt  }
0x84: {  	_ =	shalt  }
0x85: {  	_ =	shalt  }
0x86: {  	_ =	shalt  }
0x87: {  	_ =	shalt  }
.Lfunc_end0:
.L_simem_size_0:
called_computation.1_lowered:
.L_overlay_start_0:
0x88: {  	s2 =	sld [smem:$0x3FD9]  }
0x89: {  	s3 =	sld [smem:$0x3FFE];
	_ =	sdelay $0x1  }
0x8a: {  	s1 =	srdreg.scid  }
0x8b: {  	s0 =	sand.u32 $0x1, s1  }
0x8c: {  	s17 =	sshll.u32 s0, $0xA;
	s2 =	sadd.s32 s3, s2  }
0x8d: {  	s2 =	sadd.s32 s2, s17  }
0x8e: {  	[smem:$0x3FC2] =	sst s2  }
0x8f: {  	_ = 	snop  }
0x90: {  	(tm) =	ssettm $0x1  }
0x91: {  	s18 =	sld [smem:$0x3FFB];
	_ =	sdelay $0x3  }
0x92: {  	_ =	strace s18  }
0x93: {  	s2 =	sld [smem:$0x3FFC];
	_ =	sdelay $0x3  }
0x94: {  	_ =	strace s2  }
0x95: {  	s2 =	sld [smem:$0x3FFD];
	_ =	sdelay $0x3  }
0x96: {  	_ =	strace s2  }
0x97: {  	_ =	strace $0x8FFFFFFF  }
0x98: {  	s19 =	sld [smem:$0x3FDB];
	_ =	sdelay $0x1  }
0x99: {  	s20 =	simm.s32 $_scs_section_size  }
0x9a: {  	s4 =	simm.s32 $_size__tile_overlayer_lowered;
	s5 =	simm.s32 $_tile_overlayer_lowered  }
0x9b: {  	s6 =	simm.s32 $0x1BFF;
	s21 =	sshll.u32 s5, $0x1;
	s3 =	sadd.s32 s20, s19  }
0x9c: {  	s22 =	simm.s32 $0x0;
	s4 =	sshll.u32 s4, $0x1;
	s5 =	sadd.s32 s21, s3  }
0x9d: {  	[timem:s22], [sflag:s6] =	dma.local [hbm:s5], s4  }
0x9e: {  	_ =	swait.ge [sflag:s6], s4  }
0x9f: {  	s4 =	ssub.s32 $0x0, s4;
	[sflag:s6] =	ssyncset.done $0x0  }
0xa0: {  	[sflag:s6] =	ssyncadd.s32 s4;
	_ =	sdelay $0x1  }
0xa1: {  	s23 =	simm.s32 $0x1B8B  }
0xa2: {  	_ =	swait.ge [sflag:s23], $0x1  }
0xa3: {  	[sflag:s23] =	ssyncset.done $0x0  }
0xa4: {  	[sflag:s23] =	ssyncadd.s32 $0xFFFFFFFF  }
0xa5: {  	s4 =	sld [smem:$0x0]  }
0xa6: {  	s5 =	sand.u32 $0xFFFFFFFE, s1  }
0xa7: {  	p0 =	sne.s32 s1, s5  }
0xa8: {  	s5 =	sshll.u32 @p0 s5, $0xE  }
0xa9: {  	s5 =	sadd.s32 @p0 $0x11B8D, s5;
	s6 =	sshll.u32 @p0 s4, $0x11  }
0xaa: {  	s5 =	sor.u32 @p0 s6, s5  }
0xab: {  	[sflag:s5] =	ssyncadd.remote.s32 @p0 $0x1;
	_ =	sdelay $0x1  }
0xac: {  	s5 =	simm.s32 @p0 $0x1B8D  }
0xad: {  	_ =	swait.eq @p0 [sflag:s5], $0x1  }
0xae: {  	[sflag:s5] =	ssyncadd.s32 @p0 $0xFFFFFFFF  }
0xaf: {  	s6 =	sshll.u32 @!p0 s1, $0xE  }
0xb0: {  	s6 =	sor.u32 @!p0 $0x4000, s6;
	s5 =	simm.s32 @!p0 $0x1B8D  }
0xb1: {  	s4 =	sshll.u32 @!p0 s4, $0x11;
	s6 =	sadd.s32 @!p0 $0x11B8D, s6;
	_ =	swait.eq @!p0 [sflag:s5], $0x1  }
0xb2: {  	s4 =	sor.u32 @!p0 s4, s6;
	[sflag:s5] =	ssyncadd.s32 @!p0 $0xFFFFFFFF  }
0xb3: {  	s25 =	simm.s32 $0x1B8E;
	s24 =	sld [smem:$0x3FFE];
	[sflag:s4] =	ssyncadd.remote.s32 @!p0 $0x1  }
0xb4: {  	s26 =	simm.s32 $execute0_lowered;
	[smem:$0x3FD2] =	sst s25  }
0xb5: {  	s5 =	sshll.u32 s26, $0x1;
	_ =	strace $0x8000004C;
	[dreg:$0x1] =	wrdreg $0xFFFFFFFF  }
0xb6: {  	s28 =	simm.s32 $_size_execute0_lowered;
	s3 =	sadd.s32 s3, s5;
	[dreg:$0x0] =	wrdreg $0x0  }
0xb7: {  	s5 =	sshll.u32 s28, $0x1;
	[dreg:$0x2] =	wrdreg s3  }
0xb8: {  	[dreg:$0x3] =	wrdreg s5  }
0xb9: {  	[dreg:$0x4] =	wrdreg $0xC0  }
0xba: {  	_ =	task [dreg:s22], $0x5FFFF  }
0xbb: {  	[dreg:$0x1] =	wrdreg $0xFFFFFFFF  }
0xbc: {  	[dreg:$0x0] =	wrdreg $0x60  }
0xbd: {  	[dreg:$0x2] =	wrdreg s24  }
0xbe: {  	[dreg:$0x3] =	wrdreg $0x82000  }
0xbf: {  	[dreg:$0x4] =	wrdreg $0x9  }
0xc0: {  	_ =	task.clear_ibuf [dreg:s22], $0x5FFFF;
	_ =	strace $0x9000004C  }
0xc1: {  	s29 =	simm.s32 $0x9;
	_ =	strace $0x8000004E  }
0xc2: {  	_ =	swait.ge [sflag:s29], $0x1  }
0xc3: {  	[sflag:s29] =	ssyncadd.s32 $0xFFFFFFFF  }
0xc4: {  	_ =	strace $0x9000004E  }
0xc5: {  	_ =	sfence  }
0xc6: {  	s30 =	sld [smem:$0x0];
	_ =	sdelay $0x2  }
0xc7: {  	s31 =	sshll.u32 s1, $0xD;
	s1 =	sshrl.u32 s1, $0x2  }
0xc8: {  	s4 =	sand.u32 $0x4000, s31;
	s1 =	sadd.s32 s1, s30  }
0xc9: {  	s0 =	sor.u32 s4, s0;
	s1 =	sshll.u32 s1, $0x11  }
0xca: {  	s0 =	sor.u32 s1, s0  }
0xcb: {  	s0 =	sadd.s32 $0x8F2B, s0  }
0xcc: {  	[sflag:s0] =	ssyncadd.remote.s32 $0x1  }
0xcd: {  	_ =	sfence.sel $0xFFFF  }
0xce: {  	[dreg:$0x0] =	wrdreg $0xFFFFFFFF;
	(pc) =	sbr.abs _section_cstart, $3  }
0xcf: {  	[dreg:$0x1] =	wrdreg $0xFFFFFFFF  }
0xd0: {  	_ =	task.clear_ibuf [dreg:s22], $0x2FFFF;
	_ =	strace $0x9FFFFFFF  }
0xd1: {  	(tm) =	ssettm $0x7FFFFFFF  }
tec
execute0_lowered:
.L_overlay_start_1:
0x0: {  	(tag) =	ssettag $0x1  }
0x1: {  	s0 =	rddreg [dreg:$0x0]  }
0x2: {  	s2 =	rddreg [dreg:$0x1];
	s3 =	simm.s32 $0x0  }
0x3: {  	s1 =	stileid.u32;
	s7 =	srdreg.scid;
	s17 =	simm.s32 $0x200  }
0x4: {  	s18 =	simm.s32 $0x7;
	s19 =	simm.s32 $0x100;
	s20 =	simm.s32 $0x1  }
0x5: {  	s21 =	simm.s32 $0x80;
	s22 =	simm.s32 $0x2;
	s23 =	simm.s32 $0x4200  }
0x6: {  	s24 =	simm.s32 $0x3;
	s28 =	simm.s32 $0x180;
	s29 =	simm.s32 $0x6  }
0x7: {  	s30 =	simm.s32 $0x0;
	[smem:$0x7FF] =	sst s3;
	s6 =	smul.u32 $0xA00, s1  }
0x8: {  	s8 =	smul.u32 $0x50000, s1;
	s4 =	sadd.s32 $0x5B000, s0;
	s5 =	sadd.s32 $0x82200, s0  }
0x9: {  	s13 =	sand.u32 $0x1, s7;
	s26 =	sadd.s32 $0xF9400, s0;
	s15 =	smul.u32 $0x2800, s1  }
0xa: {  	_ =	strace $0x8000004D;
	s9 =	ssub.s32 $0x2, s13;
	[dreg:$0x3] =	wrdreg s26  }
0xb: {  	p0 =	seq.s32 s13, $0x1;
	s26 =	simm.s32 $0x4;
	s6 =	sadd.s32 s6, s0  }
.Ltmp0:
0xc: {  	s25 =	sshrl.u32 s8, $0x2;
	s0 =	sadd.s32 $0x121400, s0;
	(pc) =	sbr.rel .LBB2_1-.Ltmp0, $4  }
0xd: {  	s10 =	sshrl.u32 s9, $0x1;
	s7 =	sadd.s32 s25, s2;
	[dreg:$0x4] =	wrdreg s0  }
0xe: {  	s31 =	ssub.s32 s9, s10;
	s13 =	sadd.s32 $0x51000, s6;
	s14 =	sadd.s32 $0x51020, s6  }
0xf: {  	s25 =	simm.s32 $0x5;
	s9 =	sadd.s32 $0x4000, s7;
	s10 =	sadd.s32 $0x8000, s7  }
0x10: {  	v0 =	vimm.f32 $0.0e+00;
	s11 =	sadd.s32 $0xC000, s7;
	s12 =	sadd.s32 $0x10000, s7;
	s16 =	smax.u32 s31, $0x1  }
.LBB2_6:
0x11: {  	[tilespmem:s23], [sflag:$0x4] =	stream.indirect.gather [hbm4b:s4+s21], $0x80, s19, s21, $0xb8;
	[tilespmem:$0x1C200] =	vst v63  }
0x12: {  	s0 =	rddreg [dreg:$0x3]  }
.LBB2_10:
0x13: {  	_ =	swait.ge [sflag:s24], $0x4000  }
0x14: {  	[sflag:s24] =	ssyncset.done $0x0  }
0x15: {  	[sflag:s24] =	ssyncadd.s32 $0xFFFFC000  }
0x16: {  	[spmem:s2] =	stream.indirect.scatter.add.f32 [tilespmem:s17], [sflag:$0x5], $0x80, s21, s21, $0xb8;
	[tilespmem:$0x1C200] =	vst v63  }
0x17: {  	_ =	swait.ge [sflag:s25], $0x4000  }
0x18: {  	[sflag:s25] =	ssyncset.done $0x0  }
0x19: {  	[sflag:s25] =	ssyncadd.s32 $0xFFFFC000  }
0x1a: {  	_ =	swait.ge [sflag:s26], $0x4000  }
0x1b: {  	[sflag:s26] =	ssyncset.done $0x0  }
0x1c: {  	[sflag:s26] =	ssyncadd.s32 $0xFFFFC000  }
0x1d: {  	[spmem:s2] =	stream.indirect.scatter.add.f32 [tilespmem:s23], [sflag:$0x6], $0x80, s28, s21, $0xb8;
	[tilespmem:$0x1C200] =	vst v63  }
0x1e: {  	s0 =	sadd.s32 s0, s15;
	_ =	swait.ge [sflag:s29], $0x4000  }
0x1f: {  	s6 =	sshll.u32 s1, $0x6;
	s30 =	sadd.s32 $0x1, s30;
	[sflag:s29] =	ssyncset.done $0x0  }
0x20: {  	s8 =	sshrl.u32 s7, $0x3;
	p1 =	sne.s32 s30, s16;
	[sflag:s29] =	ssyncadd.s32 $0xFFFFC000  }
.Ltmp1:
0x21: {  	s6 =	sor.u32 $0x1C07, s6;
	[bflag:$0x0] =	sbarrier.arrive $0xFFFF;
	(pc) =	sbr.rel @!p1 .LBB2_11-.Ltmp1, $4  }
0x22: {  	[hbm:s0], [sflag:s6] =	dma.local [spmem:s8], $0x2800  }
0x23: {  	_ =	swait.ge [sflag:s18], $0x2800  }
0x24: {  	[sflag:s18] =	ssyncset.done $0x0  }
0x25: {  	[sflag:s18] =	ssyncadd.s32 $0xFFFFD800  }
.LBB2_1:
0x26: {  	s0 =	sand.u32 $0xFE00, s3  }
0x27: {  	s6 =	sand.u32 $0x70, s3;
	s0 =	sshrl.u32 s0, $0x2  }
0x28: {  	s31 =	simm.s32 $0x40;
	s6 =	sor.u32 s6, s0;
	s0 =	simm.s32 $0x0  }
.LBB2_2:
0x29: {  	p1 =	sne.s32 s31, $0xFFC0  }
0x2a: {  	[tilespmem:s6+$0x200] =	vst v0;
	s0 =	sadd.s32 $0x10, s0;
	s6 =	smov.u32 s31;
	s31 =	sadd.s32 $0x40, s31  }
.Ltmp2:
0x2b: {  	(pc) =	sbr.rel @p1 .LBB2_2-.Ltmp2, $4  }
0x2c: {  	_ = 	snop  }
0x2d: {  	s6 =	sand.u32 $0xFE00, s6  }
0x2e: {  	s8 =	sand.u32 $0x70, s0;
	s6 =	sshrl.u32 s6, $0x2  }
0x2f: {  	s6 =	sor.u32 s8, s6  }
0x30: {  	[tilespmem:s6+$0x200] =	vst v0  }
0x31: {  	[spmem:s7] =	stream.linear.scatter [tilespmem:s17], [sflag:$0x7], $0x4000, $0x38;
	[tilespmem:$0x1C200] =	vst v63  }
0x32: {  	_ =	swait.ge [sflag:s18], $0x4000  }
0x33: {  	[sflag:s18] =	ssyncset.done $0x0  }
0x34: {  	[sflag:s18] =	ssyncadd.s32 $0xFFFFC000  }
0x35: {  	[spmem:s9] =	stream.linear.scatter [tilespmem:s17], [sflag:$0x7], $0x4000, $0x38;
	[tilespmem:$0x1C200] =	vst v63  }
0x36: {  	_ =	swait.ge [sflag:s18], $0x4000  }
0x37: {  	[sflag:s18] =	ssyncset.done $0x0  }
0x38: {  	[sflag:s18] =	ssyncadd.s32 $0xFFFFC000  }
0x39: {  	[spmem:s10] =	stream.linear.scatter [tilespmem:s17], [sflag:$0x7], $0x4000, $0x38;
	[tilespmem:$0x1C200] =	vst v63  }
0x3a: {  	_ =	swait.ge [sflag:s18], $0x4000  }
0x3b: {  	[sflag:s18] =	ssyncset.done $0x0  }
0x3c: {  	[sflag:s18] =	ssyncadd.s32 $0xFFFFC000  }
0x3d: {  	[spmem:s11] =	stream.linear.scatter [tilespmem:s17], [sflag:$0x7], $0x4000, $0x38;
	[tilespmem:$0x1C200] =	vst v63  }
0x3e: {  	_ =	swait.ge [sflag:s18], $0x4000  }
0x3f: {  	[sflag:s18] =	ssyncset.done $0x0  }
0x40: {  	[sflag:s18] =	ssyncadd.s32 $0xFFFFC000  }
0x41: {  	[spmem:s12] =	stream.linear.scatter [tilespmem:s17], [sflag:$0x7], $0x4000, $0x38;
	[tilespmem:$0x1C200] =	vst v63  }
0x42: {  	_ =	swait.ge [sflag:s18], $0x4000  }
0x43: {  	[sflag:s18] =	ssyncset.done $0x0  }
0x44: {  	[sflag:s18] =	ssyncadd.s32 $0xFFFFC000  }
0x45: {  	[bflag:$0x0] =	sbarrier.arrive $0xFFFF  }
0x46: {  	[tilespmem:s3], [sflag:$0x1] =	stream.linear.gather [hbm4b:s13+s3], $0x100, $0x38;
	[tilespmem:$0x1C200] =	vst v63  }
.Ltmp3:
0x47: {  	_ = 	snop;
	(pc) =	sbr.rel @!p0 .LBB2_4-.Ltmp3, $4  }
0x48: {  	[tilespmem:s19], [sflag:$0x2] =	stream.linear.gather [hbm4b:s14+s3], $0x100, $0x38;
	[tilespmem:$0x1C200] =	vst v63  }
0x49: {  	_ =	swait.ge [sflag:s20], $0x100  }
0x4a: {  	[sflag:s20] =	ssyncset.done $0x0  }
0x4b: {  	[sflag:s20] =	ssyncadd.s32 $0xFFFFFF00  }
0x4c: {  	[tilespmem:s17], [sflag:$0x3] =	stream.indirect.gather [hbm4b:s5+s21], $0x80, s3, s21, $0xb8;
	[tilespmem:$0x1C200] =	vst v63  }
0x4d: {  	_ =	swait.ge [sflag:s22], $0x100  }
0x4e: {  	[sflag:s22] =	ssyncset.done $0x0  }
0x4f: {  	[sflag:s22] =	ssyncadd.s32 $0xFFFFFF00  }
0x50: {  	[tilespmem:s23], [sflag:$0x4] =	stream.indirect.gather [hbm4b:s5+s21], $0x80, s19, s21, $0xb8;
	[tilespmem:$0x1C200] =	vst v63  }
0x51: {  	_ =	swait.ge [sflag:s24], $0x4000  }
0x52: {  	[sflag:s24] =	ssyncset.done $0x0  }
0x53: {  	[sflag:s24] =	ssyncadd.s32 $0xFFFFC000  }
0x54: {  	[spmem:s2] =	stream.indirect.scatter.add.f32 [tilespmem:s17], [sflag:$0x5], $0x80, s21, s21, $0xb8;
	[tilespmem:$0x1C200] =	vst v63  }
0x55: {  	_ =	swait.ge [sflag:s25], $0x4000  }
0x56: {  	s0 =	sadd.s32 $0xFFFFF640, s13;
	[sflag:s25] =	ssyncset.done $0x0  }
0x57: {  	s6 =	sadd.s32 $0xA00, s0;
	[sflag:s25] =	ssyncadd.s32 $0xFFFFC000  }
0x58: {  	[tilespmem:s3], [sflag:$0x1] =	stream.linear.gather [hbm4b:s6+s3], $0x100, $0x38;
	[tilespmem:$0x1C200] =	vst v63  }
0x59: {  	_ =	swait.ge [sflag:s26], $0x4000  }
0x5a: {  	[sflag:s26] =	ssyncset.done $0x0  }
0x5b: {  	[sflag:s26] =	ssyncadd.s32 $0xFFFFC000  }
0x5c: {  	[spmem:s2] =	stream.indirect.scatter.add.f32 [tilespmem:s23], [sflag:$0x6], $0x80, s28, s21, $0xb8;
	[tilespmem:$0x1C200] =	vst v63  }
0x5d: {  	_ =	swait.ge [sflag:s20], $0x100  }
0x5e: {  	[sflag:s20] =	ssyncset.done $0x0  }
0x5f: {  	[sflag:s20] =	ssyncadd.s32 $0xFFFFFF00  }
0x60: {  	[tilespmem:s17], [sflag:$0x3] =	stream.indirect.gather [hbm4b:s5+s21], $0x80, s3, s21, $0xb8;
	[tilespmem:$0x1C200] =	vst v63  }
0x61: {  	_ =	swait.ge [sflag:s29], $0x4000  }
0x62: {  	[sflag:s29] =	ssyncset.done $0x0  }
0x63: {  	s0 =	sadd.s32 $0xA20, s0;
	[sflag:s29] =	ssyncadd.s32 $0xFFFFC000  }
0x64: {  	[tilespmem:s19], [sflag:$0x2] =	stream.linear.gather [hbm4b:s0+s3], $0x100, $0x38;
	[tilespmem:$0x1C200] =	vst v63  }
0x65: {  	_ =	swait.ge [sflag:s22], $0x100  }
0x66: {  	[sflag:s22] =	ssyncset.done $0x0  }
0x67: {  	s31 =	simm.s32 $0xFFFFF680;
	[sflag:s22] =	ssyncadd.s32 $0xFFFFFF00  }
.LBB2_8:
0x68: {  	[tilespmem:s23], [sflag:$0x4] =	stream.indirect.gather [hbm4b:s5+s21], $0x80, s19, s21, $0xb8;
	[tilespmem:$0x1C200] =	vst v63  }
0x69: {  	s0 =	smov.u32 s31  }
0x6a: {  	p1 =	sne.s32 s31, $0xFFFFFFC0;
	s31 =	sadd.s32 $0x40, s31;
	_ =	swait.ge [sflag:s24], $0x4000  }
0x6b: {  	[sflag:s24] =	ssyncset.done $0x0  }
0x6c: {  	[sflag:s24] =	ssyncadd.s32 $0xFFFFC000  }
0x6d: {  	[spmem:s2] =	stream.indirect.scatter.add.f32 [tilespmem:s17], [sflag:$0x5], $0x80, s21, s21, $0xb8;
	[tilespmem:$0x1C200] =	vst v63  }
0x6e: {  	_ =	swait.ge [sflag:s25], $0x4000  }
0x6f: {  	s0 =	sadd.s32 s0, s13;
	[sflag:s25] =	ssyncset.done $0x0  }
0x70: {  	s6 =	sadd.s32 $0xA00, s0;
	[sflag:s25] =	ssyncadd.s32 $0xFFFFC000  }
0x71: {  	[tilespmem:s3], [sflag:$0x1] =	stream.linear.gather [hbm4b:s6+s3], $0x100, $0x38;
	[tilespmem:$0x1C200] =	vst v63  }
0x72: {  	_ =	swait.ge [sflag:s26], $0x4000  }
0x73: {  	[sflag:s26] =	ssyncset.done $0x0  }
0x74: {  	[sflag:s26] =	ssyncadd.s32 $0xFFFFC000  }
0x75: {  	[spmem:s2] =	stream.indirect.scatter.add.f32 [tilespmem:s23], [sflag:$0x6], $0x80, s28, s21, $0xb8;
	[tilespmem:$0x1C200] =	vst v63  }
0x76: {  	_ =	swait.ge [sflag:s20], $0x100  }
0x77: {  	[sflag:s20] =	ssyncset.done $0x0  }
0x78: {  	[sflag:s20] =	ssyncadd.s32 $0xFFFFFF00  }
0x79: {  	[tilespmem:s17], [sflag:$0x3] =	stream.indirect.gather [hbm4b:s5+s21], $0x80, s3, s21, $0xb8;
	[tilespmem:$0x1C200] =	vst v63  }
0x7a: {  	_ =	swait.ge [sflag:s29], $0x4000  }
0x7b: {  	[sflag:s29] =	ssyncset.done $0x0  }
.Ltmp4:
0x7c: {  	s0 =	sadd.s32 $0xA20, s0;
	[sflag:s29] =	ssyncadd.s32 $0xFFFFC000;
	(pc) =	sbr.rel @p1 .LBB2_8-.Ltmp4, $4  }
0x7d: {  	[tilespmem:s19], [sflag:$0x2] =	stream.linear.gather [hbm4b:s0+s3], $0x100, $0x38;
	[tilespmem:$0x1C200] =	vst v63  }
0x7e: {  	_ =	swait.ge [sflag:s22], $0x100  }
0x7f: {  	[sflag:s22] =	ssyncset.done $0x0  }
0x80: {  	[sflag:s22] =	ssyncadd.s32 $0xFFFFFF00  }
.Ltmp5:
0x81: {  	(pc) =	sbr.rel .LBB2_10-.Ltmp5, $3  }
0x82: {  	_ =	sdelay $0x1  }
0x83: {  	[tilespmem:s23], [sflag:$0x4] =	stream.indirect.gather [hbm4b:s5+s21], $0x80, s19, s21, $0xb8;
	[tilespmem:$0x1C200] =	vst v63  }
0x84: {  	s0 =	rddreg [dreg:$0x4]  }
.LBB2_4:
0x85: {  	[tilespmem:s17], [sflag:$0x3] =	stream.indirect.gather [hbm4b:s4+s21], $0x80, s3, s21, $0xb8;
	[tilespmem:$0x1C200] =	vst v63  }
0x86: {  	_ =	swait.ge [sflag:s22], $0x100  }
0x87: {  	[sflag:s22] =	ssyncset.done $0x0  }
0x88: {  	[sflag:s22] =	ssyncadd.s32 $0xFFFFFF00  }
0x89: {  	[tilespmem:s23], [sflag:$0x4] =	stream.indirect.gather [hbm4b:s4+s21], $0x80, s19, s21, $0xb8;
	[tilespmem:$0x1C200] =	vst v63  }
0x8a: {  	_ =	swait.ge [sflag:s24], $0x4000  }
0x8b: {  	[sflag:s24] =	ssyncset.done $0x0  }
0x8c: {  	[sflag:s24] =	ssyncadd.s32 $0xFFFFC000  }
0x8d: {  	[spmem:s2] =	stream.indirect.scatter.add.f32 [tilespmem:s17], [sflag:$0x5], $0x80, s21, s21, $0xb8;
	[tilespmem:$0x1C200] =	vst v63  }
0x8e: {  	_ =	swait.ge [sflag:s25], $0x4000  }
0x8f: {  	s0 =	sadd.s32 $0xFFFFF640, s13;
	[sflag:s25] =	ssyncset.done $0x0  }
0x90: {  	s6 =	sadd.s32 $0xA00, s0;
	[sflag:s25] =	ssyncadd.s32 $0xFFFFC000  }
0x91: {  	[tilespmem:s3], [sflag:$0x1] =	stream.linear.gather [hbm4b:s6+s3], $0x100, $0x38;
	[tilespmem:$0x1C200] =	vst v63  }
0x92: {  	_ =	swait.ge [sflag:s26], $0x4000  }
0x93: {  	[sflag:s26] =	ssyncset.done $0x0  }
0x94: {  	[sflag:s26] =	ssyncadd.s32 $0xFFFFC000  }
0x95: {  	[spmem:s2] =	stream.indirect.scatter.add.f32 [tilespmem:s23], [sflag:$0x6], $0x80, s28, s21, $0xb8;
	[tilespmem:$0x1C200] =	vst v63  }
0x96: {  	_ =	swait.ge [sflag:s20], $0x100  }
0x97: {  	[sflag:s20] =	ssyncset.done $0x0  }
0x98: {  	[sflag:s20] =	ssyncadd.s32 $0xFFFFFF00  }
0x99: {  	[tilespmem:s17], [sflag:$0x3] =	stream.indirect.gather [hbm4b:s4+s21], $0x80, s3, s21, $0xb8;
	[tilespmem:$0x1C200] =	vst v63  }
0x9a: {  	_ =	swait.ge [sflag:s29], $0x4000  }
0x9b: {  	[sflag:s29] =	ssyncset.done $0x0  }
0x9c: {  	s0 =	sadd.s32 $0xA20, s0;
	[sflag:s29] =	ssyncadd.s32 $0xFFFFC000  }
0x9d: {  	[tilespmem:s19], [sflag:$0x2] =	stream.linear.gather [hbm4b:s0+s3], $0x100, $0x38;
	[tilespmem:$0x1C200] =	vst v63  }
0x9e: {  	_ =	swait.ge [sflag:s22], $0x100  }
0x9f: {  	[sflag:s22] =	ssyncset.done $0x0  }
0xa0: {  	s31 =	simm.s32 $0xFFFFF680;
	[sflag:s22] =	ssyncadd.s32 $0xFFFFFF00  }
.LBB2_5:
0xa1: {  	[tilespmem:s23], [sflag:$0x4] =	stream.indirect.gather [hbm4b:s4+s21], $0x80, s19, s21, $0xb8;
	[tilespmem:$0x1C200] =	vst v63  }
0xa2: {  	s0 =	smov.u32 s31  }
0xa3: {  	p1 =	seq.s32 s31, $0xFFFFFFC0;
	s31 =	sadd.s32 $0x40, s31;
	_ =	swait.ge [sflag:s24], $0x4000  }
0xa4: {  	[sflag:s24] =	ssyncset.done $0x0  }
0xa5: {  	[sflag:s24] =	ssyncadd.s32 $0xFFFFC000  }
0xa6: {  	[spmem:s2] =	stream.indirect.scatter.add.f32 [tilespmem:s17], [sflag:$0x5], $0x80, s21, s21, $0xb8;
	[tilespmem:$0x1C200] =	vst v63  }
0xa7: {  	_ =	swait.ge [sflag:s25], $0x4000  }
0xa8: {  	s0 =	sadd.s32 s0, s13;
	[sflag:s25] =	ssyncset.done $0x0  }
0xa9: {  	s6 =	sadd.s32 $0xA00, s0;
	[sflag:s25] =	ssyncadd.s32 $0xFFFFC000  }
0xaa: {  	[tilespmem:s3], [sflag:$0x1] =	stream.linear.gather [hbm4b:s6+s3], $0x100, $0x38;
	[tilespmem:$0x1C200] =	vst v63  }
0xab: {  	_ =	swait.ge [sflag:s26], $0x4000  }
0xac: {  	[sflag:s26] =	ssyncset.done $0x0  }
0xad: {  	[sflag:s26] =	ssyncadd.s32 $0xFFFFC000  }
0xae: {  	[spmem:s2] =	stream.indirect.scatter.add.f32 [tilespmem:s23], [sflag:$0x6], $0x80, s28, s21, $0xb8;
	[tilespmem:$0x1C200] =	vst v63  }
0xaf: {  	_ =	swait.ge [sflag:s20], $0x100  }
0xb0: {  	[sflag:s20] =	ssyncset.done $0x0  }
0xb1: {  	[sflag:s20] =	ssyncadd.s32 $0xFFFFFF00  }
0xb2: {  	[tilespmem:s17], [sflag:$0x3] =	stream.indirect.gather [hbm4b:s4+s21], $0x80, s3, s21, $0xb8;
	[tilespmem:$0x1C200] =	vst v63  }
0xb3: {  	_ =	swait.ge [sflag:s29], $0x4000  }
0xb4: {  	[sflag:s29] =	ssyncset.done $0x0  }
.Ltmp6:
0xb5: {  	s0 =	sadd.s32 $0xA20, s0;
	[sflag:s29] =	ssyncadd.s32 $0xFFFFC000;
	(pc) =	sbr.rel @!p1 .LBB2_5-.Ltmp6, $4  }
0xb6: {  	[tilespmem:s19], [sflag:$0x2] =	stream.linear.gather [hbm4b:s0+s3], $0x100, $0x38;
	[tilespmem:$0x1C200] =	vst v63  }
0xb7: {  	_ =	swait.ge [sflag:s22], $0x100  }
0xb8: {  	[sflag:s22] =	ssyncset.done $0x0  }
0xb9: {  	[sflag:s22] =	ssyncadd.s32 $0xFFFFFF00  }
.Ltmp7:
0xba: {  	_ = 	snop;
	(pc) =	sbr.rel .LBB2_6-.Ltmp7, $1  }
0xbb: {  	_ =	sdelay $0x3  }
.LBB2_11:
0xbc: {  	_ =	sfence.sel $0x180000  }
0xbd: {  	[bflag:$0x0] =	sbarrier.arrive $0xFFFF  }
0xbe: {  	_ =	strace $0x9000004D  }
0xbf: {  	[bflag:$0x2] =	sbarrier.arrive $0xFFFF  }
0xc0: {  	p0 =	sne.s32 s1, $0x0;
	s0 =	rddreg [dreg:$0x2]  }
0xc1: {  	s0 =	sadd.s32 @!p0 $0x100000, s0  }
0xc2: {  	[sflag:s0] =	ssyncadd.tile.s32 @!p0 $0x1;
	_ =	shalt  }
.Lfunc_end2:
_tile_overlayer_lowered:
.L_overlay_start_2:
0xc3: {  	(tag) =	ssettag $0x2  }
0xc4: {  	s0 =	rddreg [dreg:$0x0];
	s2 =	stileid.u32  }
0xc5: {  	s1 =	rddreg [dreg:$0x1];
	p0 =	sne.s32 s2, $0x0  }
0xc6: {  	s3 =	rddreg [dreg:$0x2];
	[bflag:$0x3] =	sbarrier.arrive $0xFFFF;
	s2 =	simm.s32 @!p0 $0x1C07  }
0xc7: {  	[timem:s3], [sflag:s2] =	dma.local @!p0 [hbm:s0], s1  }
0xc8: {  	s0 =	simm.s32 @!p0 $0x7  }
0xc9: {  	_ =	swait.ge @!p0 [sflag:s0], s1  }
0xca: {  	s1 =	ssub.s32 @!p0 $0x0, s1;
	[sflag:s0] =	ssyncset.done @!p0 $0x0  }
0xcb: {  	[sflag:s0] =	ssyncadd.s32 @!p0 s1  }
0xcc: {  	[bflag:$0x3] =	sbarrier.arrive $0xFFFF  }
0xcd: {  	_ =	shalt  }

// kernel: kernel.14.cloned.1.call-start
scs
__scs_entry_jumppad:
0x0: {  	(pc) =	sbr.rel $0x88, $3  }
0x1: {  	(tag) =	ssettag $0x0;
	lr =	simm.s32 $0x1  }
0x2: {  	[smem:$0x3F9B] =	sst lr;
	_ =	strace $0xD0000000  }
0x3: {  	_ = 	snop  }
0x4: {  	_ = 	snop  }
0x5: {  	_ = 	snop  }
0x6: {  	_ = 	snop  }
0x7: {  	_ = 	snop  }
__scs_overlays_trampoline_lowered:
0x8: {  	[smem:$0x3FAA] =	sst s0  }
0x9: {  	[smem:$0x3FAB] =	sst s1  }
0xa: {  	[smem:$0x3FAC] =	sst s2  }
0xb: {  	[smem:$0x3FAD] =	sst s3  }
0xc: {  	[smem:$0x3FAE] =	sst s4  }
0xd: {  	[smem:$0x3FAF] =	sst s5  }
0xe: {  	[smem:$0x3FB0] =	sst s6  }
0xf: {  	[smem:$0x3FB1] =	sst s7  }
0x10: {  	[smem:$0x3FB2] =	sst s8  }
0x11: {  	[smem:$0x3FB3] =	sst s9;
	s0 =	simm.s32 @!p0 $0x0  }
0x12: {  	s1 =	sld [smem:$0x3F99];
	s0 =	simm.s32 @p0 $0x1  }
0x13: {  	[smem:$0x3FB4] =	sst s0;
	s0 =	simm.s32 @!p1 $0x0  }
0x14: {  	s2 =	sld [smem:$0x3F98];
	s0 =	simm.s32 @p1 $0x1  }
0x15: {  	[smem:$0x3FB5] =	sst s0;
	s0 =	simm.s32 @!p2 $0x0  }
0x16: {  	s3 =	sld [smem:$0x3FDB];
	s0 =	simm.s32 @p2 $0x1  }
0x17: {  	s4 =	simm.s32 $0x1BF5;
	[smem:$0x3FB7] =	sst s0  }
0x18: {  	s0 =	sld [smem:$0x3F9A];
	_ =	swait.ge [sflag:s4], $0x0  }
0x19: {  	s7 =	sld [smem:$0x3F9B]  }
0x1a: {  	s8 =	sadd.s32 $0xFFFFE003, lr  }
0x1b: {  	s9 =	sadd.s32 $0xFFFFFEF7, lr;
	s5 =	simm.s32 $0xFFFFFFFF;
	p2 =	slt.u32 s8, $0xFFFFF086  }
0x1c: {  	p1 =	slt.u32 s9, $0xF7A;
	s5 =	simm.s32 @!p2 $0x0  }
0x1d: {  	s5 =	simm.s32 @p1 $0x1;
	p0 =	seq.s32 s7, s2  }
0x1e: {  	s7 =	smul.u32 @!p0 $0xF7A, s2;
	p2 =	seq.s32 @!p0 s5, $0x0  }
0x1f: {  	s9 =	smul.u32 $0xF7A, s1;
	s8 =	simm.s32 @!p0 $0x1BF5;
	p2 =	por !p2, p0  }
0x20: {  	[sflag:s8] =	ssyncset.s32 @!p0 $0xFFFFF086;
	s6 =	sadd.s32 @!p0 s3, s7;
	s7 =	simm.s32 @!p0 $0x108  }
0x21: {  	s3 =	sadd.s32 s3, s9;
	s6 =	sadd.s32 @!p0 $0x88, s6;
	s7 =	simm.s32 @p2 $0x1082  }
0x22: {  	[simem:s7], [sflag:s8] =	dma.local @!p0 [hbm:s6], $0xF7A  }
0x23: {  	s9 =	sor.u32 $0xD0000000, s2;
	s6 =	simm.s32 $0x108;
	_ =	swait.ge @!p0 [sflag:s8], $0x0  }
0x24: {  	s3 =	sadd.s32 $0x88, s3;
	s6 =	simm.s32 @!p1 $0x1082;
	[sflag:s4] =	ssyncset.s32 $0xFFFFF086  }
0x25: {  	[simem:s6], [sflag:s4] =	dma.local [hbm:s3], $0xF7A  }
0x26: {  	[smem:$0x3F9B] =	sst s1;
	(tag) =	ssettag s2;
	_ =	strace s9  }
0x27: {  	s1 =	sld [smem:$0x3FAB]  }
0x28: {  	s2 =	sld [smem:$0x3FAC]  }
0x29: {  	s4 =	sld [smem:$0x3FAE]  }
0x2a: {  	p0 =	seq.s32 s5, $0x0;
	s5 =	sld [smem:$0x3FAF]  }
0x2b: {  	s6 =	sld [smem:$0x3FB0]  }
0x2c: {  	s7 =	sld [smem:$0x3FB1]  }
0x2d: {  	s3 =	simm.s32 $0x108;
	s8 =	sld [smem:$0x3FB2]  }
0x2e: {  	s3 =	simm.s32 @!p0 $0x1082;
	s9 =	sld [smem:$0x3FB3]  }
0x2f: {  	lr =	sadd.s32 s0, s3;
	s0 =	sld [smem:$0x3FAA]  }
0x30: {  	s3 =	sld [smem:$0x3FAD]  }
0x31: {  	[smem:$0x3FB6] =	sst s10  }
0x32: {  	s10 =	sld [smem:$0x3FB4];
	_ =	sdelay $0x3  }
0x33: {  	p0 =	seq.s32 s10, $0x1;
	s10 =	sld [smem:$0x3FB6];
	_ =	sdelay $0x3  }
0x34: {  	[smem:$0x3FB6] =	sst s10  }
0x35: {  	s10 =	sld [smem:$0x3FB5];
	_ =	sdelay $0x3  }
0x36: {  	p1 =	seq.s32 s10, $0x1;
	s10 =	sld [smem:$0x3FB6];
	_ =	sdelay $0x3  }
0x37: {  	[smem:$0x3FB6] =	sst s10  }
0x38: {  	s10 =	sld [smem:$0x3FB7]  }
0x39: {  	_ = 	snop;
	(pc) =	sbr.ind lr, $3  }
0x3a: {  	_ = 	snop  }
0x3b: {  	_ = 	snop  }
0x3c: {  	p2 =	seq.s32 s10, $0x1;
	s10 =	sld [smem:$0x3FB6]  }
0x3d: {  	_ =	shalt  }
0x3e: {  	_ =	shalt  }
0x3f: {  	_ =	shalt  }
0x40: {  	_ =	shalt  }
0x41: {  	_ =	shalt  }
0x42: {  	_ =	shalt  }
0x43: {  	_ =	shalt  }
0x44: {  	_ =	shalt  }
0x45: {  	_ =	shalt  }
0x46: {  	_ =	shalt  }
0x47: {  	_ =	shalt  }
0x48: {  	_ =	shalt  }
0x49: {  	_ =	shalt  }
0x4a: {  	_ =	shalt  }
0x4b: {  	_ =	shalt  }
0x4c: {  	_ =	shalt  }
0x4d: {  	_ =	shalt  }
0x4e: {  	_ =	shalt  }
0x4f: {  	_ =	shalt  }
0x50: {  	_ =	shalt  }
0x51: {  	_ =	shalt  }
0x52: {  	_ =	shalt  }
0x53: {  	_ =	shalt  }
0x54: {  	_ =	shalt  }
0x55: {  	_ =	shalt  }
0x56: {  	_ =	shalt  }
0x57: {  	_ =	shalt  }
0x58: {  	_ =	shalt  }
0x59: {  	_ =	shalt  }
0x5a: {  	_ =	shalt  }
0x5b: {  	_ =	shalt  }
0x5c: {  	_ =	shalt  }
0x5d: {  	_ =	shalt  }
0x5e: {  	_ =	shalt  }
0x5f: {  	_ =	shalt  }
0x60: {  	_ =	shalt  }
0x61: {  	_ =	shalt  }
0x62: {  	_ =	shalt  }
0x63: {  	_ =	shalt  }
0x64: {  	_ =	shalt  }
0x65: {  	_ =	shalt  }
0x66: {  	_ =	shalt  }
0x67: {  	_ =	shalt  }
0x68: {  	_ =	shalt  }
0x69: {  	_ =	shalt  }
0x6a: {  	_ =	shalt  }
0x6b: {  	_ =	shalt  }
0x6c: {  	_ =	shalt  }
0x6d: {  	_ =	shalt  }
0x6e: {  	_ =	shalt  }
0x6f: {  	_ =	shalt  }
0x70: {  	_ =	shalt  }
0x71: {  	_ =	shalt  }
0x72: {  	_ =	shalt  }
0x73: {  	_ =	shalt  }
0x74: {  	_ =	shalt  }
0x75: {  	_ =	shalt  }
0x76: {  	_ =	shalt  }
0x77: {  	_ =	shalt  }
0x78: {  	_ =	shalt  }
0x79: {  	_ =	shalt  }
0x7a: {  	_ =	shalt  }
0x7b: {  	_ =	shalt  }
0x7c: {  	_ =	shalt  }
0x7d: {  	_ =	shalt  }
0x7e: {  	_ =	shalt  }
0x7f: {  	_ =	shalt  }
0x80: {  	_ =	shalt  }
0x81: {  	_ =	shalt  }
0x82: {  	_ =	shalt  }
0x83: {  	_ =	shalt  }
0x84: {  	_ =	shalt  }
0x85: {  	_ =	shalt  }
0x86: {  	_ =	shalt  }
0x87: {  	_ =	shalt  }
.Lfunc_end0:
.L_simem_size_0:
called_computation.2_lowered:
.L_overlay_start_0:
0x88: {  	s2 =	sld [smem:$0x3FD9]  }
0x89: {  	s3 =	sld [smem:$0x3FFE];
	_ =	sdelay $0x1  }
0x8a: {  	s1 =	srdreg.scid  }
0x8b: {  	s0 =	sand.u32 $0x1, s1  }
0x8c: {  	s16 =	sshll.u32 s0, $0xA;
	s2 =	sadd.s32 s3, s2  }
0x8d: {  	s2 =	sadd.s32 s2, s16  }
0x8e: {  	[smem:$0x3FC2] =	sst s2  }
0x8f: {  	_ = 	snop  }
0x90: {  	(tm) =	ssettm $0x1  }
0x91: {  	s17 =	sld [smem:$0x3FFB];
	_ =	sdelay $0x3  }
0x92: {  	_ =	strace s17  }
0x93: {  	s2 =	sld [smem:$0x3FFC];
	_ =	sdelay $0x3  }
0x94: {  	_ =	strace s2  }
0x95: {  	s2 =	sld [smem:$0x3FFD];
	_ =	sdelay $0x3  }
0x96: {  	_ =	strace s2  }
0x97: {  	_ =	strace $0x8FFFFFFF  }
0x98: {  	s18 =	sld [smem:$0x3FDB];
	_ =	sdelay $0x1  }
0x99: {  	s19 =	simm.s32 $_scs_section_size  }
0x9a: {  	s4 =	simm.s32 $_size__tile_overlayer_lowered;
	s5 =	simm.s32 $_tile_overlayer_lowered  }
0x9b: {  	s22 =	simm.s32 $0x1BFF;
	s21 =	sshll.u32 s5, $0x1;
	s2 =	sadd.s32 s19, s18  }
0x9c: {  	s6 =	simm.s32 $0x0;
	s20 =	sshll.u32 s4, $0x1;
	s4 =	sadd.s32 s21, s2  }
0x9d: {  	[timem:s6], [sflag:s22] =	dma.local [hbm:s4], s20  }
0x9e: {  	_ =	swait.ge [sflag:s22], s20  }
0x9f: {  	s3 =	ssub.s32 $0x0, s20;
	[sflag:s22] =	ssyncset.done $0x0  }
0xa0: {  	[sflag:s22] =	ssyncadd.s32 s3;
	_ =	sdelay $0x1  }
0xa1: {  	s23 =	simm.s32 $0x1B8B  }
0xa2: {  	_ =	swait.ge [sflag:s23], $0x1  }
0xa3: {  	[sflag:s23] =	ssyncset.done $0x0  }
0xa4: {  	s25 =	simm.s32 $0x1B8E;
	s24 =	sld [smem:$0x3FFE];
	[sflag:s23] =	ssyncadd.s32 $0xFFFFFFFF  }
0xa5: {  	s26 =	simm.s32 $execute0_lowered;
	[smem:$0x3FD2] =	sst s25  }
0xa6: {  	s4 =	sshll.u32 s26, $0x1;
	_ =	strace $0x80000049;
	[dreg:$0x1] =	wrdreg $0xFFFFFFFF  }
0xa7: {  	s28 =	simm.s32 $_size_execute0_lowered;
	s2 =	sadd.s32 s2, s4;
	[dreg:$0x0] =	wrdreg $0x0  }
0xa8: {  	s4 =	sshll.u32 s28, $0x1;
	[dreg:$0x2] =	wrdreg s2  }
0xa9: {  	[dreg:$0x3] =	wrdreg s4  }
0xaa: {  	[dreg:$0x4] =	wrdreg $0xC0  }
0xab: {  	_ =	task [dreg:s6], $0x5FFFF  }
0xac: {  	[dreg:$0x1] =	wrdreg $0xFFFFFFFF  }
0xad: {  	[dreg:$0x0] =	wrdreg $0x60  }
0xae: {  	[dreg:$0x2] =	wrdreg s24  }
0xaf: {  	[dreg:$0x3] =	wrdreg $0x82000  }
0xb0: {  	[dreg:$0x4] =	wrdreg $0xA  }
0xb1: {  	_ =	task.clear_ibuf [dreg:s6], $0x5FFFF;
	_ =	strace $0x90000049  }
0xb2: {  	s29 =	simm.s32 $0xA;
	_ =	strace $0x8000004B  }
0xb3: {  	_ =	swait.ge [sflag:s29], $0x1  }
0xb4: {  	[sflag:s29] =	ssyncadd.s32 $0xFFFFFFFF  }
0xb5: {  	_ =	strace $0x9000004B  }
0xb6: {  	_ =	sfence  }
0xb7: {  	s30 =	sld [smem:$0x0];
	_ =	sdelay $0x2  }
0xb8: {  	s31 =	sshll.u32 s1, $0xD;
	s1 =	sshrl.u32 s1, $0x2  }
0xb9: {  	s3 =	sand.u32 $0x4000, s31;
	s1 =	sadd.s32 s1, s30  }
0xba: {  	s0 =	sor.u32 s3, s0;
	s1 =	sshll.u32 s1, $0x11  }
0xbb: {  	s0 =	sor.u32 s1, s0  }
0xbc: {  	s0 =	sadd.s32 $0x8F2B, s0  }
0xbd: {  	[sflag:s0] =	ssyncadd.remote.s32 $0x1  }
0xbe: {  	_ =	sfence.sel $0xFFFF  }
0xbf: {  	[dreg:$0x0] =	wrdreg $0xFFFFFFFF;
	(pc) =	sbr.abs _section_cstart, $3  }
0xc0: {  	[dreg:$0x1] =	wrdreg $0xFFFFFFFF  }
0xc1: {  	_ =	task.clear_ibuf [dreg:s6], $0x2FFFF;
	_ =	strace $0x9FFFFFFF  }
0xc2: {  	(tm) =	ssettm $0x7FFFFFFF  }
0xc3: {  	_ =	shalt  }
tec
execute0_lowered:
.L_overlay_start_1:
0x0: {  	(tag) =	ssettag $0x1  }
0x1: {  	s0 =	rddreg [dreg:$0x0]  }
0x2: {  	s2 =	rddreg [dreg:$0x1];
	s3 =	simm.s32 $0x0  }
0x3: {  	s1 =	stileid.u32;
	s7 =	srdreg.scid;
	s17 =	simm.s32 $0x200  }
0x4: {  	s18 =	simm.s32 $0x7;
	s19 =	simm.s32 $0x100;
	s20 =	simm.s32 $0x1  }
0x5: {  	s21 =	simm.s32 $0x80;
	s22 =	simm.s32 $0x2;
	s23 =	simm.s32 $0x4200  }
0x6: {  	s24 =	simm.s32 $0x3;
	s28 =	simm.s32 $0x180;
	s29 =	simm.s32 $0x6  }
0x7: {  	s30 =	simm.s32 $0x0;
	[smem:$0x7FF] =	sst s3;
	s6 =	smul.u32 $0xA00, s1  }
0x8: {  	s8 =	smul.u32 $0x50000, s1;
	s4 =	sadd.s32 $0x2C00, s0;
	s5 =	sadd.s32 $0x29E00, s0  }
0x9: {  	s13 =	sand.u32 $0x1, s7;
	s26 =	sadd.s32 $0xA9400, s0;
	s15 =	smul.u32 $0x2800, s1  }
0xa: {  	_ =	strace $0x8000004A;
	s9 =	ssub.s32 $0x2, s13;
	[dreg:$0x3] =	wrdreg s26  }
0xb: {  	p0 =	seq.s32 s13, $0x1;
	s26 =	simm.s32 $0x4;
	s6 =	sadd.s32 s6, s0  }
.Ltmp0:
0xc: {  	s25 =	sshrl.u32 s8, $0x2;
	s0 =	sadd.s32 $0xD1400, s0;
	(pc) =	sbr.rel .LBB2_1-.Ltmp0, $4  }
0xd: {  	s10 =	sshrl.u32 s9, $0x1;
	s7 =	sadd.s32 s25, s2;
	[dreg:$0x4] =	wrdreg s0  }
0xe: {  	s31 =	ssub.s32 s9, s10;
	s13 =	sadd.s32 $0x51000, s6;
	s14 =	sadd.s32 $0x51020, s6  }
0xf: {  	s25 =	simm.s32 $0x5;
	s9 =	sadd.s32 $0x4000, s7;
	s10 =	sadd.s32 $0x8000, s7  }
0x10: {  	v0 =	vimm.f32 $0.0e+00;
	s11 =	sadd.s32 $0xC000, s7;
	s12 =	sadd.s32 $0x10000, s7;
	s16 =	smax.u32 s31, $0x1  }
.LBB2_6:
0x11: {  	[tilespmem:s23], [sflag:$0x4] =	stream.indirect.gather [hbm4b:s4+s21], $0x80, s19, s21, $0xb8;
	[tilespmem:$0x1C200] =	vst v63  }
0x12: {  	s0 =	rddreg [dreg:$0x3]  }
.LBB2_10:
0x13: {  	_ =	swait.ge [sflag:s24], $0x4000  }
0x14: {  	[sflag:s24] =	ssyncset.done $0x0  }
0x15: {  	[sflag:s24] =	ssyncadd.s32 $0xFFFFC000  }
0x16: {  	[spmem:s2] =	stream.indirect.scatter.add.f32 [tilespmem:s17], [sflag:$0x5], $0x80, s21, s21, $0xb8;
	[tilespmem:$0x1C200] =	vst v63  }
0x17: {  	_ =	swait.ge [sflag:s25], $0x4000  }
0x18: {  	[sflag:s25] =	ssyncset.done $0x0  }
0x19: {  	[sflag:s25] =	ssyncadd.s32 $0xFFFFC000  }
0x1a: {  	_ =	swait.ge [sflag:s26], $0x4000  }
0x1b: {  	[sflag:s26] =	ssyncset.done $0x0  }
0x1c: {  	[sflag:s26] =	ssyncadd.s32 $0xFFFFC000  }
0x1d: {  	[spmem:s2] =	stream.indirect.scatter.add.f32 [tilespmem:s23], [sflag:$0x6], $0x80, s28, s21, $0xb8;
	[tilespmem:$0x1C200] =	vst v63  }
0x1e: {  	s0 =	sadd.s32 s0, s15;
	_ =	swait.ge [sflag:s29], $0x4000  }
0x1f: {  	s6 =	sshll.u32 s1, $0x6;
	s30 =	sadd.s32 $0x1, s30;
	[sflag:s29] =	ssyncset.done $0x0  }
0x20: {  	s8 =	sshrl.u32 s7, $0x3;
	p1 =	sne.s32 s30, s16;
	[sflag:s29] =	ssyncadd.s32 $0xFFFFC000  }
.Ltmp1:
0x21: {  	s6 =	sor.u32 $0x1C07, s6;
	[bflag:$0x0] =	sbarrier.arrive $0xFFFF;
	(pc) =	sbr.rel @!p1 .LBB2_11-.Ltmp1, $4  }
0x22: {  	[hbm:s0], [sflag:s6] =	dma.local [spmem:s8], $0x2800  }
0x23: {  	_ =	swait.ge [sflag:s18], $0x2800  }
0x24: {  	[sflag:s18] =	ssyncset.done $0x0  }
0x25: {  	[sflag:s18] =	ssyncadd.s32 $0xFFFFD800  }
.LBB2_1:
0x26: {  	s0 =	sand.u32 $0xFE00, s3  }
0x27: {  	s6 =	sand.u32 $0x70, s3;
	s0 =	sshrl.u32 s0, $0x2  }
0x28: {  	s31 =	simm.s32 $0x40;
	s6 =	sor.u32 s6, s0;
	s0 =	simm.s32 $0x0  }
.LBB2_2:
0x29: {  	p1 =	sne.s32 s31, $0xFFC0  }
0x2a: {  	[tilespmem:s6+$0x200] =	vst v0;
	s0 =	sadd.s32 $0x10, s0;
	s6 =	smov.u32 s31;
	s31 =	sadd.s32 $0x40, s31  }
.Ltmp2:
0x2b: {  	(pc) =	sbr.rel @p1 .LBB2_2-.Ltmp2, $4  }
0x2c: {  	_ = 	snop  }
0x2d: {  	s6 =	sand.u32 $0xFE00, s6  }
0x2e: {  	s8 =	sand.u32 $0x70, s0;
	s6 =	sshrl.u32 s6, $0x2  }
0x2f: {  	s6 =	sor.u32 s8, s6  }
0x30: {  	[tilespmem:s6+$0x200] =	vst v0  }
0x31: {  	[spmem:s7] =	stream.linear.scatter [tilespmem:s17], [sflag:$0x7], $0x4000, $0x38;
	[tilespmem:$0x1C200] =	vst v63  }
0x32: {  	_ =	swait.ge [sflag:s18], $0x4000  }
0x33: {  	[sflag:s18] =	ssyncset.done $0x0  }
0x34: {  	[sflag:s18] =	ssyncadd.s32 $0xFFFFC000  }
0x35: {  	[spmem:s9] =	stream.linear.scatter [tilespmem:s17], [sflag:$0x7], $0x4000, $0x38;
	[tilespmem:$0x1C200] =	vst v63  }
0x36: {  	_ =	swait.ge [sflag:s18], $0x4000  }
0x37: {  	[sflag:s18] =	ssyncset.done $0x0  }
0x38: {  	[sflag:s18] =	ssyncadd.s32 $0xFFFFC000  }
0x39: {  	[spmem:s10] =	stream.linear.scatter [tilespmem:s17], [sflag:$0x7], $0x4000, $0x38;
	[tilespmem:$0x1C200] =	vst v63  }
0x3a: {  	_ =	swait.ge [sflag:s18], $0x4000  }
0x3b: {  	[sflag:s18] =	ssyncset.done $0x0  }
0x3c: {  	[sflag:s18] =	ssyncadd.s32 $0xFFFFC000  }
0x3d: {  	[spmem:s11] =	stream.linear.scatter [tilespmem:s17], [sflag:$0x7], $0x4000, $0x38;
	[tilespmem:$0x1C200] =	vst v63  }
0x3e: {  	_ =	swait.ge [sflag:s18], $0x4000  }
0x3f: {  	[sflag:s18] =	ssyncset.done $0x0  }
0x40: {  	[sflag:s18] =	ssyncadd.s32 $0xFFFFC000  }
0x41: {  	[spmem:s12] =	stream.linear.scatter [tilespmem:s17], [sflag:$0x7], $0x4000, $0x38;
	[tilespmem:$0x1C200] =	vst v63  }
0x42: {  	_ =	swait.ge [sflag:s18], $0x4000  }
0x43: {  	[sflag:s18] =	ssyncset.done $0x0  }
0x44: {  	[sflag:s18] =	ssyncadd.s32 $0xFFFFC000  }
0x45: {  	[bflag:$0x0] =	sbarrier.arrive $0xFFFF  }
0x46: {  	[tilespmem:s3], [sflag:$0x1] =	stream.linear.gather [hbm4b:s13+s3], $0x100, $0x38;
	[tilespmem:$0x1C200] =	vst v63  }
.Ltmp3:
0x47: {  	_ = 	snop;
	(pc) =	sbr.rel @!p0 .LBB2_4-.Ltmp3, $4  }
0x48: {  	[tilespmem:s19], [sflag:$0x2] =	stream.linear.gather [hbm4b:s14+s3], $0x100, $0x38;
	[tilespmem:$0x1C200] =	vst v63  }
0x49: {  	_ =	swait.ge [sflag:s20], $0x100  }
0x4a: {  	[sflag:s20] =	ssyncset.done $0x0  }
0x4b: {  	[sflag:s20] =	ssyncadd.s32 $0xFFFFFF00  }
0x4c: {  	[tilespmem:s17], [sflag:$0x3] =	stream.indirect.gather [hbm4b:s5+s21], $0x80, s3, s21, $0xb8;
	[tilespmem:$0x1C200] =	vst v63  }
0x4d: {  	_ =	swait.ge [sflag:s22], $0x100  }
0x4e: {  	[sflag:s22] =	ssyncset.done $0x0  }
0x4f: {  	[sflag:s22] =	ssyncadd.s32 $0xFFFFFF00  }
0x50: {  	[tilespmem:s23], [sflag:$0x4] =	stream.indirect.gather [hbm4b:s5+s21], $0x80, s19, s21, $0xb8;
	[tilespmem:$0x1C200] =	vst v63  }
0x51: {  	_ =	swait.ge [sflag:s24], $0x4000  }
0x52: {  	[sflag:s24] =	ssyncset.done $0x0  }
0x53: {  	[sflag:s24] =	ssyncadd.s32 $0xFFFFC000  }
0x54: {  	[spmem:s2] =	stream.indirect.scatter.add.f32 [tilespmem:s17], [sflag:$0x5], $0x80, s21, s21, $0xb8;
	[tilespmem:$0x1C200] =	vst v63  }
0x55: {  	_ =	swait.ge [sflag:s25], $0x4000  }
0x56: {  	s0 =	sadd.s32 $0xFFFFF640, s13;
	[sflag:s25] =	ssyncset.done $0x0  }
0x57: {  	s6 =	sadd.s32 $0xA00, s0;
	[sflag:s25] =	ssyncadd.s32 $0xFFFFC000  }
0x58: {  	[tilespmem:s3], [sflag:$0x1] =	stream.linear.gather [hbm4b:s6+s3], $0x100, $0x38;
	[tilespmem:$0x1C200] =	vst v63  }
0x59: {  	_ =	swait.ge [sflag:s26], $0x4000  }
0x5a: {  	[sflag:s26] =	ssyncset.done $0x0  }
0x5b: {  	[sflag:s26] =	ssyncadd.s32 $0xFFFFC000  }
0x5c: {  	[spmem:s2] =	stream.indirect.scatter.add.f32 [tilespmem:s23], [sflag:$0x6], $0x80, s28, s21, $0xb8;
	[tilespmem:$0x1C200] =	vst v63  }
0x5d: {  	_ =	swait.ge [sflag:s20], $0x100  }
0x5e: {  	[sflag:s20] =	ssyncset.done $0x0  }
0x5f: {  	[sflag:s20] =	ssyncadd.s32 $0xFFFFFF00  }
0x60: {  	[tilespmem:s17], [sflag:$0x3] =	stream.indirect.gather [hbm4b:s5+s21], $0x80, s3, s21, $0xb8;
	[tilespmem:$0x1C200] =	vst v63  }
0x61: {  	_ =	swait.ge [sflag:s29], $0x4000  }
0x62: {  	[sflag:s29] =	ssyncset.done $0x0  }
0x63: {  	s0 =	sadd.s32 $0xA20, s0;
	[sflag:s29] =	ssyncadd.s32 $0xFFFFC000  }
0x64: {  	[tilespmem:s19], [sflag:$0x2] =	stream.linear.gather [hbm4b:s0+s3], $0x100, $0x38;
	[tilespmem:$0x1C200] =	vst v63  }
0x65: {  	_ =	swait.ge [sflag:s22], $0x100  }
0x66: {  	[sflag:s22] =	ssyncset.done $0x0  }
0x67: {  	s31 =	simm.s32 $0xFFFFF680;
	[sflag:s22] =	ssyncadd.s32 $0xFFFFFF00  }
.LBB2_8:
0x68: {  	[tilespmem:s23], [sflag:$0x4] =	stream.indirect.gather [hbm4b:s5+s21], $0x80, s19, s21, $0xb8;
	[tilespmem:$0x1C200] =	vst v63  }
0x69: {  	s0 =	smov.u32 s31  }
0x6a: {  	p1 =	sne.s32 s31, $0xFFFFFFC0;
	s31 =	sadd.s32 $0x40, s31;
	_ =	swait.ge [sflag:s24], $0x4000  }
0x6b: {  	[sflag:s24] =	ssyncset.done $0x0  }
0x6c: {  	[sflag:s24] =	ssyncadd.s32 $0xFFFFC000  }
0x6d: {  	[spmem:s2] =	stream.indirect.scatter.add.f32 [tilespmem:s17], [sflag:$0x5], $0x80, s21, s21, $0xb8;
	[tilespmem:$0x1C200] =	vst v63  }
0x6e: {  	_ =	swait.ge [sflag:s25], $0x4000  }
0x6f: {  	s0 =	sadd.s32 s0, s13;
	[sflag:s25] =	ssyncset.done $0x0  }
0x70: {  	s6 =	sadd.s32 $0xA00, s0;
	[sflag:s25] =	ssyncadd.s32 $0xFFFFC000  }
0x71: {  	[tilespmem:s3], [sflag:$0x1] =	stream.linear.gather [hbm4b:s6+s3], $0x100, $0x38;
	[tilespmem:$0x1C200] =	vst v63  }
0x72: {  	_ =	swait.ge [sflag:s26], $0x4000  }
0x73: {  	[sflag:s26] =	ssyncset.done $0x0  }
0x74: {  	[sflag:s26] =	ssyncadd.s32 $0xFFFFC000  }
0x75: {  	[spmem:s2] =	stream.indirect.scatter.add.f32 [tilespmem:s23], [sflag:$0x6], $0x80, s28, s21, $0xb8;
	[tilespmem:$0x1C200] =	vst v63  }
0x76: {  	_ =	swait.ge [sflag:s20], $0x100  }
0x77: {  	[sflag:s20] =	ssyncset.done $0x0  }
0x78: {  	[sflag:s20] =	ssyncadd.s32 $0xFFFFFF00  }
0x79: {  	[tilespmem:s17], [sflag:$0x3] =	stream.indirect.gather [hbm4b:s5+s21], $0x80, s3, s21, $0xb8;
	[tilespmem:$0x1C200] =	vst v63  }
0x7a: {  	_ =	swait.ge [sflag:s29], $0x4000  }
0x7b: {  	[sflag:s29] =	ssyncset.done $0x0  }
.Ltmp4:
0x7c: {  	s0 =	sadd.s32 $0xA20, s0;
	[sflag:s29] =	ssyncadd.s32 $0xFFFFC000;
	(pc) =	sbr.rel @p1 .LBB2_8-.Ltmp4, $4  }
0x7d: {  	[tilespmem:s19], [sflag:$0x2] =	stream.linear.gather [hbm4b:s0+s3], $0x100, $0x38;
	[tilespmem:$0x1C200] =	vst v63  }
0x7e: {  	_ =	swait.ge [sflag:s22], $0x100  }
0x7f: {  	[sflag:s22] =	ssyncset.done $0x0  }
0x80: {  	[sflag:s22] =	ssyncadd.s32 $0xFFFFFF00  }
.Ltmp5:
0x81: {  	(pc) =	sbr.rel .LBB2_10-.Ltmp5, $3  }
0x82: {  	_ =	sdelay $0x1  }
0x83: {  	[tilespmem:s23], [sflag:$0x4] =	stream.indirect.gather [hbm4b:s5+s21], $0x80, s19, s21, $0xb8;
	[tilespmem:$0x1C200] =	vst v63  }
0x84: {  	s0 =	rddreg [dreg:$0x4]  }
.LBB2_4:
0x85: {  	[tilespmem:s17], [sflag:$0x3] =	stream.indirect.gather [hbm4b:s4+s21], $0x80, s3, s21, $0xb8;
	[tilespmem:$0x1C200] =	vst v63  }
0x86: {  	_ =	swait.ge [sflag:s22], $0x100  }
0x87: {  	[sflag:s22] =	ssyncset.done $0x0  }
0x88: {  	[sflag:s22] =	ssyncadd.s32 $0xFFFFFF00  }
0x89: {  	[tilespmem:s23], [sflag:$0x4] =	stream.indirect.gather [hbm4b:s4+s21], $0x80, s19, s21, $0xb8;
	[tilespmem:$0x1C200] =	vst v63  }
0x8a: {  	_ =	swait.ge [sflag:s24], $0x4000  }
0x8b: {  	[sflag:s24] =	ssyncset.done $0x0  }
0x8c: {  	[sflag:s24] =	ssyncadd.s32 $0xFFFFC000  }
0x8d: {  	[spmem:s2] =	stream.indirect.scatter.add.f32 [tilespmem:s17], [sflag:$0x5], $0x80, s21, s21, $0xb8;
	[tilespmem:$0x1C200] =	vst v63  }
0x8e: {  	_ =	swait.ge [sflag:s25], $0x4000  }
0x8f: {  	s0 =	sadd.s32 $0xFFFFF640, s13;
	[sflag:s25] =	ssyncset.done $0x0  }
0x90: {  	s6 =	sadd.s32 $0xA00, s0;
	[sflag:s25] =	ssyncadd.s32 $0xFFFFC000  }
0x91: {  	[tilespmem:s3], [sflag:$0x1] =	stream.linear.gather [hbm4b:s6+s3], $0x100, $0x38;
	[tilespmem:$0x1C200] =	vst v63  }
0x92: {  	_ =	swait.ge [sflag:s26], $0x4000  }
0x93: {  	[sflag:s26] =	ssyncset.done $0x0  }
0x94: {  	[sflag:s26] =	ssyncadd.s32 $0xFFFFC000  }
0x95: {  	[spmem:s2] =	stream.indirect.scatter.add.f32 [tilespmem:s23], [sflag:$0x6], $0x80, s28, s21, $0xb8;
	[tilespmem:$0x1C200] =	vst v63  }
0x96: {  	_ =	swait.ge [sflag:s20], $0x100  }
0x97: {  	[sflag:s20] =	ssyncset.done $0x0  }
0x98: {  	[sflag:s20] =	ssyncadd.s32 $0xFFFFFF00  }
0x99: {  	[tilespmem:s17], [sflag:$0x3] =	stream.indirect.gather [hbm4b:s4+s21], $0x80, s3, s21, $0xb8;
	[tilespmem:$0x1C200] =	vst v63  }
0x9a: {  	_ =	swait.ge [sflag:s29], $0x4000  }
0x9b: {  	[sflag:s29] =	ssyncset.done $0x0  }
0x9c: {  	s0 =	sadd.s32 $0xA20, s0;
	[sflag:s29] =	ssyncadd.s32 $0xFFFFC000  }
0x9d: {  	[tilespmem:s19], [sflag:$0x2] =	stream.linear.gather [hbm4b:s0+s3], $0x100, $0x38;
	[tilespmem:$0x1C200] =	vst v63  }
0x9e: {  	_ =	swait.ge [sflag:s22], $0x100  }
0x9f: {  	[sflag:s22] =	ssyncset.done $0x0  }
0xa0: {  	s31 =	simm.s32 $0xFFFFF680;
	[sflag:s22] =	ssyncadd.s32 $0xFFFFFF00  }
.LBB2_5:
0xa1: {  	[tilespmem:s23], [sflag:$0x4] =	stream.indirect.gather [hbm4b:s4+s21], $0x80, s19, s21, $0xb8;
	[tilespmem:$0x1C200] =	vst v63  }
0xa2: {  	s0 =	smov.u32 s31  }
0xa3: {  	p1 =	seq.s32 s31, $0xFFFFFFC0;
	s31 =	sadd.s32 $0x40, s31;
	_ =	swait.ge [sflag:s24], $0x4000  }
0xa4: {  	[sflag:s24] =	ssyncset.done $0x0  }
0xa5: {  	[sflag:s24] =	ssyncadd.s32 $0xFFFFC000  }
0xa6: {  	[spmem:s2] =	stream.indirect.scatter.add.f32 [tilespmem:s17], [sflag:$0x5], $0x80, s21, s21, $0xb8;
	[tilespmem:$0x1C200] =	vst v63  }
0xa7: {  	_ =	swait.ge [sflag:s25], $0x4000  }
0xa8: {  	s0 =	sadd.s32 s0, s13;
	[sflag:s25] =	ssyncset.done $0x0  }
0xa9: {  	s6 =	sadd.s32 $0xA00, s0;
	[sflag:s25] =	ssyncadd.s32 $0xFFFFC000  }
0xaa: {  	[tilespmem:s3], [sflag:$0x1] =	stream.linear.gather [hbm4b:s6+s3], $0x100, $0x38;
	[tilespmem:$0x1C200] =	vst v63  }
0xab: {  	_ =	swait.ge [sflag:s26], $0x4000  }
0xac: {  	[sflag:s26] =	ssyncset.done $0x0  }
0xad: {  	[sflag:s26] =	ssyncadd.s32 $0xFFFFC000  }
0xae: {  	[spmem:s2] =	stream.indirect.scatter.add.f32 [tilespmem:s23], [sflag:$0x6], $0x80, s28, s21, $0xb8;
	[tilespmem:$0x1C200] =	vst v63  }
0xaf: {  	_ =	swait.ge [sflag:s20], $0x100  }
0xb0: {  	[sflag:s20] =	ssyncset.done $0x0  }
0xb1: {  	[sflag:s20] =	ssyncadd.s32 $0xFFFFFF00  }
0xb2: {  	[tilespmem:s17], [sflag:$0x3] =	stream.indirect.gather [hbm4b:s4+s21], $0x80, s3, s21, $0xb8;
	[tilespmem:$0x1C200] =	vst v63  }
0xb3: {  	_ =	swait.ge [sflag:s29], $0x4000  }
0xb4: {  	[sflag:s29] =	ssyncset.done $0x0  }
.Ltmp6:
0xb5: {  	s0 =	sadd.s32 $0xA20, s0;
	[sflag:s29] =	ssyncadd.s32 $0xFFFFC000;
	(pc) =	sbr.rel @!p1 .LBB2_5-.Ltmp6, $4  }
0xb6: {  	[tilespmem:s19], [sflag:$0x2] =	stream.linear.gather [hbm4b:s0+s3], $0x100, $0x38;
	[tilespmem:$0x1C200] =	vst v63  }
0xb7: {  	_ =	swait.ge [sflag:s22], $0x100  }
0xb8: {  	[sflag:s22] =	ssyncset.done $0x0  }
0xb9: {  	[sflag:s22] =	ssyncadd.s32 $0xFFFFFF00  }
.Ltmp7:
0xba: {  	_ = 	snop;
	(pc) =	sbr.rel .LBB2_6-.Ltmp7, $1  }
0xbb: {  	_ =	sdelay $0x3  }
.LBB2_11:
0xbc: {  	_ =	sfence.sel $0x180000  }
0xbd: {  	[bflag:$0x0] =	sbarrier.arrive $0xFFFF  }
0xbe: {  	_ =	strace $0x9000004A  }
0xbf: {  	[bflag:$0x2] =	sbarrier.arrive $0xFFFF  }
0xc0: {  	p0 =	sne.s32 s1, $0x0;
	s0 =	rddreg [dreg:$0x2]  }
0xc1: {  	s0 =	sadd.s32 @!p0 $0x100000, s0  }
0xc2: {  	[sflag:s0] =	ssyncadd.tile.s32 @!p0 $0x1;
	_ =	shalt  }
.Lfunc_end2:
_tile_overlayer_lowered:
.L_overlay_start_2:
0xc3: {  	(tag) =	ssettag $0x2  }
0xc4: {  	s0 =	rddreg [dreg:$0x0];
	s2 =	stileid.u32  }
0xc5: {  	s1 =	rddreg [dreg:$0x1];
	p0 =	sne.s32 s2, $0x0  }
0xc6: {  	s3 =	rddreg [dreg:$0x2];
	[bflag:$0x3] =	sbarrier.arrive $0xFFFF;
	s2 =	simm.s32 @!p0 $0x1C07  }
0xc7: {  	[timem:s3], [sflag:s2] =	dma.local @!p0 [hbm:s0], s1  }
0xc8: {  	s0 =	simm.s32 @!p0 $0x7  }
0xc9: {  	_ =	swait.ge @!p0 [sflag:s0], s1  }
0xca: {  	s1 =	ssub.s32 @!p0 $0x0, s1;
	[sflag:s0] =	ssyncset.done @!p0 $0x0  }
0xcb: {  	[sflag:s0] =	ssyncadd.s32 @!p0 s1  }
0xcc: {  	[bflag:$0x3] =	sbarrier.arrive $0xFFFF  }
0xcd: {  	_ =	shalt  }

// kernel: kernel.8.cloned.1.call-start
scs
__scs_entry_jumppad:
0x0: {  	(pc) =	sbr.rel $0x88, $3  }
0x1: {  	(tag) =	ssettag $0x0;
	lr =	simm.s32 $0x1  }
0x2: {  	[smem:$0x3F9B] =	sst lr;
	_ =	strace $0xD0000000  }
0x3: {  	_ = 	snop  }
0x4: {  	_ = 	snop  }
0x5: {  	_ = 	snop  }
0x6: {  	_ = 	snop  }
0x7: {  	_ = 	snop  }
__scs_overlays_trampoline_lowered:
0x8: {  	[smem:$0x3FAA] =	sst s0  }
0x9: {  	[smem:$0x3FAB] =	sst s1  }
0xa: {  	[smem:$0x3FAC] =	sst s2  }
0xb: {  	[smem:$0x3FAD] =	sst s3  }
0xc: {  	[smem:$0x3FAE] =	sst s4  }
0xd: {  	[smem:$0x3FAF] =	sst s5  }
0xe: {  	[smem:$0x3FB0] =	sst s6  }
0xf: {  	[smem:$0x3FB1] =	sst s7  }
0x10: {  	[smem:$0x3FB2] =	sst s8  }
0x11: {  	[smem:$0x3FB3] =	sst s9;
	s0 =	simm.s32 @!p0 $0x0  }
0x12: {  	s1 =	sld [smem:$0x3F99];
	s0 =	simm.s32 @p0 $0x1  }
0x13: {  	[smem:$0x3FB4] =	sst s0;
	s0 =	simm.s32 @!p1 $0x0  }
0x14: {  	s2 =	sld [smem:$0x3F98];
	s0 =	simm.s32 @p1 $0x1  }
0x15: {  	[smem:$0x3FB5] =	sst s0;
	s0 =	simm.s32 @!p2 $0x0  }
0x16: {  	s3 =	sld [smem:$0x3FDB];
	s0 =	simm.s32 @p2 $0x1  }
0x17: {  	s4 =	simm.s32 $0x1BF5;
	[smem:$0x3FB7] =	sst s0  }
0x18: {  	s0 =	sld [smem:$0x3F9A];
	_ =	swait.ge [sflag:s4], $0x0  }
0x19: {  	s7 =	sld [smem:$0x3F9B]  }
0x1a: {  	s8 =	sadd.s32 $0xFFFFE003, lr  }
0x1b: {  	s9 =	sadd.s32 $0xFFFFFEF7, lr;
	s5 =	simm.s32 $0xFFFFFFFF;
	p2 =	slt.u32 s8, $0xFFFFF086  }
0x1c: {  	p1 =	slt.u32 s9, $0xF7A;
	s5 =	simm.s32 @!p2 $0x0  }
0x1d: {  	s5 =	simm.s32 @p1 $0x1;
	p0 =	seq.s32 s7, s2  }
0x1e: {  	s7 =	smul.u32 @!p0 $0xF7A, s2;
	p2 =	seq.s32 @!p0 s5, $0x0  }
0x1f: {  	s9 =	smul.u32 $0xF7A, s1;
	s8 =	simm.s32 @!p0 $0x1BF5;
	p2 =	por !p2, p0  }
0x20: {  	[sflag:s8] =	ssyncset.s32 @!p0 $0xFFFFF086;
	s6 =	sadd.s32 @!p0 s3, s7;
	s7 =	simm.s32 @!p0 $0x108  }
0x21: {  	s3 =	sadd.s32 s3, s9;
	s6 =	sadd.s32 @!p0 $0x88, s6;
	s7 =	simm.s32 @p2 $0x1082  }
0x22: {  	[simem:s7], [sflag:s8] =	dma.local @!p0 [hbm:s6], $0xF7A  }
0x23: {  	s9 =	sor.u32 $0xD0000000, s2;
	s6 =	simm.s32 $0x108;
	_ =	swait.ge @!p0 [sflag:s8], $0x0  }
0x24: {  	s3 =	sadd.s32 $0x88, s3;
	s6 =	simm.s32 @!p1 $0x1082;
	[sflag:s4] =	ssyncset.s32 $0xFFFFF086  }
0x25: {  	[simem:s6], [sflag:s4] =	dma.local [hbm:s3], $0xF7A  }
0x26: {  	[smem:$0x3F9B] =	sst s1;
	(tag) =	ssettag s2;
	_ =	strace s9  }
0x27: {  	s1 =	sld [smem:$0x3FAB]  }
0x28: {  	s2 =	sld [smem:$0x3FAC]  }
0x29: {  	s4 =	sld [smem:$0x3FAE]  }
0x2a: {  	p0 =	seq.s32 s5, $0x0;
	s5 =	sld [smem:$0x3FAF]  }
0x2b: {  	s6 =	sld [smem:$0x3FB0]  }
0x2c: {  	s7 =	sld [smem:$0x3FB1]  }
0x2d: {  	s3 =	simm.s32 $0x108;
	s8 =	sld [smem:$0x3FB2]  }
0x2e: {  	s3 =	simm.s32 @!p0 $0x1082;
	s9 =	sld [smem:$0x3FB3]  }
0x2f: {  	lr =	sadd.s32 s0, s3;
	s0 =	sld [smem:$0x3FAA]  }
0x30: {  	s3 =	sld [smem:$0x3FAD]  }
0x31: {  	[smem:$0x3FB6] =	sst s10  }
0x32: {  	s10 =	sld [smem:$0x3FB4];
	_ =	sdelay $0x3  }
0x33: {  	p0 =	seq.s32 s10, $0x1;
	s10 =	sld [smem:$0x3FB6];
	_ =	sdelay $0x3  }
0x34: {  	[smem:$0x3FB6] =	sst s10  }
0x35: {  	s10 =	sld [smem:$0x3FB5];
	_ =	sdelay $0x3  }
0x36: {  	p1 =	seq.s32 s10, $0x1;
	s10 =	sld [smem:$0x3FB6];
	_ =	sdelay $0x3  }
0x37: {  	[smem:$0x3FB6] =	sst s10  }
0x38: {  	s10 =	sld [smem:$0x3FB7]  }
0x39: {  	_ = 	snop;
	(pc) =	sbr.ind lr, $3  }
0x3a: {  	_ = 	snop  }
0x3b: {  	_ = 	snop  }
0x3c: {  	p2 =	seq.s32 s10, $0x1;
	s10 =	sld [smem:$0x3FB6]  }
0x3d: {  	_ =	shalt  }
0x3e: {  	_ =	shalt  }
0x3f: {  	_ =	shalt  }
0x40: {  	_ =	shalt  }
0x41: {  	_ =	shalt  }
0x42: {  	_ =	shalt  }
0x43: {  	_ =	shalt  }
0x44: {  	_ =	shalt  }
0x45: {  	_ =	shalt  }
0x46: {  	_ =	shalt  }
0x47: {  	_ =	shalt  }
0x48: {  	_ =	shalt  }
0x49: {  	_ =	shalt  }
0x4a: {  	_ =	shalt  }
0x4b: {  	_ =	shalt  }
0x4c: {  	_ =	shalt  }
0x4d: {  	_ =	shalt  }
0x4e: {  	_ =	shalt  }
0x4f: {  	_ =	shalt  }
0x50: {  	_ =	shalt  }
0x51: {  	_ =	shalt  }
0x52: {  	_ =	shalt  }
0x53: {  	_ =	shalt  }
0x54: {  	_ =	shalt  }
0x55: {  	_ =	shalt  }
0x56: {  	_ =	shalt  }
0x57: {  	_ =	shalt  }
0x58: {  	_ =	shalt  }
0x59: {  	_ =	shalt  }
0x5a: {  	_ =	shalt  }
0x5b: {  	_ =	shalt  }
0x5c: {  	_ =	shalt  }
0x5d: {  	_ =	shalt  }
0x5e: {  	_ =	shalt  }
0x5f: {  	_ =	shalt  }
0x60: {  	_ =	shalt  }
0x61: {  	_ =	shalt  }
0x62: {  	_ =	shalt  }
0x63: {  	_ =	shalt  }
0x64: {  	_ =	shalt  }
0x65: {  	_ =	shalt  }
0x66: {  	_ =	shalt  }
0x67: {  	_ =	shalt  }
0x68: {  	_ =	shalt  }
0x69: {  	_ =	shalt  }
0x6a: {  	_ =	shalt  }
0x6b: {  	_ =	shalt  }
0x6c: {  	_ =	shalt  }
0x6d: {  	_ =	shalt  }
0x6e: {  	_ =	shalt  }
0x6f: {  	_ =	shalt  }
0x70: {  	_ =	shalt  }
0x71: {  	_ =	shalt  }
0x72: {  	_ =	shalt  }
0x73: {  	_ =	shalt  }
0x74: {  	_ =	shalt  }
0x75: {  	_ =	shalt  }
0x76: {  	_ =	shalt  }
0x77: {  	_ =	shalt  }
0x78: {  	_ =	shalt  }
0x79: {  	_ =	shalt  }
0x7a: {  	_ =	shalt  }
0x7b: {  	_ =	shalt  }
0x7c: {  	_ =	shalt  }
0x7d: {  	_ =	shalt  }
0x7e: {  	_ =	shalt  }
0x7f: {  	_ =	shalt  }
0x80: {  	_ =	shalt  }
0x81: {  	_ =	shalt  }
0x82: {  	_ =	shalt  }
0x83: {  	_ =	shalt  }
0x84: {  	_ =	shalt  }
0x85: {  	_ =	shalt  }
0x86: {  	_ =	shalt  }
0x87: {  	_ =	shalt  }
.Lfunc_end0:
.L_simem_size_0:
called_computation_lowered:
.L_overlay_start_0:
0x88: {  	s2 =	sld [smem:$0x3FD9]  }
0x89: {  	s3 =	sld [smem:$0x3FFE];
	_ =	sdelay $0x1  }
0x8a: {  	s1 =	srdreg.scid  }
0x8b: {  	s0 =	sand.u32 $0x1, s1  }
0x8c: {  	s16 =	sshll.u32 s0, $0xA;
	s2 =	sadd.s32 s3, s2  }
0x8d: {  	s2 =	sadd.s32 s2, s16  }
0x8e: {  	[smem:$0x3FC2] =	sst s2  }
0x8f: {  	_ = 	snop  }
0x90: {  	(tm) =	ssettm $0x1  }
0x91: {  	s17 =	sld [smem:$0x3FFB];
	_ =	sdelay $0x3  }
0x92: {  	_ =	strace s17  }
0x93: {  	s2 =	sld [smem:$0x3FFC];
	_ =	sdelay $0x3  }
0x94: {  	_ =	strace s2  }
0x95: {  	s2 =	sld [smem:$0x3FFD];
	_ =	sdelay $0x3  }
0x96: {  	_ =	strace s2  }
0x97: {  	_ =	strace $0x8FFFFFFF  }
0x98: {  	s18 =	sld [smem:$0x3FDB];
	_ =	sdelay $0x1  }
0x99: {  	s19 =	simm.s32 $_scs_section_size  }
0x9a: {  	s4 =	simm.s32 $_size__tile_overlayer_lowered;
	s5 =	simm.s32 $_tile_overlayer_lowered  }
0x9b: {  	s22 =	simm.s32 $0x1BFF;
	s21 =	sshll.u32 s5, $0x1;
	s2 =	sadd.s32 s19, s18  }
0x9c: {  	s6 =	simm.s32 $0x0;
	s20 =	sshll.u32 s4, $0x1;
	s4 =	sadd.s32 s21, s2  }
0x9d: {  	[timem:s6], [sflag:s22] =	dma.local [hbm:s4], s20  }
0x9e: {  	_ =	swait.ge [sflag:s22], s20  }
0x9f: {  	s3 =	ssub.s32 $0x0, s20;
	[sflag:s22] =	ssyncset.done $0x0  }
0xa0: {  	[sflag:s22] =	ssyncadd.s32 s3;
	_ =	sdelay $0x1  }
0xa1: {  	s23 =	simm.s32 $0x1B8B  }
0xa2: {  	_ =	swait.ge [sflag:s23], $0x1  }
0xa3: {  	[sflag:s23] =	ssyncset.done $0x0  }
0xa4: {  	s25 =	simm.s32 $0x1B8E;
	s24 =	sld [smem:$0x3FFE];
	[sflag:s23] =	ssyncadd.s32 $0xFFFFFFFF  }
0xa5: {  	s26 =	simm.s32 $execute0_lowered;
	[smem:$0x3FD2] =	sst s25  }
0xa6: {  	s4 =	sshll.u32 s26, $0x1;
	_ =	strace $0x80000046;
	[dreg:$0x1] =	wrdreg $0xFFFFFFFF  }
0xa7: {  	s28 =	simm.s32 $_size_execute0_lowered;
	s2 =	sadd.s32 s2, s4;
	[dreg:$0x0] =	wrdreg $0x0  }
0xa8: {  	s4 =	sshll.u32 s28, $0x1;
	[dreg:$0x2] =	wrdreg s2  }
0xa9: {  	[dreg:$0x3] =	wrdreg s4  }
0xaa: {  	[dreg:$0x4] =	wrdreg $0xC0  }
0xab: {  	_ =	task [dreg:s6], $0x5FFFF  }
0xac: {  	[dreg:$0x1] =	wrdreg $0xFFFFFFFF  }
0xad: {  	[dreg:$0x0] =	wrdreg $0x60  }
0xae: {  	[dreg:$0x2] =	wrdreg s24  }
0xaf: {  	[dreg:$0x3] =	wrdreg $0x82000  }
0xb0: {  	[dreg:$0x4] =	wrdreg $0x9  }
0xb1: {  	_ =	task.clear_ibuf [dreg:s6], $0x5FFFF;
	_ =	strace $0x90000046  }
0xb2: {  	s29 =	simm.s32 $0x9;
	_ =	strace $0x80000048  }
0xb3: {  	_ =	swait.ge [sflag:s29], $0x1  }
0xb4: {  	[sflag:s29] =	ssyncadd.s32 $0xFFFFFFFF  }
0xb5: {  	_ =	strace $0x90000048  }
0xb6: {  	_ =	sfence  }
0xb7: {  	s30 =	sld [smem:$0x0];
	_ =	sdelay $0x2  }
0xb8: {  	s31 =	sshll.u32 s1, $0xD;
	s1 =	sshrl.u32 s1, $0x2  }
0xb9: {  	s3 =	sand.u32 $0x4000, s31;
	s1 =	sadd.s32 s1, s30  }
0xba: {  	s0 =	sor.u32 s3, s0;
	s1 =	sshll.u32 s1, $0x11  }
0xbb: {  	s0 =	sor.u32 s1, s0  }
0xbc: {  	s0 =	sadd.s32 $0x8F2B, s0  }
0xbd: {  	[sflag:s0] =	ssyncadd.remote.s32 $0x1  }
0xbe: {  	_ =	sfence.sel $0xFFFF  }
0xbf: {  	[dreg:$0x0] =	wrdreg $0xFFFFFFFF;
	(pc) =	sbr.abs _section_cstart, $3  }
0xc0: {  	[dreg:$0x1] =	wrdreg $0xFFFFFFFF  }
0xc1: {  	_ =	task.clear_ibuf [dreg:s6], $0x2FFFF;
	_ =	strace $0x9FFFFFFF  }
0xc2: {  	(tm) =	ssettm $0x7FFFFFFF  }
0xc3: {  	_ =	shalt  }
tec
execute0_lowered:
.L_overlay_start_1:
0x0: {  	(tag) =	ssettag $0x1  }
0x1: {  	s0 =	rddreg [dreg:$0x0]  }
0x2: {  	s2 =	rddreg [dreg:$0x1];
	s3 =	simm.s32 $0x0  }
0x3: {  	s1 =	stileid.u32;
	s7 =	srdreg.scid;
	s17 =	simm.s32 $0x200  }
0x4: {  	s18 =	simm.s32 $0x7;
	s19 =	simm.s32 $0x100;
	s20 =	simm.s32 $0x1  }
0x5: {  	s21 =	simm.s32 $0x80;
	s22 =	simm.s32 $0x2;
	s23 =	simm.s32 $0x4200  }
0x6: {  	s24 =	simm.s32 $0x3;
	s28 =	simm.s32 $0x180;
	s29 =	simm.s32 $0x6  }
0x7: {  	s30 =	simm.s32 $0x0;
	[smem:$0x7FF] =	sst s3;
	s6 =	smul.u32 $0xA00, s1  }
0x8: {  	s8 =	smul.u32 $0x50000, s1;
	s4 =	sadd.s32 $0x29E00, s0;
	s5 =	sadd.s32 $0x2C00, s0  }
0x9: {  	s13 =	sand.u32 $0x1, s7;
	s26 =	sadd.s32 $0x5B000, s0;
	s15 =	smul.u32 $0x2800, s1  }
0xa: {  	_ =	strace $0x80000047;
	s9 =	ssub.s32 $0x2, s13;
	[dreg:$0x3] =	wrdreg s26  }
0xb: {  	p0 =	seq.s32 s13, $0x1;
	s26 =	simm.s32 $0x4;
	s6 =	sadd.s32 s6, s0  }
.Ltmp0:
0xc: {  	s25 =	sshrl.u32 s8, $0x2;
	s0 =	sadd.s32 $0x83000, s0;
	(pc) =	sbr.rel .LBB2_1-.Ltmp0, $4  }
0xd: {  	s10 =	sshrl.u32 s9, $0x1;
	s7 =	sadd.s32 s25, s2;
	[dreg:$0x4] =	wrdreg s0  }
0xe: {  	s31 =	ssub.s32 s9, s10;
	s13 =	sadd.s32 $0x51000, s6;
	s14 =	sadd.s32 $0x51020, s6  }
0xf: {  	s25 =	simm.s32 $0x5;
	s9 =	sadd.s32 $0x4000, s7;
	s10 =	sadd.s32 $0x8000, s7  }
0x10: {  	v0 =	vimm.f32 $0.0e+00;
	s11 =	sadd.s32 $0xC000, s7;
	s12 =	sadd.s32 $0x10000, s7;
	s16 =	smax.u32 s31, $0x1  }
.LBB2_6:
0x11: {  	[tilespmem:s23], [sflag:$0x4] =	stream.indirect.gather [hbm4b:s4+s21], $0x80, s19, s21, $0xb8;
	[tilespmem:$0x1C200] =	vst v63  }
0x12: {  	s0 =	rddreg [dreg:$0x3]  }
.LBB2_10:
0x13: {  	_ =	swait.ge [sflag:s24], $0x4000  }
0x14: {  	[sflag:s24] =	ssyncset.done $0x0  }
0x15: {  	[sflag:s24] =	ssyncadd.s32 $0xFFFFC000  }
0x16: {  	[spmem:s2] =	stream.indirect.scatter.add.f32 [tilespmem:s17], [sflag:$0x5], $0x80, s21, s21, $0xb8;
	[tilespmem:$0x1C200] =	vst v63  }
0x17: {  	_ =	swait.ge [sflag:s25], $0x4000  }
0x18: {  	[sflag:s25] =	ssyncset.done $0x0  }
0x19: {  	[sflag:s25] =	ssyncadd.s32 $0xFFFFC000  }
0x1a: {  	_ =	swait.ge [sflag:s26], $0x4000  }
0x1b: {  	[sflag:s26] =	ssyncset.done $0x0  }
0x1c: {  	[sflag:s26] =	ssyncadd.s32 $0xFFFFC000  }
0x1d: {  	[spmem:s2] =	stream.indirect.scatter.add.f32 [tilespmem:s23], [sflag:$0x6], $0x80, s28, s21, $0xb8;
	[tilespmem:$0x1C200] =	vst v63  }
0x1e: {  	s0 =	sadd.s32 s0, s15;
	_ =	swait.ge [sflag:s29], $0x4000  }
0x1f: {  	s6 =	sshll.u32 s1, $0x6;
	s30 =	sadd.s32 $0x1, s30;
	[sflag:s29] =	ssyncset.done $0x0  }
0x20: {  	s8 =	sshrl.u32 s7, $0x3;
	p1 =	sne.s32 s30, s16;
	[sflag:s29] =	ssyncadd.s32 $0xFFFFC000  }
.Ltmp1:
0x21: {  	s6 =	sor.u32 $0x1C07, s6;
	[bflag:$0x0] =	sbarrier.arrive $0xFFFF;
	(pc) =	sbr.rel @!p1 .LBB2_11-.Ltmp1, $4  }
0x22: {  	[hbm:s0], [sflag:s6] =	dma.local [spmem:s8], $0x2800  }
0x23: {  	_ =	swait.ge [sflag:s18], $0x2800  }
0x24: {  	[sflag:s18] =	ssyncset.done $0x0  }
0x25: {  	[sflag:s18] =	ssyncadd.s32 $0xFFFFD800  }
.LBB2_1:
0x26: {  	s0 =	sand.u32 $0xFE00, s3  }
0x27: {  	s6 =	sand.u32 $0x70, s3;
	s0 =	sshrl.u32 s0, $0x2  }
0x28: {  	s31 =	simm.s32 $0x40;
	s6 =	sor.u32 s6, s0;
	s0 =	simm.s32 $0x0  }
.LBB2_2:
0x29: {  	p1 =	sne.s32 s31, $0xFFC0  }
0x2a: {  	[tilespmem:s6+$0x200] =	vst v0;
	s0 =	sadd.s32 $0x10, s0;
	s6 =	smov.u32 s31;
	s31 =	sadd.s32 $0x40, s31  }
.Ltmp2:
0x2b: {  	(pc) =	sbr.rel @p1 .LBB2_2-.Ltmp2, $4  }
0x2c: {  	_ = 	snop  }
0x2d: {  	s6 =	sand.u32 $0xFE00, s6  }
0x2e: {  	s8 =	sand.u32 $0x70, s0;
	s6 =	sshrl.u32 s6, $0x2  }
0x2f: {  	s6 =	sor.u32 s8, s6  }
0x30: {  	[tilespmem:s6+$0x200] =	vst v0  }
0x31: {  	[spmem:s7] =	stream.linear.scatter [tilespmem:s17], [sflag:$0x7], $0x4000, $0x38;
	[tilespmem:$0x1C200] =	vst v63  }
0x32: {  	_ =	swait.ge [sflag:s18], $0x4000  }
0x33: {  	[sflag:s18] =	ssyncset.done $0x0  }
0x34: {  	[sflag:s18] =	ssyncadd.s32 $0xFFFFC000  }
0x35: {  	[spmem:s9] =	stream.linear.scatter [tilespmem:s17], [sflag:$0x7], $0x4000, $0x38;
	[tilespmem:$0x1C200] =	vst v63  }
0x36: {  	_ =	swait.ge [sflag:s18], $0x4000  }
0x37: {  	[sflag:s18] =	ssyncset.done $0x0  }
0x38: {  	[sflag:s18] =	ssyncadd.s32 $0xFFFFC000  }
0x39: {  	[spmem:s10] =	stream.linear.scatter [tilespmem:s17], [sflag:$0x7], $0x4000, $0x38;
	[tilespmem:$0x1C200] =	vst v63  }
0x3a: {  	_ =	swait.ge [sflag:s18], $0x4000  }
0x3b: {  	[sflag:s18] =	ssyncset.done $0x0  }
0x3c: {  	[sflag:s18] =	ssyncadd.s32 $0xFFFFC000  }
0x3d: {  	[spmem:s11] =	stream.linear.scatter [tilespmem:s17], [sflag:$0x7], $0x4000, $0x38;
	[tilespmem:$0x1C200] =	vst v63  }
0x3e: {  	_ =	swait.ge [sflag:s18], $0x4000  }
0x3f: {  	[sflag:s18] =	ssyncset.done $0x0  }
0x40: {  	[sflag:s18] =	ssyncadd.s32 $0xFFFFC000  }
0x41: {  	[spmem:s12] =	stream.linear.scatter [tilespmem:s17], [sflag:$0x7], $0x4000, $0x38;
	[tilespmem:$0x1C200] =	vst v63  }
0x42: {  	_ =	swait.ge [sflag:s18], $0x4000  }
0x43: {  	[sflag:s18] =	ssyncset.done $0x0  }
0x44: {  	[sflag:s18] =	ssyncadd.s32 $0xFFFFC000  }
0x45: {  	[bflag:$0x0] =	sbarrier.arrive $0xFFFF  }
0x46: {  	[tilespmem:s3], [sflag:$0x1] =	stream.linear.gather [hbm4b:s13+s3], $0x100, $0x38;
	[tilespmem:$0x1C200] =	vst v63  }
.Ltmp3:
0x47: {  	_ = 	snop;
	(pc) =	sbr.rel @!p0 .LBB2_4-.Ltmp3, $4  }
0x48: {  	[tilespmem:s19], [sflag:$0x2] =	stream.linear.gather [hbm4b:s14+s3], $0x100, $0x38;
	[tilespmem:$0x1C200] =	vst v63  }
0x49: {  	_ =	swait.ge [sflag:s20], $0x100  }
0x4a: {  	[sflag:s20] =	ssyncset.done $0x0  }
0x4b: {  	[sflag:s20] =	ssyncadd.s32 $0xFFFFFF00  }
0x4c: {  	[tilespmem:s17], [sflag:$0x3] =	stream.indirect.gather [hbm4b:s5+s21], $0x80, s3, s21, $0xb8;
	[tilespmem:$0x1C200] =	vst v63  }
0x4d: {  	_ =	swait.ge [sflag:s22], $0x100  }
0x4e: {  	[sflag:s22] =	ssyncset.done $0x0  }
0x4f: {  	[sflag:s22] =	ssyncadd.s32 $0xFFFFFF00  }
0x50: {  	[tilespmem:s23], [sflag:$0x4] =	stream.indirect.gather [hbm4b:s5+s21], $0x80, s19, s21, $0xb8;
	[tilespmem:$0x1C200] =	vst v63  }
0x51: {  	_ =	swait.ge [sflag:s24], $0x4000  }
0x52: {  	[sflag:s24] =	ssyncset.done $0x0  }
0x53: {  	[sflag:s24] =	ssyncadd.s32 $0xFFFFC000  }
0x54: {  	[spmem:s2] =	stream.indirect.scatter.add.f32 [tilespmem:s17], [sflag:$0x5], $0x80, s21, s21, $0xb8;
	[tilespmem:$0x1C200] =	vst v63  }
0x55: {  	_ =	swait.ge [sflag:s25], $0x4000  }
0x56: {  	s0 =	sadd.s32 $0xFFFFF640, s13;
	[sflag:s25] =	ssyncset.done $0x0  }
0x57: {  	s6 =	sadd.s32 $0xA00, s0;
	[sflag:s25] =	ssyncadd.s32 $0xFFFFC000  }
0x58: {  	[tilespmem:s3], [sflag:$0x1] =	stream.linear.gather [hbm4b:s6+s3], $0x100, $0x38;
	[tilespmem:$0x1C200] =	vst v63  }
0x59: {  	_ =	swait.ge [sflag:s26], $0x4000  }
0x5a: {  	[sflag:s26] =	ssyncset.done $0x0  }
0x5b: {  	[sflag:s26] =	ssyncadd.s32 $0xFFFFC000  }
0x5c: {  	[spmem:s2] =	stream.indirect.scatter.add.f32 [tilespmem:s23], [sflag:$0x6], $0x80, s28, s21, $0xb8;
	[tilespmem:$0x1C200] =	vst v63  }
0x5d: {  	_ =	swait.ge [sflag:s20], $0x100  }
0x5e: {  	[sflag:s20] =	ssyncset.done $0x0  }
0x5f: {  	[sflag:s20] =	ssyncadd.s32 $0xFFFFFF00  }
0x60: {  	[tilespmem:s17], [sflag:$0x3] =	stream.indirect.gather [hbm4b:s5+s21], $0x80, s3, s21, $0xb8;
	[tilespmem:$0x1C200] =	vst v63  }
0x61: {  	_ =	swait.ge [sflag:s29], $0x4000  }
0x62: {  	[sflag:s29] =	ssyncset.done $0x0  }
0x63: {  	s0 =	sadd.s32 $0xA20, s0;
	[sflag:s29] =	ssyncadd.s32 $0xFFFFC000  }
0x64: {  	[tilespmem:s19], [sflag:$0x2] =	stream.linear.gather [hbm4b:s0+s3], $0x100, $0x38;
	[tilespmem:$0x1C200] =	vst v63  }
0x65: {  	_ =	swait.ge [sflag:s22], $0x100  }
0x66: {  	[sflag:s22] =	ssyncset.done $0x0  }
0x67: {  	s31 =	simm.s32 $0xFFFFF680;
	[sflag:s22] =	ssyncadd.s32 $0xFFFFFF00  }
.LBB2_8:
0x68: {  	[tilespmem:s23], [sflag:$0x4] =	stream.indirect.gather [hbm4b:s5+s21], $0x80, s19, s21, $0xb8;
	[tilespmem:$0x1C200] =	vst v63  }
0x69: {  	s0 =	smov.u32 s31  }
0x6a: {  	p1 =	sne.s32 s31, $0xFFFFFFC0;
	s31 =	sadd.s32 $0x40, s31;
	_ =	swait.ge [sflag:s24], $0x4000  }
0x6b: {  	[sflag:s24] =	ssyncset.done $0x0  }
0x6c: {  	[sflag:s24] =	ssyncadd.s32 $0xFFFFC000  }
0x6d: {  	[spmem:s2] =	stream.indirect.scatter.add.f32 [tilespmem:s17], [sflag:$0x5], $0x80, s21, s21, $0xb8;
	[tilespmem:$0x1C200] =	vst v63  }
0x6e: {  	_ =	swait.ge [sflag:s25], $0x4000  }
0x6f: {  	s0 =	sadd.s32 s0, s13;
	[sflag:s25] =	ssyncset.done $0x0  }
0x70: {  	s6 =	sadd.s32 $0xA00, s0;
	[sflag:s25] =	ssyncadd.s32 $0xFFFFC000  }
0x71: {  	[tilespmem:s3], [sflag:$0x1] =	stream.linear.gather [hbm4b:s6+s3], $0x100, $0x38;
	[tilespmem:$0x1C200] =	vst v63  }
0x72: {  	_ =	swait.ge [sflag:s26], $0x4000  }
0x73: {  	[sflag:s26] =	ssyncset.done $0x0  }
0x74: {  	[sflag:s26] =	ssyncadd.s32 $0xFFFFC000  }
0x75: {  	[spmem:s2] =	stream.indirect.scatter.add.f32 [tilespmem:s23], [sflag:$0x6], $0x80, s28, s21, $0xb8;
	[tilespmem:$0x1C200] =	vst v63  }
0x76: {  	_ =	swait.ge [sflag:s20], $0x100  }
0x77: {  	[sflag:s20] =	ssyncset.done $0x0  }
0x78: {  	[sflag:s20] =	ssyncadd.s32 $0xFFFFFF00  }
0x79: {  	[tilespmem:s17], [sflag:$0x3] =	stream.indirect.gather [hbm4b:s5+s21], $0x80, s3, s21, $0xb8;
	[tilespmem:$0x1C200] =	vst v63  }
0x7a: {  	_ =	swait.ge [sflag:s29], $0x4000  }
0x7b: {  	[sflag:s29] =	ssyncset.done $0x0  }
.Ltmp4:
0x7c: {  	s0 =	sadd.s32 $0xA20, s0;
	[sflag:s29] =	ssyncadd.s32 $0xFFFFC000;
	(pc) =	sbr.rel @p1 .LBB2_8-.Ltmp4, $4  }
0x7d: {  	[tilespmem:s19], [sflag:$0x2] =	stream.linear.gather [hbm4b:s0+s3], $0x100, $0x38;
	[tilespmem:$0x1C200] =	vst v63  }
0x7e: {  	_ =	swait.ge [sflag:s22], $0x100  }
0x7f: {  	[sflag:s22] =	ssyncset.done $0x0  }
0x80: {  	[sflag:s22] =	ssyncadd.s32 $0xFFFFFF00  }
.Ltmp5:
0x81: {  	(pc) =	sbr.rel .LBB2_10-.Ltmp5, $3  }
0x82: {  	_ =	sdelay $0x1  }
0x83: {  	[tilespmem:s23], [sflag:$0x4] =	stream.indirect.gather [hbm4b:s5+s21], $0x80, s19, s21, $0xb8;
	[tilespmem:$0x1C200] =	vst v63  }
0x84: {  	s0 =	rddreg [dreg:$0x4]  }
.LBB2_4:
0x85: {  	[tilespmem:s17], [sflag:$0x3] =	stream.indirect.gather [hbm4b:s4+s21], $0x80, s3, s21, $0xb8;
	[tilespmem:$0x1C200] =	vst v63  }
0x86: {  	_ =	swait.ge [sflag:s22], $0x100  }
0x87: {  	[sflag:s22] =	ssyncset.done $0x0  }
0x88: {  	[sflag:s22] =	ssyncadd.s32 $0xFFFFFF00  }
0x89: {  	[tilespmem:s23], [sflag:$0x4] =	stream.indirect.gather [hbm4b:s4+s21], $0x80, s19, s21, $0xb8;
	[tilespmem:$0x1C200] =	vst v63  }
0x8a: {  	_ =	swait.ge [sflag:s24], $0x4000  }
0x8b: {  	[sflag:s24] =	ssyncset.done $0x0  }
0x8c: {  	[sflag:s24] =	ssyncadd.s32 $0xFFFFC000  }
0x8d: {  	[spmem:s2] =	stream.indirect.scatter.add.f32 [tilespmem:s17], [sflag:$0x5], $0x80, s21, s21, $0xb8;
	[tilespmem:$0x1C200] =	vst v63  }
0x8e: {  	_ =	swait.ge [sflag:s25], $0x4000  }
0x8f: {  	s0 =	sadd.s32 $0xFFFFF640, s13;
	[sflag:s25] =	ssyncset.done $0x0  }
0x90: {  	s6 =	sadd.s32 $0xA00, s0;
	[sflag:s25] =	ssyncadd.s32 $0xFFFFC000  }
0x91: {  	[tilespmem:s3], [sflag:$0x1] =	stream.linear.gather [hbm4b:s6+s3], $0x100, $0x38;
	[tilespmem:$0x1C200] =	vst v63  }
0x92: {  	_ =	swait.ge [sflag:s26], $0x4000  }
0x93: {  	[sflag:s26] =	ssyncset.done $0x0  }
0x94: {  	[sflag:s26] =	ssyncadd.s32 $0xFFFFC000  }
0x95: {  	[spmem:s2] =	stream.indirect.scatter.add.f32 [tilespmem:s23], [sflag:$0x6], $0x80, s28, s21, $0xb8;
	[tilespmem:$0x1C200] =	vst v63  }
0x96: {  	_ =	swait.ge [sflag:s20], $0x100  }
0x97: {  	[sflag:s20] =	ssyncset.done $0x0  }
0x98: {  	[sflag:s20] =	ssyncadd.s32 $0xFFFFFF00  }
0x99: {  	[tilespmem:s17], [sflag:$0x3] =	stream.indirect.gather [hbm4b:s4+s21], $0x80, s3, s21, $0xb8;
	[tilespmem:$0x1C200] =	vst v63  }
0x9a: {  	_ =	swait.ge [sflag:s29], $0x4000  }
0x9b: {  	[sflag:s29] =	ssyncset.done $0x0  }
0x9c: {  	s0 =	sadd.s32 $0xA20, s0;
	[sflag:s29] =	ssyncadd.s32 $0xFFFFC000  }
0x9d: {  	[tilespmem:s19], [sflag:$0x2] =	stream.linear.gather [hbm4b:s0+s3], $0x100, $0x38;
	[tilespmem:$0x1C200] =	vst v63  }
0x9e: {  	_ =	swait.ge [sflag:s22], $0x100  }
0x9f: {  	[sflag:s22] =	ssyncset.done $0x0  }
0xa0: {  	s31 =	simm.s32 $0xFFFFF680;
	[sflag:s22] =	ssyncadd.s32 $0xFFFFFF00  }
.LBB2_5:
0xa1: {  	[tilespmem:s23], [sflag:$0x4] =	stream.indirect.gather [hbm4b:s4+s21], $0x80, s19, s21, $0xb8;
	[tilespmem:$0x1C200] =	vst v63  }
0xa2: {  	s0 =	smov.u32 s31  }
0xa3: {  	p1 =	seq.s32 s31, $0xFFFFFFC0;
	s31 =	sadd.s32 $0x40, s31;
	_ =	swait.ge [sflag:s24], $0x4000  }
0xa4: {  	[sflag:s24] =	ssyncset.done $0x0  }
0xa5: {  	[sflag:s24] =	ssyncadd.s32 $0xFFFFC000  }
0xa6: {  	[spmem:s2] =	stream.indirect.scatter.add.f32 [tilespmem:s17], [sflag:$0x5], $0x80, s21, s21, $0xb8;
	[tilespmem:$0x1C200] =	vst v63  }
0xa7: {  	_ =	swait.ge [sflag:s25], $0x4000  }
0xa8: {  	s0 =	sadd.s32 s0, s13;
	[sflag:s25] =	ssyncset.done $0x0  }
0xa9: {  	s6 =	sadd.s32 $0xA00, s0;
	[sflag:s25] =	ssyncadd.s32 $0xFFFFC000  }
0xaa: {  	[tilespmem:s3], [sflag:$0x1] =	stream.linear.gather [hbm4b:s6+s3], $0x100, $0x38;
	[tilespmem:$0x1C200] =	vst v63  }
0xab: {  	_ =	swait.ge [sflag:s26], $0x4000  }
0xac: {  	[sflag:s26] =	ssyncset.done $0x0  }
0xad: {  	[sflag:s26] =	ssyncadd.s32 $0xFFFFC000  }
0xae: {  	[spmem:s2] =	stream.indirect.scatter.add.f32 [tilespmem:s23], [sflag:$0x6], $0x80, s28, s21, $0xb8;
	[tilespmem:$0x1C200] =	vst v63  }
0xaf: {  	_ =	swait.ge [sflag:s20], $0x100  }
0xb0: {  	[sflag:s20] =	ssyncset.done $0x0  }
0xb1: {  	[sflag:s20] =	ssyncadd.s32 $0xFFFFFF00  }
0xb2: {  	[tilespmem:s17], [sflag:$0x3] =	stream.indirect.gather [hbm4b:s4+s21], $0x80, s3, s21, $0xb8;
	[tilespmem:$0x1C200] =	vst v63  }
0xb3: {  	_ =	swait.ge [sflag:s29], $0x4000  }
0xb4: {  	[sflag:s29] =	ssyncset.done $0x0  }
.Ltmp6:
0xb5: {  	s0 =	sadd.s32 $0xA20, s0;
	[sflag:s29] =	ssyncadd.s32 $0xFFFFC000;
	(pc) =	sbr.rel @!p1 .LBB2_5-.Ltmp6, $4  }
0xb6: {  	[tilespmem:s19], [sflag:$0x2] =	stream.linear.gather [hbm4b:s0+s3], $0x100, $0x38;
	[tilespmem:$0x1C200] =	vst v63  }
0xb7: {  	_ =	swait.ge [sflag:s22], $0x100  }
0xb8: {  	[sflag:s22] =	ssyncset.done $0x0  }
0xb9: {  	[sflag:s22] =	ssyncadd.s32 $0xFFFFFF00  }
.Ltmp7:
0xba: {  	_ = 	snop;
	(pc) =	sbr.rel .LBB2_6-.Ltmp7, $1  }
0xbb: {  	_ =	sdelay $0x3  }
.LBB2_11:
0xbc: {  	_ =	sfence.sel $0x180000  }
0xbd: {  	[bflag:$0x0] =	sbarrier.arrive $0xFFFF  }
0xbe: {  	_ =	strace $0x90000047  }
0xbf: {  	[bflag:$0x2] =	sbarrier.arrive $0xFFFF  }
0xc0: {  	p0 =	sne.s32 s1, $0x0;
	s0 =	rddreg [dreg:$0x2]  }
0xc1: {  	s0 =	sadd.s32 @!p0 $0x100000, s0  }
0xc2: {  	[sflag:s0] =	ssyncadd.tile.s32 @!p0 $0x1;
	_ =	shalt  }
.Lfunc_end2:
_tile_overlayer_lowered:
.L_overlay_start_2:
0xc3: {  	(tag) =	ssettag $0x2  }
0xc4: {  	s0 =	rddreg [dreg:$0x0];
	s2 =	stileid.u32  }
0xc5: {  	s1 =	rddreg [dreg:$0x1];
	p0 =	sne.s32 s2, $0x0  }
0xc6: {  	s3 =	rddreg [dreg:$0x2];
	[bflag:$0x3] =	sbarrier.arrive $0xFFFF;
	s2 =	simm.s32 @!p0 $0x1C07  }
0xc7: {  	[timem:s3], [sflag:s2] =	dma.local @!p0 [hbm:s0], s1  }
0xc8: {  	s0 =	simm.s32 @!p0 $0x7  }
0xc9: {  	_ =	swait.ge @!p0 [sflag:s0], s1  }
0xca: {  	s1 =	ssub.s32 @!p0 $0x0, s1;
	[sflag:s0] =	ssyncset.done @!p0 $0x0  }
0xcb: {  	[sflag:s0] =	ssyncadd.s32 @!p0 s1  }
0xcc: {  	[bflag:$0x3] =	sbarrier.arrive $0xFFFF  }
0xcd: {  	_ =	shalt  }

</sc_bundles>
